<compile_context>
chip_gen: v7x
topology: tpu7x:2x2x1
jax: 0.10.2.dev20260603
libtpu: 0.0.44.dev20260713+nightly
codegen_flags: <defaults>
</compile_context>

<pallas_src>
import dataclasses
import functools

import jax
import jax.numpy as jnp
from jax import lax
from jax.experimental import pallas as pl
from jax.experimental.pallas import tpu as pltpu
from jax.experimental.pallas import tpu_sc as plsc

N = 10000
E = 160000
D = 256
DE = 16
H = 128
LAYERS = 2

NC = 2
NS = 16
NW = NC * NS
CH = 32
NCH = 160
NBUF = 8
EPW = NCH * CH
EPAD = NW * EPW
NP = 10240
RPT = NP // NS
LQ = H // 16
MW = H // 2

F32 = jnp.float32
BF16 = jnp.bfloat16



def _h0_body(x_ref, w_ref, b_ref, o_ref):
    o_ref[...] = jnp.dot(x_ref[...], w_ref[...],
                         preferred_element_type=F32) + b_ref[...]


def _bias_body(ea_ref, w1_ref, b1_ref, w2c_ref, b2s_ref, o_ref):
    z = jnp.maximum(jnp.dot(ea_ref[...], w1_ref[...],
                            preferred_element_type=F32) + b1_ref[...], 0.0)
    o_ref[...] = jnp.sum(z * w2c_ref[...], axis=1, keepdims=True) + b2s_ref[...]


def _pre_body(h_ref, wm_ref, bm_ref, wsd_ref, bsd_ref, m_ref, a_ref):
    hr = jnp.maximum(h_ref[...], 0.0)
    m_ref[...] = jnp.dot(hr, wm_ref[...],
                         preferred_element_type=F32) + bm_ref[...]
    a_ref[...] = jnp.dot(hr, wsd_ref[...],
                         preferred_element_type=F32) + bsd_ref[...]


def _post_body(h_ref, p_ref, wr_ref, br_ref, o_ref):
    u = (jnp.maximum(h_ref[...], 0.0)
         + p_ref[0].astype(F32) + p_ref[1].astype(F32))
    o_ref[...] = jnp.maximum(
        jnp.dot(u, wr_ref[...], preferred_element_type=F32) + br_ref[...], 0.0)


def _readout_body(h_ref, wro_ref, bro_ref, out_ref, acc_ref):
    i = pl.program_id(0)

    @pl.when(i == 0)
    def _():
        acc_ref[...] = jnp.zeros_like(acc_ref)

    acc_ref[...] += jnp.sum(h_ref[...], axis=0, keepdims=True)

    @pl.when(i == pl.num_programs(0) - 1)
    def _():
        out_ref[...] = (jnp.sum(acc_ref[...] * wro_ref[...], axis=1,
                                keepdims=True) * (1.0 / N) + bro_ref[...])



def _sc_coeff_body(src_h, dst_h, be_h, w_h, as_h, ad_h,
                   coeff_out,
                   src_v, dst_v, be_v, w_v, as_v, ad_v, coeff_v):
    c = lax.axis_index("c")
    s = lax.axis_index("s")
    wid = c * NS + s

    pltpu.sync_copy(src_h.at[wid], src_v)
    pltpu.sync_copy(dst_h.at[wid], dst_v)
    pltpu.sync_copy(be_h.at[wid], be_v)
    pltpu.sync_copy(w_h.at[wid], w_v)
    pltpu.sync_copy(as_h, as_v)
    pltpu.sync_copy(ad_h, ad_v)

    @pl.loop(0, EPW, step=16)
    def _(i):
        a1 = plsc.load_gather(as_v, [src_v[pl.ds(i, 16)]])
        a2 = plsc.load_gather(ad_v, [dst_v[pl.ds(i, 16)]])
        t = a1 + a2 + be_v[pl.ds(i, 16)]
        sg = 1.0 / (1.0 + jnp.exp(-t))
        coeff_v[pl.ds(i, 16)] = sg * w_v[pl.ds(i, 16)]

    pltpu.sync_copy(coeff_v, coeff_out.at[wid])


def _sc_edge_body(src_h, dst_h, coeff_h, m_h,
                  out_h,
                  src_v, dst_v, coeff_v, acc, *rest):
    bufs = rest[:NBUF]
    gsems = rest[NBUF:2 * NBUF]
    ssems = rest[2 * NBUF:3 * NBUF]
    c = lax.axis_index("c")
    s = lax.axis_index("s")
    wid = c * NS + s
    base_r = s * RPT

    pltpu.sync_copy(src_h.at[wid], src_v)
    pltpu.sync_copy(dst_h.at[wid], dst_v)
    pltpu.sync_copy(coeff_h.at[wid], coeff_v)

    b0 = bufs[0]

    @pl.loop(0, CH)
    def _(r):
        for q in range(LQ):
            b0[r, pl.ds(q * 16, 16)] = jnp.zeros((16,), F32)

    for k in range(RPT // CH):
        pltpu.sync_copy(b0, acc.at[pl.ds(base_r + k * CH, CH)])

    plsc.subcore_barrier()

    def scatter_descs(jc, buf):
        descs = []
        for k in range(CH // 16):
            didx = dst_v[pl.ds(jc * CH + k * 16, 16)]
            descs.append((buf.at[pl.ds(k * 16, 16)], acc.at[didx]))
        return descs

    for b in range(NBUF - 1):
        pltpu.async_copy(m_h.at[src_v.at[pl.ds(b * CH, CH)]], bufs[b], gsems[b])

    @pl.loop(0, NCH, step=NBUF)
    def _(j):
        for b in range(NBUF):
            jj = j + b
            buf = bufs[b]
            pltpu.make_async_copy(m_h.at[src_v.at[pl.ds(jj * CH, CH)]],
                                  buf, gsems[b]).wait()
            nj = jj + NBUF - 1
            nb = (b + NBUF - 1) % NBUF

            @pl.when(nj < NCH)
            def _():
                @pl.when(jj >= 1)
                def _():
                    for sref, dref in scatter_descs(jj - 1, bufs[nb]):
                        pltpu.make_async_copy(sref, dref, ssems[nb]).wait()
                pltpu.async_copy(m_h.at[src_v.at[pl.ds(nj * CH, CH)]],
                                 bufs[nb], gsems[nb])

            @pl.loop(0, CH)
            def _(r):
                csp = plsc.load_gather(
                    coeff_v, [jnp.zeros((16,), jnp.int32) + (jj * CH + r)])
                for q in range(LQ):
                    sl = (r, pl.ds(q * 16, 16))
                    buf[sl] = buf[sl] * csp

            for sref, dref in scatter_descs(jj, buf):
                pltpu.async_copy(sref, dref, ssems[b], add=True)

    for b in range(NBUF):
        jt = NCH - NBUF + b
        for sref, dref in scatter_descs(jt, bufs[jt % NBUF]):
            pltpu.make_async_copy(sref, dref, ssems[jt % NBUF]).wait()

    plsc.subcore_barrier()
    pltpu.sync_copy(acc.at[pl.ds(base_r, RPT)],
                    out_h.at[c, pl.ds(base_r, RPT)])


def _sc_compiler_params():
    cp = pltpu.CompilerParams()
    if "needs_layout_passes" in pltpu.CompilerParams.__dataclass_fields__:
        cp = dataclasses.replace(cp, needs_layout_passes=False)
    return cp


def _make_sc_coeff_kernel():
    mesh = plsc.VectorSubcoreMesh(core_axis_name="c", subcore_axis_name="s")
    return pl.kernel(
        _sc_coeff_body,
        out_type=jax.ShapeDtypeStruct((NW, EPW), F32),
        mesh=mesh,
        compiler_params=_sc_compiler_params(),
        scratch_types=[
            pltpu.VMEM((EPW,), jnp.int32),
            pltpu.VMEM((EPW,), jnp.int32),
            pltpu.VMEM((EPW,), F32),
            pltpu.VMEM((EPW,), F32),
            pltpu.VMEM((N,), F32),
            pltpu.VMEM((N,), F32),
            pltpu.VMEM((EPW,), F32),
        ],
    )


def _make_sc_edge_kernel():
    mesh = plsc.VectorSubcoreMesh(core_axis_name="c", subcore_axis_name="s")
    return pl.kernel(
        _sc_edge_body,
        out_type=jax.ShapeDtypeStruct((NC, NP, H), F32),
        mesh=mesh,
        compiler_params=_sc_compiler_params(),
        scratch_types=[
            pltpu.VMEM((EPW,), jnp.int32),
            pltpu.VMEM((EPW,), jnp.int32),
            pltpu.VMEM((EPW,), F32),
            pltpu.VMEM_SHARED((NP, H), F32),
        ] + [pltpu.VMEM((CH, H), F32)] * NBUF
          + [pltpu.SemaphoreType.DMA] * (2 * NBUF),
    )



_NB = 10
_NBK = N // _NB
_EB = 20
_EBK = E // _EB


def kernel(x, edge_index, edge_weight, edge_attr, Win, b_in, We1, be1,
           We2, be2, Was, bas, Wad, bad, Wm, bm, Wr, br, Wro, bro):
    we2c = jnp.sum(We2, axis=1).reshape(1, H)
    wsd = jnp.zeros((H, H), F32).at[:, 0].set(jnp.sum(Was, axis=1)) \
                                 .at[:, 1].set(jnp.sum(Wad, axis=1))
    bsd = jnp.zeros((1, H), F32).at[0, 0].set(jnp.sum(bas)) \
                                 .at[0, 1].set(jnp.sum(bad))
    be2s = jnp.sum(be2).reshape(1, 1)
    wroT = Wro.reshape(1, H)
    bro2 = bro.reshape(1, 1)

    pad = EPAD - E
    src = jnp.pad(edge_index[0], (0, pad)).reshape(NW, EPW)
    dst = jnp.pad(edge_index[1], (0, pad)).reshape(NW, EPW)
    wp = jnp.pad(edge_weight, (0, pad)).reshape(NW, EPW)

    h = pl.pallas_call(
        _h0_body,
        grid=(_NB,),
        in_specs=[pl.BlockSpec((_NBK, D), lambda i: (i, 0)),
                  pl.BlockSpec((D, H), lambda i: (0, 0)),
                  pl.BlockSpec((1, H), lambda i: (0, 0))],
        out_specs=pl.BlockSpec((_NBK, H), lambda i: (i, 0)),
        out_shape=jax.ShapeDtypeStruct((N, H), F32),
    )(x, Win, b_in.reshape(1, H))

    be = pl.pallas_call(
        _bias_body,
        grid=(_EB,),
        in_specs=[pl.BlockSpec((_EBK, DE), lambda i: (i, 0)),
                  pl.BlockSpec((DE, H), lambda i: (0, 0)),
                  pl.BlockSpec((1, H), lambda i: (0, 0)),
                  pl.BlockSpec((1, H), lambda i: (0, 0)),
                  pl.BlockSpec((1, 1), lambda i: (0, 0))],
        out_specs=pl.BlockSpec((_EBK, 1), lambda i: (i, 0)),
        out_shape=jax.ShapeDtypeStruct((E, 1), F32),
    )(edge_attr, We1, be1.reshape(1, H), we2c, be2s)
    bep = jnp.pad(be.reshape(E), (0, pad)).reshape(NW, EPW)

    sc_coeff = _make_sc_coeff_kernel()
    sc_edge = _make_sc_edge_kernel()

    pre = pl.pallas_call(
        _pre_body,
        grid=(_NB,),
        in_specs=[pl.BlockSpec((_NBK, H), lambda i: (i, 0)),
                  pl.BlockSpec((H, H), lambda i: (0, 0)),
                  pl.BlockSpec((1, H), lambda i: (0, 0)),
                  pl.BlockSpec((H, H), lambda i: (0, 0)),
                  pl.BlockSpec((1, H), lambda i: (0, 0))],
        out_specs=[pl.BlockSpec((_NBK, H), lambda i: (i, 0)),
                   pl.BlockSpec((_NBK, H), lambda i: (i, 0))],
        out_shape=[jax.ShapeDtypeStruct((N, H), F32),
                   jax.ShapeDtypeStruct((N, H), F32)],
    )

    post = pl.pallas_call(
        _post_body,
        grid=(_NB,),
        in_specs=[pl.BlockSpec((_NBK, H), lambda i: (i, 0)),
                  pl.BlockSpec((NC, _NBK, H), lambda i: (0, i, 0)),
                  pl.BlockSpec((H, H), lambda i: (0, 0)),
                  pl.BlockSpec((1, H), lambda i: (0, 0))],
        out_specs=pl.BlockSpec((_NBK, H), lambda i: (i, 0)),
        out_shape=jax.ShapeDtypeStruct((N, H), F32),
    )

    readout = pl.pallas_call(
        _readout_body,
        grid=(_NB,),
        in_specs=[pl.BlockSpec((_NBK, H), lambda i: (i, 0)),
                  pl.BlockSpec((1, H), lambda i: (0, 0)),
                  pl.BlockSpec((1, 1), lambda i: (0, 0))],
        out_specs=pl.BlockSpec((1, 1), lambda i: (0, 0)),
        out_shape=jax.ShapeDtypeStruct((1, 1), F32),
        scratch_shapes=[pltpu.VMEM((1, H), F32)],
    )

    bm2 = bm.reshape(1, H)
    br2 = br.reshape(1, H)

    def layer_step(hc, _):
        m, asd = pre(hc, Wm, bm2, wsd, bsd)
        a_s = asd[:, 0]
        a_d = asd[:, 1]
        coeff = sc_coeff(src, dst, bep, wp, a_s, a_d)
        parts = sc_edge(src, dst, coeff, m)
        return post(hc, parts, Wr, br2), None

    h, _ = lax.scan(layer_step, h, None, length=LAYERS)
    out = readout(h, wroT, bro2)
    return out.reshape(())

# --- scband reference (transcript-rebuilt; emitter-appended) ---
"""Pipeline reference for scband-interface-gnn-29059748725468 (READ-ONLY COPY).

The authoritative reference and input builder live on the scoring server;
editing this copy changes nothing except your own understanding.
"""

import jax, jax.numpy as jnp
import numpy as np

LAYERS = 2

def setup_inputs(seed: int = 0):
    key = jax.random.key(seed)
    ks = jax.random.split(key, 24)
    N, E, D, DE, H = 10000, 160000, 256, 16, 128
    def w(k, shape, fan_in):
        return jax.random.normal(k, shape, dtype=jnp.float32) / np.sqrt(fan_in)
    return {
        "x": jax.random.normal(ks[0], (N, D), dtype=jnp.float32),
        "edge_index": jax.random.randint(ks[1], (2, E), 0, N, dtype=jnp.int32),
        "edge_weight": jax.random.uniform(ks[2], (E,), dtype=jnp.float32),
        "edge_attr": jax.random.normal(ks[3], (E, DE), dtype=jnp.float32),
        "Win": w(ks[4], (D, H), D),   "b_in": jnp.zeros((H,), jnp.float32),
        "We1": w(ks[5], (DE, H), DE), "be1": jnp.zeros((H,), jnp.float32),
        "We2": w(ks[6], (H, H), H),   "be2": jnp.zeros((H,), jnp.float32),
        "Was": w(ks[7], (H, H), H),   "bas": jnp.zeros((H,), jnp.float32),
        "Wad": w(ks[8], (H, H), H),   "bad": jnp.zeros((H,), jnp.float32),
        "Wm":  w(ks[9], (H, H), H),   "bm":  jnp.zeros((H,), jnp.float32),
        "Wr":  w(ks[10], (H, H), H),  "br":  jnp.zeros((H,), jnp.float32),
        "Wro": w(ks[11], (H, 1), H),  "bro": jnp.zeros((1,), jnp.float32),
    }

def reference(x, edge_index, edge_weight, edge_attr, Win, b_in, We1, be1, We2, be2, Was, bas, Wad, bad, Wm, bm, Wr, br, Wro, bro):
    h = x @ Win + b_in
    src_idx = edge_index[0]
    dst_idx = edge_index[1]
    bias = jax.nn.relu(edge_attr @ We1 + be1) @ We2 + be2
    for _ in range(LAYERS):
        h = jax.nn.relu(h)
        src = jnp.take(h, src_idx, axis=0)
        dst = jnp.take(h, dst_idx, axis=0)
        att = jax.nn.sigmoid(jnp.sum((src @ Was + bas) + (dst @ Wad + bad) + bias, axis=1, keepdims=True))
        weight = edge_weight[:, None]
        msg = (src @ Wm + bm) * att * weight
        agg = jnp.zeros_like(h).at[dst_idx].add(msg)
        h = jax.nn.relu((h + agg) @ Wr + br)
    graph_rep = jnp.mean(h, axis=0)
    out = graph_rep @ Wro + bro
    return jnp.squeeze(out, axis=-1)

if __name__ == "__main__":
    import jax
    _d = setup_inputs()
    print(jax.jit(kernel)(*tuple(_d.values())))

</pallas_src>

<mosaic_0001>
#map = affine_map<(d0, d1) -> (0, 0)>
#map1 = affine_map<(d0, d1) -> (0)>
module attributes {stable_mosaic.version = 14 : i64} {
  func.func @_sc_coeff_body(%arg0: i32, %arg1: i32, %arg2: memref<32x5120xi32, #tpu.memory_space<hbm>>, %arg3: memref<32x5120xi32, #tpu.memory_space<hbm>>, %arg4: memref<32x5120xf32, #tpu.memory_space<hbm>>, %arg5: memref<32x5120xf32, #tpu.memory_space<hbm>>, %arg6: memref<10000xf32, #tpu.memory_space<hbm>>, %arg7: memref<10000xf32, #tpu.memory_space<hbm>>, %arg8: memref<32x5120xf32, #tpu.memory_space<hbm>>, %arg9: memref<5120xi32, #tpu.memory_space<vmem>>, %arg10: memref<5120xi32, #tpu.memory_space<vmem>>, %arg11: memref<5120xf32, #tpu.memory_space<vmem>>, %arg12: memref<5120xf32, #tpu.memory_space<vmem>>, %arg13: memref<10000xf32, #tpu.memory_space<vmem>>, %arg14: memref<10000xf32, #tpu.memory_space<vmem>>, %arg15: memref<5120xf32, #tpu.memory_space<vmem>>) attributes {dimension_semantics = [#tpu.dimension_semantics<core_parallel>, #tpu.dimension_semantics<subcore_parallel>], iteration_bounds = array<i64: 2, 16>, scalar_prefetch = 0 : i64, scratch_operands = 7 : i64, tpu.core_type = #tpu.core_type<sc_vector_subcore>, window_params = [{transform_indices = #map}, {transform_indices = #map}, {transform_indices = #map}, {transform_indices = #map}, {transform_indices = #map1}, {transform_indices = #map1}, {transform_indices = #map}]} {
    %mul3A = arith.constant 16 : i32
    %mul3A_0 = arith.muli %arg0, %mul3A : i32
    %add3A = arith.addi %mul3A_0, %arg1 : i32
    "tpu.region"() ({
      %run_scoped3A = tpu.sem_alloc : memref<!tpu.dma_semaphore, #tpu.memory_space<semaphore_mem>>
      %dma_start3A = arith.constant 0 : i32
      %dma_start3A_5 = tpu.memref_slice %arg2[%add3A, %dma_start3A] : memref<32x5120xi32, #tpu.memory_space<hbm>> -> memref<1x5120xi32, #tpu.memory_space<hbm>>
      %dma_start3A_6 = tpu.memref_squeeze %dma_start3A_5 : memref<1x5120xi32, #tpu.memory_space<hbm>> -> memref<5120xi32, #tpu.memory_space<hbm>>
      %dma_start3A_7 = arith.constant 0 : i32
      %dma_start3A_8 = tpu.memref_slice %arg2[%add3A, %dma_start3A_7] : memref<32x5120xi32, #tpu.memory_space<hbm>> -> memref<1x5120xi32, #tpu.memory_space<hbm>>
      %dma_start3A_9 = tpu.memref_squeeze %dma_start3A_8 : memref<1x5120xi32, #tpu.memory_space<hbm>> -> memref<5120xi32, #tpu.memory_space<hbm>>
      tpu.enqueue_dma source(%dma_start3A_9 : memref<5120xi32, #tpu.memory_space<hbm>>) target(%arg9 : memref<5120xi32, #tpu.memory_space<vmem>>) target_semaphore(%run_scoped3A : memref<!tpu.dma_semaphore, #tpu.memory_space<semaphore_mem>>)
      %dma_wait3A = arith.constant 0 : i32
      %dma_wait3A_10 = tpu.memref_slice %arg2[%add3A, %dma_wait3A] : memref<32x5120xi32, #tpu.memory_space<hbm>> -> memref<1x5120xi32, #tpu.memory_space<hbm>>
      %dma_wait3A_11 = tpu.memref_squeeze %dma_wait3A_10 : memref<1x5120xi32, #tpu.memory_space<hbm>> -> memref<5120xi32, #tpu.memory_space<hbm>>
      %dma_wait3A_12 = arith.constant 0 : i32
      %dma_wait3A_13 = tpu.memref_slice %arg2[%add3A, %dma_wait3A_12] : memref<32x5120xi32, #tpu.memory_space<hbm>> -> memref<1x5120xi32, #tpu.memory_space<hbm>>
      %dma_wait3A_14 = tpu.memref_squeeze %dma_wait3A_13 : memref<1x5120xi32, #tpu.memory_space<hbm>> -> memref<5120xi32, #tpu.memory_space<hbm>>
      tpu.wait_dma2 semaphore(%run_scoped3A : memref<!tpu.dma_semaphore, #tpu.memory_space<semaphore_mem>>) src(%dma_wait3A_14 : memref<5120xi32, #tpu.memory_space<hbm>>) dst(%arg9 : memref<5120xi32, #tpu.memory_space<vmem>>)
      tpu.yield
    }) : () -> ()
    "tpu.region"() ({
      %run_scoped3A = tpu.sem_alloc : memref<!tpu.dma_semaphore, #tpu.memory_space<semaphore_mem>>
      %dma_start3A = arith.constant 0 : i32
      %dma_start3A_5 = tpu.memref_slice %arg3[%add3A, %dma_start3A] : memref<32x5120xi32, #tpu.memory_space<hbm>> -> memref<1x5120xi32, #tpu.memory_space<hbm>>
      %dma_start3A_6 = tpu.memref_squeeze %dma_start3A_5 : memref<1x5120xi32, #tpu.memory_space<hbm>> -> memref<5120xi32, #tpu.memory_space<hbm>>
      %dma_start3A_7 = arith.constant 0 : i32
      %dma_start3A_8 = tpu.memref_slice %arg3[%add3A, %dma_start3A_7] : memref<32x5120xi32, #tpu.memory_space<hbm>> -> memref<1x5120xi32, #tpu.memory_space<hbm>>
      %dma_start3A_9 = tpu.memref_squeeze %dma_start3A_8 : memref<1x5120xi32, #tpu.memory_space<hbm>> -> memref<5120xi32, #tpu.memory_space<hbm>>
      tpu.enqueue_dma source(%dma_start3A_9 : memref<5120xi32, #tpu.memory_space<hbm>>) target(%arg10 : memref<5120xi32, #tpu.memory_space<vmem>>) target_semaphore(%run_scoped3A : memref<!tpu.dma_semaphore, #tpu.memory_space<semaphore_mem>>)
      %dma_wait3A = arith.constant 0 : i32
      %dma_wait3A_10 = tpu.memref_slice %arg3[%add3A, %dma_wait3A] : memref<32x5120xi32, #tpu.memory_space<hbm>> -> memref<1x5120xi32, #tpu.memory_space<hbm>>
      %dma_wait3A_11 = tpu.memref_squeeze %dma_wait3A_10 : memref<1x5120xi32, #tpu.memory_space<hbm>> -> memref<5120xi32, #tpu.memory_space<hbm>>
      %dma_wait3A_12 = arith.constant 0 : i32
      %dma_wait3A_13 = tpu.memref_slice %arg3[%add3A, %dma_wait3A_12] : memref<32x5120xi32, #tpu.memory_space<hbm>> -> memref<1x5120xi32, #tpu.memory_space<hbm>>
      %dma_wait3A_14 = tpu.memref_squeeze %dma_wait3A_13 : memref<1x5120xi32, #tpu.memory_space<hbm>> -> memref<5120xi32, #tpu.memory_space<hbm>>
      tpu.wait_dma2 semaphore(%run_scoped3A : memref<!tpu.dma_semaphore, #tpu.memory_space<semaphore_mem>>) src(%dma_wait3A_14 : memref<5120xi32, #tpu.memory_space<hbm>>) dst(%arg10 : memref<5120xi32, #tpu.memory_space<vmem>>)
      tpu.yield
    }) : () -> ()
    "tpu.region"() ({
      %run_scoped3A = tpu.sem_alloc : memref<!tpu.dma_semaphore, #tpu.memory_space<semaphore_mem>>
      %dma_start3A = arith.constant 0 : i32
      %dma_start3A_5 = tpu.memref_slice %arg4[%add3A, %dma_start3A] : memref<32x5120xf32, #tpu.memory_space<hbm>> -> memref<1x5120xf32, #tpu.memory_space<hbm>>
      %dma_start3A_6 = tpu.memref_squeeze %dma_start3A_5 : memref<1x5120xf32, #tpu.memory_space<hbm>> -> memref<5120xf32, #tpu.memory_space<hbm>>
      %dma_start3A_7 = arith.constant 0 : i32
      %dma_start3A_8 = tpu.memref_slice %arg4[%add3A, %dma_start3A_7] : memref<32x5120xf32, #tpu.memory_space<hbm>> -> memref<1x5120xf32, #tpu.memory_space<hbm>>
      %dma_start3A_9 = tpu.memref_squeeze %dma_start3A_8 : memref<1x5120xf32, #tpu.memory_space<hbm>> -> memref<5120xf32, #tpu.memory_space<hbm>>
      tpu.enqueue_dma source(%dma_start3A_9 : memref<5120xf32, #tpu.memory_space<hbm>>) target(%arg11 : memref<5120xf32, #tpu.memory_space<vmem>>) target_semaphore(%run_scoped3A : memref<!tpu.dma_semaphore, #tpu.memory_space<semaphore_mem>>)
      %dma_wait3A = arith.constant 0 : i32
      %dma_wait3A_10 = tpu.memref_slice %arg4[%add3A, %dma_wait3A] : memref<32x5120xf32, #tpu.memory_space<hbm>> -> memref<1x5120xf32, #tpu.memory_space<hbm>>
      %dma_wait3A_11 = tpu.memref_squeeze %dma_wait3A_10 : memref<1x5120xf32, #tpu.memory_space<hbm>> -> memref<5120xf32, #tpu.memory_space<hbm>>
      %dma_wait3A_12 = arith.constant 0 : i32
      %dma_wait3A_13 = tpu.memref_slice %arg4[%add3A, %dma_wait3A_12] : memref<32x5120xf32, #tpu.memory_space<hbm>> -> memref<1x5120xf32, #tpu.memory_space<hbm>>
      %dma_wait3A_14 = tpu.memref_squeeze %dma_wait3A_13 : memref<1x5120xf32, #tpu.memory_space<hbm>> -> memref<5120xf32, #tpu.memory_space<hbm>>
      tpu.wait_dma2 semaphore(%run_scoped3A : memref<!tpu.dma_semaphore, #tpu.memory_space<semaphore_mem>>) src(%dma_wait3A_14 : memref<5120xf32, #tpu.memory_space<hbm>>) dst(%arg11 : memref<5120xf32, #tpu.memory_space<vmem>>)
      tpu.yield
    }) : () -> ()
    "tpu.region"() ({
      %run_scoped3A = tpu.sem_alloc : memref<!tpu.dma_semaphore, #tpu.memory_space<semaphore_mem>>
      %dma_start3A = arith.constant 0 : i32
      %dma_start3A_5 = tpu.memref_slice %arg5[%add3A, %dma_start3A] : memref<32x5120xf32, #tpu.memory_space<hbm>> -> memref<1x5120xf32, #tpu.memory_space<hbm>>
      %dma_start3A_6 = tpu.memref_squeeze %dma_start3A_5 : memref<1x5120xf32, #tpu.memory_space<hbm>> -> memref<5120xf32, #tpu.memory_space<hbm>>
      %dma_start3A_7 = arith.constant 0 : i32
      %dma_start3A_8 = tpu.memref_slice %arg5[%add3A, %dma_start3A_7] : memref<32x5120xf32, #tpu.memory_space<hbm>> -> memref<1x5120xf32, #tpu.memory_space<hbm>>
      %dma_start3A_9 = tpu.memref_squeeze %dma_start3A_8 : memref<1x5120xf32, #tpu.memory_space<hbm>> -> memref<5120xf32, #tpu.memory_space<hbm>>
      tpu.enqueue_dma source(%dma_start3A_9 : memref<5120xf32, #tpu.memory_space<hbm>>) target(%arg12 : memref<5120xf32, #tpu.memory_space<vmem>>) target_semaphore(%run_scoped3A : memref<!tpu.dma_semaphore, #tpu.memory_space<semaphore_mem>>)
      %dma_wait3A = arith.constant 0 : i32
      %dma_wait3A_10 = tpu.memref_slice %arg5[%add3A, %dma_wait3A] : memref<32x5120xf32, #tpu.memory_space<hbm>> -> memref<1x5120xf32, #tpu.memory_space<hbm>>
      %dma_wait3A_11 = tpu.memref_squeeze %dma_wait3A_10 : memref<1x5120xf32, #tpu.memory_space<hbm>> -> memref<5120xf32, #tpu.memory_space<hbm>>
      %dma_wait3A_12 = arith.constant 0 : i32
      %dma_wait3A_13 = tpu.memref_slice %arg5[%add3A, %dma_wait3A_12] : memref<32x5120xf32, #tpu.memory_space<hbm>> -> memref<1x5120xf32, #tpu.memory_space<hbm>>
      %dma_wait3A_14 = tpu.memref_squeeze %dma_wait3A_13 : memref<1x5120xf32, #tpu.memory_space<hbm>> -> memref<5120xf32, #tpu.memory_space<hbm>>
      tpu.wait_dma2 semaphore(%run_scoped3A : memref<!tpu.dma_semaphore, #tpu.memory_space<semaphore_mem>>) src(%dma_wait3A_14 : memref<5120xf32, #tpu.memory_space<hbm>>) dst(%arg12 : memref<5120xf32, #tpu.memory_space<vmem>>)
      tpu.yield
    }) : () -> ()
    "tpu.region"() ({
      %run_scoped3A = tpu.sem_alloc : memref<!tpu.dma_semaphore, #tpu.memory_space<semaphore_mem>>
      tpu.enqueue_dma source(%arg6 : memref<10000xf32, #tpu.memory_space<hbm>>) target(%arg13 : memref<10000xf32, #tpu.memory_space<vmem>>) target_semaphore(%run_scoped3A : memref<!tpu.dma_semaphore, #tpu.memory_space<semaphore_mem>>)
      tpu.wait_dma2 semaphore(%run_scoped3A : memref<!tpu.dma_semaphore, #tpu.memory_space<semaphore_mem>>) src(%arg6 : memref<10000xf32, #tpu.memory_space<hbm>>) dst(%arg13 : memref<10000xf32, #tpu.memory_space<vmem>>)
      tpu.yield
    }) : () -> ()
    "tpu.region"() ({
      %run_scoped3A = tpu.sem_alloc : memref<!tpu.dma_semaphore, #tpu.memory_space<semaphore_mem>>
      tpu.enqueue_dma source(%arg7 : memref<10000xf32, #tpu.memory_space<hbm>>) target(%arg14 : memref<10000xf32, #tpu.memory_space<vmem>>) target_semaphore(%run_scoped3A : memref<!tpu.dma_semaphore, #tpu.memory_space<semaphore_mem>>)
      tpu.wait_dma2 semaphore(%run_scoped3A : memref<!tpu.dma_semaphore, #tpu.memory_space<semaphore_mem>>) src(%arg7 : memref<10000xf32, #tpu.memory_space<hbm>>) dst(%arg14 : memref<10000xf32, #tpu.memory_space<vmem>>)
      tpu.yield
    }) : () -> ()
    %scan3A = arith.constant 0 : i32
    %scan3A_1 = arith.constant 320 : i32
    %scan3A_2 = arith.addi %scan3A, %scan3A_1 : i32
    %scan3A_3 = arith.constant 1 : i32
    scf.for %scan3A_5 = %scan3A to %scan3A_2 step %scan3A_3  : i32 {
      %mul3A_6 = arith.constant 16 : i32
      %mul3A_7 = arith.muli %scan3A_5, %mul3A_6 : i32
      %add3A_8 = arith.constant 0 : i32
      %add3A_9 = arith.addi %add3A_8, %mul3A_7 : i32
      %get3A = arith.index_cast %add3A_9 : i32 to index
      %get3A_10 = tpu.vector_load %arg9[%get3A] {strides = array<i32>} : memref<5120xi32, #tpu.memory_space<vmem>>, vector<16xi32>,
      %gather3A = tpu.vector_load_idx %arg13[%get3A_10] : memref<10000xf32, #tpu.memory_space<vmem>>[vector<16xi32>], vector<16xf32>,
      %get3A_11 = arith.index_cast %add3A_9 : i32 to index
      %get3A_12 = tpu.vector_load %arg10[%get3A_11] {strides = array<i32>} : memref<5120xi32, #tpu.memory_space<vmem>>, vector<16xi32>,
      %gather3A_13 = tpu.vector_load_idx %arg14[%get3A_12] : memref<10000xf32, #tpu.memory_space<vmem>>[vector<16xi32>], vector<16xf32>,
      %add3A_14 = arith.addf %gather3A, %gather3A_13 : vector<16xf32>
      %get3A_15 = arith.index_cast %add3A_9 : i32 to index
      %get3A_16 = tpu.vector_load %arg11[%get3A_15] {strides = array<i32>} : memref<5120xf32, #tpu.memory_space<vmem>>, vector<16xf32>,
      %add3A_17 = arith.addf %add3A_14, %get3A_16 : vector<16xf32>
      %neg3A = arith.constant 0.000000e+00 : f32
      %neg3A_18 = vector.broadcast %neg3A : f32 to vector<16xf32>
      %neg3A_19 = arith.subf %neg3A_18, %add3A_17 : vector<16xf32>
      %exp3A = math.exp %neg3A_19 : vector<16xf32>
      %add3A_20 = arith.constant 1.000000e+00 : f32
      %add3A_21 = vector.broadcast %add3A_20 : f32 to vector<16xf32>
      %add3A_22 = arith.addf %add3A_21, %exp3A : vector<16xf32>
      %div3A = arith.constant 1.000000e+00 : f32
      %div3A_23 = vector.broadcast %div3A : f32 to vector<16xf32>
      %div3A_24 = arith.divf %div3A_23, %add3A_22 : vector<16xf32>
      %get3A_25 = arith.index_cast %add3A_9 : i32 to index
      %get3A_26 = tpu.vector_load %arg12[%get3A_25] {strides = array<i32>} : memref<5120xf32, #tpu.memory_space<vmem>>, vector<16xf32>,
      %mul3A_27 = arith.mulf %div3A_24, %get3A_26 : vector<16xf32>
      %swap3A = arith.index_cast %add3A_9 : i32 to index
      %swap3A_28 = tpu.vector_load %arg15[%swap3A] {strides = array<i32>} : memref<5120xf32, #tpu.memory_space<vmem>>, vector<16xf32>,
      tpu.vector_store %arg15[%swap3A], %mul3A_27 {strides = array<i32>} : memref<5120xf32, #tpu.memory_space<vmem>>, vector<16xf32>,
    }
    %scan3A_4 = arith.constant 320 : i32
    "tpu.region"() ({
      %run_scoped3A = tpu.sem_alloc : memref<!tpu.dma_semaphore, #tpu.memory_space<semaphore_mem>>
      %dma_start3A = arith.constant 0 : i32
      %dma_start3A_5 = tpu.memref_slice %arg8[%add3A, %dma_start3A] : memref<32x5120xf32, #tpu.memory_space<hbm>> -> memref<1x5120xf32, #tpu.memory_space<hbm>>
      %dma_start3A_6 = tpu.memref_squeeze %dma_start3A_5 : memref<1x5120xf32, #tpu.memory_space<hbm>> -> memref<5120xf32, #tpu.memory_space<hbm>>
      %dma_start3A_7 = arith.constant 0 : i32
      %dma_start3A_8 = tpu.memref_slice %arg8[%add3A, %dma_start3A_7] : memref<32x5120xf32, #tpu.memory_space<hbm>> -> memref<1x5120xf32, #tpu.memory_space<hbm>>
      %dma_start3A_9 = tpu.memref_squeeze %dma_start3A_8 : memref<1x5120xf32, #tpu.memory_space<hbm>> -> memref<5120xf32, #tpu.memory_space<hbm>>
      tpu.enqueue_dma source(%arg15 : memref<5120xf32, #tpu.memory_space<vmem>>) target(%dma_start3A_9 : memref<5120xf32, #tpu.memory_space<hbm>>) target_semaphore(%run_scoped3A : memref<!tpu.dma_semaphore, #tpu.memory_space<semaphore_mem>>)
      %dma_wait3A = arith.constant 0 : i32
      %dma_wait3A_10 = tpu.memref_slice %arg8[%add3A, %dma_wait3A] : memref<32x5120xf32, #tpu.memory_space<hbm>> -> memref<1x5120xf32, #tpu.memory_space<hbm>>
      %dma_wait3A_11 = tpu.memref_squeeze %dma_wait3A_10 : memref<1x5120xf32, #tpu.memory_space<hbm>> -> memref<5120xf32, #tpu.memory_space<hbm>>
      %dma_wait3A_12 = arith.constant 0 : i32
      %dma_wait3A_13 = tpu.memref_slice %arg8[%add3A, %dma_wait3A_12] : memref<32x5120xf32, #tpu.memory_space<hbm>> -> memref<1x5120xf32, #tpu.memory_space<hbm>>
      %dma_wait3A_14 = tpu.memref_squeeze %dma_wait3A_13 : memref<1x5120xf32, #tpu.memory_space<hbm>> -> memref<5120xf32, #tpu.memory_space<hbm>>
      tpu.wait_dma2 semaphore(%run_scoped3A : memref<!tpu.dma_semaphore, #tpu.memory_space<semaphore_mem>>) src(%arg15 : memref<5120xf32, #tpu.memory_space<vmem>>) dst(%dma_wait3A_14 : memref<5120xf32, #tpu.memory_space<hbm>>)
      tpu.yield
    }) : () -> ()
    return
  }
}

#map = affine_map<(d0, d1) -> (0, 0)>
#map1 = affine_map<(d0, d1) -> (0, 0, 0)>
module attributes {stable_mosaic.version = 14 : i64} {
  func.func @_sc_edge_body(%arg0: i32, %arg1: i32, %arg2: memref<32x5120xi32, #tpu.memory_space<hbm>>, %arg3: memref<32x5120xi32, #tpu.memory_space<hbm>>, %arg4: memref<32x5120xf32, #tpu.memory_space<hbm>>, %arg5: memref<10000x128xf32, #tpu.memory_space<hbm>>, %arg6: memref<2x10240x128xf32, #tpu.memory_space<hbm>>, %arg7: memref<5120xi32, #tpu.memory_space<vmem>>, %arg8: memref<5120xi32, #tpu.memory_space<vmem>>, %arg9: memref<5120xf32, #tpu.memory_space<vmem>>, %arg10: memref<10240x128xf32, #tpu.memory_space<vmem_shared>>, %arg11: memref<32x128xf32, #tpu.memory_space<vmem>>, %arg12: memref<32x128xf32, #tpu.memory_space<vmem>>, %arg13: memref<32x128xf32, #tpu.memory_space<vmem>>, %arg14: memref<32x128xf32, #tpu.memory_space<vmem>>, %arg15: memref<32x128xf32, #tpu.memory_space<vmem>>, %arg16: memref<32x128xf32, #tpu.memory_space<vmem>>, %arg17: memref<32x128xf32, #tpu.memory_space<vmem>>, %arg18: memref<32x128xf32, #tpu.memory_space<vmem>>, %arg19: memref<!tpu.dma_semaphore, #tpu.memory_space<semaphore_mem>>, %arg20: memref<!tpu.dma_semaphore, #tpu.memory_space<semaphore_mem>>, %arg21: memref<!tpu.dma_semaphore, #tpu.memory_space<semaphore_mem>>, %arg22: memref<!tpu.dma_semaphore, #tpu.memory_space<semaphore_mem>>, %arg23: memref<!tpu.dma_semaphore, #tpu.memory_space<semaphore_mem>>, %arg24: memref<!tpu.dma_semaphore, #tpu.memory_space<semaphore_mem>>, %arg25: memref<!tpu.dma_semaphore, #tpu.memory_space<semaphore_mem>>, %arg26: memref<!tpu.dma_semaphore, #tpu.memory_space<semaphore_mem>>, %arg27: memref<!tpu.dma_semaphore, #tpu.memory_space<semaphore_mem>>, %arg28: memref<!tpu.dma_semaphore, #tpu.memory_space<semaphore_mem>>, %arg29: memref<!tpu.dma_semaphore, #tpu.memory_space<semaphore_mem>>, %arg30: memref<!tpu.dma_semaphore, #tpu.memory_space<semaphore_mem>>, %arg31: memref<!tpu.dma_semaphore, #tpu.memory_space<semaphore_mem>>, %arg32: memref<!tpu.dma_semaphore, #tpu.memory_space<semaphore_mem>>, %arg33: memref<!tpu.dma_semaphore, #tpu.memory_space<semaphore_mem>>, %arg34: memref<!tpu.dma_semaphore, #tpu.memory_space<semaphore_mem>>) attributes {dimension_semantics = [#tpu.dimension_semantics<core_parallel>, #tpu.dimension_semantics<subcore_parallel>], iteration_bounds = array<i64: 2, 16>, scalar_prefetch = 0 : i64, scratch_operands = 28 : i64, tpu.core_type = #tpu.core_type<sc_vector_subcore>, window_params = [{transform_indices = #map}, {transform_indices = #map}, {transform_indices = #map}, {transform_indices = #map}, {transform_indices = #map1}]} {
    %mul3A = arith.constant 16 : i32
    %mul3A_0 = arith.muli %arg0, %mul3A : i32
    %add3A = arith.addi %mul3A_0, %arg1 : i32
    %mul3A_1 = arith.constant 640 : i32
    %mul3A_2 = arith.muli %arg1, %mul3A_1 : i32
    "tpu.region"() ({
      %run_scoped3A = tpu.sem_alloc : memref<!tpu.dma_semaphore, #tpu.memory_space<semaphore_mem>>
      %dma_start3A_213 = arith.constant 0 : i32
      %dma_start3A_214 = tpu.memref_slice %arg2[%add3A, %dma_start3A_213] : memref<32x5120xi32, #tpu.memory_space<hbm>> -> memref<1x5120xi32, #tpu.memory_space<hbm>>
      %dma_start3A_215 = tpu.memref_squeeze %dma_start3A_214 : memref<1x5120xi32, #tpu.memory_space<hbm>> -> memref<5120xi32, #tpu.memory_space<hbm>>
      %dma_start3A_216 = arith.constant 0 : i32
      %dma_start3A_217 = tpu.memref_slice %arg2[%add3A, %dma_start3A_216] : memref<32x5120xi32, #tpu.memory_space<hbm>> -> memref<1x5120xi32, #tpu.memory_space<hbm>>
      %dma_start3A_218 = tpu.memref_squeeze %dma_start3A_217 : memref<1x5120xi32, #tpu.memory_space<hbm>> -> memref<5120xi32, #tpu.memory_space<hbm>>
      tpu.enqueue_dma source(%dma_start3A_218 : memref<5120xi32, #tpu.memory_space<hbm>>) target(%arg7 : memref<5120xi32, #tpu.memory_space<vmem>>) target_semaphore(%run_scoped3A : memref<!tpu.dma_semaphore, #tpu.memory_space<semaphore_mem>>)
      %dma_wait3A_219 = arith.constant 0 : i32
      %dma_wait3A_220 = tpu.memref_slice %arg2[%add3A, %dma_wait3A_219] : memref<32x5120xi32, #tpu.memory_space<hbm>> -> memref<1x5120xi32, #tpu.memory_space<hbm>>
      %dma_wait3A_221 = tpu.memref_squeeze %dma_wait3A_220 : memref<1x5120xi32, #tpu.memory_space<hbm>> -> memref<5120xi32, #tpu.memory_space<hbm>>
      %dma_wait3A_222 = arith.constant 0 : i32
      %dma_wait3A_223 = tpu.memref_slice %arg2[%add3A, %dma_wait3A_222] : memref<32x5120xi32, #tpu.memory_space<hbm>> -> memref<1x5120xi32, #tpu.memory_space<hbm>>
      %dma_wait3A_224 = tpu.memref_squeeze %dma_wait3A_223 : memref<1x5120xi32, #tpu.memory_space<hbm>> -> memref<5120xi32, #tpu.memory_space<hbm>>
      tpu.wait_dma2 semaphore(%run_scoped3A : memref<!tpu.dma_semaphore, #tpu.memory_space<semaphore_mem>>) src(%dma_wait3A_224 : memref<5120xi32, #tpu.memory_space<hbm>>) dst(%arg7 : memref<5120xi32, #tpu.memory_space<vmem>>)
      tpu.yield
    }) : () -> ()
    "tpu.region"() ({
      %run_scoped3A = tpu.sem_alloc : memref<!tpu.dma_semaphore, #tpu.memory_space<semaphore_mem>>
      %dma_start3A_213 = arith.constant 0 : i32
      %dma_start3A_214 = tpu.memref_slice %arg3[%add3A, %dma_start3A_213] : memref<32x5120xi32, #tpu.memory_space<hbm>> -> memref<1x5120xi32, #tpu.memory_space<hbm>>
      %dma_start3A_215 = tpu.memref_squeeze %dma_start3A_214 : memref<1x5120xi32, #tpu.memory_space<hbm>> -> memref<5120xi32, #tpu.memory_space<hbm>>
      %dma_start3A_216 = arith.constant 0 : i32
      %dma_start3A_217 = tpu.memref_slice %arg3[%add3A, %dma_start3A_216] : memref<32x5120xi32, #tpu.memory_space<hbm>> -> memref<1x5120xi32, #tpu.memory_space<hbm>>
      %dma_start3A_218 = tpu.memref_squeeze %dma_start3A_217 : memref<1x5120xi32, #tpu.memory_space<hbm>> -> memref<5120xi32, #tpu.memory_space<hbm>>
      tpu.enqueue_dma source(%dma_start3A_218 : memref<5120xi32, #tpu.memory_space<hbm>>) target(%arg8 : memref<5120xi32, #tpu.memory_space<vmem>>) target_semaphore(%run_scoped3A : memref<!tpu.dma_semaphore, #tpu.memory_space<semaphore_mem>>)
      %dma_wait3A_219 = arith.constant 0 : i32
      %dma_wait3A_220 = tpu.memref_slice %arg3[%add3A, %dma_wait3A_219] : memref<32x5120xi32, #tpu.memory_space<hbm>> -> memref<1x5120xi32, #tpu.memory_space<hbm>>
      %dma_wait3A_221 = tpu.memref_squeeze %dma_wait3A_220 : memref<1x5120xi32, #tpu.memory_space<hbm>> -> memref<5120xi32, #tpu.memory_space<hbm>>
      %dma_wait3A_222 = arith.constant 0 : i32
      %dma_wait3A_223 = tpu.memref_slice %arg3[%add3A, %dma_wait3A_222] : memref<32x5120xi32, #tpu.memory_space<hbm>> -> memref<1x5120xi32, #tpu.memory_space<hbm>>
      %dma_wait3A_224 = tpu.memref_squeeze %dma_wait3A_223 : memref<1x5120xi32, #tpu.memory_space<hbm>> -> memref<5120xi32, #tpu.memory_space<hbm>>
      tpu.wait_dma2 semaphore(%run_scoped3A : memref<!tpu.dma_semaphore, #tpu.memory_space<semaphore_mem>>) src(%dma_wait3A_224 : memref<5120xi32, #tpu.memory_space<hbm>>) dst(%arg8 : memref<5120xi32, #tpu.memory_space<vmem>>)
      tpu.yield
    }) : () -> ()
    "tpu.region"() ({
      %run_scoped3A = tpu.sem_alloc : memref<!tpu.dma_semaphore, #tpu.memory_space<semaphore_mem>>
      %dma_start3A_213 = arith.constant 0 : i32
      %dma_start3A_214 = tpu.memref_slice %arg4[%add3A, %dma_start3A_213] : memref<32x5120xf32, #tpu.memory_space<hbm>> -> memref<1x5120xf32, #tpu.memory_space<hbm>>
      %dma_start3A_215 = tpu.memref_squeeze %dma_start3A_214 : memref<1x5120xf32, #tpu.memory_space<hbm>> -> memref<5120xf32, #tpu.memory_space<hbm>>
      %dma_start3A_216 = arith.constant 0 : i32
      %dma_start3A_217 = tpu.memref_slice %arg4[%add3A, %dma_start3A_216] : memref<32x5120xf32, #tpu.memory_space<hbm>> -> memref<1x5120xf32, #tpu.memory_space<hbm>>
      %dma_start3A_218 = tpu.memref_squeeze %dma_start3A_217 : memref<1x5120xf32, #tpu.memory_space<hbm>> -> memref<5120xf32, #tpu.memory_space<hbm>>
      tpu.enqueue_dma source(%dma_start3A_218 : memref<5120xf32, #tpu.memory_space<hbm>>) target(%arg9 : memref<5120xf32, #tpu.memory_space<vmem>>) target_semaphore(%run_scoped3A : memref<!tpu.dma_semaphore, #tpu.memory_space<semaphore_mem>>)
      %dma_wait3A_219 = arith.constant 0 : i32
      %dma_wait3A_220 = tpu.memref_slice %arg4[%add3A, %dma_wait3A_219] : memref<32x5120xf32, #tpu.memory_space<hbm>> -> memref<1x5120xf32, #tpu.memory_space<hbm>>
      %dma_wait3A_221 = tpu.memref_squeeze %dma_wait3A_220 : memref<1x5120xf32, #tpu.memory_space<hbm>> -> memref<5120xf32, #tpu.memory_space<hbm>>
      %dma_wait3A_222 = arith.constant 0 : i32
      %dma_wait3A_223 = tpu.memref_slice %arg4[%add3A, %dma_wait3A_222] : memref<32x5120xf32, #tpu.memory_space<hbm>> -> memref<1x5120xf32, #tpu.memory_space<hbm>>
      %dma_wait3A_224 = tpu.memref_squeeze %dma_wait3A_223 : memref<1x5120xf32, #tpu.memory_space<hbm>> -> memref<5120xf32, #tpu.memory_space<hbm>>
      tpu.wait_dma2 semaphore(%run_scoped3A : memref<!tpu.dma_semaphore, #tpu.memory_space<semaphore_mem>>) src(%dma_wait3A_224 : memref<5120xf32, #tpu.memory_space<hbm>>) dst(%arg9 : memref<5120xf32, #tpu.memory_space<vmem>>)
      tpu.yield
    }) : () -> ()
    %scan3A = arith.constant 0 : i32
    %scan3A_3 = arith.constant 32 : i32
    %scan3A_4 = arith.addi %scan3A, %scan3A_3 : i32
    %scan3A_5 = arith.constant 1 : i32
    scf.for %scan3A_213 = %scan3A to %scan3A_4 step %scan3A_5  : i32 {
      %mul3A_214 = arith.constant 1 : i32
      %mul3A_215 = arith.muli %scan3A_213, %mul3A_214 : i32
      %add3A_216 = arith.constant 0 : i32
      %add3A_217 = arith.addi %add3A_216, %mul3A_215 : i32
      %broadcast_in_dim3A = arith.constant 0.000000e+00 : f32
      %broadcast_in_dim3A_218 = vector.broadcast %broadcast_in_dim3A : f32 to vector<16xf32>
      %swap3A = arith.index_cast %add3A_217 : i32 to index
      %swap3A_219 = arith.constant 0 : index
      %swap3A_220 = tpu.vector_load %arg11[%swap3A, %swap3A_219] {strides = array<i32>} : memref<32x128xf32, #tpu.memory_space<vmem>>, vector<16xf32>,
      tpu.vector_store %arg11[%swap3A, %swap3A_219], %broadcast_in_dim3A_218 {strides = array<i32>} : memref<32x128xf32, #tpu.memory_space<vmem>>, vector<16xf32>,
      %broadcast_in_dim3A_221 = arith.constant 0.000000e+00 : f32
      %broadcast_in_dim3A_222 = vector.broadcast %broadcast_in_dim3A_221 : f32 to vector<16xf32>
      %swap3A_223 = arith.index_cast %add3A_217 : i32 to index
      %swap3A_224 = arith.constant 16 : index
      %swap3A_225 = tpu.vector_load %arg11[%swap3A_223, %swap3A_224] {strides = array<i32>} : memref<32x128xf32, #tpu.memory_space<vmem>>, vector<16xf32>,
      tpu.vector_store %arg11[%swap3A_223, %swap3A_224], %broadcast_in_dim3A_222 {strides = array<i32>} : memref<32x128xf32, #tpu.memory_space<vmem>>, vector<16xf32>,
      %broadcast_in_dim3A_226 = arith.constant 0.000000e+00 : f32
      %broadcast_in_dim3A_227 = vector.broadcast %broadcast_in_dim3A_226 : f32 to vector<16xf32>
      %swap3A_228 = arith.index_cast %add3A_217 : i32 to index
      %swap3A_229 = arith.constant 32 : index
      %swap3A_230 = tpu.vector_load %arg11[%swap3A_228, %swap3A_229] {strides = array<i32>} : memref<32x128xf32, #tpu.memory_space<vmem>>, vector<16xf32>,
      tpu.vector_store %arg11[%swap3A_228, %swap3A_229], %broadcast_in_dim3A_227 {strides = array<i32>} : memref<32x128xf32, #tpu.memory_space<vmem>>, vector<16xf32>,
      %broadcast_in_dim3A_231 = arith.constant 0.000000e+00 : f32
      %broadcast_in_dim3A_232 = vector.broadcast %broadcast_in_dim3A_231 : f32 to vector<16xf32>
      %swap3A_233 = arith.index_cast %add3A_217 : i32 to index
      %swap3A_234 = arith.constant 48 : index
      %swap3A_235 = tpu.vector_load %arg11[%swap3A_233, %swap3A_234] {strides = array<i32>} : memref<32x128xf32, #tpu.memory_space<vmem>>, vector<16xf32>,
      tpu.vector_store %arg11[%swap3A_233, %swap3A_234], %broadcast_in_dim3A_232 {strides = array<i32>} : memref<32x128xf32, #tpu.memory_space<vmem>>, vector<16xf32>,
      %broadcast_in_dim3A_236 = arith.constant 0.000000e+00 : f32
      %broadcast_in_dim3A_237 = vector.broadcast %broadcast_in_dim3A_236 : f32 to vector<16xf32>
      %swap3A_238 = arith.index_cast %add3A_217 : i32 to index
      %swap3A_239 = arith.constant 64 : index
      %swap3A_240 = tpu.vector_load %arg11[%swap3A_238, %swap3A_239] {strides = array<i32>} : memref<32x128xf32, #tpu.memory_space<vmem>>, vector<16xf32>,
      tpu.vector_store %arg11[%swap3A_238, %swap3A_239], %broadcast_in_dim3A_237 {strides = array<i32>} : memref<32x128xf32, #tpu.memory_space<vmem>>, vector<16xf32>,
      %broadcast_in_dim3A_241 = arith.constant 0.000000e+00 : f32
      %broadcast_in_dim3A_242 = vector.broadcast %broadcast_in_dim3A_241 : f32 to vector<16xf32>
      %swap3A_243 = arith.index_cast %add3A_217 : i32 to index
      %swap3A_244 = arith.constant 80 : index
      %swap3A_245 = tpu.vector_load %arg11[%swap3A_243, %swap3A_244] {strides = array<i32>} : memref<32x128xf32, #tpu.memory_space<vmem>>, vector<16xf32>,
      tpu.vector_store %arg11[%swap3A_243, %swap3A_244], %broadcast_in_dim3A_242 {strides = array<i32>} : memref<32x128xf32, #tpu.memory_space<vmem>>, vector<16xf32>,
      %broadcast_in_dim3A_246 = arith.constant 0.000000e+00 : f32
      %broadcast_in_dim3A_247 = vector.broadcast %broadcast_in_dim3A_246 : f32 to vector<16xf32>
      %swap3A_248 = arith.index_cast %add3A_217 : i32 to index
      %swap3A_249 = arith.constant 96 : index
      %swap3A_250 = tpu.vector_load %arg11[%swap3A_248, %swap3A_249] {strides = array<i32>} : memref<32x128xf32, #tpu.memory_space<vmem>>, vector<16xf32>,
      tpu.vector_store %arg11[%swap3A_248, %swap3A_249], %broadcast_in_dim3A_247 {strides = array<i32>} : memref<32x128xf32, #tpu.memory_space<vmem>>, vector<16xf32>,
      %broadcast_in_dim3A_251 = arith.constant 0.000000e+00 : f32
      %broadcast_in_dim3A_252 = vector.broadcast %broadcast_in_dim3A_251 : f32 to vector<16xf32>
      %swap3A_253 = arith.index_cast %add3A_217 : i32 to index
      %swap3A_254 = arith.constant 112 : index
      %swap3A_255 = tpu.vector_load %arg11[%swap3A_253, %swap3A_254] {strides = array<i32>} : memref<32x128xf32, #tpu.memory_space<vmem>>, vector<16xf32>,
      tpu.vector_store %arg11[%swap3A_253, %swap3A_254], %broadcast_in_dim3A_252 {strides = array<i32>} : memref<32x128xf32, #tpu.memory_space<vmem>>, vector<16xf32>,
    }
    %scan3A_6 = arith.constant 32 : i32
    %add3A_7 = arith.constant 0 : i32
    %add3A_8 = arith.addi %mul3A_2, %add3A_7 : i32
    "tpu.region"() ({
      %run_scoped3A = tpu.sem_alloc : memref<!tpu.dma_semaphore, #tpu.memory_space<semaphore_mem>>
      %dma_start3A_213 = arith.constant 0 : i32
      %dma_start3A_214 = tpu.memref_slice %arg10[%add3A_8, %dma_start3A_213] : memref<10240x128xf32, #tpu.memory_space<vmem_shared>> -> memref<32x128xf32, #tpu.memory_space<vmem_shared>>
      %dma_start3A_215 = arith.constant 0 : i32
      %dma_start3A_216 = tpu.memref_slice %arg10[%add3A_8, %dma_start3A_215] : memref<10240x128xf32, #tpu.memory_space<vmem_shared>> -> memref<32x128xf32, #tpu.memory_space<vmem_shared>>
      tpu.enqueue_dma source(%arg11 : memref<32x128xf32, #tpu.memory_space<vmem>>) target(%dma_start3A_216 : memref<32x128xf32, #tpu.memory_space<vmem_shared>>) target_semaphore(%run_scoped3A : memref<!tpu.dma_semaphore, #tpu.memory_space<semaphore_mem>>)
      %dma_wait3A_217 = arith.constant 0 : i32
      %dma_wait3A_218 = tpu.memref_slice %arg10[%add3A_8, %dma_wait3A_217] : memref<10240x128xf32, #tpu.memory_space<vmem_shared>> -> memref<32x128xf32, #tpu.memory_space<vmem_shared>>
      %dma_wait3A_219 = arith.constant 0 : i32
      %dma_wait3A_220 = tpu.memref_slice %arg10[%add3A_8, %dma_wait3A_219] : memref<10240x128xf32, #tpu.memory_space<vmem_shared>> -> memref<32x128xf32, #tpu.memory_space<vmem_shared>>
      tpu.wait_dma2 semaphore(%run_scoped3A : memref<!tpu.dma_semaphore, #tpu.memory_space<semaphore_mem>>) src(%arg11 : memref<32x128xf32, #tpu.memory_space<vmem>>) dst(%dma_wait3A_220 : memref<32x128xf32, #tpu.memory_space<vmem_shared>>)
      tpu.yield
    }) : () -> ()
    %add3A_9 = arith.constant 32 : i32
    %add3A_10 = arith.addi %mul3A_2, %add3A_9 : i32
    "tpu.region"() ({
      %run_scoped3A = tpu.sem_alloc : memref<!tpu.dma_semaphore, #tpu.memory_space<semaphore_mem>>
      %dma_start3A_213 = arith.constant 0 : i32
      %dma_start3A_214 = tpu.memref_slice %arg10[%add3A_10, %dma_start3A_213] : memref<10240x128xf32, #tpu.memory_space<vmem_shared>> -> memref<32x128xf32, #tpu.memory_space<vmem_shared>>
      %dma_start3A_215 = arith.constant 0 : i32
      %dma_start3A_216 = tpu.memref_slice %arg10[%add3A_10, %dma_start3A_215] : memref<10240x128xf32, #tpu.memory_space<vmem_shared>> -> memref<32x128xf32, #tpu.memory_space<vmem_shared>>
      tpu.enqueue_dma source(%arg11 : memref<32x128xf32, #tpu.memory_space<vmem>>) target(%dma_start3A_216 : memref<32x128xf32, #tpu.memory_space<vmem_shared>>) target_semaphore(%run_scoped3A : memref<!tpu.dma_semaphore, #tpu.memory_space<semaphore_mem>>)
      %dma_wait3A_217 = arith.constant 0 : i32
      %dma_wait3A_218 = tpu.memref_slice %arg10[%add3A_10, %dma_wait3A_217] : memref<10240x128xf32, #tpu.memory_space<vmem_shared>> -> memref<32x128xf32, #tpu.memory_space<vmem_shared>>
      %dma_wait3A_219 = arith.constant 0 : i32
      %dma_wait3A_220 = tpu.memref_slice %arg10[%add3A_10, %dma_wait3A_219] : memref<10240x128xf32, #tpu.memory_space<vmem_shared>> -> memref<32x128xf32, #tpu.memory_space<vmem_shared>>
      tpu.wait_dma2 semaphore(%run_scoped3A : memref<!tpu.dma_semaphore, #tpu.memory_space<semaphore_mem>>) src(%arg11 : memref<32x128xf32, #tpu.memory_space<vmem>>) dst(%dma_wait3A_220 : memref<32x128xf32, #tpu.memory_space<vmem_shared>>)
      tpu.yield
    }) : () -> ()
    %add3A_11 = arith.constant 64 : i32
    %add3A_12 = arith.addi %mul3A_2, %add3A_11 : i32
    "tpu.region"() ({
      %run_scoped3A = tpu.sem_alloc : memref<!tpu.dma_semaphore, #tpu.memory_space<semaphore_mem>>
      %dma_start3A_213 = arith.constant 0 : i32
      %dma_start3A_214 = tpu.memref_slice %arg10[%add3A_12, %dma_start3A_213] : memref<10240x128xf32, #tpu.memory_space<vmem_shared>> -> memref<32x128xf32, #tpu.memory_space<vmem_shared>>
      %dma_start3A_215 = arith.constant 0 : i32
      %dma_start3A_216 = tpu.memref_slice %arg10[%add3A_12, %dma_start3A_215] : memref<10240x128xf32, #tpu.memory_space<vmem_shared>> -> memref<32x128xf32, #tpu.memory_space<vmem_shared>>
      tpu.enqueue_dma source(%arg11 : memref<32x128xf32, #tpu.memory_space<vmem>>) target(%dma_start3A_216 : memref<32x128xf32, #tpu.memory_space<vmem_shared>>) target_semaphore(%run_scoped3A : memref<!tpu.dma_semaphore, #tpu.memory_space<semaphore_mem>>)
      %dma_wait3A_217 = arith.constant 0 : i32
      %dma_wait3A_218 = tpu.memref_slice %arg10[%add3A_12, %dma_wait3A_217] : memref<10240x128xf32, #tpu.memory_space<vmem_shared>> -> memref<32x128xf32, #tpu.memory_space<vmem_shared>>
      %dma_wait3A_219 = arith.constant 0 : i32
      %dma_wait3A_220 = tpu.memref_slice %arg10[%add3A_12, %dma_wait3A_219] : memref<10240x128xf32, #tpu.memory_space<vmem_shared>> -> memref<32x128xf32, #tpu.memory_space<vmem_shared>>
      tpu.wait_dma2 semaphore(%run_scoped3A : memref<!tpu.dma_semaphore, #tpu.memory_space<semaphore_mem>>) src(%arg11 : memref<32x128xf32, #tpu.memory_space<vmem>>) dst(%dma_wait3A_220 : memref<32x128xf32, #tpu.memory_space<vmem_shared>>)
      tpu.yield
    }) : () -> ()
    %add3A_13 = arith.constant 96 : i32
    %add3A_14 = arith.addi %mul3A_2, %add3A_13 : i32
    "tpu.region"() ({
      %run_scoped3A = tpu.sem_alloc : memref<!tpu.dma_semaphore, #tpu.memory_space<semaphore_mem>>
      %dma_start3A_213 = arith.constant 0 : i32
      %dma_start3A_214 = tpu.memref_slice %arg10[%add3A_14, %dma_start3A_213] : memref<10240x128xf32, #tpu.memory_space<vmem_shared>> -> memref<32x128xf32, #tpu.memory_space<vmem_shared>>
      %dma_start3A_215 = arith.constant 0 : i32
      %dma_start3A_216 = tpu.memref_slice %arg10[%add3A_14, %dma_start3A_215] : memref<10240x128xf32, #tpu.memory_space<vmem_shared>> -> memref<32x128xf32, #tpu.memory_space<vmem_shared>>
      tpu.enqueue_dma source(%arg11 : memref<32x128xf32, #tpu.memory_space<vmem>>) target(%dma_start3A_216 : memref<32x128xf32, #tpu.memory_space<vmem_shared>>) target_semaphore(%run_scoped3A : memref<!tpu.dma_semaphore, #tpu.memory_space<semaphore_mem>>)
      %dma_wait3A_217 = arith.constant 0 : i32
      %dma_wait3A_218 = tpu.memref_slice %arg10[%add3A_14, %dma_wait3A_217] : memref<10240x128xf32, #tpu.memory_space<vmem_shared>> -> memref<32x128xf32, #tpu.memory_space<vmem_shared>>
      %dma_wait3A_219 = arith.constant 0 : i32
      %dma_wait3A_220 = tpu.memref_slice %arg10[%add3A_14, %dma_wait3A_219] : memref<10240x128xf32, #tpu.memory_space<vmem_shared>> -> memref<32x128xf32, #tpu.memory_space<vmem_shared>>
      tpu.wait_dma2 semaphore(%run_scoped3A : memref<!tpu.dma_semaphore, #tpu.memory_space<semaphore_mem>>) src(%arg11 : memref<32x128xf32, #tpu.memory_space<vmem>>) dst(%dma_wait3A_220 : memref<32x128xf32, #tpu.memory_space<vmem_shared>>)
      tpu.yield
    }) : () -> ()
    %add3A_15 = arith.constant 128 : i32
    %add3A_16 = arith.addi %mul3A_2, %add3A_15 : i32
    "tpu.region"() ({
      %run_scoped3A = tpu.sem_alloc : memref<!tpu.dma_semaphore, #tpu.memory_space<semaphore_mem>>
      %dma_start3A_213 = arith.constant 0 : i32
      %dma_start3A_214 = tpu.memref_slice %arg10[%add3A_16, %dma_start3A_213] : memref<10240x128xf32, #tpu.memory_space<vmem_shared>> -> memref<32x128xf32, #tpu.memory_space<vmem_shared>>
      %dma_start3A_215 = arith.constant 0 : i32
      %dma_start3A_216 = tpu.memref_slice %arg10[%add3A_16, %dma_start3A_215] : memref<10240x128xf32, #tpu.memory_space<vmem_shared>> -> memref<32x128xf32, #tpu.memory_space<vmem_shared>>
      tpu.enqueue_dma source(%arg11 : memref<32x128xf32, #tpu.memory_space<vmem>>) target(%dma_start3A_216 : memref<32x128xf32, #tpu.memory_space<vmem_shared>>) target_semaphore(%run_scoped3A : memref<!tpu.dma_semaphore, #tpu.memory_space<semaphore_mem>>)
      %dma_wait3A_217 = arith.constant 0 : i32
      %dma_wait3A_218 = tpu.memref_slice %arg10[%add3A_16, %dma_wait3A_217] : memref<10240x128xf32, #tpu.memory_space<vmem_shared>> -> memref<32x128xf32, #tpu.memory_space<vmem_shared>>
      %dma_wait3A_219 = arith.constant 0 : i32
      %dma_wait3A_220 = tpu.memref_slice %arg10[%add3A_16, %dma_wait3A_219] : memref<10240x128xf32, #tpu.memory_space<vmem_shared>> -> memref<32x128xf32, #tpu.memory_space<vmem_shared>>
      tpu.wait_dma2 semaphore(%run_scoped3A : memref<!tpu.dma_semaphore, #tpu.memory_space<semaphore_mem>>) src(%arg11 : memref<32x128xf32, #tpu.memory_space<vmem>>) dst(%dma_wait3A_220 : memref<32x128xf32, #tpu.memory_space<vmem_shared>>)
      tpu.yield
    }) : () -> ()
    %add3A_17 = arith.constant 160 : i32
    %add3A_18 = arith.addi %mul3A_2, %add3A_17 : i32
    "tpu.region"() ({
      %run_scoped3A = tpu.sem_alloc : memref<!tpu.dma_semaphore, #tpu.memory_space<semaphore_mem>>
      %dma_start3A_213 = arith.constant 0 : i32
      %dma_start3A_214 = tpu.memref_slice %arg10[%add3A_18, %dma_start3A_213] : memref<10240x128xf32, #tpu.memory_space<vmem_shared>> -> memref<32x128xf32, #tpu.memory_space<vmem_shared>>
      %dma_start3A_215 = arith.constant 0 : i32
      %dma_start3A_216 = tpu.memref_slice %arg10[%add3A_18, %dma_start3A_215] : memref<10240x128xf32, #tpu.memory_space<vmem_shared>> -> memref<32x128xf32, #tpu.memory_space<vmem_shared>>
      tpu.enqueue_dma source(%arg11 : memref<32x128xf32, #tpu.memory_space<vmem>>) target(%dma_start3A_216 : memref<32x128xf32, #tpu.memory_space<vmem_shared>>) target_semaphore(%run_scoped3A : memref<!tpu.dma_semaphore, #tpu.memory_space<semaphore_mem>>)
      %dma_wait3A_217 = arith.constant 0 : i32
      %dma_wait3A_218 = tpu.memref_slice %arg10[%add3A_18, %dma_wait3A_217] : memref<10240x128xf32, #tpu.memory_space<vmem_shared>> -> memref<32x128xf32, #tpu.memory_space<vmem_shared>>
      %dma_wait3A_219 = arith.constant 0 : i32
      %dma_wait3A_220 = tpu.memref_slice %arg10[%add3A_18, %dma_wait3A_219] : memref<10240x128xf32, #tpu.memory_space<vmem_shared>> -> memref<32x128xf32, #tpu.memory_space<vmem_shared>>
      tpu.wait_dma2 semaphore(%run_scoped3A : memref<!tpu.dma_semaphore, #tpu.memory_space<semaphore_mem>>) src(%arg11 : memref<32x128xf32, #tpu.memory_space<vmem>>) dst(%dma_wait3A_220 : memref<32x128xf32, #tpu.memory_space<vmem_shared>>)
      tpu.yield
    }) : () -> ()
    %add3A_19 = arith.constant 192 : i32
    %add3A_20 = arith.addi %mul3A_2, %add3A_19 : i32
    "tpu.region"() ({
      %run_scoped3A = tpu.sem_alloc : memref<!tpu.dma_semaphore, #tpu.memory_space<semaphore_mem>>
      %dma_start3A_213 = arith.constant 0 : i32
      %dma_start3A_214 = tpu.memref_slice %arg10[%add3A_20, %dma_start3A_213] : memref<10240x128xf32, #tpu.memory_space<vmem_shared>> -> memref<32x128xf32, #tpu.memory_space<vmem_shared>>
      %dma_start3A_215 = arith.constant 0 : i32
      %dma_start3A_216 = tpu.memref_slice %arg10[%add3A_20, %dma_start3A_215] : memref<10240x128xf32, #tpu.memory_space<vmem_shared>> -> memref<32x128xf32, #tpu.memory_space<vmem_shared>>
      tpu.enqueue_dma source(%arg11 : memref<32x128xf32, #tpu.memory_space<vmem>>) target(%dma_start3A_216 : memref<32x128xf32, #tpu.memory_space<vmem_shared>>) target_semaphore(%run_scoped3A : memref<!tpu.dma_semaphore, #tpu.memory_space<semaphore_mem>>)
      %dma_wait3A_217 = arith.constant 0 : i32
      %dma_wait3A_218 = tpu.memref_slice %arg10[%add3A_20, %dma_wait3A_217] : memref<10240x128xf32, #tpu.memory_space<vmem_shared>> -> memref<32x128xf32, #tpu.memory_space<vmem_shared>>
      %dma_wait3A_219 = arith.constant 0 : i32
      %dma_wait3A_220 = tpu.memref_slice %arg10[%add3A_20, %dma_wait3A_219] : memref<10240x128xf32, #tpu.memory_space<vmem_shared>> -> memref<32x128xf32, #tpu.memory_space<vmem_shared>>
      tpu.wait_dma2 semaphore(%run_scoped3A : memref<!tpu.dma_semaphore, #tpu.memory_space<semaphore_mem>>) src(%arg11 : memref<32x128xf32, #tpu.memory_space<vmem>>) dst(%dma_wait3A_220 : memref<32x128xf32, #tpu.memory_space<vmem_shared>>)
      tpu.yield
    }) : () -> ()
    %add3A_21 = arith.constant 224 : i32
    %add3A_22 = arith.addi %mul3A_2, %add3A_21 : i32
    "tpu.region"() ({
      %run_scoped3A = tpu.sem_alloc : memref<!tpu.dma_semaphore, #tpu.memory_space<semaphore_mem>>
      %dma_start3A_213 = arith.constant 0 : i32
      %dma_start3A_214 = tpu.memref_slice %arg10[%add3A_22, %dma_start3A_213] : memref<10240x128xf32, #tpu.memory_space<vmem_shared>> -> memref<32x128xf32, #tpu.memory_space<vmem_shared>>
      %dma_start3A_215 = arith.constant 0 : i32
      %dma_start3A_216 = tpu.memref_slice %arg10[%add3A_22, %dma_start3A_215] : memref<10240x128xf32, #tpu.memory_space<vmem_shared>> -> memref<32x128xf32, #tpu.memory_space<vmem_shared>>
      tpu.enqueue_dma source(%arg11 : memref<32x128xf32, #tpu.memory_space<vmem>>) target(%dma_start3A_216 : memref<32x128xf32, #tpu.memory_space<vmem_shared>>) target_semaphore(%run_scoped3A : memref<!tpu.dma_semaphore, #tpu.memory_space<semaphore_mem>>)
      %dma_wait3A_217 = arith.constant 0 : i32
      %dma_wait3A_218 = tpu.memref_slice %arg10[%add3A_22, %dma_wait3A_217] : memref<10240x128xf32, #tpu.memory_space<vmem_shared>> -> memref<32x128xf32, #tpu.memory_space<vmem_shared>>
      %dma_wait3A_219 = arith.constant 0 : i32
      %dma_wait3A_220 = tpu.memref_slice %arg10[%add3A_22, %dma_wait3A_219] : memref<10240x128xf32, #tpu.memory_space<vmem_shared>> -> memref<32x128xf32, #tpu.memory_space<vmem_shared>>
      tpu.wait_dma2 semaphore(%run_scoped3A : memref<!tpu.dma_semaphore, #tpu.memory_space<semaphore_mem>>) src(%arg11 : memref<32x128xf32, #tpu.memory_space<vmem>>) dst(%dma_wait3A_220 : memref<32x128xf32, #tpu.memory_space<vmem_shared>>)
      tpu.yield
    }) : () -> ()
    %add3A_23 = arith.constant 256 : i32
    %add3A_24 = arith.addi %mul3A_2, %add3A_23 : i32
    "tpu.region"() ({
      %run_scoped3A = tpu.sem_alloc : memref<!tpu.dma_semaphore, #tpu.memory_space<semaphore_mem>>
      %dma_start3A_213 = arith.constant 0 : i32
      %dma_start3A_214 = tpu.memref_slice %arg10[%add3A_24, %dma_start3A_213] : memref<10240x128xf32, #tpu.memory_space<vmem_shared>> -> memref<32x128xf32, #tpu.memory_space<vmem_shared>>
      %dma_start3A_215 = arith.constant 0 : i32
      %dma_start3A_216 = tpu.memref_slice %arg10[%add3A_24, %dma_start3A_215] : memref<10240x128xf32, #tpu.memory_space<vmem_shared>> -> memref<32x128xf32, #tpu.memory_space<vmem_shared>>
      tpu.enqueue_dma source(%arg11 : memref<32x128xf32, #tpu.memory_space<vmem>>) target(%dma_start3A_216 : memref<32x128xf32, #tpu.memory_space<vmem_shared>>) target_semaphore(%run_scoped3A : memref<!tpu.dma_semaphore, #tpu.memory_space<semaphore_mem>>)
      %dma_wait3A_217 = arith.constant 0 : i32
      %dma_wait3A_218 = tpu.memref_slice %arg10[%add3A_24, %dma_wait3A_217] : memref<10240x128xf32, #tpu.memory_space<vmem_shared>> -> memref<32x128xf32, #tpu.memory_space<vmem_shared>>
      %dma_wait3A_219 = arith.constant 0 : i32
      %dma_wait3A_220 = tpu.memref_slice %arg10[%add3A_24, %dma_wait3A_219] : memref<10240x128xf32, #tpu.memory_space<vmem_shared>> -> memref<32x128xf32, #tpu.memory_space<vmem_shared>>
      tpu.wait_dma2 semaphore(%run_scoped3A : memref<!tpu.dma_semaphore, #tpu.memory_space<semaphore_mem>>) src(%arg11 : memref<32x128xf32, #tpu.memory_space<vmem>>) dst(%dma_wait3A_220 : memref<32x128xf32, #tpu.memory_space<vmem_shared>>)
      tpu.yield
    }) : () -> ()
    %add3A_25 = arith.constant 288 : i32
    %add3A_26 = arith.addi %mul3A_2, %add3A_25 : i32
    "tpu.region"() ({
      %run_scoped3A = tpu.sem_alloc : memref<!tpu.dma_semaphore, #tpu.memory_space<semaphore_mem>>
      %dma_start3A_213 = arith.constant 0 : i32
      %dma_start3A_214 = tpu.memref_slice %arg10[%add3A_26, %dma_start3A_213] : memref<10240x128xf32, #tpu.memory_space<vmem_shared>> -> memref<32x128xf32, #tpu.memory_space<vmem_shared>>
      %dma_start3A_215 = arith.constant 0 : i32
      %dma_start3A_216 = tpu.memref_slice %arg10[%add3A_26, %dma_start3A_215] : memref<10240x128xf32, #tpu.memory_space<vmem_shared>> -> memref<32x128xf32, #tpu.memory_space<vmem_shared>>
      tpu.enqueue_dma source(%arg11 : memref<32x128xf32, #tpu.memory_space<vmem>>) target(%dma_start3A_216 : memref<32x128xf32, #tpu.memory_space<vmem_shared>>) target_semaphore(%run_scoped3A : memref<!tpu.dma_semaphore, #tpu.memory_space<semaphore_mem>>)
      %dma_wait3A_217 = arith.constant 0 : i32
      %dma_wait3A_218 = tpu.memref_slice %arg10[%add3A_26, %dma_wait3A_217] : memref<10240x128xf32, #tpu.memory_space<vmem_shared>> -> memref<32x128xf32, #tpu.memory_space<vmem_shared>>
      %dma_wait3A_219 = arith.constant 0 : i32
      %dma_wait3A_220 = tpu.memref_slice %arg10[%add3A_26, %dma_wait3A_219] : memref<10240x128xf32, #tpu.memory_space<vmem_shared>> -> memref<32x128xf32, #tpu.memory_space<vmem_shared>>
      tpu.wait_dma2 semaphore(%run_scoped3A : memref<!tpu.dma_semaphore, #tpu.memory_space<semaphore_mem>>) src(%arg11 : memref<32x128xf32, #tpu.memory_space<vmem>>) dst(%dma_wait3A_220 : memref<32x128xf32, #tpu.memory_space<vmem_shared>>)
      tpu.yield
    }) : () -> ()
    %add3A_27 = arith.constant 320 : i32
    %add3A_28 = arith.addi %mul3A_2, %add3A_27 : i32
    "tpu.region"() ({
      %run_scoped3A = tpu.sem_alloc : memref<!tpu.dma_semaphore, #tpu.memory_space<semaphore_mem>>
      %dma_start3A_213 = arith.constant 0 : i32
      %dma_start3A_214 = tpu.memref_slice %arg10[%add3A_28, %dma_start3A_213] : memref<10240x128xf32, #tpu.memory_space<vmem_shared>> -> memref<32x128xf32, #tpu.memory_space<vmem_shared>>
      %dma_start3A_215 = arith.constant 0 : i32
      %dma_start3A_216 = tpu.memref_slice %arg10[%add3A_28, %dma_start3A_215] : memref<10240x128xf32, #tpu.memory_space<vmem_shared>> -> memref<32x128xf32, #tpu.memory_space<vmem_shared>>
      tpu.enqueue_dma source(%arg11 : memref<32x128xf32, #tpu.memory_space<vmem>>) target(%dma_start3A_216 : memref<32x128xf32, #tpu.memory_space<vmem_shared>>) target_semaphore(%run_scoped3A : memref<!tpu.dma_semaphore, #tpu.memory_space<semaphore_mem>>)
      %dma_wait3A_217 = arith.constant 0 : i32
      %dma_wait3A_218 = tpu.memref_slice %arg10[%add3A_28, %dma_wait3A_217] : memref<10240x128xf32, #tpu.memory_space<vmem_shared>> -> memref<32x128xf32, #tpu.memory_space<vmem_shared>>
      %dma_wait3A_219 = arith.constant 0 : i32
      %dma_wait3A_220 = tpu.memref_slice %arg10[%add3A_28, %dma_wait3A_219] : memref<10240x128xf32, #tpu.memory_space<vmem_shared>> -> memref<32x128xf32, #tpu.memory_space<vmem_shared>>
      tpu.wait_dma2 semaphore(%run_scoped3A : memref<!tpu.dma_semaphore, #tpu.memory_space<semaphore_mem>>) src(%arg11 : memref<32x128xf32, #tpu.memory_space<vmem>>) dst(%dma_wait3A_220 : memref<32x128xf32, #tpu.memory_space<vmem_shared>>)
      tpu.yield
    }) : () -> ()
    %add3A_29 = arith.constant 352 : i32
    %add3A_30 = arith.addi %mul3A_2, %add3A_29 : i32
    "tpu.region"() ({
      %run_scoped3A = tpu.sem_alloc : memref<!tpu.dma_semaphore, #tpu.memory_space<semaphore_mem>>
      %dma_start3A_213 = arith.constant 0 : i32
      %dma_start3A_214 = tpu.memref_slice %arg10[%add3A_30, %dma_start3A_213] : memref<10240x128xf32, #tpu.memory_space<vmem_shared>> -> memref<32x128xf32, #tpu.memory_space<vmem_shared>>
      %dma_start3A_215 = arith.constant 0 : i32
      %dma_start3A_216 = tpu.memref_slice %arg10[%add3A_30, %dma_start3A_215] : memref<10240x128xf32, #tpu.memory_space<vmem_shared>> -> memref<32x128xf32, #tpu.memory_space<vmem_shared>>
      tpu.enqueue_dma source(%arg11 : memref<32x128xf32, #tpu.memory_space<vmem>>) target(%dma_start3A_216 : memref<32x128xf32, #tpu.memory_space<vmem_shared>>) target_semaphore(%run_scoped3A : memref<!tpu.dma_semaphore, #tpu.memory_space<semaphore_mem>>)
      %dma_wait3A_217 = arith.constant 0 : i32
      %dma_wait3A_218 = tpu.memref_slice %arg10[%add3A_30, %dma_wait3A_217] : memref<10240x128xf32, #tpu.memory_space<vmem_shared>> -> memref<32x128xf32, #tpu.memory_space<vmem_shared>>
      %dma_wait3A_219 = arith.constant 0 : i32
      %dma_wait3A_220 = tpu.memref_slice %arg10[%add3A_30, %dma_wait3A_219] : memref<10240x128xf32, #tpu.memory_space<vmem_shared>> -> memref<32x128xf32, #tpu.memory_space<vmem_shared>>
      tpu.wait_dma2 semaphore(%run_scoped3A : memref<!tpu.dma_semaphore, #tpu.memory_space<semaphore_mem>>) src(%arg11 : memref<32x128xf32, #tpu.memory_space<vmem>>) dst(%dma_wait3A_220 : memref<32x128xf32, #tpu.memory_space<vmem_shared>>)
      tpu.yield
    }) : () -> ()
    %add3A_31 = arith.constant 384 : i32
    %add3A_32 = arith.addi %mul3A_2, %add3A_31 : i32
    "tpu.region"() ({
      %run_scoped3A = tpu.sem_alloc : memref<!tpu.dma_semaphore, #tpu.memory_space<semaphore_mem>>
      %dma_start3A_213 = arith.constant 0 : i32
      %dma_start3A_214 = tpu.memref_slice %arg10[%add3A_32, %dma_start3A_213] : memref<10240x128xf32, #tpu.memory_space<vmem_shared>> -> memref<32x128xf32, #tpu.memory_space<vmem_shared>>
      %dma_start3A_215 = arith.constant 0 : i32
      %dma_start3A_216 = tpu.memref_slice %arg10[%add3A_32, %dma_start3A_215] : memref<10240x128xf32, #tpu.memory_space<vmem_shared>> -> memref<32x128xf32, #tpu.memory_space<vmem_shared>>
      tpu.enqueue_dma source(%arg11 : memref<32x128xf32, #tpu.memory_space<vmem>>) target(%dma_start3A_216 : memref<32x128xf32, #tpu.memory_space<vmem_shared>>) target_semaphore(%run_scoped3A : memref<!tpu.dma_semaphore, #tpu.memory_space<semaphore_mem>>)
      %dma_wait3A_217 = arith.constant 0 : i32
      %dma_wait3A_218 = tpu.memref_slice %arg10[%add3A_32, %dma_wait3A_217] : memref<10240x128xf32, #tpu.memory_space<vmem_shared>> -> memref<32x128xf32, #tpu.memory_space<vmem_shared>>
      %dma_wait3A_219 = arith.constant 0 : i32
      %dma_wait3A_220 = tpu.memref_slice %arg10[%add3A_32, %dma_wait3A_219] : memref<10240x128xf32, #tpu.memory_space<vmem_shared>> -> memref<32x128xf32, #tpu.memory_space<vmem_shared>>
      tpu.wait_dma2 semaphore(%run_scoped3A : memref<!tpu.dma_semaphore, #tpu.memory_space<semaphore_mem>>) src(%arg11 : memref<32x128xf32, #tpu.memory_space<vmem>>) dst(%dma_wait3A_220 : memref<32x128xf32, #tpu.memory_space<vmem_shared>>)
      tpu.yield
    }) : () -> ()
    %add3A_33 = arith.constant 416 : i32
    %add3A_34 = arith.addi %mul3A_2, %add3A_33 : i32
    "tpu.region"() ({
      %run_scoped3A = tpu.sem_alloc : memref<!tpu.dma_semaphore, #tpu.memory_space<semaphore_mem>>
      %dma_start3A_213 = arith.constant 0 : i32
      %dma_start3A_214 = tpu.memref_slice %arg10[%add3A_34, %dma_start3A_213] : memref<10240x128xf32, #tpu.memory_space<vmem_shared>> -> memref<32x128xf32, #tpu.memory_space<vmem_shared>>
      %dma_start3A_215 = arith.constant 0 : i32
      %dma_start3A_216 = tpu.memref_slice %arg10[%add3A_34, %dma_start3A_215] : memref<10240x128xf32, #tpu.memory_space<vmem_shared>> -> memref<32x128xf32, #tpu.memory_space<vmem_shared>>
      tpu.enqueue_dma source(%arg11 : memref<32x128xf32, #tpu.memory_space<vmem>>) target(%dma_start3A_216 : memref<32x128xf32, #tpu.memory_space<vmem_shared>>) target_semaphore(%run_scoped3A : memref<!tpu.dma_semaphore, #tpu.memory_space<semaphore_mem>>)
      %dma_wait3A_217 = arith.constant 0 : i32
      %dma_wait3A_218 = tpu.memref_slice %arg10[%add3A_34, %dma_wait3A_217] : memref<10240x128xf32, #tpu.memory_space<vmem_shared>> -> memref<32x128xf32, #tpu.memory_space<vmem_shared>>
      %dma_wait3A_219 = arith.constant 0 : i32
      %dma_wait3A_220 = tpu.memref_slice %arg10[%add3A_34, %dma_wait3A_219] : memref<10240x128xf32, #tpu.memory_space<vmem_shared>> -> memref<32x128xf32, #tpu.memory_space<vmem_shared>>
      tpu.wait_dma2 semaphore(%run_scoped3A : memref<!tpu.dma_semaphore, #tpu.memory_space<semaphore_mem>>) src(%arg11 : memref<32x128xf32, #tpu.memory_space<vmem>>) dst(%dma_wait3A_220 : memref<32x128xf32, #tpu.memory_space<vmem_shared>>)
      tpu.yield
    }) : () -> ()
    %add3A_35 = arith.constant 448 : i32
    %add3A_36 = arith.addi %mul3A_2, %add3A_35 : i32
    "tpu.region"() ({
      %run_scoped3A = tpu.sem_alloc : memref<!tpu.dma_semaphore, #tpu.memory_space<semaphore_mem>>
      %dma_start3A_213 = arith.constant 0 : i32
      %dma_start3A_214 = tpu.memref_slice %arg10[%add3A_36, %dma_start3A_213] : memref<10240x128xf32, #tpu.memory_space<vmem_shared>> -> memref<32x128xf32, #tpu.memory_space<vmem_shared>>
      %dma_start3A_215 = arith.constant 0 : i32
      %dma_start3A_216 = tpu.memref_slice %arg10[%add3A_36, %dma_start3A_215] : memref<10240x128xf32, #tpu.memory_space<vmem_shared>> -> memref<32x128xf32, #tpu.memory_space<vmem_shared>>
      tpu.enqueue_dma source(%arg11 : memref<32x128xf32, #tpu.memory_space<vmem>>) target(%dma_start3A_216 : memref<32x128xf32, #tpu.memory_space<vmem_shared>>) target_semaphore(%run_scoped3A : memref<!tpu.dma_semaphore, #tpu.memory_space<semaphore_mem>>)
      %dma_wait3A_217 = arith.constant 0 : i32
      %dma_wait3A_218 = tpu.memref_slice %arg10[%add3A_36, %dma_wait3A_217] : memref<10240x128xf32, #tpu.memory_space<vmem_shared>> -> memref<32x128xf32, #tpu.memory_space<vmem_shared>>
      %dma_wait3A_219 = arith.constant 0 : i32
      %dma_wait3A_220 = tpu.memref_slice %arg10[%add3A_36, %dma_wait3A_219] : memref<10240x128xf32, #tpu.memory_space<vmem_shared>> -> memref<32x128xf32, #tpu.memory_space<vmem_shared>>
      tpu.wait_dma2 semaphore(%run_scoped3A : memref<!tpu.dma_semaphore, #tpu.memory_space<semaphore_mem>>) src(%arg11 : memref<32x128xf32, #tpu.memory_space<vmem>>) dst(%dma_wait3A_220 : memref<32x128xf32, #tpu.memory_space<vmem_shared>>)
      tpu.yield
    }) : () -> ()
    %add3A_37 = arith.constant 480 : i32
    %add3A_38 = arith.addi %mul3A_2, %add3A_37 : i32
    "tpu.region"() ({
      %run_scoped3A = tpu.sem_alloc : memref<!tpu.dma_semaphore, #tpu.memory_space<semaphore_mem>>
      %dma_start3A_213 = arith.constant 0 : i32
      %dma_start3A_214 = tpu.memref_slice %arg10[%add3A_38, %dma_start3A_213] : memref<10240x128xf32, #tpu.memory_space<vmem_shared>> -> memref<32x128xf32, #tpu.memory_space<vmem_shared>>
      %dma_start3A_215 = arith.constant 0 : i32
      %dma_start3A_216 = tpu.memref_slice %arg10[%add3A_38, %dma_start3A_215] : memref<10240x128xf32, #tpu.memory_space<vmem_shared>> -> memref<32x128xf32, #tpu.memory_space<vmem_shared>>
      tpu.enqueue_dma source(%arg11 : memref<32x128xf32, #tpu.memory_space<vmem>>) target(%dma_start3A_216 : memref<32x128xf32, #tpu.memory_space<vmem_shared>>) target_semaphore(%run_scoped3A : memref<!tpu.dma_semaphore, #tpu.memory_space<semaphore_mem>>)
      %dma_wait3A_217 = arith.constant 0 : i32
      %dma_wait3A_218 = tpu.memref_slice %arg10[%add3A_38, %dma_wait3A_217] : memref<10240x128xf32, #tpu.memory_space<vmem_shared>> -> memref<32x128xf32, #tpu.memory_space<vmem_shared>>
      %dma_wait3A_219 = arith.constant 0 : i32
      %dma_wait3A_220 = tpu.memref_slice %arg10[%add3A_38, %dma_wait3A_219] : memref<10240x128xf32, #tpu.memory_space<vmem_shared>> -> memref<32x128xf32, #tpu.memory_space<vmem_shared>>
      tpu.wait_dma2 semaphore(%run_scoped3A : memref<!tpu.dma_semaphore, #tpu.memory_space<semaphore_mem>>) src(%arg11 : memref<32x128xf32, #tpu.memory_space<vmem>>) dst(%dma_wait3A_220 : memref<32x128xf32, #tpu.memory_space<vmem_shared>>)
      tpu.yield
    }) : () -> ()
    %add3A_39 = arith.constant 512 : i32
    %add3A_40 = arith.addi %mul3A_2, %add3A_39 : i32
    "tpu.region"() ({
      %run_scoped3A = tpu.sem_alloc : memref<!tpu.dma_semaphore, #tpu.memory_space<semaphore_mem>>
      %dma_start3A_213 = arith.constant 0 : i32
      %dma_start3A_214 = tpu.memref_slice %arg10[%add3A_40, %dma_start3A_213] : memref<10240x128xf32, #tpu.memory_space<vmem_shared>> -> memref<32x128xf32, #tpu.memory_space<vmem_shared>>
      %dma_start3A_215 = arith.constant 0 : i32
      %dma_start3A_216 = tpu.memref_slice %arg10[%add3A_40, %dma_start3A_215] : memref<10240x128xf32, #tpu.memory_space<vmem_shared>> -> memref<32x128xf32, #tpu.memory_space<vmem_shared>>
      tpu.enqueue_dma source(%arg11 : memref<32x128xf32, #tpu.memory_space<vmem>>) target(%dma_start3A_216 : memref<32x128xf32, #tpu.memory_space<vmem_shared>>) target_semaphore(%run_scoped3A : memref<!tpu.dma_semaphore, #tpu.memory_space<semaphore_mem>>)
      %dma_wait3A_217 = arith.constant 0 : i32
      %dma_wait3A_218 = tpu.memref_slice %arg10[%add3A_40, %dma_wait3A_217] : memref<10240x128xf32, #tpu.memory_space<vmem_shared>> -> memref<32x128xf32, #tpu.memory_space<vmem_shared>>
      %dma_wait3A_219 = arith.constant 0 : i32
      %dma_wait3A_220 = tpu.memref_slice %arg10[%add3A_40, %dma_wait3A_219] : memref<10240x128xf32, #tpu.memory_space<vmem_shared>> -> memref<32x128xf32, #tpu.memory_space<vmem_shared>>
      tpu.wait_dma2 semaphore(%run_scoped3A : memref<!tpu.dma_semaphore, #tpu.memory_space<semaphore_mem>>) src(%arg11 : memref<32x128xf32, #tpu.memory_space<vmem>>) dst(%dma_wait3A_220 : memref<32x128xf32, #tpu.memory_space<vmem_shared>>)
      tpu.yield
    }) : () -> ()
    %add3A_41 = arith.constant 544 : i32
    %add3A_42 = arith.addi %mul3A_2, %add3A_41 : i32
    "tpu.region"() ({
      %run_scoped3A = tpu.sem_alloc : memref<!tpu.dma_semaphore, #tpu.memory_space<semaphore_mem>>
      %dma_start3A_213 = arith.constant 0 : i32
      %dma_start3A_214 = tpu.memref_slice %arg10[%add3A_42, %dma_start3A_213] : memref<10240x128xf32, #tpu.memory_space<vmem_shared>> -> memref<32x128xf32, #tpu.memory_space<vmem_shared>>
      %dma_start3A_215 = arith.constant 0 : i32
      %dma_start3A_216 = tpu.memref_slice %arg10[%add3A_42, %dma_start3A_215] : memref<10240x128xf32, #tpu.memory_space<vmem_shared>> -> memref<32x128xf32, #tpu.memory_space<vmem_shared>>
      tpu.enqueue_dma source(%arg11 : memref<32x128xf32, #tpu.memory_space<vmem>>) target(%dma_start3A_216 : memref<32x128xf32, #tpu.memory_space<vmem_shared>>) target_semaphore(%run_scoped3A : memref<!tpu.dma_semaphore, #tpu.memory_space<semaphore_mem>>)
      %dma_wait3A_217 = arith.constant 0 : i32
      %dma_wait3A_218 = tpu.memref_slice %arg10[%add3A_42, %dma_wait3A_217] : memref<10240x128xf32, #tpu.memory_space<vmem_shared>> -> memref<32x128xf32, #tpu.memory_space<vmem_shared>>
      %dma_wait3A_219 = arith.constant 0 : i32
      %dma_wait3A_220 = tpu.memref_slice %arg10[%add3A_42, %dma_wait3A_219] : memref<10240x128xf32, #tpu.memory_space<vmem_shared>> -> memref<32x128xf32, #tpu.memory_space<vmem_shared>>
      tpu.wait_dma2 semaphore(%run_scoped3A : memref<!tpu.dma_semaphore, #tpu.memory_space<semaphore_mem>>) src(%arg11 : memref<32x128xf32, #tpu.memory_space<vmem>>) dst(%dma_wait3A_220 : memref<32x128xf32, #tpu.memory_space<vmem_shared>>)
      tpu.yield
    }) : () -> ()
    %add3A_43 = arith.constant 576 : i32
    %add3A_44 = arith.addi %mul3A_2, %add3A_43 : i32
    "tpu.region"() ({
      %run_scoped3A = tpu.sem_alloc : memref<!tpu.dma_semaphore, #tpu.memory_space<semaphore_mem>>
      %dma_start3A_213 = arith.constant 0 : i32
      %dma_start3A_214 = tpu.memref_slice %arg10[%add3A_44, %dma_start3A_213] : memref<10240x128xf32, #tpu.memory_space<vmem_shared>> -> memref<32x128xf32, #tpu.memory_space<vmem_shared>>
      %dma_start3A_215 = arith.constant 0 : i32
      %dma_start3A_216 = tpu.memref_slice %arg10[%add3A_44, %dma_start3A_215] : memref<10240x128xf32, #tpu.memory_space<vmem_shared>> -> memref<32x128xf32, #tpu.memory_space<vmem_shared>>
      tpu.enqueue_dma source(%arg11 : memref<32x128xf32, #tpu.memory_space<vmem>>) target(%dma_start3A_216 : memref<32x128xf32, #tpu.memory_space<vmem_shared>>) target_semaphore(%run_scoped3A : memref<!tpu.dma_semaphore, #tpu.memory_space<semaphore_mem>>)
      %dma_wait3A_217 = arith.constant 0 : i32
      %dma_wait3A_218 = tpu.memref_slice %arg10[%add3A_44, %dma_wait3A_217] : memref<10240x128xf32, #tpu.memory_space<vmem_shared>> -> memref<32x128xf32, #tpu.memory_space<vmem_shared>>
      %dma_wait3A_219 = arith.constant 0 : i32
      %dma_wait3A_220 = tpu.memref_slice %arg10[%add3A_44, %dma_wait3A_219] : memref<10240x128xf32, #tpu.memory_space<vmem_shared>> -> memref<32x128xf32, #tpu.memory_space<vmem_shared>>
      tpu.wait_dma2 semaphore(%run_scoped3A : memref<!tpu.dma_semaphore, #tpu.memory_space<semaphore_mem>>) src(%arg11 : memref<32x128xf32, #tpu.memory_space<vmem>>) dst(%dma_wait3A_220 : memref<32x128xf32, #tpu.memory_space<vmem_shared>>)
      tpu.yield
    }) : () -> ()
    %add3A_45 = arith.constant 608 : i32
    %add3A_46 = arith.addi %mul3A_2, %add3A_45 : i32
    "tpu.region"() ({
      %run_scoped3A = tpu.sem_alloc : memref<!tpu.dma_semaphore, #tpu.memory_space<semaphore_mem>>
      %dma_start3A_213 = arith.constant 0 : i32
      %dma_start3A_214 = tpu.memref_slice %arg10[%add3A_46, %dma_start3A_213] : memref<10240x128xf32, #tpu.memory_space<vmem_shared>> -> memref<32x128xf32, #tpu.memory_space<vmem_shared>>
      %dma_start3A_215 = arith.constant 0 : i32
      %dma_start3A_216 = tpu.memref_slice %arg10[%add3A_46, %dma_start3A_215] : memref<10240x128xf32, #tpu.memory_space<vmem_shared>> -> memref<32x128xf32, #tpu.memory_space<vmem_shared>>
      tpu.enqueue_dma source(%arg11 : memref<32x128xf32, #tpu.memory_space<vmem>>) target(%dma_start3A_216 : memref<32x128xf32, #tpu.memory_space<vmem_shared>>) target_semaphore(%run_scoped3A : memref<!tpu.dma_semaphore, #tpu.memory_space<semaphore_mem>>)
      %dma_wait3A_217 = arith.constant 0 : i32
      %dma_wait3A_218 = tpu.memref_slice %arg10[%add3A_46, %dma_wait3A_217] : memref<10240x128xf32, #tpu.memory_space<vmem_shared>> -> memref<32x128xf32, #tpu.memory_space<vmem_shared>>
      %dma_wait3A_219 = arith.constant 0 : i32
      %dma_wait3A_220 = tpu.memref_slice %arg10[%add3A_46, %dma_wait3A_219] : memref<10240x128xf32, #tpu.memory_space<vmem_shared>> -> memref<32x128xf32, #tpu.memory_space<vmem_shared>>
      tpu.wait_dma2 semaphore(%run_scoped3A : memref<!tpu.dma_semaphore, #tpu.memory_space<semaphore_mem>>) src(%arg11 : memref<32x128xf32, #tpu.memory_space<vmem>>) dst(%dma_wait3A_220 : memref<32x128xf32, #tpu.memory_space<vmem_shared>>)
      tpu.yield
    }) : () -> ()
    %barrier3A = arith.constant 0 : index
    tpu.barrier barrier_id(%barrier3A)
    %dma_start3A = arith.constant 0 : i32
    %dma_start3A_47 = tpu.memref_slice %arg7[%dma_start3A] : memref<5120xi32, #tpu.memory_space<vmem>> -> memref<32xi32, #tpu.memory_space<vmem>>
    %dma_start3A_48 = arith.constant 0 : i32
    %dma_start3A_49 = arith.constant 0 : i32
    %dma_start3A_50 = tpu.memref_slice %arg5[%dma_start3A_48, %dma_start3A_49] : memref<10000x128xf32, #tpu.memory_space<hbm>> -> memref<10000x128xf32, #tpu.memory_space<hbm>>
    tpu.enqueue_indirect_dma source(%dma_start3A_50 : memref<10000x128xf32, #tpu.memory_space<hbm>>) target(%arg11 : memref<32x128xf32, #tpu.memory_space<vmem>>) offsets(%dma_start3A_47 : memref<32xi32, #tpu.memory_space<vmem>>) semaphore(%arg19 : memref<!tpu.dma_semaphore, #tpu.memory_space<semaphore_mem>>)
    %dma_start3A_51 = arith.constant 32 : i32
    %dma_start3A_52 = tpu.memref_slice %arg7[%dma_start3A_51] : memref<5120xi32, #tpu.memory_space<vmem>> -> memref<32xi32, #tpu.memory_space<vmem>>
    %dma_start3A_53 = arith.constant 0 : i32
    %dma_start3A_54 = arith.constant 0 : i32
    %dma_start3A_55 = tpu.memref_slice %arg5[%dma_start3A_53, %dma_start3A_54] : memref<10000x128xf32, #tpu.memory_space<hbm>> -> memref<10000x128xf32, #tpu.memory_space<hbm>>
    tpu.enqueue_indirect_dma source(%dma_start3A_55 : memref<10000x128xf32, #tpu.memory_space<hbm>>) target(%arg12 : memref<32x128xf32, #tpu.memory_space<vmem>>) offsets(%dma_start3A_52 : memref<32xi32, #tpu.memory_space<vmem>>) semaphore(%arg20 : memref<!tpu.dma_semaphore, #tpu.memory_space<semaphore_mem>>)
    %dma_start3A_56 = arith.constant 64 : i32
    %dma_start3A_57 = tpu.memref_slice %arg7[%dma_start3A_56] : memref<5120xi32, #tpu.memory_space<vmem>> -> memref<32xi32, #tpu.memory_space<vmem>>
    %dma_start3A_58 = arith.constant 0 : i32
    %dma_start3A_59 = arith.constant 0 : i32
    %dma_start3A_60 = tpu.memref_slice %arg5[%dma_start3A_58, %dma_start3A_59] : memref<10000x128xf32, #tpu.memory_space<hbm>> -> memref<10000x128xf32, #tpu.memory_space<hbm>>
    tpu.enqueue_indirect_dma source(%dma_start3A_60 : memref<10000x128xf32, #tpu.memory_space<hbm>>) target(%arg13 : memref<32x128xf32, #tpu.memory_space<vmem>>) offsets(%dma_start3A_57 : memref<32xi32, #tpu.memory_space<vmem>>) semaphore(%arg21 : memref<!tpu.dma_semaphore, #tpu.memory_space<semaphore_mem>>)
    %dma_start3A_61 = arith.constant 96 : i32
    %dma_start3A_62 = tpu.memref_slice %arg7[%dma_start3A_61] : memref<5120xi32, #tpu.memory_space<vmem>> -> memref<32xi32, #tpu.memory_space<vmem>>
    %dma_start3A_63 = arith.constant 0 : i32
    %dma_start3A_64 = arith.constant 0 : i32
    %dma_start3A_65 = tpu.memref_slice %arg5[%dma_start3A_63, %dma_start3A_64] : memref<10000x128xf32, #tpu.memory_space<hbm>> -> memref<10000x128xf32, #tpu.memory_space<hbm>>
    tpu.enqueue_indirect_dma source(%dma_start3A_65 : memref<10000x128xf32, #tpu.memory_space<hbm>>) target(%arg14 : memref<32x128xf32, #tpu.memory_space<vmem>>) offsets(%dma_start3A_62 : memref<32xi32, #tpu.memory_space<vmem>>) semaphore(%arg22 : memref<!tpu.dma_semaphore, #tpu.memory_space<semaphore_mem>>)
    %dma_start3A_66 = arith.constant 128 : i32
    %dma_start3A_67 = tpu.memref_slice %arg7[%dma_start3A_66] : memref<5120xi32, #tpu.memory_space<vmem>> -> memref<32xi32, #tpu.memory_space<vmem>>
    %dma_start3A_68 = arith.constant 0 : i32
    %dma_start3A_69 = arith.constant 0 : i32
    %dma_start3A_70 = tpu.memref_slice %arg5[%dma_start3A_68, %dma_start3A_69] : memref<10000x128xf32, #tpu.memory_space<hbm>> -> memref<10000x128xf32, #tpu.memory_space<hbm>>
    tpu.enqueue_indirect_dma source(%dma_start3A_70 : memref<10000x128xf32, #tpu.memory_space<hbm>>) target(%arg15 : memref<32x128xf32, #tpu.memory_space<vmem>>) offsets(%dma_start3A_67 : memref<32xi32, #tpu.memory_space<vmem>>) semaphore(%arg23 : memref<!tpu.dma_semaphore, #tpu.memory_space<semaphore_mem>>)
    %dma_start3A_71 = arith.constant 160 : i32
    %dma_start3A_72 = tpu.memref_slice %arg7[%dma_start3A_71] : memref<5120xi32, #tpu.memory_space<vmem>> -> memref<32xi32, #tpu.memory_space<vmem>>
    %dma_start3A_73 = arith.constant 0 : i32
    %dma_start3A_74 = arith.constant 0 : i32
    %dma_start3A_75 = tpu.memref_slice %arg5[%dma_start3A_73, %dma_start3A_74] : memref<10000x128xf32, #tpu.memory_space<hbm>> -> memref<10000x128xf32, #tpu.memory_space<hbm>>
    tpu.enqueue_indirect_dma source(%dma_start3A_75 : memref<10000x128xf32, #tpu.memory_space<hbm>>) target(%arg16 : memref<32x128xf32, #tpu.memory_space<vmem>>) offsets(%dma_start3A_72 : memref<32xi32, #tpu.memory_space<vmem>>) semaphore(%arg24 : memref<!tpu.dma_semaphore, #tpu.memory_space<semaphore_mem>>)
    %dma_start3A_76 = arith.constant 192 : i32
    %dma_start3A_77 = tpu.memref_slice %arg7[%dma_start3A_76] : memref<5120xi32, #tpu.memory_space<vmem>> -> memref<32xi32, #tpu.memory_space<vmem>>
    %dma_start3A_78 = arith.constant 0 : i32
    %dma_start3A_79 = arith.constant 0 : i32
    %dma_start3A_80 = tpu.memref_slice %arg5[%dma_start3A_78, %dma_start3A_79] : memref<10000x128xf32, #tpu.memory_space<hbm>> -> memref<10000x128xf32, #tpu.memory_space<hbm>>
    tpu.enqueue_indirect_dma source(%dma_start3A_80 : memref<10000x128xf32, #tpu.memory_space<hbm>>) target(%arg17 : memref<32x128xf32, #tpu.memory_space<vmem>>) offsets(%dma_start3A_77 : memref<32xi32, #tpu.memory_space<vmem>>) semaphore(%arg25 : memref<!tpu.dma_semaphore, #tpu.memory_space<semaphore_mem>>)
    %scan3A_81 = arith.constant 0 : i32
    %scan3A_82 = arith.constant 20 : i32
    %scan3A_83 = arith.addi %scan3A_81, %scan3A_82 : i32
    %scan3A_84 = arith.constant 1 : i32
    scf.for %scan3A_213 = %scan3A_81 to %scan3A_83 step %scan3A_84  : i32 {
      %mul3A_214 = arith.constant 8 : i32
      %mul3A_215 = arith.muli %scan3A_213, %mul3A_214 : i32
      %add3A_216 = arith.constant 0 : i32
      %add3A_217 = arith.addi %add3A_216, %mul3A_215 : i32
      %add3A_218 = arith.constant 0 : i32
      %add3A_219 = arith.addi %add3A_217, %add3A_218 : i32
      %mul3A_220 = arith.constant 32 : i32
      %mul3A_221 = arith.muli %add3A_219, %mul3A_220 : i32
      %dma_wait3A_222 = tpu.memref_slice %arg7[%mul3A_221] : memref<5120xi32, #tpu.memory_space<vmem>> -> memref<32xi32, #tpu.memory_space<vmem>>
      %dma_wait3A_223 = arith.constant 0 : i32
      %dma_wait3A_224 = arith.constant 0 : i32
      %dma_wait3A_225 = tpu.memref_slice %arg5[%dma_wait3A_223, %dma_wait3A_224] : memref<10000x128xf32, #tpu.memory_space<hbm>> -> memref<10000x128xf32, #tpu.memory_space<hbm>>
      tpu.wait_indirect_dma semaphore(%arg19 : memref<!tpu.dma_semaphore, #tpu.memory_space<semaphore_mem>>) src(%dma_wait3A_225 : memref<10000x128xf32, #tpu.memory_space<hbm>>) dst(%arg11 : memref<32x128xf32, #tpu.memory_space<vmem>>)
      %add3A_226 = arith.constant 8 : i32
      %add3A_227 = arith.addi %add3A_219, %add3A_226 : i32
      %sub3A = arith.constant 1 : i32
      %sub3A_228 = arith.subi %add3A_227, %sub3A : i32
      %lt3A = arith.constant 160 : i32
      %lt3A_229 = arith.cmpi slt, %sub3A_228, %lt3A : i32
      %convert_element_type3A = arith.extui %lt3A_229 : i1 to i32
      %cond3A = arith.constant 0 : i32
      %cond3A_230 = arith.cmpi ne, %convert_element_type3A, %cond3A : i32
      scf.if %cond3A_230 {
        %ge3A = arith.constant 1 : i32
        %ge3A_582 = arith.cmpi sge, %add3A_219, %ge3A : i32
        %convert_element_type3A_583 = arith.extui %ge3A_582 : i1 to i32
        %cond3A_584 = arith.constant 0 : i32
        %cond3A_585 = arith.cmpi ne, %convert_element_type3A_583, %cond3A_584 : i32
        scf.if %cond3A_585 {
          %sub3A_592 = arith.constant 1 : i32
          %sub3A_593 = arith.subi %add3A_219, %sub3A_592 : i32
          %mul3A_594 = arith.constant 32 : i32
          %mul3A_595 = arith.muli %sub3A_593, %mul3A_594 : i32
          %add3A_596 = arith.constant 0 : i32
          %add3A_597 = arith.addi %mul3A_595, %add3A_596 : i32
          %get3A_598 = arith.index_cast %add3A_597 : i32 to index
          %get3A_599 = tpu.vector_load %arg8[%get3A_598] {strides = array<i32>} : memref<5120xi32, #tpu.memory_space<vmem>>, vector<16xi32>,
          %mul3A_600 = arith.constant 32 : i32
          %mul3A_601 = arith.muli %sub3A_593, %mul3A_600 : i32
          %add3A_602 = arith.constant 16 : i32
          %add3A_603 = arith.addi %mul3A_601, %add3A_602 : i32
          %get3A_604 = arith.index_cast %add3A_603 : i32 to index
          %get3A_605 = tpu.vector_load %arg8[%get3A_604] {strides = array<i32>} : memref<5120xi32, #tpu.memory_space<vmem>>, vector<16xi32>,
          %dma_wait3A_606 = arith.constant 0 : i32
          %dma_wait3A_607 = arith.constant 0 : i32
          %dma_wait3A_608 = tpu.memref_slice %arg18[%dma_wait3A_606, %dma_wait3A_607] : memref<32x128xf32, #tpu.memory_space<vmem>> -> memref<16x128xf32, #tpu.memory_space<vmem>>
          %dma_wait3A_609 = arith.constant 0 : i32
          %dma_wait3A_610 = arith.constant 0 : i32
          %dma_wait3A_611 = tpu.memref_slice %arg10[%dma_wait3A_609, %dma_wait3A_610] : memref<10240x128xf32, #tpu.memory_space<vmem_shared>> -> memref<10240x128xf32, #tpu.memory_space<vmem_shared>>
          tpu.wait_indirect_dma semaphore(%arg34 : memref<!tpu.dma_semaphore, #tpu.memory_space<semaphore_mem>>) src(%dma_wait3A_608 : memref<16x128xf32, #tpu.memory_space<vmem>>) dst(%dma_wait3A_611 : memref<10240x128xf32, #tpu.memory_space<vmem_shared>>)
          %dma_wait3A_612 = arith.constant 16 : i32
          %dma_wait3A_613 = arith.constant 0 : i32
          %dma_wait3A_614 = tpu.memref_slice %arg18[%dma_wait3A_612, %dma_wait3A_613] : memref<32x128xf32, #tpu.memory_space<vmem>> -> memref<16x128xf32, #tpu.memory_space<vmem>>
          %dma_wait3A_615 = arith.constant 0 : i32
          %dma_wait3A_616 = arith.constant 0 : i32
          %dma_wait3A_617 = tpu.memref_slice %arg10[%dma_wait3A_615, %dma_wait3A_616] : memref<10240x128xf32, #tpu.memory_space<vmem_shared>> -> memref<10240x128xf32, #tpu.memory_space<vmem_shared>>
          tpu.wait_indirect_dma semaphore(%arg34 : memref<!tpu.dma_semaphore, #tpu.memory_space<semaphore_mem>>) src(%dma_wait3A_614 : memref<16x128xf32, #tpu.memory_space<vmem>>) dst(%dma_wait3A_617 : memref<10240x128xf32, #tpu.memory_space<vmem_shared>>)
        } else {
        }
        %mul3A_586 = arith.constant 32 : i32
        %mul3A_587 = arith.muli %sub3A_228, %mul3A_586 : i32
        %dma_start3A_588 = tpu.memref_slice %arg7[%mul3A_587] : memref<5120xi32, #tpu.memory_space<vmem>> -> memref<32xi32, #tpu.memory_space<vmem>>
        %dma_start3A_589 = arith.constant 0 : i32
        %dma_start3A_590 = arith.constant 0 : i32
        %dma_start3A_591 = tpu.memref_slice %arg5[%dma_start3A_589, %dma_start3A_590] : memref<10000x128xf32, #tpu.memory_space<hbm>> -> memref<10000x128xf32, #tpu.memory_space<hbm>>
        tpu.enqueue_indirect_dma source(%dma_start3A_591 : memref<10000x128xf32, #tpu.memory_space<hbm>>) target(%arg18 : memref<32x128xf32, #tpu.memory_space<vmem>>) offsets(%dma_start3A_588 : memref<32xi32, #tpu.memory_space<vmem>>) semaphore(%arg26 : memref<!tpu.dma_semaphore, #tpu.memory_space<semaphore_mem>>)
      } else {
      }
      %scan3A_231 = arith.constant 0 : i32
      %scan3A_232 = arith.constant 32 : i32
      %scan3A_233 = arith.addi %scan3A_231, %scan3A_232 : i32
      %scan3A_234 = arith.constant 1 : i32
      scf.for %scan3A_582 = %scan3A_231 to %scan3A_233 step %scan3A_234  : i32 {
        %mul3A_583 = arith.constant 1 : i32
        %mul3A_584 = arith.muli %scan3A_582, %mul3A_583 : i32
        %add3A_585 = arith.constant 0 : i32
        %add3A_586 = arith.addi %add3A_585, %mul3A_584 : i32
        %broadcast_in_dim3A = arith.constant 0 : i32
        %broadcast_in_dim3A_587 = vector.broadcast %broadcast_in_dim3A : i32 to vector<16xi32>
        %mul3A_588 = arith.constant 32 : i32
        %mul3A_589 = arith.muli %add3A_219, %mul3A_588 : i32
        %add3A_590 = arith.addi %mul3A_589, %add3A_586 : i32
        %add3A_591 = vector.broadcast %add3A_590 : i32 to vector<16xi32>
        %add3A_592 = arith.addi %broadcast_in_dim3A_587, %add3A_591 : vector<16xi32>
        %gather3A = tpu.vector_load_idx %arg9[%add3A_592] : memref<5120xf32, #tpu.memory_space<vmem>>[vector<16xi32>], vector<16xf32>,
        %get3A_593 = arith.index_cast %add3A_586 : i32 to index
        %get3A_594 = arith.constant 0 : index
        %get3A_595 = tpu.vector_load %arg11[%get3A_593, %get3A_594] {strides = array<i32>} : memref<32x128xf32, #tpu.memory_space<vmem>>, vector<16xf32>,
        %mul3A_596 = arith.mulf %get3A_595, %gather3A : vector<16xf32>
        %swap3A = arith.index_cast %add3A_586 : i32 to index
        %swap3A_597 = arith.constant 0 : index
        %swap3A_598 = tpu.vector_load %arg11[%swap3A, %swap3A_597] {strides = array<i32>} : memref<32x128xf32, #tpu.memory_space<vmem>>, vector<16xf32>,
        tpu.vector_store %arg11[%swap3A, %swap3A_597], %mul3A_596 {strides = array<i32>} : memref<32x128xf32, #tpu.memory_space<vmem>>, vector<16xf32>,
        %get3A_599 = arith.index_cast %add3A_586 : i32 to index
        %get3A_600 = arith.constant 16 : index
        %get3A_601 = tpu.vector_load %arg11[%get3A_599, %get3A_600] {strides = array<i32>} : memref<32x128xf32, #tpu.memory_space<vmem>>, vector<16xf32>,
        %mul3A_602 = arith.mulf %get3A_601, %gather3A : vector<16xf32>
        %swap3A_603 = arith.index_cast %add3A_586 : i32 to index
        %swap3A_604 = arith.constant 16 : index
        %swap3A_605 = tpu.vector_load %arg11[%swap3A_603, %swap3A_604] {strides = array<i32>} : memref<32x128xf32, #tpu.memory_space<vmem>>, vector<16xf32>,
        tpu.vector_store %arg11[%swap3A_603, %swap3A_604], %mul3A_602 {strides = array<i32>} : memref<32x128xf32, #tpu.memory_space<vmem>>, vector<16xf32>,
        %get3A_606 = arith.index_cast %add3A_586 : i32 to index
        %get3A_607 = arith.constant 32 : index
        %get3A_608 = tpu.vector_load %arg11[%get3A_606, %get3A_607] {strides = array<i32>} : memref<32x128xf32, #tpu.memory_space<vmem>>, vector<16xf32>,
        %mul3A_609 = arith.mulf %get3A_608, %gather3A : vector<16xf32>
        %swap3A_610 = arith.index_cast %add3A_586 : i32 to index
        %swap3A_611 = arith.constant 32 : index
        %swap3A_612 = tpu.vector_load %arg11[%swap3A_610, %swap3A_611] {strides = array<i32>} : memref<32x128xf32, #tpu.memory_space<vmem>>, vector<16xf32>,
        tpu.vector_store %arg11[%swap3A_610, %swap3A_611], %mul3A_609 {strides = array<i32>} : memref<32x128xf32, #tpu.memory_space<vmem>>, vector<16xf32>,
        %get3A_613 = arith.index_cast %add3A_586 : i32 to index
        %get3A_614 = arith.constant 48 : index
        %get3A_615 = tpu.vector_load %arg11[%get3A_613, %get3A_614] {strides = array<i32>} : memref<32x128xf32, #tpu.memory_space<vmem>>, vector<16xf32>,
        %mul3A_616 = arith.mulf %get3A_615, %gather3A : vector<16xf32>
        %swap3A_617 = arith.index_cast %add3A_586 : i32 to index
        %swap3A_618 = arith.constant 48 : index
        %swap3A_619 = tpu.vector_load %arg11[%swap3A_617, %swap3A_618] {strides = array<i32>} : memref<32x128xf32, #tpu.memory_space<vmem>>, vector<16xf32>,
        tpu.vector_store %arg11[%swap3A_617, %swap3A_618], %mul3A_616 {strides = array<i32>} : memref<32x128xf32, #tpu.memory_space<vmem>>, vector<16xf32>,
        %get3A_620 = arith.index_cast %add3A_586 : i32 to index
        %get3A_621 = arith.constant 64 : index
        %get3A_622 = tpu.vector_load %arg11[%get3A_620, %get3A_621] {strides = array<i32>} : memref<32x128xf32, #tpu.memory_space<vmem>>, vector<16xf32>,
        %mul3A_623 = arith.mulf %get3A_622, %gather3A : vector<16xf32>
        %swap3A_624 = arith.index_cast %add3A_586 : i32 to index
        %swap3A_625 = arith.constant 64 : index
        %swap3A_626 = tpu.vector_load %arg11[%swap3A_624, %swap3A_625] {strides = array<i32>} : memref<32x128xf32, #tpu.memory_space<vmem>>, vector<16xf32>,
        tpu.vector_store %arg11[%swap3A_624, %swap3A_625], %mul3A_623 {strides = array<i32>} : memref<32x128xf32, #tpu.memory_space<vmem>>, vector<16xf32>,
        %get3A_627 = arith.index_cast %add3A_586 : i32 to index
        %get3A_628 = arith.constant 80 : index
        %get3A_629 = tpu.vector_load %arg11[%get3A_627, %get3A_628] {strides = array<i32>} : memref<32x128xf32, #tpu.memory_space<vmem>>, vector<16xf32>,
        %mul3A_630 = arith.mulf %get3A_629, %gather3A : vector<16xf32>
        %swap3A_631 = arith.index_cast %add3A_586 : i32 to index
        %swap3A_632 = arith.constant 80 : index
        %swap3A_633 = tpu.vector_load %arg11[%swap3A_631, %swap3A_632] {strides = array<i32>} : memref<32x128xf32, #tpu.memory_space<vmem>>, vector<16xf32>,
        tpu.vector_store %arg11[%swap3A_631, %swap3A_632], %mul3A_630 {strides = array<i32>} : memref<32x128xf32, #tpu.memory_space<vmem>>, vector<16xf32>,
        %get3A_634 = arith.index_cast %add3A_586 : i32 to index
        %get3A_635 = arith.constant 96 : index
        %get3A_636 = tpu.vector_load %arg11[%get3A_634, %get3A_635] {strides = array<i32>} : memref<32x128xf32, #tpu.memory_space<vmem>>, vector<16xf32>,
        %mul3A_637 = arith.mulf %get3A_636, %gather3A : vector<16xf32>
        %swap3A_638 = arith.index_cast %add3A_586 : i32 to index
        %swap3A_639 = arith.constant 96 : index
        %swap3A_640 = tpu.vector_load %arg11[%swap3A_638, %swap3A_639] {strides = array<i32>} : memref<32x128xf32, #tpu.memory_space<vmem>>, vector<16xf32>,
        tpu.vector_store %arg11[%swap3A_638, %swap3A_639], %mul3A_637 {strides = array<i32>} : memref<32x128xf32, #tpu.memory_space<vmem>>, vector<16xf32>,
        %get3A_641 = arith.index_cast %add3A_586 : i32 to index
        %get3A_642 = arith.constant 112 : index
        %get3A_643 = tpu.vector_load %arg11[%get3A_641, %get3A_642] {strides = array<i32>} : memref<32x128xf32, #tpu.memory_space<vmem>>, vector<16xf32>,
        %mul3A_644 = arith.mulf %get3A_643, %gather3A : vector<16xf32>
        %swap3A_645 = arith.index_cast %add3A_586 : i32 to index
        %swap3A_646 = arith.constant 112 : index
        %swap3A_647 = tpu.vector_load %arg11[%swap3A_645, %swap3A_646] {strides = array<i32>} : memref<32x128xf32, #tpu.memory_space<vmem>>, vector<16xf32>,
        tpu.vector_store %arg11[%swap3A_645, %swap3A_646], %mul3A_644 {strides = array<i32>} : memref<32x128xf32, #tpu.memory_space<vmem>>, vector<16xf32>,
      }
      %scan3A_235 = arith.constant 32 : i32
      %mul3A_236 = arith.constant 32 : i32
      %mul3A_237 = arith.muli %add3A_219, %mul3A_236 : i32
      %add3A_238 = arith.constant 0 : i32
      %add3A_239 = arith.addi %mul3A_237, %add3A_238 : i32
      %get3A_240 = arith.index_cast %add3A_239 : i32 to index
      %get3A_241 = tpu.vector_load %arg8[%get3A_240] {strides = array<i32>} : memref<5120xi32, #tpu.memory_space<vmem>>, vector<16xi32>,
      %mul3A_242 = arith.constant 32 : i32
      %mul3A_243 = arith.muli %add3A_219, %mul3A_242 : i32
      %add3A_244 = arith.constant 16 : i32
      %add3A_245 = arith.addi %mul3A_243, %add3A_244 : i32
      %get3A_246 = arith.index_cast %add3A_245 : i32 to index
      %get3A_247 = tpu.vector_load %arg8[%get3A_246] {strides = array<i32>} : memref<5120xi32, #tpu.memory_space<vmem>>, vector<16xi32>,
      %dma_start3A_248 = arith.constant 0 : i32
      %dma_start3A_249 = arith.constant 0 : i32
      %dma_start3A_250 = tpu.memref_slice %arg11[%dma_start3A_248, %dma_start3A_249] : memref<32x128xf32, #tpu.memory_space<vmem>> -> memref<16x128xf32, #tpu.memory_space<vmem>>
      %dma_start3A_251 = arith.constant 0 : i32
      %dma_start3A_252 = arith.constant 0 : i32
      %dma_start3A_253 = tpu.memref_slice %arg10[%dma_start3A_251, %dma_start3A_252] : memref<10240x128xf32, #tpu.memory_space<vmem_shared>> -> memref<10240x128xf32, #tpu.memory_space<vmem_shared>>
      tpu.enqueue_indirect_dma source(%dma_start3A_250 : memref<16x128xf32, #tpu.memory_space<vmem>>) target(%dma_start3A_253 : memref<10240x128xf32, #tpu.memory_space<vmem_shared>>) offsets(%get3A_241 : vector<16xi32>) semaphore(%arg27 : memref<!tpu.dma_semaphore, #tpu.memory_space<semaphore_mem>>) {add = true}
      %dma_start3A_254 = arith.constant 16 : i32
      %dma_start3A_255 = arith.constant 0 : i32
      %dma_start3A_256 = tpu.memref_slice %arg11[%dma_start3A_254, %dma_start3A_255] : memref<32x128xf32, #tpu.memory_space<vmem>> -> memref<16x128xf32, #tpu.memory_space<vmem>>
      %dma_start3A_257 = arith.constant 0 : i32
      %dma_start3A_258 = arith.constant 0 : i32
      %dma_start3A_259 = tpu.memref_slice %arg10[%dma_start3A_257, %dma_start3A_258] : memref<10240x128xf32, #tpu.memory_space<vmem_shared>> -> memref<10240x128xf32, #tpu.memory_space<vmem_shared>>
      tpu.enqueue_indirect_dma source(%dma_start3A_256 : memref<16x128xf32, #tpu.memory_space<vmem>>) target(%dma_start3A_259 : memref<10240x128xf32, #tpu.memory_space<vmem_shared>>) offsets(%get3A_247 : vector<16xi32>) semaphore(%arg27 : memref<!tpu.dma_semaphore, #tpu.memory_space<semaphore_mem>>) {add = true}
      %add3A_260 = arith.constant 1 : i32
      %add3A_261 = arith.addi %add3A_217, %add3A_260 : i32
      %mul3A_262 = arith.constant 32 : i32
      %mul3A_263 = arith.muli %add3A_261, %mul3A_262 : i32
      %dma_wait3A_264 = tpu.memref_slice %arg7[%mul3A_263] : memref<5120xi32, #tpu.memory_space<vmem>> -> memref<32xi32, #tpu.memory_space<vmem>>
      %dma_wait3A_265 = arith.constant 0 : i32
      %dma_wait3A_266 = arith.constant 0 : i32
      %dma_wait3A_267 = tpu.memref_slice %arg5[%dma_wait3A_265, %dma_wait3A_266] : memref<10000x128xf32, #tpu.memory_space<hbm>> -> memref<10000x128xf32, #tpu.memory_space<hbm>>
      tpu.wait_indirect_dma semaphore(%arg20 : memref<!tpu.dma_semaphore, #tpu.memory_space<semaphore_mem>>) src(%dma_wait3A_267 : memref<10000x128xf32, #tpu.memory_space<hbm>>) dst(%arg12 : memref<32x128xf32, #tpu.memory_space<vmem>>)
      %add3A_268 = arith.constant 8 : i32
      %add3A_269 = arith.addi %add3A_261, %add3A_268 : i32
      %sub3A_270 = arith.constant 1 : i32
      %sub3A_271 = arith.subi %add3A_269, %sub3A_270 : i32
      %lt3A_272 = arith.constant 160 : i32
      %lt3A_273 = arith.cmpi slt, %sub3A_271, %lt3A_272 : i32
      %convert_element_type3A_274 = arith.extui %lt3A_273 : i1 to i32
      %cond3A_275 = arith.constant 0 : i32
      %cond3A_276 = arith.cmpi ne, %convert_element_type3A_274, %cond3A_275 : i32
      scf.if %cond3A_276 {
        %ge3A = arith.constant 1 : i32
        %ge3A_582 = arith.cmpi sge, %add3A_261, %ge3A : i32
        %convert_element_type3A_583 = arith.extui %ge3A_582 : i1 to i32
        %cond3A_584 = arith.constant 0 : i32
        %cond3A_585 = arith.cmpi ne, %convert_element_type3A_583, %cond3A_584 : i32
        scf.if %cond3A_585 {
          %sub3A_592 = arith.constant 1 : i32
          %sub3A_593 = arith.subi %add3A_261, %sub3A_592 : i32
          %mul3A_594 = arith.constant 32 : i32
          %mul3A_595 = arith.muli %sub3A_593, %mul3A_594 : i32
          %add3A_596 = arith.constant 0 : i32
          %add3A_597 = arith.addi %mul3A_595, %add3A_596 : i32
          %get3A_598 = arith.index_cast %add3A_597 : i32 to index
          %get3A_599 = tpu.vector_load %arg8[%get3A_598] {strides = array<i32>} : memref<5120xi32, #tpu.memory_space<vmem>>, vector<16xi32>,
          %mul3A_600 = arith.constant 32 : i32
          %mul3A_601 = arith.muli %sub3A_593, %mul3A_600 : i32
          %add3A_602 = arith.constant 16 : i32
          %add3A_603 = arith.addi %mul3A_601, %add3A_602 : i32
          %get3A_604 = arith.index_cast %add3A_603 : i32 to index
          %get3A_605 = tpu.vector_load %arg8[%get3A_604] {strides = array<i32>} : memref<5120xi32, #tpu.memory_space<vmem>>, vector<16xi32>,
          %dma_wait3A_606 = arith.constant 0 : i32
          %dma_wait3A_607 = arith.constant 0 : i32
          %dma_wait3A_608 = tpu.memref_slice %arg11[%dma_wait3A_606, %dma_wait3A_607] : memref<32x128xf32, #tpu.memory_space<vmem>> -> memref<16x128xf32, #tpu.memory_space<vmem>>
          %dma_wait3A_609 = arith.constant 0 : i32
          %dma_wait3A_610 = arith.constant 0 : i32
          %dma_wait3A_611 = tpu.memref_slice %arg10[%dma_wait3A_609, %dma_wait3A_610] : memref<10240x128xf32, #tpu.memory_space<vmem_shared>> -> memref<10240x128xf32, #tpu.memory_space<vmem_shared>>
          tpu.wait_indirect_dma semaphore(%arg27 : memref<!tpu.dma_semaphore, #tpu.memory_space<semaphore_mem>>) src(%dma_wait3A_608 : memref<16x128xf32, #tpu.memory_space<vmem>>) dst(%dma_wait3A_611 : memref<10240x128xf32, #tpu.memory_space<vmem_shared>>)
          %dma_wait3A_612 = arith.constant 16 : i32
          %dma_wait3A_613 = arith.constant 0 : i32
          %dma_wait3A_614 = tpu.memref_slice %arg11[%dma_wait3A_612, %dma_wait3A_613] : memref<32x128xf32, #tpu.memory_space<vmem>> -> memref<16x128xf32, #tpu.memory_space<vmem>>
          %dma_wait3A_615 = arith.constant 0 : i32
          %dma_wait3A_616 = arith.constant 0 : i32
          %dma_wait3A_617 = tpu.memref_slice %arg10[%dma_wait3A_615, %dma_wait3A_616] : memref<10240x128xf32, #tpu.memory_space<vmem_shared>> -> memref<10240x128xf32, #tpu.memory_space<vmem_shared>>
          tpu.wait_indirect_dma semaphore(%arg27 : memref<!tpu.dma_semaphore, #tpu.memory_space<semaphore_mem>>) src(%dma_wait3A_614 : memref<16x128xf32, #tpu.memory_space<vmem>>) dst(%dma_wait3A_617 : memref<10240x128xf32, #tpu.memory_space<vmem_shared>>)
        } else {
        }
        %mul3A_586 = arith.constant 32 : i32
        %mul3A_587 = arith.muli %sub3A_271, %mul3A_586 : i32
        %dma_start3A_588 = tpu.memref_slice %arg7[%mul3A_587] : memref<5120xi32, #tpu.memory_space<vmem>> -> memref<32xi32, #tpu.memory_space<vmem>>
        %dma_start3A_589 = arith.constant 0 : i32
        %dma_start3A_590 = arith.constant 0 : i32
        %dma_start3A_591 = tpu.memref_slice %arg5[%dma_start3A_589, %dma_start3A_590] : memref<10000x128xf32, #tpu.memory_space<hbm>> -> memref<10000x128xf32, #tpu.memory_space<hbm>>
        tpu.enqueue_indirect_dma source(%dma_start3A_591 : memref<10000x128xf32, #tpu.memory_space<hbm>>) target(%arg11 : memref<32x128xf32, #tpu.memory_space<vmem>>) offsets(%dma_start3A_588 : memref<32xi32, #tpu.memory_space<vmem>>) semaphore(%arg19 : memref<!tpu.dma_semaphore, #tpu.memory_space<semaphore_mem>>)
      } else {
      }
      %scan3A_277 = arith.constant 0 : i32
      %scan3A_278 = arith.constant 32 : i32
      %scan3A_279 = arith.addi %scan3A_277, %scan3A_278 : i32
      %scan3A_280 = arith.constant 1 : i32
      scf.for %scan3A_582 = %scan3A_277 to %scan3A_279 step %scan3A_280  : i32 {
        %mul3A_583 = arith.constant 1 : i32
        %mul3A_584 = arith.muli %scan3A_582, %mul3A_583 : i32
        %add3A_585 = arith.constant 0 : i32
        %add3A_586 = arith.addi %add3A_585, %mul3A_584 : i32
        %broadcast_in_dim3A = arith.constant 0 : i32
        %broadcast_in_dim3A_587 = vector.broadcast %broadcast_in_dim3A : i32 to vector<16xi32>
        %mul3A_588 = arith.constant 32 : i32
        %mul3A_589 = arith.muli %add3A_261, %mul3A_588 : i32
        %add3A_590 = arith.addi %mul3A_589, %add3A_586 : i32
        %add3A_591 = vector.broadcast %add3A_590 : i32 to vector<16xi32>
        %add3A_592 = arith.addi %broadcast_in_dim3A_587, %add3A_591 : vector<16xi32>
        %gather3A = tpu.vector_load_idx %arg9[%add3A_592] : memref<5120xf32, #tpu.memory_space<vmem>>[vector<16xi32>], vector<16xf32>,
        %get3A_593 = arith.index_cast %add3A_586 : i32 to index
        %get3A_594 = arith.constant 0 : index
        %get3A_595 = tpu.vector_load %arg12[%get3A_593, %get3A_594] {strides = array<i32>} : memref<32x128xf32, #tpu.memory_space<vmem>>, vector<16xf32>,
        %mul3A_596 = arith.mulf %get3A_595, %gather3A : vector<16xf32>
        %swap3A = arith.index_cast %add3A_586 : i32 to index
        %swap3A_597 = arith.constant 0 : index
        %swap3A_598 = tpu.vector_load %arg12[%swap3A, %swap3A_597] {strides = array<i32>} : memref<32x128xf32, #tpu.memory_space<vmem>>, vector<16xf32>,
        tpu.vector_store %arg12[%swap3A, %swap3A_597], %mul3A_596 {strides = array<i32>} : memref<32x128xf32, #tpu.memory_space<vmem>>, vector<16xf32>,
        %get3A_599 = arith.index_cast %add3A_586 : i32 to index
        %get3A_600 = arith.constant 16 : index
        %get3A_601 = tpu.vector_load %arg12[%get3A_599, %get3A_600] {strides = array<i32>} : memref<32x128xf32, #tpu.memory_space<vmem>>, vector<16xf32>,
        %mul3A_602 = arith.mulf %get3A_601, %gather3A : vector<16xf32>
        %swap3A_603 = arith.index_cast %add3A_586 : i32 to index
        %swap3A_604 = arith.constant 16 : index
        %swap3A_605 = tpu.vector_load %arg12[%swap3A_603, %swap3A_604] {strides = array<i32>} : memref<32x128xf32, #tpu.memory_space<vmem>>, vector<16xf32>,
        tpu.vector_store %arg12[%swap3A_603, %swap3A_604], %mul3A_602 {strides = array<i32>} : memref<32x128xf32, #tpu.memory_space<vmem>>, vector<16xf32>,
        %get3A_606 = arith.index_cast %add3A_586 : i32 to index
        %get3A_607 = arith.constant 32 : index
        %get3A_608 = tpu.vector_load %arg12[%get3A_606, %get3A_607] {strides = array<i32>} : memref<32x128xf32, #tpu.memory_space<vmem>>, vector<16xf32>,
        %mul3A_609 = arith.mulf %get3A_608, %gather3A : vector<16xf32>
        %swap3A_610 = arith.index_cast %add3A_586 : i32 to index
        %swap3A_611 = arith.constant 32 : index
        %swap3A_612 = tpu.vector_load %arg12[%swap3A_610, %swap3A_611] {strides = array<i32>} : memref<32x128xf32, #tpu.memory_space<vmem>>, vector<16xf32>,
        tpu.vector_store %arg12[%swap3A_610, %swap3A_611], %mul3A_609 {strides = array<i32>} : memref<32x128xf32, #tpu.memory_space<vmem>>, vector<16xf32>,
        %get3A_613 = arith.index_cast %add3A_586 : i32 to index
        %get3A_614 = arith.constant 48 : index
        %get3A_615 = tpu.vector_load %arg12[%get3A_613, %get3A_614] {strides = array<i32>} : memref<32x128xf32, #tpu.memory_space<vmem>>, vector<16xf32>,
        %mul3A_616 = arith.mulf %get3A_615, %gather3A : vector<16xf32>
        %swap3A_617 = arith.index_cast %add3A_586 : i32 to index
        %swap3A_618 = arith.constant 48 : index
        %swap3A_619 = tpu.vector_load %arg12[%swap3A_617, %swap3A_618] {strides = array<i32>} : memref<32x128xf32, #tpu.memory_space<vmem>>, vector<16xf32>,
        tpu.vector_store %arg12[%swap3A_617, %swap3A_618], %mul3A_616 {strides = array<i32>} : memref<32x128xf32, #tpu.memory_space<vmem>>, vector<16xf32>,
        %get3A_620 = arith.index_cast %add3A_586 : i32 to index
        %get3A_621 = arith.constant 64 : index
        %get3A_622 = tpu.vector_load %arg12[%get3A_620, %get3A_621] {strides = array<i32>} : memref<32x128xf32, #tpu.memory_space<vmem>>, vector<16xf32>,
        %mul3A_623 = arith.mulf %get3A_622, %gather3A : vector<16xf32>
        %swap3A_624 = arith.index_cast %add3A_586 : i32 to index
        %swap3A_625 = arith.constant 64 : index
        %swap3A_626 = tpu.vector_load %arg12[%swap3A_624, %swap3A_625] {strides = array<i32>} : memref<32x128xf32, #tpu.memory_space<vmem>>, vector<16xf32>,
        tpu.vector_store %arg12[%swap3A_624, %swap3A_625], %mul3A_623 {strides = array<i32>} : memref<32x128xf32, #tpu.memory_space<vmem>>, vector<16xf32>,
        %get3A_627 = arith.index_cast %add3A_586 : i32 to index
        %get3A_628 = arith.constant 80 : index
        %get3A_629 = tpu.vector_load %arg12[%get3A_627, %get3A_628] {strides = array<i32>} : memref<32x128xf32, #tpu.memory_space<vmem>>, vector<16xf32>,
        %mul3A_630 = arith.mulf %get3A_629, %gather3A : vector<16xf32>
        %swap3A_631 = arith.index_cast %add3A_586 : i32 to index
        %swap3A_632 = arith.constant 80 : index
        %swap3A_633 = tpu.vector_load %arg12[%swap3A_631, %swap3A_632] {strides = array<i32>} : memref<32x128xf32, #tpu.memory_space<vmem>>, vector<16xf32>,
        tpu.vector_store %arg12[%swap3A_631, %swap3A_632], %mul3A_630 {strides = array<i32>} : memref<32x128xf32, #tpu.memory_space<vmem>>, vector<16xf32>,
        %get3A_634 = arith.index_cast %add3A_586 : i32 to index
        %get3A_635 = arith.constant 96 : index
        %get3A_636 = tpu.vector_load %arg12[%get3A_634, %get3A_635] {strides = array<i32>} : memref<32x128xf32, #tpu.memory_space<vmem>>, vector<16xf32>,
        %mul3A_637 = arith.mulf %get3A_636, %gather3A : vector<16xf32>
        %swap3A_638 = arith.index_cast %add3A_586 : i32 to index
        %swap3A_639 = arith.constant 96 : index
        %swap3A_640 = tpu.vector_load %arg12[%swap3A_638, %swap3A_639] {strides = array<i32>} : memref<32x128xf32, #tpu.memory_space<vmem>>, vector<16xf32>,
        tpu.vector_store %arg12[%swap3A_638, %swap3A_639], %mul3A_637 {strides = array<i32>} : memref<32x128xf32, #tpu.memory_space<vmem>>, vector<16xf32>,
        %get3A_641 = arith.index_cast %add3A_586 : i32 to index
        %get3A_642 = arith.constant 112 : index
        %get3A_643 = tpu.vector_load %arg12[%get3A_641, %get3A_642] {strides = array<i32>} : memref<32x128xf32, #tpu.memory_space<vmem>>, vector<16xf32>,
        %mul3A_644 = arith.mulf %get3A_643, %gather3A : vector<16xf32>
        %swap3A_645 = arith.index_cast %add3A_586 : i32 to index
        %swap3A_646 = arith.constant 112 : index
        %swap3A_647 = tpu.vector_load %arg12[%swap3A_645, %swap3A_646] {strides = array<i32>} : memref<32x128xf32, #tpu.memory_space<vmem>>, vector<16xf32>,
        tpu.vector_store %arg12[%swap3A_645, %swap3A_646], %mul3A_644 {strides = array<i32>} : memref<32x128xf32, #tpu.memory_space<vmem>>, vector<16xf32>,
      }
      %scan3A_281 = arith.constant 32 : i32
      %mul3A_282 = arith.constant 32 : i32
      %mul3A_283 = arith.muli %add3A_261, %mul3A_282 : i32
      %add3A_284 = arith.constant 0 : i32
      %add3A_285 = arith.addi %mul3A_283, %add3A_284 : i32
      %get3A_286 = arith.index_cast %add3A_285 : i32 to index
      %get3A_287 = tpu.vector_load %arg8[%get3A_286] {strides = array<i32>} : memref<5120xi32, #tpu.memory_space<vmem>>, vector<16xi32>,
      %mul3A_288 = arith.constant 32 : i32
      %mul3A_289 = arith.muli %add3A_261, %mul3A_288 : i32
      %add3A_290 = arith.constant 16 : i32
      %add3A_291 = arith.addi %mul3A_289, %add3A_290 : i32
      %get3A_292 = arith.index_cast %add3A_291 : i32 to index
      %get3A_293 = tpu.vector_load %arg8[%get3A_292] {strides = array<i32>} : memref<5120xi32, #tpu.memory_space<vmem>>, vector<16xi32>,
      %dma_start3A_294 = arith.constant 0 : i32
      %dma_start3A_295 = arith.constant 0 : i32
      %dma_start3A_296 = tpu.memref_slice %arg12[%dma_start3A_294, %dma_start3A_295] : memref<32x128xf32, #tpu.memory_space<vmem>> -> memref<16x128xf32, #tpu.memory_space<vmem>>
      %dma_start3A_297 = arith.constant 0 : i32
      %dma_start3A_298 = arith.constant 0 : i32
      %dma_start3A_299 = tpu.memref_slice %arg10[%dma_start3A_297, %dma_start3A_298] : memref<10240x128xf32, #tpu.memory_space<vmem_shared>> -> memref<10240x128xf32, #tpu.memory_space<vmem_shared>>
      tpu.enqueue_indirect_dma source(%dma_start3A_296 : memref<16x128xf32, #tpu.memory_space<vmem>>) target(%dma_start3A_299 : memref<10240x128xf32, #tpu.memory_space<vmem_shared>>) offsets(%get3A_287 : vector<16xi32>) semaphore(%arg28 : memref<!tpu.dma_semaphore, #tpu.memory_space<semaphore_mem>>) {add = true}
      %dma_start3A_300 = arith.constant 16 : i32
      %dma_start3A_301 = arith.constant 0 : i32
      %dma_start3A_302 = tpu.memref_slice %arg12[%dma_start3A_300, %dma_start3A_301] : memref<32x128xf32, #tpu.memory_space<vmem>> -> memref<16x128xf32, #tpu.memory_space<vmem>>
      %dma_start3A_303 = arith.constant 0 : i32
      %dma_start3A_304 = arith.constant 0 : i32
      %dma_start3A_305 = tpu.memref_slice %arg10[%dma_start3A_303, %dma_start3A_304] : memref<10240x128xf32, #tpu.memory_space<vmem_shared>> -> memref<10240x128xf32, #tpu.memory_space<vmem_shared>>
      tpu.enqueue_indirect_dma source(%dma_start3A_302 : memref<16x128xf32, #tpu.memory_space<vmem>>) target(%dma_start3A_305 : memref<10240x128xf32, #tpu.memory_space<vmem_shared>>) offsets(%get3A_293 : vector<16xi32>) semaphore(%arg28 : memref<!tpu.dma_semaphore, #tpu.memory_space<semaphore_mem>>) {add = true}
      %add3A_306 = arith.constant 2 : i32
      %add3A_307 = arith.addi %add3A_217, %add3A_306 : i32
      %mul3A_308 = arith.constant 32 : i32
      %mul3A_309 = arith.muli %add3A_307, %mul3A_308 : i32
      %dma_wait3A_310 = tpu.memref_slice %arg7[%mul3A_309] : memref<5120xi32, #tpu.memory_space<vmem>> -> memref<32xi32, #tpu.memory_space<vmem>>
      %dma_wait3A_311 = arith.constant 0 : i32
      %dma_wait3A_312 = arith.constant 0 : i32
      %dma_wait3A_313 = tpu.memref_slice %arg5[%dma_wait3A_311, %dma_wait3A_312] : memref<10000x128xf32, #tpu.memory_space<hbm>> -> memref<10000x128xf32, #tpu.memory_space<hbm>>
      tpu.wait_indirect_dma semaphore(%arg21 : memref<!tpu.dma_semaphore, #tpu.memory_space<semaphore_mem>>) src(%dma_wait3A_313 : memref<10000x128xf32, #tpu.memory_space<hbm>>) dst(%arg13 : memref<32x128xf32, #tpu.memory_space<vmem>>)
      %add3A_314 = arith.constant 8 : i32
      %add3A_315 = arith.addi %add3A_307, %add3A_314 : i32
      %sub3A_316 = arith.constant 1 : i32
      %sub3A_317 = arith.subi %add3A_315, %sub3A_316 : i32
      %lt3A_318 = arith.constant 160 : i32
      %lt3A_319 = arith.cmpi slt, %sub3A_317, %lt3A_318 : i32
      %convert_element_type3A_320 = arith.extui %lt3A_319 : i1 to i32
      %cond3A_321 = arith.constant 0 : i32
      %cond3A_322 = arith.cmpi ne, %convert_element_type3A_320, %cond3A_321 : i32
      scf.if %cond3A_322 {
        %ge3A = arith.constant 1 : i32
        %ge3A_582 = arith.cmpi sge, %add3A_307, %ge3A : i32
        %convert_element_type3A_583 = arith.extui %ge3A_582 : i1 to i32
        %cond3A_584 = arith.constant 0 : i32
        %cond3A_585 = arith.cmpi ne, %convert_element_type3A_583, %cond3A_584 : i32
        scf.if %cond3A_585 {
          %sub3A_592 = arith.constant 1 : i32
          %sub3A_593 = arith.subi %add3A_307, %sub3A_592 : i32
          %mul3A_594 = arith.constant 32 : i32
          %mul3A_595 = arith.muli %sub3A_593, %mul3A_594 : i32
          %add3A_596 = arith.constant 0 : i32
          %add3A_597 = arith.addi %mul3A_595, %add3A_596 : i32
          %get3A_598 = arith.index_cast %add3A_597 : i32 to index
          %get3A_599 = tpu.vector_load %arg8[%get3A_598] {strides = array<i32>} : memref<5120xi32, #tpu.memory_space<vmem>>, vector<16xi32>,
          %mul3A_600 = arith.constant 32 : i32
          %mul3A_601 = arith.muli %sub3A_593, %mul3A_600 : i32
          %add3A_602 = arith.constant 16 : i32
          %add3A_603 = arith.addi %mul3A_601, %add3A_602 : i32
          %get3A_604 = arith.index_cast %add3A_603 : i32 to index
          %get3A_605 = tpu.vector_load %arg8[%get3A_604] {strides = array<i32>} : memref<5120xi32, #tpu.memory_space<vmem>>, vector<16xi32>,
          %dma_wait3A_606 = arith.constant 0 : i32
          %dma_wait3A_607 = arith.constant 0 : i32
          %dma_wait3A_608 = tpu.memref_slice %arg12[%dma_wait3A_606, %dma_wait3A_607] : memref<32x128xf32, #tpu.memory_space<vmem>> -> memref<16x128xf32, #tpu.memory_space<vmem>>
          %dma_wait3A_609 = arith.constant 0 : i32
          %dma_wait3A_610 = arith.constant 0 : i32
          %dma_wait3A_611 = tpu.memref_slice %arg10[%dma_wait3A_609, %dma_wait3A_610] : memref<10240x128xf32, #tpu.memory_space<vmem_shared>> -> memref<10240x128xf32, #tpu.memory_space<vmem_shared>>
          tpu.wait_indirect_dma semaphore(%arg28 : memref<!tpu.dma_semaphore, #tpu.memory_space<semaphore_mem>>) src(%dma_wait3A_608 : memref<16x128xf32, #tpu.memory_space<vmem>>) dst(%dma_wait3A_611 : memref<10240x128xf32, #tpu.memory_space<vmem_shared>>)
          %dma_wait3A_612 = arith.constant 16 : i32
          %dma_wait3A_613 = arith.constant 0 : i32
          %dma_wait3A_614 = tpu.memref_slice %arg12[%dma_wait3A_612, %dma_wait3A_613] : memref<32x128xf32, #tpu.memory_space<vmem>> -> memref<16x128xf32, #tpu.memory_space<vmem>>
          %dma_wait3A_615 = arith.constant 0 : i32
          %dma_wait3A_616 = arith.constant 0 : i32
          %dma_wait3A_617 = tpu.memref_slice %arg10[%dma_wait3A_615, %dma_wait3A_616] : memref<10240x128xf32, #tpu.memory_space<vmem_shared>> -> memref<10240x128xf32, #tpu.memory_space<vmem_shared>>
          tpu.wait_indirect_dma semaphore(%arg28 : memref<!tpu.dma_semaphore, #tpu.memory_space<semaphore_mem>>) src(%dma_wait3A_614 : memref<16x128xf32, #tpu.memory_space<vmem>>) dst(%dma_wait3A_617 : memref<10240x128xf32, #tpu.memory_space<vmem_shared>>)
        } else {
        }
        %mul3A_586 = arith.constant 32 : i32
        %mul3A_587 = arith.muli %sub3A_317, %mul3A_586 : i32
        %dma_start3A_588 = tpu.memref_slice %arg7[%mul3A_587] : memref<5120xi32, #tpu.memory_space<vmem>> -> memref<32xi32, #tpu.memory_space<vmem>>
        %dma_start3A_589 = arith.constant 0 : i32
        %dma_start3A_590 = arith.constant 0 : i32
        %dma_start3A_591 = tpu.memref_slice %arg5[%dma_start3A_589, %dma_start3A_590] : memref<10000x128xf32, #tpu.memory_space<hbm>> -> memref<10000x128xf32, #tpu.memory_space<hbm>>
        tpu.enqueue_indirect_dma source(%dma_start3A_591 : memref<10000x128xf32, #tpu.memory_space<hbm>>) target(%arg12 : memref<32x128xf32, #tpu.memory_space<vmem>>) offsets(%dma_start3A_588 : memref<32xi32, #tpu.memory_space<vmem>>) semaphore(%arg20 : memref<!tpu.dma_semaphore, #tpu.memory_space<semaphore_mem>>)
      } else {
      }
      %scan3A_323 = arith.constant 0 : i32
      %scan3A_324 = arith.constant 32 : i32
      %scan3A_325 = arith.addi %scan3A_323, %scan3A_324 : i32
      %scan3A_326 = arith.constant 1 : i32
      scf.for %scan3A_582 = %scan3A_323 to %scan3A_325 step %scan3A_326  : i32 {
        %mul3A_583 = arith.constant 1 : i32
        %mul3A_584 = arith.muli %scan3A_582, %mul3A_583 : i32
        %add3A_585 = arith.constant 0 : i32
        %add3A_586 = arith.addi %add3A_585, %mul3A_584 : i32
        %broadcast_in_dim3A = arith.constant 0 : i32
        %broadcast_in_dim3A_587 = vector.broadcast %broadcast_in_dim3A : i32 to vector<16xi32>
        %mul3A_588 = arith.constant 32 : i32
        %mul3A_589 = arith.muli %add3A_307, %mul3A_588 : i32
        %add3A_590 = arith.addi %mul3A_589, %add3A_586 : i32
        %add3A_591 = vector.broadcast %add3A_590 : i32 to vector<16xi32>
        %add3A_592 = arith.addi %broadcast_in_dim3A_587, %add3A_591 : vector<16xi32>
        %gather3A = tpu.vector_load_idx %arg9[%add3A_592] : memref<5120xf32, #tpu.memory_space<vmem>>[vector<16xi32>], vector<16xf32>,
        %get3A_593 = arith.index_cast %add3A_586 : i32 to index
        %get3A_594 = arith.constant 0 : index
        %get3A_595 = tpu.vector_load %arg13[%get3A_593, %get3A_594] {strides = array<i32>} : memref<32x128xf32, #tpu.memory_space<vmem>>, vector<16xf32>,
        %mul3A_596 = arith.mulf %get3A_595, %gather3A : vector<16xf32>
        %swap3A = arith.index_cast %add3A_586 : i32 to index
        %swap3A_597 = arith.constant 0 : index
        %swap3A_598 = tpu.vector_load %arg13[%swap3A, %swap3A_597] {strides = array<i32>} : memref<32x128xf32, #tpu.memory_space<vmem>>, vector<16xf32>,
        tpu.vector_store %arg13[%swap3A, %swap3A_597], %mul3A_596 {strides = array<i32>} : memref<32x128xf32, #tpu.memory_space<vmem>>, vector<16xf32>,
        %get3A_599 = arith.index_cast %add3A_586 : i32 to index
        %get3A_600 = arith.constant 16 : index
        %get3A_601 = tpu.vector_load %arg13[%get3A_599, %get3A_600] {strides = array<i32>} : memref<32x128xf32, #tpu.memory_space<vmem>>, vector<16xf32>,
        %mul3A_602 = arith.mulf %get3A_601, %gather3A : vector<16xf32>
        %swap3A_603 = arith.index_cast %add3A_586 : i32 to index
        %swap3A_604 = arith.constant 16 : index
        %swap3A_605 = tpu.vector_load %arg13[%swap3A_603, %swap3A_604] {strides = array<i32>} : memref<32x128xf32, #tpu.memory_space<vmem>>, vector<16xf32>,
        tpu.vector_store %arg13[%swap3A_603, %swap3A_604], %mul3A_602 {strides = array<i32>} : memref<32x128xf32, #tpu.memory_space<vmem>>, vector<16xf32>,
        %get3A_606 = arith.index_cast %add3A_586 : i32 to index
        %get3A_607 = arith.constant 32 : index
        %get3A_608 = tpu.vector_load %arg13[%get3A_606, %get3A_607] {strides = array<i32>} : memref<32x128xf32, #tpu.memory_space<vmem>>, vector<16xf32>,
        %mul3A_609 = arith.mulf %get3A_608, %gather3A : vector<16xf32>
        %swap3A_610 = arith.index_cast %add3A_586 : i32 to index
        %swap3A_611 = arith.constant 32 : index
        %swap3A_612 = tpu.vector_load %arg13[%swap3A_610, %swap3A_611] {strides = array<i32>} : memref<32x128xf32, #tpu.memory_space<vmem>>, vector<16xf32>,
        tpu.vector_store %arg13[%swap3A_610, %swap3A_611], %mul3A_609 {strides = array<i32>} : memref<32x128xf32, #tpu.memory_space<vmem>>, vector<16xf32>,
        %get3A_613 = arith.index_cast %add3A_586 : i32 to index
        %get3A_614 = arith.constant 48 : index
        %get3A_615 = tpu.vector_load %arg13[%get3A_613, %get3A_614] {strides = array<i32>} : memref<32x128xf32, #tpu.memory_space<vmem>>, vector<16xf32>,
        %mul3A_616 = arith.mulf %get3A_615, %gather3A : vector<16xf32>
        %swap3A_617 = arith.index_cast %add3A_586 : i32 to index
        %swap3A_618 = arith.constant 48 : index
        %swap3A_619 = tpu.vector_load %arg13[%swap3A_617, %swap3A_618] {strides = array<i32>} : memref<32x128xf32, #tpu.memory_space<vmem>>, vector<16xf32>,
        tpu.vector_store %arg13[%swap3A_617, %swap3A_618], %mul3A_616 {strides = array<i32>} : memref<32x128xf32, #tpu.memory_space<vmem>>, vector<16xf32>,
        %get3A_620 = arith.index_cast %add3A_586 : i32 to index
        %get3A_621 = arith.constant 64 : index
        %get3A_622 = tpu.vector_load %arg13[%get3A_620, %get3A_621] {strides = array<i32>} : memref<32x128xf32, #tpu.memory_space<vmem>>, vector<16xf32>,
        %mul3A_623 = arith.mulf %get3A_622, %gather3A : vector<16xf32>
        %swap3A_624 = arith.index_cast %add3A_586 : i32 to index
        %swap3A_625 = arith.constant 64 : index
        %swap3A_626 = tpu.vector_load %arg13[%swap3A_624, %swap3A_625] {strides = array<i32>} : memref<32x128xf32, #tpu.memory_space<vmem>>, vector<16xf32>,
        tpu.vector_store %arg13[%swap3A_624, %swap3A_625], %mul3A_623 {strides = array<i32>} : memref<32x128xf32, #tpu.memory_space<vmem>>, vector<16xf32>,
        %get3A_627 = arith.index_cast %add3A_586 : i32 to index
        %get3A_628 = arith.constant 80 : index
        %get3A_629 = tpu.vector_load %arg13[%get3A_627, %get3A_628] {strides = array<i32>} : memref<32x128xf32, #tpu.memory_space<vmem>>, vector<16xf32>,
        %mul3A_630 = arith.mulf %get3A_629, %gather3A : vector<16xf32>
        %swap3A_631 = arith.index_cast %add3A_586 : i32 to index
        %swap3A_632 = arith.constant 80 : index
        %swap3A_633 = tpu.vector_load %arg13[%swap3A_631, %swap3A_632] {strides = array<i32>} : memref<32x128xf32, #tpu.memory_space<vmem>>, vector<16xf32>,
        tpu.vector_store %arg13[%swap3A_631, %swap3A_632], %mul3A_630 {strides = array<i32>} : memref<32x128xf32, #tpu.memory_space<vmem>>, vector<16xf32>,
        %get3A_634 = arith.index_cast %add3A_586 : i32 to index
        %get3A_635 = arith.constant 96 : index
        %get3A_636 = tpu.vector_load %arg13[%get3A_634, %get3A_635] {strides = array<i32>} : memref<32x128xf32, #tpu.memory_space<vmem>>, vector<16xf32>,
        %mul3A_637 = arith.mulf %get3A_636, %gather3A : vector<16xf32>
        %swap3A_638 = arith.index_cast %add3A_586 : i32 to index
        %swap3A_639 = arith.constant 96 : index
        %swap3A_640 = tpu.vector_load %arg13[%swap3A_638, %swap3A_639] {strides = array<i32>} : memref<32x128xf32, #tpu.memory_space<vmem>>, vector<16xf32>,
        tpu.vector_store %arg13[%swap3A_638, %swap3A_639], %mul3A_637 {strides = array<i32>} : memref<32x128xf32, #tpu.memory_space<vmem>>, vector<16xf32>,
        %get3A_641 = arith.index_cast %add3A_586 : i32 to index
        %get3A_642 = arith.constant 112 : index
        %get3A_643 = tpu.vector_load %arg13[%get3A_641, %get3A_642] {strides = array<i32>} : memref<32x128xf32, #tpu.memory_space<vmem>>, vector<16xf32>,
        %mul3A_644 = arith.mulf %get3A_643, %gather3A : vector<16xf32>
        %swap3A_645 = arith.index_cast %add3A_586 : i32 to index
        %swap3A_646 = arith.constant 112 : index
        %swap3A_647 = tpu.vector_load %arg13[%swap3A_645, %swap3A_646] {strides = array<i32>} : memref<32x128xf32, #tpu.memory_space<vmem>>, vector<16xf32>,
        tpu.vector_store %arg13[%swap3A_645, %swap3A_646], %mul3A_644 {strides = array<i32>} : memref<32x128xf32, #tpu.memory_space<vmem>>, vector<16xf32>,
      }
      %scan3A_327 = arith.constant 32 : i32
      %mul3A_328 = arith.constant 32 : i32
      %mul3A_329 = arith.muli %add3A_307, %mul3A_328 : i32
      %add3A_330 = arith.constant 0 : i32
      %add3A_331 = arith.addi %mul3A_329, %add3A_330 : i32
      %get3A_332 = arith.index_cast %add3A_331 : i32 to index
      %get3A_333 = tpu.vector_load %arg8[%get3A_332] {strides = array<i32>} : memref<5120xi32, #tpu.memory_space<vmem>>, vector<16xi32>,
      %mul3A_334 = arith.constant 32 : i32
      %mul3A_335 = arith.muli %add3A_307, %mul3A_334 : i32
      %add3A_336 = arith.constant 16 : i32
      %add3A_337 = arith.addi %mul3A_335, %add3A_336 : i32
      %get3A_338 = arith.index_cast %add3A_337 : i32 to index
      %get3A_339 = tpu.vector_load %arg8[%get3A_338] {strides = array<i32>} : memref<5120xi32, #tpu.memory_space<vmem>>, vector<16xi32>,
      %dma_start3A_340 = arith.constant 0 : i32
      %dma_start3A_341 = arith.constant 0 : i32
      %dma_start3A_342 = tpu.memref_slice %arg13[%dma_start3A_340, %dma_start3A_341] : memref<32x128xf32, #tpu.memory_space<vmem>> -> memref<16x128xf32, #tpu.memory_space<vmem>>
      %dma_start3A_343 = arith.constant 0 : i32
      %dma_start3A_344 = arith.constant 0 : i32
      %dma_start3A_345 = tpu.memref_slice %arg10[%dma_start3A_343, %dma_start3A_344] : memref<10240x128xf32, #tpu.memory_space<vmem_shared>> -> memref<10240x128xf32, #tpu.memory_space<vmem_shared>>
      tpu.enqueue_indirect_dma source(%dma_start3A_342 : memref<16x128xf32, #tpu.memory_space<vmem>>) target(%dma_start3A_345 : memref<10240x128xf32, #tpu.memory_space<vmem_shared>>) offsets(%get3A_333 : vector<16xi32>) semaphore(%arg29 : memref<!tpu.dma_semaphore, #tpu.memory_space<semaphore_mem>>) {add = true}
      %dma_start3A_346 = arith.constant 16 : i32
      %dma_start3A_347 = arith.constant 0 : i32
      %dma_start3A_348 = tpu.memref_slice %arg13[%dma_start3A_346, %dma_start3A_347] : memref<32x128xf32, #tpu.memory_space<vmem>> -> memref<16x128xf32, #tpu.memory_space<vmem>>
      %dma_start3A_349 = arith.constant 0 : i32
      %dma_start3A_350 = arith.constant 0 : i32
      %dma_start3A_351 = tpu.memref_slice %arg10[%dma_start3A_349, %dma_start3A_350] : memref<10240x128xf32, #tpu.memory_space<vmem_shared>> -> memref<10240x128xf32, #tpu.memory_space<vmem_shared>>
      tpu.enqueue_indirect_dma source(%dma_start3A_348 : memref<16x128xf32, #tpu.memory_space<vmem>>) target(%dma_start3A_351 : memref<10240x128xf32, #tpu.memory_space<vmem_shared>>) offsets(%get3A_339 : vector<16xi32>) semaphore(%arg29 : memref<!tpu.dma_semaphore, #tpu.memory_space<semaphore_mem>>) {add = true}
      %add3A_352 = arith.constant 3 : i32
      %add3A_353 = arith.addi %add3A_217, %add3A_352 : i32
      %mul3A_354 = arith.constant 32 : i32
      %mul3A_355 = arith.muli %add3A_353, %mul3A_354 : i32
      %dma_wait3A_356 = tpu.memref_slice %arg7[%mul3A_355] : memref<5120xi32, #tpu.memory_space<vmem>> -> memref<32xi32, #tpu.memory_space<vmem>>
      %dma_wait3A_357 = arith.constant 0 : i32
      %dma_wait3A_358 = arith.constant 0 : i32
      %dma_wait3A_359 = tpu.memref_slice %arg5[%dma_wait3A_357, %dma_wait3A_358] : memref<10000x128xf32, #tpu.memory_space<hbm>> -> memref<10000x128xf32, #tpu.memory_space<hbm>>
      tpu.wait_indirect_dma semaphore(%arg22 : memref<!tpu.dma_semaphore, #tpu.memory_space<semaphore_mem>>) src(%dma_wait3A_359 : memref<10000x128xf32, #tpu.memory_space<hbm>>) dst(%arg14 : memref<32x128xf32, #tpu.memory_space<vmem>>)
      %add3A_360 = arith.constant 8 : i32
      %add3A_361 = arith.addi %add3A_353, %add3A_360 : i32
      %sub3A_362 = arith.constant 1 : i32
      %sub3A_363 = arith.subi %add3A_361, %sub3A_362 : i32
      %lt3A_364 = arith.constant 160 : i32
      %lt3A_365 = arith.cmpi slt, %sub3A_363, %lt3A_364 : i32
      %convert_element_type3A_366 = arith.extui %lt3A_365 : i1 to i32
      %cond3A_367 = arith.constant 0 : i32
      %cond3A_368 = arith.cmpi ne, %convert_element_type3A_366, %cond3A_367 : i32
      scf.if %cond3A_368 {
        %ge3A = arith.constant 1 : i32
        %ge3A_582 = arith.cmpi sge, %add3A_353, %ge3A : i32
        %convert_element_type3A_583 = arith.extui %ge3A_582 : i1 to i32
        %cond3A_584 = arith.constant 0 : i32
        %cond3A_585 = arith.cmpi ne, %convert_element_type3A_583, %cond3A_584 : i32
        scf.if %cond3A_585 {
          %sub3A_592 = arith.constant 1 : i32
          %sub3A_593 = arith.subi %add3A_353, %sub3A_592 : i32
          %mul3A_594 = arith.constant 32 : i32
          %mul3A_595 = arith.muli %sub3A_593, %mul3A_594 : i32
          %add3A_596 = arith.constant 0 : i32
          %add3A_597 = arith.addi %mul3A_595, %add3A_596 : i32
          %get3A_598 = arith.index_cast %add3A_597 : i32 to index
          %get3A_599 = tpu.vector_load %arg8[%get3A_598] {strides = array<i32>} : memref<5120xi32, #tpu.memory_space<vmem>>, vector<16xi32>,
          %mul3A_600 = arith.constant 32 : i32
          %mul3A_601 = arith.muli %sub3A_593, %mul3A_600 : i32
          %add3A_602 = arith.constant 16 : i32
          %add3A_603 = arith.addi %mul3A_601, %add3A_602 : i32
          %get3A_604 = arith.index_cast %add3A_603 : i32 to index
          %get3A_605 = tpu.vector_load %arg8[%get3A_604] {strides = array<i32>} : memref<5120xi32, #tpu.memory_space<vmem>>, vector<16xi32>,
          %dma_wait3A_606 = arith.constant 0 : i32
          %dma_wait3A_607 = arith.constant 0 : i32
          %dma_wait3A_608 = tpu.memref_slice %arg13[%dma_wait3A_606, %dma_wait3A_607] : memref<32x128xf32, #tpu.memory_space<vmem>> -> memref<16x128xf32, #tpu.memory_space<vmem>>
          %dma_wait3A_609 = arith.constant 0 : i32
          %dma_wait3A_610 = arith.constant 0 : i32
          %dma_wait3A_611 = tpu.memref_slice %arg10[%dma_wait3A_609, %dma_wait3A_610] : memref<10240x128xf32, #tpu.memory_space<vmem_shared>> -> memref<10240x128xf32, #tpu.memory_space<vmem_shared>>
          tpu.wait_indirect_dma semaphore(%arg29 : memref<!tpu.dma_semaphore, #tpu.memory_space<semaphore_mem>>) src(%dma_wait3A_608 : memref<16x128xf32, #tpu.memory_space<vmem>>) dst(%dma_wait3A_611 : memref<10240x128xf32, #tpu.memory_space<vmem_shared>>)
          %dma_wait3A_612 = arith.constant 16 : i32
          %dma_wait3A_613 = arith.constant 0 : i32
          %dma_wait3A_614 = tpu.memref_slice %arg13[%dma_wait3A_612, %dma_wait3A_613] : memref<32x128xf32, #tpu.memory_space<vmem>> -> memref<16x128xf32, #tpu.memory_space<vmem>>
          %dma_wait3A_615 = arith.constant 0 : i32
          %dma_wait3A_616 = arith.constant 0 : i32
          %dma_wait3A_617 = tpu.memref_slice %arg10[%dma_wait3A_615, %dma_wait3A_616] : memref<10240x128xf32, #tpu.memory_space<vmem_shared>> -> memref<10240x128xf32, #tpu.memory_space<vmem_shared>>
          tpu.wait_indirect_dma semaphore(%arg29 : memref<!tpu.dma_semaphore, #tpu.memory_space<semaphore_mem>>) src(%dma_wait3A_614 : memref<16x128xf32, #tpu.memory_space<vmem>>) dst(%dma_wait3A_617 : memref<10240x128xf32, #tpu.memory_space<vmem_shared>>)
        } else {
        }
        %mul3A_586 = arith.constant 32 : i32
        %mul3A_587 = arith.muli %sub3A_363, %mul3A_586 : i32
        %dma_start3A_588 = tpu.memref_slice %arg7[%mul3A_587] : memref<5120xi32, #tpu.memory_space<vmem>> -> memref<32xi32, #tpu.memory_space<vmem>>
        %dma_start3A_589 = arith.constant 0 : i32
        %dma_start3A_590 = arith.constant 0 : i32
        %dma_start3A_591 = tpu.memref_slice %arg5[%dma_start3A_589, %dma_start3A_590] : memref<10000x128xf32, #tpu.memory_space<hbm>> -> memref<10000x128xf32, #tpu.memory_space<hbm>>
        tpu.enqueue_indirect_dma source(%dma_start3A_591 : memref<10000x128xf32, #tpu.memory_space<hbm>>) target(%arg13 : memref<32x128xf32, #tpu.memory_space<vmem>>) offsets(%dma_start3A_588 : memref<32xi32, #tpu.memory_space<vmem>>) semaphore(%arg21 : memref<!tpu.dma_semaphore, #tpu.memory_space<semaphore_mem>>)
      } else {
      }
      %scan3A_369 = arith.constant 0 : i32
      %scan3A_370 = arith.constant 32 : i32
      %scan3A_371 = arith.addi %scan3A_369, %scan3A_370 : i32
      %scan3A_372 = arith.constant 1 : i32
      scf.for %scan3A_582 = %scan3A_369 to %scan3A_371 step %scan3A_372  : i32 {
        %mul3A_583 = arith.constant 1 : i32
        %mul3A_584 = arith.muli %scan3A_582, %mul3A_583 : i32
        %add3A_585 = arith.constant 0 : i32
        %add3A_586 = arith.addi %add3A_585, %mul3A_584 : i32
        %broadcast_in_dim3A = arith.constant 0 : i32
        %broadcast_in_dim3A_587 = vector.broadcast %broadcast_in_dim3A : i32 to vector<16xi32>
        %mul3A_588 = arith.constant 32 : i32
        %mul3A_589 = arith.muli %add3A_353, %mul3A_588 : i32
        %add3A_590 = arith.addi %mul3A_589, %add3A_586 : i32
        %add3A_591 = vector.broadcast %add3A_590 : i32 to vector<16xi32>
        %add3A_592 = arith.addi %broadcast_in_dim3A_587, %add3A_591 : vector<16xi32>
        %gather3A = tpu.vector_load_idx %arg9[%add3A_592] : memref<5120xf32, #tpu.memory_space<vmem>>[vector<16xi32>], vector<16xf32>,
        %get3A_593 = arith.index_cast %add3A_586 : i32 to index
        %get3A_594 = arith.constant 0 : index
        %get3A_595 = tpu.vector_load %arg14[%get3A_593, %get3A_594] {strides = array<i32>} : memref<32x128xf32, #tpu.memory_space<vmem>>, vector<16xf32>,
        %mul3A_596 = arith.mulf %get3A_595, %gather3A : vector<16xf32>
        %swap3A = arith.index_cast %add3A_586 : i32 to index
        %swap3A_597 = arith.constant 0 : index
        %swap3A_598 = tpu.vector_load %arg14[%swap3A, %swap3A_597] {strides = array<i32>} : memref<32x128xf32, #tpu.memory_space<vmem>>, vector<16xf32>,
        tpu.vector_store %arg14[%swap3A, %swap3A_597], %mul3A_596 {strides = array<i32>} : memref<32x128xf32, #tpu.memory_space<vmem>>, vector<16xf32>,
        %get3A_599 = arith.index_cast %add3A_586 : i32 to index
        %get3A_600 = arith.constant 16 : index
        %get3A_601 = tpu.vector_load %arg14[%get3A_599, %get3A_600] {strides = array<i32>} : memref<32x128xf32, #tpu.memory_space<vmem>>, vector<16xf32>,
        %mul3A_602 = arith.mulf %get3A_601, %gather3A : vector<16xf32>
        %swap3A_603 = arith.index_cast %add3A_586 : i32 to index
        %swap3A_604 = arith.constant 16 : index
        %swap3A_605 = tpu.vector_load %arg14[%swap3A_603, %swap3A_604] {strides = array<i32>} : memref<32x128xf32, #tpu.memory_space<vmem>>, vector<16xf32>,
        tpu.vector_store %arg14[%swap3A_603, %swap3A_604], %mul3A_602 {strides = array<i32>} : memref<32x128xf32, #tpu.memory_space<vmem>>, vector<16xf32>,
        %get3A_606 = arith.index_cast %add3A_586 : i32 to index
        %get3A_607 = arith.constant 32 : index
        %get3A_608 = tpu.vector_load %arg14[%get3A_606, %get3A_607] {strides = array<i32>} : memref<32x128xf32, #tpu.memory_space<vmem>>, vector<16xf32>,
        %mul3A_609 = arith.mulf %get3A_608, %gather3A : vector<16xf32>
        %swap3A_610 = arith.index_cast %add3A_586 : i32 to index
        %swap3A_611 = arith.constant 32 : index
        %swap3A_612 = tpu.vector_load %arg14[%swap3A_610, %swap3A_611] {strides = array<i32>} : memref<32x128xf32, #tpu.memory_space<vmem>>, vector<16xf32>,
        tpu.vector_store %arg14[%swap3A_610, %swap3A_611], %mul3A_609 {strides = array<i32>} : memref<32x128xf32, #tpu.memory_space<vmem>>, vector<16xf32>,
        %get3A_613 = arith.index_cast %add3A_586 : i32 to index
        %get3A_614 = arith.constant 48 : index
        %get3A_615 = tpu.vector_load %arg14[%get3A_613, %get3A_614] {strides = array<i32>} : memref<32x128xf32, #tpu.memory_space<vmem>>, vector<16xf32>,
        %mul3A_616 = arith.mulf %get3A_615, %gather3A : vector<16xf32>
        %swap3A_617 = arith.index_cast %add3A_586 : i32 to index
        %swap3A_618 = arith.constant 48 : index
        %swap3A_619 = tpu.vector_load %arg14[%swap3A_617, %swap3A_618] {strides = array<i32>} : memref<32x128xf32, #tpu.memory_space<vmem>>, vector<16xf32>,
        tpu.vector_store %arg14[%swap3A_617, %swap3A_618], %mul3A_616 {strides = array<i32>} : memref<32x128xf32, #tpu.memory_space<vmem>>, vector<16xf32>,
        %get3A_620 = arith.index_cast %add3A_586 : i32 to index
        %get3A_621 = arith.constant 64 : index
        %get3A_622 = tpu.vector_load %arg14[%get3A_620, %get3A_621] {strides = array<i32>} : memref<32x128xf32, #tpu.memory_space<vmem>>, vector<16xf32>,
        %mul3A_623 = arith.mulf %get3A_622, %gather3A : vector<16xf32>
        %swap3A_624 = arith.index_cast %add3A_586 : i32 to index
        %swap3A_625 = arith.constant 64 : index
        %swap3A_626 = tpu.vector_load %arg14[%swap3A_624, %swap3A_625] {strides = array<i32>} : memref<32x128xf32, #tpu.memory_space<vmem>>, vector<16xf32>,
        tpu.vector_store %arg14[%swap3A_624, %swap3A_625], %mul3A_623 {strides = array<i32>} : memref<32x128xf32, #tpu.memory_space<vmem>>, vector<16xf32>,
        %get3A_627 = arith.index_cast %add3A_586 : i32 to index
        %get3A_628 = arith.constant 80 : index
        %get3A_629 = tpu.vector_load %arg14[%get3A_627, %get3A_628] {strides = array<i32>} : memref<32x128xf32, #tpu.memory_space<vmem>>, vector<16xf32>,
        %mul3A_630 = arith.mulf %get3A_629, %gather3A : vector<16xf32>
        %swap3A_631 = arith.index_cast %add3A_586 : i32 to index
        %swap3A_632 = arith.constant 80 : index
        %swap3A_633 = tpu.vector_load %arg14[%swap3A_631, %swap3A_632] {strides = array<i32>} : memref<32x128xf32, #tpu.memory_space<vmem>>, vector<16xf32>,
        tpu.vector_store %arg14[%swap3A_631, %swap3A_632], %mul3A_630 {strides = array<i32>} : memref<32x128xf32, #tpu.memory_space<vmem>>, vector<16xf32>,
        %get3A_634 = arith.index_cast %add3A_586 : i32 to index
        %get3A_635 = arith.constant 96 : index
        %get3A_636 = tpu.vector_load %arg14[%get3A_634, %get3A_635] {strides = array<i32>} : memref<32x128xf32, #tpu.memory_space<vmem>>, vector<16xf32>,
        %mul3A_637 = arith.mulf %get3A_636, %gather3A : vector<16xf32>
        %swap3A_638 = arith.index_cast %add3A_586 : i32 to index
        %swap3A_639 = arith.constant 96 : index
        %swap3A_640 = tpu.vector_load %arg14[%swap3A_638, %swap3A_639] {strides = array<i32>} : memref<32x128xf32, #tpu.memory_space<vmem>>, vector<16xf32>,
        tpu.vector_store %arg14[%swap3A_638, %swap3A_639], %mul3A_637 {strides = array<i32>} : memref<32x128xf32, #tpu.memory_space<vmem>>, vector<16xf32>,
        %get3A_641 = arith.index_cast %add3A_586 : i32 to index
        %get3A_642 = arith.constant 112 : index
        %get3A_643 = tpu.vector_load %arg14[%get3A_641, %get3A_642] {strides = array<i32>} : memref<32x128xf32, #tpu.memory_space<vmem>>, vector<16xf32>,
        %mul3A_644 = arith.mulf %get3A_643, %gather3A : vector<16xf32>
        %swap3A_645 = arith.index_cast %add3A_586 : i32 to index
        %swap3A_646 = arith.constant 112 : index
        %swap3A_647 = tpu.vector_load %arg14[%swap3A_645, %swap3A_646] {strides = array<i32>} : memref<32x128xf32, #tpu.memory_space<vmem>>, vector<16xf32>,
        tpu.vector_store %arg14[%swap3A_645, %swap3A_646], %mul3A_644 {strides = array<i32>} : memref<32x128xf32, #tpu.memory_space<vmem>>, vector<16xf32>,
      }
      %scan3A_373 = arith.constant 32 : i32
      %mul3A_374 = arith.constant 32 : i32
      %mul3A_375 = arith.muli %add3A_353, %mul3A_374 : i32
      %add3A_376 = arith.constant 0 : i32
      %add3A_377 = arith.addi %mul3A_375, %add3A_376 : i32
      %get3A_378 = arith.index_cast %add3A_377 : i32 to index
      %get3A_379 = tpu.vector_load %arg8[%get3A_378] {strides = array<i32>} : memref<5120xi32, #tpu.memory_space<vmem>>, vector<16xi32>,
      %mul3A_380 = arith.constant 32 : i32
      %mul3A_381 = arith.muli %add3A_353, %mul3A_380 : i32
      %add3A_382 = arith.constant 16 : i32
      %add3A_383 = arith.addi %mul3A_381, %add3A_382 : i32
      %get3A_384 = arith.index_cast %add3A_383 : i32 to index
      %get3A_385 = tpu.vector_load %arg8[%get3A_384] {strides = array<i32>} : memref<5120xi32, #tpu.memory_space<vmem>>, vector<16xi32>,
      %dma_start3A_386 = arith.constant 0 : i32
      %dma_start3A_387 = arith.constant 0 : i32
      %dma_start3A_388 = tpu.memref_slice %arg14[%dma_start3A_386, %dma_start3A_387] : memref<32x128xf32, #tpu.memory_space<vmem>> -> memref<16x128xf32, #tpu.memory_space<vmem>>
      %dma_start3A_389 = arith.constant 0 : i32
      %dma_start3A_390 = arith.constant 0 : i32
      %dma_start3A_391 = tpu.memref_slice %arg10[%dma_start3A_389, %dma_start3A_390] : memref<10240x128xf32, #tpu.memory_space<vmem_shared>> -> memref<10240x128xf32, #tpu.memory_space<vmem_shared>>
      tpu.enqueue_indirect_dma source(%dma_start3A_388 : memref<16x128xf32, #tpu.memory_space<vmem>>) target(%dma_start3A_391 : memref<10240x128xf32, #tpu.memory_space<vmem_shared>>) offsets(%get3A_379 : vector<16xi32>) semaphore(%arg30 : memref<!tpu.dma_semaphore, #tpu.memory_space<semaphore_mem>>) {add = true}
      %dma_start3A_392 = arith.constant 16 : i32
      %dma_start3A_393 = arith.constant 0 : i32
      %dma_start3A_394 = tpu.memref_slice %arg14[%dma_start3A_392, %dma_start3A_393] : memref<32x128xf32, #tpu.memory_space<vmem>> -> memref<16x128xf32, #tpu.memory_space<vmem>>
      %dma_start3A_395 = arith.constant 0 : i32
      %dma_start3A_396 = arith.constant 0 : i32
      %dma_start3A_397 = tpu.memref_slice %arg10[%dma_start3A_395, %dma_start3A_396] : memref<10240x128xf32, #tpu.memory_space<vmem_shared>> -> memref<10240x128xf32, #tpu.memory_space<vmem_shared>>
      tpu.enqueue_indirect_dma source(%dma_start3A_394 : memref<16x128xf32, #tpu.memory_space<vmem>>) target(%dma_start3A_397 : memref<10240x128xf32, #tpu.memory_space<vmem_shared>>) offsets(%get3A_385 : vector<16xi32>) semaphore(%arg30 : memref<!tpu.dma_semaphore, #tpu.memory_space<semaphore_mem>>) {add = true}
      %add3A_398 = arith.constant 4 : i32
      %add3A_399 = arith.addi %add3A_217, %add3A_398 : i32
      %mul3A_400 = arith.constant 32 : i32
      %mul3A_401 = arith.muli %add3A_399, %mul3A_400 : i32
      %dma_wait3A_402 = tpu.memref_slice %arg7[%mul3A_401] : memref<5120xi32, #tpu.memory_space<vmem>> -> memref<32xi32, #tpu.memory_space<vmem>>
      %dma_wait3A_403 = arith.constant 0 : i32
      %dma_wait3A_404 = arith.constant 0 : i32
      %dma_wait3A_405 = tpu.memref_slice %arg5[%dma_wait3A_403, %dma_wait3A_404] : memref<10000x128xf32, #tpu.memory_space<hbm>> -> memref<10000x128xf32, #tpu.memory_space<hbm>>
      tpu.wait_indirect_dma semaphore(%arg23 : memref<!tpu.dma_semaphore, #tpu.memory_space<semaphore_mem>>) src(%dma_wait3A_405 : memref<10000x128xf32, #tpu.memory_space<hbm>>) dst(%arg15 : memref<32x128xf32, #tpu.memory_space<vmem>>)
      %add3A_406 = arith.constant 8 : i32
      %add3A_407 = arith.addi %add3A_399, %add3A_406 : i32
      %sub3A_408 = arith.constant 1 : i32
      %sub3A_409 = arith.subi %add3A_407, %sub3A_408 : i32
      %lt3A_410 = arith.constant 160 : i32
      %lt3A_411 = arith.cmpi slt, %sub3A_409, %lt3A_410 : i32
      %convert_element_type3A_412 = arith.extui %lt3A_411 : i1 to i32
      %cond3A_413 = arith.constant 0 : i32
      %cond3A_414 = arith.cmpi ne, %convert_element_type3A_412, %cond3A_413 : i32
      scf.if %cond3A_414 {
        %ge3A = arith.constant 1 : i32
        %ge3A_582 = arith.cmpi sge, %add3A_399, %ge3A : i32
        %convert_element_type3A_583 = arith.extui %ge3A_582 : i1 to i32
        %cond3A_584 = arith.constant 0 : i32
        %cond3A_585 = arith.cmpi ne, %convert_element_type3A_583, %cond3A_584 : i32
        scf.if %cond3A_585 {
          %sub3A_592 = arith.constant 1 : i32
          %sub3A_593 = arith.subi %add3A_399, %sub3A_592 : i32
          %mul3A_594 = arith.constant 32 : i32
          %mul3A_595 = arith.muli %sub3A_593, %mul3A_594 : i32
          %add3A_596 = arith.constant 0 : i32
          %add3A_597 = arith.addi %mul3A_595, %add3A_596 : i32
          %get3A_598 = arith.index_cast %add3A_597 : i32 to index
          %get3A_599 = tpu.vector_load %arg8[%get3A_598] {strides = array<i32>} : memref<5120xi32, #tpu.memory_space<vmem>>, vector<16xi32>,
          %mul3A_600 = arith.constant 32 : i32
          %mul3A_601 = arith.muli %sub3A_593, %mul3A_600 : i32
          %add3A_602 = arith.constant 16 : i32
          %add3A_603 = arith.addi %mul3A_601, %add3A_602 : i32
          %get3A_604 = arith.index_cast %add3A_603 : i32 to index
          %get3A_605 = tpu.vector_load %arg8[%get3A_604] {strides = array<i32>} : memref<5120xi32, #tpu.memory_space<vmem>>, vector<16xi32>,
          %dma_wait3A_606 = arith.constant 0 : i32
          %dma_wait3A_607 = arith.constant 0 : i32
          %dma_wait3A_608 = tpu.memref_slice %arg14[%dma_wait3A_606, %dma_wait3A_607] : memref<32x128xf32, #tpu.memory_space<vmem>> -> memref<16x128xf32, #tpu.memory_space<vmem>>
          %dma_wait3A_609 = arith.constant 0 : i32
          %dma_wait3A_610 = arith.constant 0 : i32
          %dma_wait3A_611 = tpu.memref_slice %arg10[%dma_wait3A_609, %dma_wait3A_610] : memref<10240x128xf32, #tpu.memory_space<vmem_shared>> -> memref<10240x128xf32, #tpu.memory_space<vmem_shared>>
          tpu.wait_indirect_dma semaphore(%arg30 : memref<!tpu.dma_semaphore, #tpu.memory_space<semaphore_mem>>) src(%dma_wait3A_608 : memref<16x128xf32, #tpu.memory_space<vmem>>) dst(%dma_wait3A_611 : memref<10240x128xf32, #tpu.memory_space<vmem_shared>>)
          %dma_wait3A_612 = arith.constant 16 : i32
          %dma_wait3A_613 = arith.constant 0 : i32
          %dma_wait3A_614 = tpu.memref_slice %arg14[%dma_wait3A_612, %dma_wait3A_613] : memref<32x128xf32, #tpu.memory_space<vmem>> -> memref<16x128xf32, #tpu.memory_space<vmem>>
          %dma_wait3A_615 = arith.constant 0 : i32
          %dma_wait3A_616 = arith.constant 0 : i32
          %dma_wait3A_617 = tpu.memref_slice %arg10[%dma_wait3A_615, %dma_wait3A_616] : memref<10240x128xf32, #tpu.memory_space<vmem_shared>> -> memref<10240x128xf32, #tpu.memory_space<vmem_shared>>
          tpu.wait_indirect_dma semaphore(%arg30 : memref<!tpu.dma_semaphore, #tpu.memory_space<semaphore_mem>>) src(%dma_wait3A_614 : memref<16x128xf32, #tpu.memory_space<vmem>>) dst(%dma_wait3A_617 : memref<10240x128xf32, #tpu.memory_space<vmem_shared>>)
        } else {
        }
        %mul3A_586 = arith.constant 32 : i32
        %mul3A_587 = arith.muli %sub3A_409, %mul3A_586 : i32
        %dma_start3A_588 = tpu.memref_slice %arg7[%mul3A_587] : memref<5120xi32, #tpu.memory_space<vmem>> -> memref<32xi32, #tpu.memory_space<vmem>>
        %dma_start3A_589 = arith.constant 0 : i32
        %dma_start3A_590 = arith.constant 0 : i32
        %dma_start3A_591 = tpu.memref_slice %arg5[%dma_start3A_589, %dma_start3A_590] : memref<10000x128xf32, #tpu.memory_space<hbm>> -> memref<10000x128xf32, #tpu.memory_space<hbm>>
        tpu.enqueue_indirect_dma source(%dma_start3A_591 : memref<10000x128xf32, #tpu.memory_space<hbm>>) target(%arg14 : memref<32x128xf32, #tpu.memory_space<vmem>>) offsets(%dma_start3A_588 : memref<32xi32, #tpu.memory_space<vmem>>) semaphore(%arg22 : memref<!tpu.dma_semaphore, #tpu.memory_space<semaphore_mem>>)
      } else {
      }
      %scan3A_415 = arith.constant 0 : i32
      %scan3A_416 = arith.constant 32 : i32
      %scan3A_417 = arith.addi %scan3A_415, %scan3A_416 : i32
      %scan3A_418 = arith.constant 1 : i32
      scf.for %scan3A_582 = %scan3A_415 to %scan3A_417 step %scan3A_418  : i32 {
        %mul3A_583 = arith.constant 1 : i32
        %mul3A_584 = arith.muli %scan3A_582, %mul3A_583 : i32
        %add3A_585 = arith.constant 0 : i32
        %add3A_586 = arith.addi %add3A_585, %mul3A_584 : i32
        %broadcast_in_dim3A = arith.constant 0 : i32
        %broadcast_in_dim3A_587 = vector.broadcast %broadcast_in_dim3A : i32 to vector<16xi32>
        %mul3A_588 = arith.constant 32 : i32
        %mul3A_589 = arith.muli %add3A_399, %mul3A_588 : i32
        %add3A_590 = arith.addi %mul3A_589, %add3A_586 : i32
        %add3A_591 = vector.broadcast %add3A_590 : i32 to vector<16xi32>
        %add3A_592 = arith.addi %broadcast_in_dim3A_587, %add3A_591 : vector<16xi32>
        %gather3A = tpu.vector_load_idx %arg9[%add3A_592] : memref<5120xf32, #tpu.memory_space<vmem>>[vector<16xi32>], vector<16xf32>,
        %get3A_593 = arith.index_cast %add3A_586 : i32 to index
        %get3A_594 = arith.constant 0 : index
        %get3A_595 = tpu.vector_load %arg15[%get3A_593, %get3A_594] {strides = array<i32>} : memref<32x128xf32, #tpu.memory_space<vmem>>, vector<16xf32>,
        %mul3A_596 = arith.mulf %get3A_595, %gather3A : vector<16xf32>
        %swap3A = arith.index_cast %add3A_586 : i32 to index
        %swap3A_597 = arith.constant 0 : index
        %swap3A_598 = tpu.vector_load %arg15[%swap3A, %swap3A_597] {strides = array<i32>} : memref<32x128xf32, #tpu.memory_space<vmem>>, vector<16xf32>,
        tpu.vector_store %arg15[%swap3A, %swap3A_597], %mul3A_596 {strides = array<i32>} : memref<32x128xf32, #tpu.memory_space<vmem>>, vector<16xf32>,
        %get3A_599 = arith.index_cast %add3A_586 : i32 to index
        %get3A_600 = arith.constant 16 : index
        %get3A_601 = tpu.vector_load %arg15[%get3A_599, %get3A_600] {strides = array<i32>} : memref<32x128xf32, #tpu.memory_space<vmem>>, vector<16xf32>,
        %mul3A_602 = arith.mulf %get3A_601, %gather3A : vector<16xf32>
        %swap3A_603 = arith.index_cast %add3A_586 : i32 to index
        %swap3A_604 = arith.constant 16 : index
        %swap3A_605 = tpu.vector_load %arg15[%swap3A_603, %swap3A_604] {strides = array<i32>} : memref<32x128xf32, #tpu.memory_space<vmem>>, vector<16xf32>,
        tpu.vector_store %arg15[%swap3A_603, %swap3A_604], %mul3A_602 {strides = array<i32>} : memref<32x128xf32, #tpu.memory_space<vmem>>, vector<16xf32>,
        %get3A_606 = arith.index_cast %add3A_586 : i32 to index
        %get3A_607 = arith.constant 32 : index
        %get3A_608 = tpu.vector_load %arg15[%get3A_606, %get3A_607] {strides = array<i32>} : memref<32x128xf32, #tpu.memory_space<vmem>>, vector<16xf32>,
        %mul3A_609 = arith.mulf %get3A_608, %gather3A : vector<16xf32>
        %swap3A_610 = arith.index_cast %add3A_586 : i32 to index
        %swap3A_611 = arith.constant 32 : index
        %swap3A_612 = tpu.vector_load %arg15[%swap3A_610, %swap3A_611] {strides = array<i32>} : memref<32x128xf32, #tpu.memory_space<vmem>>, vector<16xf32>,
        tpu.vector_store %arg15[%swap3A_610, %swap3A_611], %mul3A_609 {strides = array<i32>} : memref<32x128xf32, #tpu.memory_space<vmem>>, vector<16xf32>,
        %get3A_613 = arith.index_cast %add3A_586 : i32 to index
        %get3A_614 = arith.constant 48 : index
        %get3A_615 = tpu.vector_load %arg15[%get3A_613, %get3A_614] {strides = array<i32>} : memref<32x128xf32, #tpu.memory_space<vmem>>, vector<16xf32>,
        %mul3A_616 = arith.mulf %get3A_615, %gather3A : vector<16xf32>
        %swap3A_617 = arith.index_cast %add3A_586 : i32 to index
        %swap3A_618 = arith.constant 48 : index
        %swap3A_619 = tpu.vector_load %arg15[%swap3A_617, %swap3A_618] {strides = array<i32>} : memref<32x128xf32, #tpu.memory_space<vmem>>, vector<16xf32>,
        tpu.vector_store %arg15[%swap3A_617, %swap3A_618], %mul3A_616 {strides = array<i32>} : memref<32x128xf32, #tpu.memory_space<vmem>>, vector<16xf32>,
        %get3A_620 = arith.index_cast %add3A_586 : i32 to index
        %get3A_621 = arith.constant 64 : index
        %get3A_622 = tpu.vector_load %arg15[%get3A_620, %get3A_621] {strides = array<i32>} : memref<32x128xf32, #tpu.memory_space<vmem>>, vector<16xf32>,
        %mul3A_623 = arith.mulf %get3A_622, %gather3A : vector<16xf32>
        %swap3A_624 = arith.index_cast %add3A_586 : i32 to index
        %swap3A_625 = arith.constant 64 : index
        %swap3A_626 = tpu.vector_load %arg15[%swap3A_624, %swap3A_625] {strides = array<i32>} : memref<32x128xf32, #tpu.memory_space<vmem>>, vector<16xf32>,
        tpu.vector_store %arg15[%swap3A_624, %swap3A_625], %mul3A_623 {strides = array<i32>} : memref<32x128xf32, #tpu.memory_space<vmem>>, vector<16xf32>,
        %get3A_627 = arith.index_cast %add3A_586 : i32 to index
        %get3A_628 = arith.constant 80 : index
        %get3A_629 = tpu.vector_load %arg15[%get3A_627, %get3A_628] {strides = array<i32>} : memref<32x128xf32, #tpu.memory_space<vmem>>, vector<16xf32>,
        %mul3A_630 = arith.mulf %get3A_629, %gather3A : vector<16xf32>
        %swap3A_631 = arith.index_cast %add3A_586 : i32 to index
        %swap3A_632 = arith.constant 80 : index
        %swap3A_633 = tpu.vector_load %arg15[%swap3A_631, %swap3A_632] {strides = array<i32>} : memref<32x128xf32, #tpu.memory_space<vmem>>, vector<16xf32>,
        tpu.vector_store %arg15[%swap3A_631, %swap3A_632], %mul3A_630 {strides = array<i32>} : memref<32x128xf32, #tpu.memory_space<vmem>>, vector<16xf32>,
        %get3A_634 = arith.index_cast %add3A_586 : i32 to index
        %get3A_635 = arith.constant 96 : index
        %get3A_636 = tpu.vector_load %arg15[%get3A_634, %get3A_635] {strides = array<i32>} : memref<32x128xf32, #tpu.memory_space<vmem>>, vector<16xf32>,
        %mul3A_637 = arith.mulf %get3A_636, %gather3A : vector<16xf32>
        %swap3A_638 = arith.index_cast %add3A_586 : i32 to index
        %swap3A_639 = arith.constant 96 : index
        %swap3A_640 = tpu.vector_load %arg15[%swap3A_638, %swap3A_639] {strides = array<i32>} : memref<32x128xf32, #tpu.memory_space<vmem>>, vector<16xf32>,
        tpu.vector_store %arg15[%swap3A_638, %swap3A_639], %mul3A_637 {strides = array<i32>} : memref<32x128xf32, #tpu.memory_space<vmem>>, vector<16xf32>,
        %get3A_641 = arith.index_cast %add3A_586 : i32 to index
        %get3A_642 = arith.constant 112 : index
        %get3A_643 = tpu.vector_load %arg15[%get3A_641, %get3A_642] {strides = array<i32>} : memref<32x128xf32, #tpu.memory_space<vmem>>, vector<16xf32>,
        %mul3A_644 = arith.mulf %get3A_643, %gather3A : vector<16xf32>
        %swap3A_645 = arith.index_cast %add3A_586 : i32 to index
        %swap3A_646 = arith.constant 112 : index
        %swap3A_647 = tpu.vector_load %arg15[%swap3A_645, %swap3A_646] {strides = array<i32>} : memref<32x128xf32, #tpu.memory_space<vmem>>, vector<16xf32>,
        tpu.vector_store %arg15[%swap3A_645, %swap3A_646], %mul3A_644 {strides = array<i32>} : memref<32x128xf32, #tpu.memory_space<vmem>>, vector<16xf32>,
      }
      %scan3A_419 = arith.constant 32 : i32
      %mul3A_420 = arith.constant 32 : i32
      %mul3A_421 = arith.muli %add3A_399, %mul3A_420 : i32
      %add3A_422 = arith.constant 0 : i32
      %add3A_423 = arith.addi %mul3A_421, %add3A_422 : i32
      %get3A_424 = arith.index_cast %add3A_423 : i32 to index
      %get3A_425 = tpu.vector_load %arg8[%get3A_424] {strides = array<i32>} : memref<5120xi32, #tpu.memory_space<vmem>>, vector<16xi32>,
      %mul3A_426 = arith.constant 32 : i32
      %mul3A_427 = arith.muli %add3A_399, %mul3A_426 : i32
      %add3A_428 = arith.constant 16 : i32
      %add3A_429 = arith.addi %mul3A_427, %add3A_428 : i32
      %get3A_430 = arith.index_cast %add3A_429 : i32 to index
      %get3A_431 = tpu.vector_load %arg8[%get3A_430] {strides = array<i32>} : memref<5120xi32, #tpu.memory_space<vmem>>, vector<16xi32>,
      %dma_start3A_432 = arith.constant 0 : i32
      %dma_start3A_433 = arith.constant 0 : i32
      %dma_start3A_434 = tpu.memref_slice %arg15[%dma_start3A_432, %dma_start3A_433] : memref<32x128xf32, #tpu.memory_space<vmem>> -> memref<16x128xf32, #tpu.memory_space<vmem>>
      %dma_start3A_435 = arith.constant 0 : i32
      %dma_start3A_436 = arith.constant 0 : i32
      %dma_start3A_437 = tpu.memref_slice %arg10[%dma_start3A_435, %dma_start3A_436] : memref<10240x128xf32, #tpu.memory_space<vmem_shared>> -> memref<10240x128xf32, #tpu.memory_space<vmem_shared>>
      tpu.enqueue_indirect_dma source(%dma_start3A_434 : memref<16x128xf32, #tpu.memory_space<vmem>>) target(%dma_start3A_437 : memref<10240x128xf32, #tpu.memory_space<vmem_shared>>) offsets(%get3A_425 : vector<16xi32>) semaphore(%arg31 : memref<!tpu.dma_semaphore, #tpu.memory_space<semaphore_mem>>) {add = true}
      %dma_start3A_438 = arith.constant 16 : i32
      %dma_start3A_439 = arith.constant 0 : i32
      %dma_start3A_440 = tpu.memref_slice %arg15[%dma_start3A_438, %dma_start3A_439] : memref<32x128xf32, #tpu.memory_space<vmem>> -> memref<16x128xf32, #tpu.memory_space<vmem>>
      %dma_start3A_441 = arith.constant 0 : i32
      %dma_start3A_442 = arith.constant 0 : i32
      %dma_start3A_443 = tpu.memref_slice %arg10[%dma_start3A_441, %dma_start3A_442] : memref<10240x128xf32, #tpu.memory_space<vmem_shared>> -> memref<10240x128xf32, #tpu.memory_space<vmem_shared>>
      tpu.enqueue_indirect_dma source(%dma_start3A_440 : memref<16x128xf32, #tpu.memory_space<vmem>>) target(%dma_start3A_443 : memref<10240x128xf32, #tpu.memory_space<vmem_shared>>) offsets(%get3A_431 : vector<16xi32>) semaphore(%arg31 : memref<!tpu.dma_semaphore, #tpu.memory_space<semaphore_mem>>) {add = true}
      %add3A_444 = arith.constant 5 : i32
      %add3A_445 = arith.addi %add3A_217, %add3A_444 : i32
      %mul3A_446 = arith.constant 32 : i32
      %mul3A_447 = arith.muli %add3A_445, %mul3A_446 : i32
      %dma_wait3A_448 = tpu.memref_slice %arg7[%mul3A_447] : memref<5120xi32, #tpu.memory_space<vmem>> -> memref<32xi32, #tpu.memory_space<vmem>>
      %dma_wait3A_449 = arith.constant 0 : i32
      %dma_wait3A_450 = arith.constant 0 : i32
      %dma_wait3A_451 = tpu.memref_slice %arg5[%dma_wait3A_449, %dma_wait3A_450] : memref<10000x128xf32, #tpu.memory_space<hbm>> -> memref<10000x128xf32, #tpu.memory_space<hbm>>
      tpu.wait_indirect_dma semaphore(%arg24 : memref<!tpu.dma_semaphore, #tpu.memory_space<semaphore_mem>>) src(%dma_wait3A_451 : memref<10000x128xf32, #tpu.memory_space<hbm>>) dst(%arg16 : memref<32x128xf32, #tpu.memory_space<vmem>>)
      %add3A_452 = arith.constant 8 : i32
      %add3A_453 = arith.addi %add3A_445, %add3A_452 : i32
      %sub3A_454 = arith.constant 1 : i32
      %sub3A_455 = arith.subi %add3A_453, %sub3A_454 : i32
      %lt3A_456 = arith.constant 160 : i32
      %lt3A_457 = arith.cmpi slt, %sub3A_455, %lt3A_456 : i32
      %convert_element_type3A_458 = arith.extui %lt3A_457 : i1 to i32
      %cond3A_459 = arith.constant 0 : i32
      %cond3A_460 = arith.cmpi ne, %convert_element_type3A_458, %cond3A_459 : i32
      scf.if %cond3A_460 {
        %ge3A = arith.constant 1 : i32
        %ge3A_582 = arith.cmpi sge, %add3A_445, %ge3A : i32
        %convert_element_type3A_583 = arith.extui %ge3A_582 : i1 to i32
        %cond3A_584 = arith.constant 0 : i32
        %cond3A_585 = arith.cmpi ne, %convert_element_type3A_583, %cond3A_584 : i32
        scf.if %cond3A_585 {
          %sub3A_592 = arith.constant 1 : i32
          %sub3A_593 = arith.subi %add3A_445, %sub3A_592 : i32
          %mul3A_594 = arith.constant 32 : i32
          %mul3A_595 = arith.muli %sub3A_593, %mul3A_594 : i32
          %add3A_596 = arith.constant 0 : i32
          %add3A_597 = arith.addi %mul3A_595, %add3A_596 : i32
          %get3A_598 = arith.index_cast %add3A_597 : i32 to index
          %get3A_599 = tpu.vector_load %arg8[%get3A_598] {strides = array<i32>} : memref<5120xi32, #tpu.memory_space<vmem>>, vector<16xi32>,
          %mul3A_600 = arith.constant 32 : i32
          %mul3A_601 = arith.muli %sub3A_593, %mul3A_600 : i32
          %add3A_602 = arith.constant 16 : i32
          %add3A_603 = arith.addi %mul3A_601, %add3A_602 : i32
          %get3A_604 = arith.index_cast %add3A_603 : i32 to index
          %get3A_605 = tpu.vector_load %arg8[%get3A_604] {strides = array<i32>} : memref<5120xi32, #tpu.memory_space<vmem>>, vector<16xi32>,
          %dma_wait3A_606 = arith.constant 0 : i32
          %dma_wait3A_607 = arith.constant 0 : i32
          %dma_wait3A_608 = tpu.memref_slice %arg15[%dma_wait3A_606, %dma_wait3A_607] : memref<32x128xf32, #tpu.memory_space<vmem>> -> memref<16x128xf32, #tpu.memory_space<vmem>>
          %dma_wait3A_609 = arith.constant 0 : i32
          %dma_wait3A_610 = arith.constant 0 : i32
          %dma_wait3A_611 = tpu.memref_slice %arg10[%dma_wait3A_609, %dma_wait3A_610] : memref<10240x128xf32, #tpu.memory_space<vmem_shared>> -> memref<10240x128xf32, #tpu.memory_space<vmem_shared>>
          tpu.wait_indirect_dma semaphore(%arg31 : memref<!tpu.dma_semaphore, #tpu.memory_space<semaphore_mem>>) src(%dma_wait3A_608 : memref<16x128xf32, #tpu.memory_space<vmem>>) dst(%dma_wait3A_611 : memref<10240x128xf32, #tpu.memory_space<vmem_shared>>)
          %dma_wait3A_612 = arith.constant 16 : i32
          %dma_wait3A_613 = arith.constant 0 : i32
          %dma_wait3A_614 = tpu.memref_slice %arg15[%dma_wait3A_612, %dma_wait3A_613] : memref<32x128xf32, #tpu.memory_space<vmem>> -> memref<16x128xf32, #tpu.memory_space<vmem>>
          %dma_wait3A_615 = arith.constant 0 : i32
          %dma_wait3A_616 = arith.constant 0 : i32
          %dma_wait3A_617 = tpu.memref_slice %arg10[%dma_wait3A_615, %dma_wait3A_616] : memref<10240x128xf32, #tpu.memory_space<vmem_shared>> -> memref<10240x128xf32, #tpu.memory_space<vmem_shared>>
          tpu.wait_indirect_dma semaphore(%arg31 : memref<!tpu.dma_semaphore, #tpu.memory_space<semaphore_mem>>) src(%dma_wait3A_614 : memref<16x128xf32, #tpu.memory_space<vmem>>) dst(%dma_wait3A_617 : memref<10240x128xf32, #tpu.memory_space<vmem_shared>>)
        } else {
        }
        %mul3A_586 = arith.constant 32 : i32
        %mul3A_587 = arith.muli %sub3A_455, %mul3A_586 : i32
        %dma_start3A_588 = tpu.memref_slice %arg7[%mul3A_587] : memref<5120xi32, #tpu.memory_space<vmem>> -> memref<32xi32, #tpu.memory_space<vmem>>
        %dma_start3A_589 = arith.constant 0 : i32
        %dma_start3A_590 = arith.constant 0 : i32
        %dma_start3A_591 = tpu.memref_slice %arg5[%dma_start3A_589, %dma_start3A_590] : memref<10000x128xf32, #tpu.memory_space<hbm>> -> memref<10000x128xf32, #tpu.memory_space<hbm>>
        tpu.enqueue_indirect_dma source(%dma_start3A_591 : memref<10000x128xf32, #tpu.memory_space<hbm>>) target(%arg15 : memref<32x128xf32, #tpu.memory_space<vmem>>) offsets(%dma_start3A_588 : memref<32xi32, #tpu.memory_space<vmem>>) semaphore(%arg23 : memref<!tpu.dma_semaphore, #tpu.memory_space<semaphore_mem>>)
      } else {
      }
      %scan3A_461 = arith.constant 0 : i32
      %scan3A_462 = arith.constant 32 : i32
      %scan3A_463 = arith.addi %scan3A_461, %scan3A_462 : i32
      %scan3A_464 = arith.constant 1 : i32
      scf.for %scan3A_582 = %scan3A_461 to %scan3A_463 step %scan3A_464  : i32 {
        %mul3A_583 = arith.constant 1 : i32
        %mul3A_584 = arith.muli %scan3A_582, %mul3A_583 : i32
        %add3A_585 = arith.constant 0 : i32
        %add3A_586 = arith.addi %add3A_585, %mul3A_584 : i32
        %broadcast_in_dim3A = arith.constant 0 : i32
        %broadcast_in_dim3A_587 = vector.broadcast %broadcast_in_dim3A : i32 to vector<16xi32>
        %mul3A_588 = arith.constant 32 : i32
        %mul3A_589 = arith.muli %add3A_445, %mul3A_588 : i32
        %add3A_590 = arith.addi %mul3A_589, %add3A_586 : i32
        %add3A_591 = vector.broadcast %add3A_590 : i32 to vector<16xi32>
        %add3A_592 = arith.addi %broadcast_in_dim3A_587, %add3A_591 : vector<16xi32>
        %gather3A = tpu.vector_load_idx %arg9[%add3A_592] : memref<5120xf32, #tpu.memory_space<vmem>>[vector<16xi32>], vector<16xf32>,
        %get3A_593 = arith.index_cast %add3A_586 : i32 to index
        %get3A_594 = arith.constant 0 : index
        %get3A_595 = tpu.vector_load %arg16[%get3A_593, %get3A_594] {strides = array<i32>} : memref<32x128xf32, #tpu.memory_space<vmem>>, vector<16xf32>,
        %mul3A_596 = arith.mulf %get3A_595, %gather3A : vector<16xf32>
        %swap3A = arith.index_cast %add3A_586 : i32 to index
        %swap3A_597 = arith.constant 0 : index
        %swap3A_598 = tpu.vector_load %arg16[%swap3A, %swap3A_597] {strides = array<i32>} : memref<32x128xf32, #tpu.memory_space<vmem>>, vector<16xf32>,
        tpu.vector_store %arg16[%swap3A, %swap3A_597], %mul3A_596 {strides = array<i32>} : memref<32x128xf32, #tpu.memory_space<vmem>>, vector<16xf32>,
        %get3A_599 = arith.index_cast %add3A_586 : i32 to index
        %get3A_600 = arith.constant 16 : index
        %get3A_601 = tpu.vector_load %arg16[%get3A_599, %get3A_600] {strides = array<i32>} : memref<32x128xf32, #tpu.memory_space<vmem>>, vector<16xf32>,
        %mul3A_602 = arith.mulf %get3A_601, %gather3A : vector<16xf32>
        %swap3A_603 = arith.index_cast %add3A_586 : i32 to index
        %swap3A_604 = arith.constant 16 : index
        %swap3A_605 = tpu.vector_load %arg16[%swap3A_603, %swap3A_604] {strides = array<i32>} : memref<32x128xf32, #tpu.memory_space<vmem>>, vector<16xf32>,
        tpu.vector_store %arg16[%swap3A_603, %swap3A_604], %mul3A_602 {strides = array<i32>} : memref<32x128xf32, #tpu.memory_space<vmem>>, vector<16xf32>,
        %get3A_606 = arith.index_cast %add3A_586 : i32 to index
        %get3A_607 = arith.constant 32 : index
        %get3A_608 = tpu.vector_load %arg16[%get3A_606, %get3A_607] {strides = array<i32>} : memref<32x128xf32, #tpu.memory_space<vmem>>, vector<16xf32>,
        %mul3A_609 = arith.mulf %get3A_608, %gather3A : vector<16xf32>
        %swap3A_610 = arith.index_cast %add3A_586 : i32 to index
        %swap3A_611 = arith.constant 32 : index
        %swap3A_612 = tpu.vector_load %arg16[%swap3A_610, %swap3A_611] {strides = array<i32>} : memref<32x128xf32, #tpu.memory_space<vmem>>, vector<16xf32>,
        tpu.vector_store %arg16[%swap3A_610, %swap3A_611], %mul3A_609 {strides = array<i32>} : memref<32x128xf32, #tpu.memory_space<vmem>>, vector<16xf32>,
        %get3A_613 = arith.index_cast %add3A_586 : i32 to index
        %get3A_614 = arith.constant 48 : index
        %get3A_615 = tpu.vector_load %arg16[%get3A_613, %get3A_614] {strides = array<i32>} : memref<32x128xf32, #tpu.memory_space<vmem>>, vector<16xf32>,
        %mul3A_616 = arith.mulf %get3A_615, %gather3A : vector<16xf32>
        %swap3A_617 = arith.index_cast %add3A_586 : i32 to index
        %swap3A_618 = arith.constant 48 : index
        %swap3A_619 = tpu.vector_load %arg16[%swap3A_617, %swap3A_618] {strides = array<i32>} : memref<32x128xf32, #tpu.memory_space<vmem>>, vector<16xf32>,
        tpu.vector_store %arg16[%swap3A_617, %swap3A_618], %mul3A_616 {strides = array<i32>} : memref<32x128xf32, #tpu.memory_space<vmem>>, vector<16xf32>,
        %get3A_620 = arith.index_cast %add3A_586 : i32 to index
        %get3A_621 = arith.constant 64 : index
        %get3A_622 = tpu.vector_load %arg16[%get3A_620, %get3A_621] {strides = array<i32>} : memref<32x128xf32, #tpu.memory_space<vmem>>, vector<16xf32>,
        %mul3A_623 = arith.mulf %get3A_622, %gather3A : vector<16xf32>
        %swap3A_624 = arith.index_cast %add3A_586 : i32 to index
        %swap3A_625 = arith.constant 64 : index
        %swap3A_626 = tpu.vector_load %arg16[%swap3A_624, %swap3A_625] {strides = array<i32>} : memref<32x128xf32, #tpu.memory_space<vmem>>, vector<16xf32>,
        tpu.vector_store %arg16[%swap3A_624, %swap3A_625], %mul3A_623 {strides = array<i32>} : memref<32x128xf32, #tpu.memory_space<vmem>>, vector<16xf32>,
        %get3A_627 = arith.index_cast %add3A_586 : i32 to index
        %get3A_628 = arith.constant 80 : index
        %get3A_629 = tpu.vector_load %arg16[%get3A_627, %get3A_628] {strides = array<i32>} : memref<32x128xf32, #tpu.memory_space<vmem>>, vector<16xf32>,
        %mul3A_630 = arith.mulf %get3A_629, %gather3A : vector<16xf32>
        %swap3A_631 = arith.index_cast %add3A_586 : i32 to index
        %swap3A_632 = arith.constant 80 : index
        %swap3A_633 = tpu.vector_load %arg16[%swap3A_631, %swap3A_632] {strides = array<i32>} : memref<32x128xf32, #tpu.memory_space<vmem>>, vector<16xf32>,
        tpu.vector_store %arg16[%swap3A_631, %swap3A_632], %mul3A_630 {strides = array<i32>} : memref<32x128xf32, #tpu.memory_space<vmem>>, vector<16xf32>,
        %get3A_634 = arith.index_cast %add3A_586 : i32 to index
        %get3A_635 = arith.constant 96 : index
        %get3A_636 = tpu.vector_load %arg16[%get3A_634, %get3A_635] {strides = array<i32>} : memref<32x128xf32, #tpu.memory_space<vmem>>, vector<16xf32>,
        %mul3A_637 = arith.mulf %get3A_636, %gather3A : vector<16xf32>
        %swap3A_638 = arith.index_cast %add3A_586 : i32 to index
        %swap3A_639 = arith.constant 96 : index
        %swap3A_640 = tpu.vector_load %arg16[%swap3A_638, %swap3A_639] {strides = array<i32>} : memref<32x128xf32, #tpu.memory_space<vmem>>, vector<16xf32>,
        tpu.vector_store %arg16[%swap3A_638, %swap3A_639], %mul3A_637 {strides = array<i32>} : memref<32x128xf32, #tpu.memory_space<vmem>>, vector<16xf32>,
        %get3A_641 = arith.index_cast %add3A_586 : i32 to index
        %get3A_642 = arith.constant 112 : index
        %get3A_643 = tpu.vector_load %arg16[%get3A_641, %get3A_642] {strides = array<i32>} : memref<32x128xf32, #tpu.memory_space<vmem>>, vector<16xf32>,
        %mul3A_644 = arith.mulf %get3A_643, %gather3A : vector<16xf32>
        %swap3A_645 = arith.index_cast %add3A_586 : i32 to index
        %swap3A_646 = arith.constant 112 : index
        %swap3A_647 = tpu.vector_load %arg16[%swap3A_645, %swap3A_646] {strides = array<i32>} : memref<32x128xf32, #tpu.memory_space<vmem>>, vector<16xf32>,
        tpu.vector_store %arg16[%swap3A_645, %swap3A_646], %mul3A_644 {strides = array<i32>} : memref<32x128xf32, #tpu.memory_space<vmem>>, vector<16xf32>,
      }
      %scan3A_465 = arith.constant 32 : i32
      %mul3A_466 = arith.constant 32 : i32
      %mul3A_467 = arith.muli %add3A_445, %mul3A_466 : i32
      %add3A_468 = arith.constant 0 : i32
      %add3A_469 = arith.addi %mul3A_467, %add3A_468 : i32
      %get3A_470 = arith.index_cast %add3A_469 : i32 to index
      %get3A_471 = tpu.vector_load %arg8[%get3A_470] {strides = array<i32>} : memref<5120xi32, #tpu.memory_space<vmem>>, vector<16xi32>,
      %mul3A_472 = arith.constant 32 : i32
      %mul3A_473 = arith.muli %add3A_445, %mul3A_472 : i32
      %add3A_474 = arith.constant 16 : i32
      %add3A_475 = arith.addi %mul3A_473, %add3A_474 : i32
      %get3A_476 = arith.index_cast %add3A_475 : i32 to index
      %get3A_477 = tpu.vector_load %arg8[%get3A_476] {strides = array<i32>} : memref<5120xi32, #tpu.memory_space<vmem>>, vector<16xi32>,
      %dma_start3A_478 = arith.constant 0 : i32
      %dma_start3A_479 = arith.constant 0 : i32
      %dma_start3A_480 = tpu.memref_slice %arg16[%dma_start3A_478, %dma_start3A_479] : memref<32x128xf32, #tpu.memory_space<vmem>> -> memref<16x128xf32, #tpu.memory_space<vmem>>
      %dma_start3A_481 = arith.constant 0 : i32
      %dma_start3A_482 = arith.constant 0 : i32
      %dma_start3A_483 = tpu.memref_slice %arg10[%dma_start3A_481, %dma_start3A_482] : memref<10240x128xf32, #tpu.memory_space<vmem_shared>> -> memref<10240x128xf32, #tpu.memory_space<vmem_shared>>
      tpu.enqueue_indirect_dma source(%dma_start3A_480 : memref<16x128xf32, #tpu.memory_space<vmem>>) target(%dma_start3A_483 : memref<10240x128xf32, #tpu.memory_space<vmem_shared>>) offsets(%get3A_471 : vector<16xi32>) semaphore(%arg32 : memref<!tpu.dma_semaphore, #tpu.memory_space<semaphore_mem>>) {add = true}
      %dma_start3A_484 = arith.constant 16 : i32
      %dma_start3A_485 = arith.constant 0 : i32
      %dma_start3A_486 = tpu.memref_slice %arg16[%dma_start3A_484, %dma_start3A_485] : memref<32x128xf32, #tpu.memory_space<vmem>> -> memref<16x128xf32, #tpu.memory_space<vmem>>
      %dma_start3A_487 = arith.constant 0 : i32
      %dma_start3A_488 = arith.constant 0 : i32
      %dma_start3A_489 = tpu.memref_slice %arg10[%dma_start3A_487, %dma_start3A_488] : memref<10240x128xf32, #tpu.memory_space<vmem_shared>> -> memref<10240x128xf32, #tpu.memory_space<vmem_shared>>
      tpu.enqueue_indirect_dma source(%dma_start3A_486 : memref<16x128xf32, #tpu.memory_space<vmem>>) target(%dma_start3A_489 : memref<10240x128xf32, #tpu.memory_space<vmem_shared>>) offsets(%get3A_477 : vector<16xi32>) semaphore(%arg32 : memref<!tpu.dma_semaphore, #tpu.memory_space<semaphore_mem>>) {add = true}
      %add3A_490 = arith.constant 6 : i32
      %add3A_491 = arith.addi %add3A_217, %add3A_490 : i32
      %mul3A_492 = arith.constant 32 : i32
      %mul3A_493 = arith.muli %add3A_491, %mul3A_492 : i32
      %dma_wait3A_494 = tpu.memref_slice %arg7[%mul3A_493] : memref<5120xi32, #tpu.memory_space<vmem>> -> memref<32xi32, #tpu.memory_space<vmem>>
      %dma_wait3A_495 = arith.constant 0 : i32
      %dma_wait3A_496 = arith.constant 0 : i32
      %dma_wait3A_497 = tpu.memref_slice %arg5[%dma_wait3A_495, %dma_wait3A_496] : memref<10000x128xf32, #tpu.memory_space<hbm>> -> memref<10000x128xf32, #tpu.memory_space<hbm>>
      tpu.wait_indirect_dma semaphore(%arg25 : memref<!tpu.dma_semaphore, #tpu.memory_space<semaphore_mem>>) src(%dma_wait3A_497 : memref<10000x128xf32, #tpu.memory_space<hbm>>) dst(%arg17 : memref<32x128xf32, #tpu.memory_space<vmem>>)
      %add3A_498 = arith.constant 8 : i32
      %add3A_499 = arith.addi %add3A_491, %add3A_498 : i32
      %sub3A_500 = arith.constant 1 : i32
      %sub3A_501 = arith.subi %add3A_499, %sub3A_500 : i32
      %lt3A_502 = arith.constant 160 : i32
      %lt3A_503 = arith.cmpi slt, %sub3A_501, %lt3A_502 : i32
      %convert_element_type3A_504 = arith.extui %lt3A_503 : i1 to i32
      %cond3A_505 = arith.constant 0 : i32
      %cond3A_506 = arith.cmpi ne, %convert_element_type3A_504, %cond3A_505 : i32
      scf.if %cond3A_506 {
        %ge3A = arith.constant 1 : i32
        %ge3A_582 = arith.cmpi sge, %add3A_491, %ge3A : i32
        %convert_element_type3A_583 = arith.extui %ge3A_582 : i1 to i32
        %cond3A_584 = arith.constant 0 : i32
        %cond3A_585 = arith.cmpi ne, %convert_element_type3A_583, %cond3A_584 : i32
        scf.if %cond3A_585 {
          %sub3A_592 = arith.constant 1 : i32
          %sub3A_593 = arith.subi %add3A_491, %sub3A_592 : i32
          %mul3A_594 = arith.constant 32 : i32
          %mul3A_595 = arith.muli %sub3A_593, %mul3A_594 : i32
          %add3A_596 = arith.constant 0 : i32
          %add3A_597 = arith.addi %mul3A_595, %add3A_596 : i32
          %get3A_598 = arith.index_cast %add3A_597 : i32 to index
          %get3A_599 = tpu.vector_load %arg8[%get3A_598] {strides = array<i32>} : memref<5120xi32, #tpu.memory_space<vmem>>, vector<16xi32>,
          %mul3A_600 = arith.constant 32 : i32
          %mul3A_601 = arith.muli %sub3A_593, %mul3A_600 : i32
          %add3A_602 = arith.constant 16 : i32
          %add3A_603 = arith.addi %mul3A_601, %add3A_602 : i32
          %get3A_604 = arith.index_cast %add3A_603 : i32 to index
          %get3A_605 = tpu.vector_load %arg8[%get3A_604] {strides = array<i32>} : memref<5120xi32, #tpu.memory_space<vmem>>, vector<16xi32>,
          %dma_wait3A_606 = arith.constant 0 : i32
          %dma_wait3A_607 = arith.constant 0 : i32
          %dma_wait3A_608 = tpu.memref_slice %arg16[%dma_wait3A_606, %dma_wait3A_607] : memref<32x128xf32, #tpu.memory_space<vmem>> -> memref<16x128xf32, #tpu.memory_space<vmem>>
          %dma_wait3A_609 = arith.constant 0 : i32
          %dma_wait3A_610 = arith.constant 0 : i32
          %dma_wait3A_611 = tpu.memref_slice %arg10[%dma_wait3A_609, %dma_wait3A_610] : memref<10240x128xf32, #tpu.memory_space<vmem_shared>> -> memref<10240x128xf32, #tpu.memory_space<vmem_shared>>
          tpu.wait_indirect_dma semaphore(%arg32 : memref<!tpu.dma_semaphore, #tpu.memory_space<semaphore_mem>>) src(%dma_wait3A_608 : memref<16x128xf32, #tpu.memory_space<vmem>>) dst(%dma_wait3A_611 : memref<10240x128xf32, #tpu.memory_space<vmem_shared>>)
          %dma_wait3A_612 = arith.constant 16 : i32
          %dma_wait3A_613 = arith.constant 0 : i32
          %dma_wait3A_614 = tpu.memref_slice %arg16[%dma_wait3A_612, %dma_wait3A_613] : memref<32x128xf32, #tpu.memory_space<vmem>> -> memref<16x128xf32, #tpu.memory_space<vmem>>
          %dma_wait3A_615 = arith.constant 0 : i32
          %dma_wait3A_616 = arith.constant 0 : i32
          %dma_wait3A_617 = tpu.memref_slice %arg10[%dma_wait3A_615, %dma_wait3A_616] : memref<10240x128xf32, #tpu.memory_space<vmem_shared>> -> memref<10240x128xf32, #tpu.memory_space<vmem_shared>>
          tpu.wait_indirect_dma semaphore(%arg32 : memref<!tpu.dma_semaphore, #tpu.memory_space<semaphore_mem>>) src(%dma_wait3A_614 : memref<16x128xf32, #tpu.memory_space<vmem>>) dst(%dma_wait3A_617 : memref<10240x128xf32, #tpu.memory_space<vmem_shared>>)
        } else {
        }
        %mul3A_586 = arith.constant 32 : i32
        %mul3A_587 = arith.muli %sub3A_501, %mul3A_586 : i32
        %dma_start3A_588 = tpu.memref_slice %arg7[%mul3A_587] : memref<5120xi32, #tpu.memory_space<vmem>> -> memref<32xi32, #tpu.memory_space<vmem>>
        %dma_start3A_589 = arith.constant 0 : i32
        %dma_start3A_590 = arith.constant 0 : i32
        %dma_start3A_591 = tpu.memref_slice %arg5[%dma_start3A_589, %dma_start3A_590] : memref<10000x128xf32, #tpu.memory_space<hbm>> -> memref<10000x128xf32, #tpu.memory_space<hbm>>
        tpu.enqueue_indirect_dma source(%dma_start3A_591 : memref<10000x128xf32, #tpu.memory_space<hbm>>) target(%arg16 : memref<32x128xf32, #tpu.memory_space<vmem>>) offsets(%dma_start3A_588 : memref<32xi32, #tpu.memory_space<vmem>>) semaphore(%arg24 : memref<!tpu.dma_semaphore, #tpu.memory_space<semaphore_mem>>)
      } else {
      }
      %scan3A_507 = arith.constant 0 : i32
      %scan3A_508 = arith.constant 32 : i32
      %scan3A_509 = arith.addi %scan3A_507, %scan3A_508 : i32
      %scan3A_510 = arith.constant 1 : i32
      scf.for %scan3A_582 = %scan3A_507 to %scan3A_509 step %scan3A_510  : i32 {
        %mul3A_583 = arith.constant 1 : i32
        %mul3A_584 = arith.muli %scan3A_582, %mul3A_583 : i32
        %add3A_585 = arith.constant 0 : i32
        %add3A_586 = arith.addi %add3A_585, %mul3A_584 : i32
        %broadcast_in_dim3A = arith.constant 0 : i32
        %broadcast_in_dim3A_587 = vector.broadcast %broadcast_in_dim3A : i32 to vector<16xi32>
        %mul3A_588 = arith.constant 32 : i32
        %mul3A_589 = arith.muli %add3A_491, %mul3A_588 : i32
        %add3A_590 = arith.addi %mul3A_589, %add3A_586 : i32
        %add3A_591 = vector.broadcast %add3A_590 : i32 to vector<16xi32>
        %add3A_592 = arith.addi %broadcast_in_dim3A_587, %add3A_591 : vector<16xi32>
        %gather3A = tpu.vector_load_idx %arg9[%add3A_592] : memref<5120xf32, #tpu.memory_space<vmem>>[vector<16xi32>], vector<16xf32>,
        %get3A_593 = arith.index_cast %add3A_586 : i32 to index
        %get3A_594 = arith.constant 0 : index
        %get3A_595 = tpu.vector_load %arg17[%get3A_593, %get3A_594] {strides = array<i32>} : memref<32x128xf32, #tpu.memory_space<vmem>>, vector<16xf32>,
        %mul3A_596 = arith.mulf %get3A_595, %gather3A : vector<16xf32>
        %swap3A = arith.index_cast %add3A_586 : i32 to index
        %swap3A_597 = arith.constant 0 : index
        %swap3A_598 = tpu.vector_load %arg17[%swap3A, %swap3A_597] {strides = array<i32>} : memref<32x128xf32, #tpu.memory_space<vmem>>, vector<16xf32>,
        tpu.vector_store %arg17[%swap3A, %swap3A_597], %mul3A_596 {strides = array<i32>} : memref<32x128xf32, #tpu.memory_space<vmem>>, vector<16xf32>,
        %get3A_599 = arith.index_cast %add3A_586 : i32 to index
        %get3A_600 = arith.constant 16 : index
        %get3A_601 = tpu.vector_load %arg17[%get3A_599, %get3A_600] {strides = array<i32>} : memref<32x128xf32, #tpu.memory_space<vmem>>, vector<16xf32>,
        %mul3A_602 = arith.mulf %get3A_601, %gather3A : vector<16xf32>
        %swap3A_603 = arith.index_cast %add3A_586 : i32 to index
        %swap3A_604 = arith.constant 16 : index
        %swap3A_605 = tpu.vector_load %arg17[%swap3A_603, %swap3A_604] {strides = array<i32>} : memref<32x128xf32, #tpu.memory_space<vmem>>, vector<16xf32>,
        tpu.vector_store %arg17[%swap3A_603, %swap3A_604], %mul3A_602 {strides = array<i32>} : memref<32x128xf32, #tpu.memory_space<vmem>>, vector<16xf32>,
        %get3A_606 = arith.index_cast %add3A_586 : i32 to index
        %get3A_607 = arith.constant 32 : index
        %get3A_608 = tpu.vector_load %arg17[%get3A_606, %get3A_607] {strides = array<i32>} : memref<32x128xf32, #tpu.memory_space<vmem>>, vector<16xf32>,
        %mul3A_609 = arith.mulf %get3A_608, %gather3A : vector<16xf32>
        %swap3A_610 = arith.index_cast %add3A_586 : i32 to index
        %swap3A_611 = arith.constant 32 : index
        %swap3A_612 = tpu.vector_load %arg17[%swap3A_610, %swap3A_611] {strides = array<i32>} : memref<32x128xf32, #tpu.memory_space<vmem>>, vector<16xf32>,
        tpu.vector_store %arg17[%swap3A_610, %swap3A_611], %mul3A_609 {strides = array<i32>} : memref<32x128xf32, #tpu.memory_space<vmem>>, vector<16xf32>,
        %get3A_613 = arith.index_cast %add3A_586 : i32 to index
        %get3A_614 = arith.constant 48 : index
        %get3A_615 = tpu.vector_load %arg17[%get3A_613, %get3A_614] {strides = array<i32>} : memref<32x128xf32, #tpu.memory_space<vmem>>, vector<16xf32>,
        %mul3A_616 = arith.mulf %get3A_615, %gather3A : vector<16xf32>
        %swap3A_617 = arith.index_cast %add3A_586 : i32 to index
        %swap3A_618 = arith.constant 48 : index
        %swap3A_619 = tpu.vector_load %arg17[%swap3A_617, %swap3A_618] {strides = array<i32>} : memref<32x128xf32, #tpu.memory_space<vmem>>, vector<16xf32>,
        tpu.vector_store %arg17[%swap3A_617, %swap3A_618], %mul3A_616 {strides = array<i32>} : memref<32x128xf32, #tpu.memory_space<vmem>>, vector<16xf32>,
        %get3A_620 = arith.index_cast %add3A_586 : i32 to index
        %get3A_621 = arith.constant 64 : index
        %get3A_622 = tpu.vector_load %arg17[%get3A_620, %get3A_621] {strides = array<i32>} : memref<32x128xf32, #tpu.memory_space<vmem>>, vector<16xf32>,
        %mul3A_623 = arith.mulf %get3A_622, %gather3A : vector<16xf32>
        %swap3A_624 = arith.index_cast %add3A_586 : i32 to index
        %swap3A_625 = arith.constant 64 : index
        %swap3A_626 = tpu.vector_load %arg17[%swap3A_624, %swap3A_625] {strides = array<i32>} : memref<32x128xf32, #tpu.memory_space<vmem>>, vector<16xf32>,
        tpu.vector_store %arg17[%swap3A_624, %swap3A_625], %mul3A_623 {strides = array<i32>} : memref<32x128xf32, #tpu.memory_space<vmem>>, vector<16xf32>,
        %get3A_627 = arith.index_cast %add3A_586 : i32 to index
        %get3A_628 = arith.constant 80 : index
        %get3A_629 = tpu.vector_load %arg17[%get3A_627, %get3A_628] {strides = array<i32>} : memref<32x128xf32, #tpu.memory_space<vmem>>, vector<16xf32>,
        %mul3A_630 = arith.mulf %get3A_629, %gather3A : vector<16xf32>
        %swap3A_631 = arith.index_cast %add3A_586 : i32 to index
        %swap3A_632 = arith.constant 80 : index
        %swap3A_633 = tpu.vector_load %arg17[%swap3A_631, %swap3A_632] {strides = array<i32>} : memref<32x128xf32, #tpu.memory_space<vmem>>, vector<16xf32>,
        tpu.vector_store %arg17[%swap3A_631, %swap3A_632], %mul3A_630 {strides = array<i32>} : memref<32x128xf32, #tpu.memory_space<vmem>>, vector<16xf32>,
        %get3A_634 = arith.index_cast %add3A_586 : i32 to index
        %get3A_635 = arith.constant 96 : index
        %get3A_636 = tpu.vector_load %arg17[%get3A_634, %get3A_635] {strides = array<i32>} : memref<32x128xf32, #tpu.memory_space<vmem>>, vector<16xf32>,
        %mul3A_637 = arith.mulf %get3A_636, %gather3A : vector<16xf32>
        %swap3A_638 = arith.index_cast %add3A_586 : i32 to index
        %swap3A_639 = arith.constant 96 : index
        %swap3A_640 = tpu.vector_load %arg17[%swap3A_638, %swap3A_639] {strides = array<i32>} : memref<32x128xf32, #tpu.memory_space<vmem>>, vector<16xf32>,
        tpu.vector_store %arg17[%swap3A_638, %swap3A_639], %mul3A_637 {strides = array<i32>} : memref<32x128xf32, #tpu.memory_space<vmem>>, vector<16xf32>,
        %get3A_641 = arith.index_cast %add3A_586 : i32 to index
        %get3A_642 = arith.constant 112 : index
        %get3A_643 = tpu.vector_load %arg17[%get3A_641, %get3A_642] {strides = array<i32>} : memref<32x128xf32, #tpu.memory_space<vmem>>, vector<16xf32>,
        %mul3A_644 = arith.mulf %get3A_643, %gather3A : vector<16xf32>
        %swap3A_645 = arith.index_cast %add3A_586 : i32 to index
        %swap3A_646 = arith.constant 112 : index
        %swap3A_647 = tpu.vector_load %arg17[%swap3A_645, %swap3A_646] {strides = array<i32>} : memref<32x128xf32, #tpu.memory_space<vmem>>, vector<16xf32>,
        tpu.vector_store %arg17[%swap3A_645, %swap3A_646], %mul3A_644 {strides = array<i32>} : memref<32x128xf32, #tpu.memory_space<vmem>>, vector<16xf32>,
      }
      %scan3A_511 = arith.constant 32 : i32
      %mul3A_512 = arith.constant 32 : i32
      %mul3A_513 = arith.muli %add3A_491, %mul3A_512 : i32
      %add3A_514 = arith.constant 0 : i32
      %add3A_515 = arith.addi %mul3A_513, %add3A_514 : i32
      %get3A_516 = arith.index_cast %add3A_515 : i32 to index
      %get3A_517 = tpu.vector_load %arg8[%get3A_516] {strides = array<i32>} : memref<5120xi32, #tpu.memory_space<vmem>>, vector<16xi32>,
      %mul3A_518 = arith.constant 32 : i32
      %mul3A_519 = arith.muli %add3A_491, %mul3A_518 : i32
      %add3A_520 = arith.constant 16 : i32
      %add3A_521 = arith.addi %mul3A_519, %add3A_520 : i32
      %get3A_522 = arith.index_cast %add3A_521 : i32 to index
      %get3A_523 = tpu.vector_load %arg8[%get3A_522] {strides = array<i32>} : memref<5120xi32, #tpu.memory_space<vmem>>, vector<16xi32>,
      %dma_start3A_524 = arith.constant 0 : i32
      %dma_start3A_525 = arith.constant 0 : i32
      %dma_start3A_526 = tpu.memref_slice %arg17[%dma_start3A_524, %dma_start3A_525] : memref<32x128xf32, #tpu.memory_space<vmem>> -> memref<16x128xf32, #tpu.memory_space<vmem>>
      %dma_start3A_527 = arith.constant 0 : i32
      %dma_start3A_528 = arith.constant 0 : i32
      %dma_start3A_529 = tpu.memref_slice %arg10[%dma_start3A_527, %dma_start3A_528] : memref<10240x128xf32, #tpu.memory_space<vmem_shared>> -> memref<10240x128xf32, #tpu.memory_space<vmem_shared>>
      tpu.enqueue_indirect_dma source(%dma_start3A_526 : memref<16x128xf32, #tpu.memory_space<vmem>>) target(%dma_start3A_529 : memref<10240x128xf32, #tpu.memory_space<vmem_shared>>) offsets(%get3A_517 : vector<16xi32>) semaphore(%arg33 : memref<!tpu.dma_semaphore, #tpu.memory_space<semaphore_mem>>) {add = true}
      %dma_start3A_530 = arith.constant 16 : i32
      %dma_start3A_531 = arith.constant 0 : i32
      %dma_start3A_532 = tpu.memref_slice %arg17[%dma_start3A_530, %dma_start3A_531] : memref<32x128xf32, #tpu.memory_space<vmem>> -> memref<16x128xf32, #tpu.memory_space<vmem>>
      %dma_start3A_533 = arith.constant 0 : i32
      %dma_start3A_534 = arith.constant 0 : i32
      %dma_start3A_535 = tpu.memref_slice %arg10[%dma_start3A_533, %dma_start3A_534] : memref<10240x128xf32, #tpu.memory_space<vmem_shared>> -> memref<10240x128xf32, #tpu.memory_space<vmem_shared>>
      tpu.enqueue_indirect_dma source(%dma_start3A_532 : memref<16x128xf32, #tpu.memory_space<vmem>>) target(%dma_start3A_535 : memref<10240x128xf32, #tpu.memory_space<vmem_shared>>) offsets(%get3A_523 : vector<16xi32>) semaphore(%arg33 : memref<!tpu.dma_semaphore, #tpu.memory_space<semaphore_mem>>) {add = true}
      %add3A_536 = arith.constant 7 : i32
      %add3A_537 = arith.addi %add3A_217, %add3A_536 : i32
      %mul3A_538 = arith.constant 32 : i32
      %mul3A_539 = arith.muli %add3A_537, %mul3A_538 : i32
      %dma_wait3A_540 = tpu.memref_slice %arg7[%mul3A_539] : memref<5120xi32, #tpu.memory_space<vmem>> -> memref<32xi32, #tpu.memory_space<vmem>>
      %dma_wait3A_541 = arith.constant 0 : i32
      %dma_wait3A_542 = arith.constant 0 : i32
      %dma_wait3A_543 = tpu.memref_slice %arg5[%dma_wait3A_541, %dma_wait3A_542] : memref<10000x128xf32, #tpu.memory_space<hbm>> -> memref<10000x128xf32, #tpu.memory_space<hbm>>
      tpu.wait_indirect_dma semaphore(%arg26 : memref<!tpu.dma_semaphore, #tpu.memory_space<semaphore_mem>>) src(%dma_wait3A_543 : memref<10000x128xf32, #tpu.memory_space<hbm>>) dst(%arg18 : memref<32x128xf32, #tpu.memory_space<vmem>>)
      %add3A_544 = arith.constant 8 : i32
      %add3A_545 = arith.addi %add3A_537, %add3A_544 : i32
      %sub3A_546 = arith.constant 1 : i32
      %sub3A_547 = arith.subi %add3A_545, %sub3A_546 : i32
      %lt3A_548 = arith.constant 160 : i32
      %lt3A_549 = arith.cmpi slt, %sub3A_547, %lt3A_548 : i32
      %convert_element_type3A_550 = arith.extui %lt3A_549 : i1 to i32
      %cond3A_551 = arith.constant 0 : i32
      %cond3A_552 = arith.cmpi ne, %convert_element_type3A_550, %cond3A_551 : i32
      scf.if %cond3A_552 {
        %ge3A = arith.constant 1 : i32
        %ge3A_582 = arith.cmpi sge, %add3A_537, %ge3A : i32
        %convert_element_type3A_583 = arith.extui %ge3A_582 : i1 to i32
        %cond3A_584 = arith.constant 0 : i32
        %cond3A_585 = arith.cmpi ne, %convert_element_type3A_583, %cond3A_584 : i32
        scf.if %cond3A_585 {
          %sub3A_592 = arith.constant 1 : i32
          %sub3A_593 = arith.subi %add3A_537, %sub3A_592 : i32
          %mul3A_594 = arith.constant 32 : i32
          %mul3A_595 = arith.muli %sub3A_593, %mul3A_594 : i32
          %add3A_596 = arith.constant 0 : i32
          %add3A_597 = arith.addi %mul3A_595, %add3A_596 : i32
          %get3A_598 = arith.index_cast %add3A_597 : i32 to index
          %get3A_599 = tpu.vector_load %arg8[%get3A_598] {strides = array<i32>} : memref<5120xi32, #tpu.memory_space<vmem>>, vector<16xi32>,
          %mul3A_600 = arith.constant 32 : i32
          %mul3A_601 = arith.muli %sub3A_593, %mul3A_600 : i32
          %add3A_602 = arith.constant 16 : i32
          %add3A_603 = arith.addi %mul3A_601, %add3A_602 : i32
          %get3A_604 = arith.index_cast %add3A_603 : i32 to index
          %get3A_605 = tpu.vector_load %arg8[%get3A_604] {strides = array<i32>} : memref<5120xi32, #tpu.memory_space<vmem>>, vector<16xi32>,
          %dma_wait3A_606 = arith.constant 0 : i32
          %dma_wait3A_607 = arith.constant 0 : i32
          %dma_wait3A_608 = tpu.memref_slice %arg17[%dma_wait3A_606, %dma_wait3A_607] : memref<32x128xf32, #tpu.memory_space<vmem>> -> memref<16x128xf32, #tpu.memory_space<vmem>>
          %dma_wait3A_609 = arith.constant 0 : i32
          %dma_wait3A_610 = arith.constant 0 : i32
          %dma_wait3A_611 = tpu.memref_slice %arg10[%dma_wait3A_609, %dma_wait3A_610] : memref<10240x128xf32, #tpu.memory_space<vmem_shared>> -> memref<10240x128xf32, #tpu.memory_space<vmem_shared>>
          tpu.wait_indirect_dma semaphore(%arg33 : memref<!tpu.dma_semaphore, #tpu.memory_space<semaphore_mem>>) src(%dma_wait3A_608 : memref<16x128xf32, #tpu.memory_space<vmem>>) dst(%dma_wait3A_611 : memref<10240x128xf32, #tpu.memory_space<vmem_shared>>)
          %dma_wait3A_612 = arith.constant 16 : i32
          %dma_wait3A_613 = arith.constant 0 : i32
          %dma_wait3A_614 = tpu.memref_slice %arg17[%dma_wait3A_612, %dma_wait3A_613] : memref<32x128xf32, #tpu.memory_space<vmem>> -> memref<16x128xf32, #tpu.memory_space<vmem>>
          %dma_wait3A_615 = arith.constant 0 : i32
          %dma_wait3A_616 = arith.constant 0 : i32
          %dma_wait3A_617 = tpu.memref_slice %arg10[%dma_wait3A_615, %dma_wait3A_616] : memref<10240x128xf32, #tpu.memory_space<vmem_shared>> -> memref<10240x128xf32, #tpu.memory_space<vmem_shared>>
          tpu.wait_indirect_dma semaphore(%arg33 : memref<!tpu.dma_semaphore, #tpu.memory_space<semaphore_mem>>) src(%dma_wait3A_614 : memref<16x128xf32, #tpu.memory_space<vmem>>) dst(%dma_wait3A_617 : memref<10240x128xf32, #tpu.memory_space<vmem_shared>>)
        } else {
        }
        %mul3A_586 = arith.constant 32 : i32
        %mul3A_587 = arith.muli %sub3A_547, %mul3A_586 : i32
        %dma_start3A_588 = tpu.memref_slice %arg7[%mul3A_587] : memref<5120xi32, #tpu.memory_space<vmem>> -> memref<32xi32, #tpu.memory_space<vmem>>
        %dma_start3A_589 = arith.constant 0 : i32
        %dma_start3A_590 = arith.constant 0 : i32
        %dma_start3A_591 = tpu.memref_slice %arg5[%dma_start3A_589, %dma_start3A_590] : memref<10000x128xf32, #tpu.memory_space<hbm>> -> memref<10000x128xf32, #tpu.memory_space<hbm>>
        tpu.enqueue_indirect_dma source(%dma_start3A_591 : memref<10000x128xf32, #tpu.memory_space<hbm>>) target(%arg17 : memref<32x128xf32, #tpu.memory_space<vmem>>) offsets(%dma_start3A_588 : memref<32xi32, #tpu.memory_space<vmem>>) semaphore(%arg25 : memref<!tpu.dma_semaphore, #tpu.memory_space<semaphore_mem>>)
      } else {
      }
      %scan3A_553 = arith.constant 0 : i32
      %scan3A_554 = arith.constant 32 : i32
      %scan3A_555 = arith.addi %scan3A_553, %scan3A_554 : i32
      %scan3A_556 = arith.constant 1 : i32
      scf.for %scan3A_582 = %scan3A_553 to %scan3A_555 step %scan3A_556  : i32 {
        %mul3A_583 = arith.constant 1 : i32
        %mul3A_584 = arith.muli %scan3A_582, %mul3A_583 : i32
        %add3A_585 = arith.constant 0 : i32
        %add3A_586 = arith.addi %add3A_585, %mul3A_584 : i32
        %broadcast_in_dim3A = arith.constant 0 : i32
        %broadcast_in_dim3A_587 = vector.broadcast %broadcast_in_dim3A : i32 to vector<16xi32>
        %mul3A_588 = arith.constant 32 : i32
        %mul3A_589 = arith.muli %add3A_537, %mul3A_588 : i32
        %add3A_590 = arith.addi %mul3A_589, %add3A_586 : i32
        %add3A_591 = vector.broadcast %add3A_590 : i32 to vector<16xi32>
        %add3A_592 = arith.addi %broadcast_in_dim3A_587, %add3A_591 : vector<16xi32>
        %gather3A = tpu.vector_load_idx %arg9[%add3A_592] : memref<5120xf32, #tpu.memory_space<vmem>>[vector<16xi32>], vector<16xf32>,
        %get3A_593 = arith.index_cast %add3A_586 : i32 to index
        %get3A_594 = arith.constant 0 : index
        %get3A_595 = tpu.vector_load %arg18[%get3A_593, %get3A_594] {strides = array<i32>} : memref<32x128xf32, #tpu.memory_space<vmem>>, vector<16xf32>,
        %mul3A_596 = arith.mulf %get3A_595, %gather3A : vector<16xf32>
        %swap3A = arith.index_cast %add3A_586 : i32 to index
        %swap3A_597 = arith.constant 0 : index
        %swap3A_598 = tpu.vector_load %arg18[%swap3A, %swap3A_597] {strides = array<i32>} : memref<32x128xf32, #tpu.memory_space<vmem>>, vector<16xf32>,
        tpu.vector_store %arg18[%swap3A, %swap3A_597], %mul3A_596 {strides = array<i32>} : memref<32x128xf32, #tpu.memory_space<vmem>>, vector<16xf32>,
        %get3A_599 = arith.index_cast %add3A_586 : i32 to index
        %get3A_600 = arith.constant 16 : index
        %get3A_601 = tpu.vector_load %arg18[%get3A_599, %get3A_600] {strides = array<i32>} : memref<32x128xf32, #tpu.memory_space<vmem>>, vector<16xf32>,
        %mul3A_602 = arith.mulf %get3A_601, %gather3A : vector<16xf32>
        %swap3A_603 = arith.index_cast %add3A_586 : i32 to index
        %swap3A_604 = arith.constant 16 : index
        %swap3A_605 = tpu.vector_load %arg18[%swap3A_603, %swap3A_604] {strides = array<i32>} : memref<32x128xf32, #tpu.memory_space<vmem>>, vector<16xf32>,
        tpu.vector_store %arg18[%swap3A_603, %swap3A_604], %mul3A_602 {strides = array<i32>} : memref<32x128xf32, #tpu.memory_space<vmem>>, vector<16xf32>,
        %get3A_606 = arith.index_cast %add3A_586 : i32 to index
        %get3A_607 = arith.constant 32 : index
        %get3A_608 = tpu.vector_load %arg18[%get3A_606, %get3A_607] {strides = array<i32>} : memref<32x128xf32, #tpu.memory_space<vmem>>, vector<16xf32>,
        %mul3A_609 = arith.mulf %get3A_608, %gather3A : vector<16xf32>
        %swap3A_610 = arith.index_cast %add3A_586 : i32 to index
        %swap3A_611 = arith.constant 32 : index
        %swap3A_612 = tpu.vector_load %arg18[%swap3A_610, %swap3A_611] {strides = array<i32>} : memref<32x128xf32, #tpu.memory_space<vmem>>, vector<16xf32>,
        tpu.vector_store %arg18[%swap3A_610, %swap3A_611], %mul3A_609 {strides = array<i32>} : memref<32x128xf32, #tpu.memory_space<vmem>>, vector<16xf32>,
        %get3A_613 = arith.index_cast %add3A_586 : i32 to index
        %get3A_614 = arith.constant 48 : index
        %get3A_615 = tpu.vector_load %arg18[%get3A_613, %get3A_614] {strides = array<i32>} : memref<32x128xf32, #tpu.memory_space<vmem>>, vector<16xf32>,
        %mul3A_616 = arith.mulf %get3A_615, %gather3A : vector<16xf32>
        %swap3A_617 = arith.index_cast %add3A_586 : i32 to index
        %swap3A_618 = arith.constant 48 : index
        %swap3A_619 = tpu.vector_load %arg18[%swap3A_617, %swap3A_618] {strides = array<i32>} : memref<32x128xf32, #tpu.memory_space<vmem>>, vector<16xf32>,
        tpu.vector_store %arg18[%swap3A_617, %swap3A_618], %mul3A_616 {strides = array<i32>} : memref<32x128xf32, #tpu.memory_space<vmem>>, vector<16xf32>,
        %get3A_620 = arith.index_cast %add3A_586 : i32 to index
        %get3A_621 = arith.constant 64 : index
        %get3A_622 = tpu.vector_load %arg18[%get3A_620, %get3A_621] {strides = array<i32>} : memref<32x128xf32, #tpu.memory_space<vmem>>, vector<16xf32>,
        %mul3A_623 = arith.mulf %get3A_622, %gather3A : vector<16xf32>
        %swap3A_624 = arith.index_cast %add3A_586 : i32 to index
        %swap3A_625 = arith.constant 64 : index
        %swap3A_626 = tpu.vector_load %arg18[%swap3A_624, %swap3A_625] {strides = array<i32>} : memref<32x128xf32, #tpu.memory_space<vmem>>, vector<16xf32>,
        tpu.vector_store %arg18[%swap3A_624, %swap3A_625], %mul3A_623 {strides = array<i32>} : memref<32x128xf32, #tpu.memory_space<vmem>>, vector<16xf32>,
        %get3A_627 = arith.index_cast %add3A_586 : i32 to index
        %get3A_628 = arith.constant 80 : index
        %get3A_629 = tpu.vector_load %arg18[%get3A_627, %get3A_628] {strides = array<i32>} : memref<32x128xf32, #tpu.memory_space<vmem>>, vector<16xf32>,
        %mul3A_630 = arith.mulf %get3A_629, %gather3A : vector<16xf32>
        %swap3A_631 = arith.index_cast %add3A_586 : i32 to index
        %swap3A_632 = arith.constant 80 : index
        %swap3A_633 = tpu.vector_load %arg18[%swap3A_631, %swap3A_632] {strides = array<i32>} : memref<32x128xf32, #tpu.memory_space<vmem>>, vector<16xf32>,
        tpu.vector_store %arg18[%swap3A_631, %swap3A_632], %mul3A_630 {strides = array<i32>} : memref<32x128xf32, #tpu.memory_space<vmem>>, vector<16xf32>,
        %get3A_634 = arith.index_cast %add3A_586 : i32 to index
        %get3A_635 = arith.constant 96 : index
        %get3A_636 = tpu.vector_load %arg18[%get3A_634, %get3A_635] {strides = array<i32>} : memref<32x128xf32, #tpu.memory_space<vmem>>, vector<16xf32>,
        %mul3A_637 = arith.mulf %get3A_636, %gather3A : vector<16xf32>
        %swap3A_638 = arith.index_cast %add3A_586 : i32 to index
        %swap3A_639 = arith.constant 96 : index
        %swap3A_640 = tpu.vector_load %arg18[%swap3A_638, %swap3A_639] {strides = array<i32>} : memref<32x128xf32, #tpu.memory_space<vmem>>, vector<16xf32>,
        tpu.vector_store %arg18[%swap3A_638, %swap3A_639], %mul3A_637 {strides = array<i32>} : memref<32x128xf32, #tpu.memory_space<vmem>>, vector<16xf32>,
        %get3A_641 = arith.index_cast %add3A_586 : i32 to index
        %get3A_642 = arith.constant 112 : index
        %get3A_643 = tpu.vector_load %arg18[%get3A_641, %get3A_642] {strides = array<i32>} : memref<32x128xf32, #tpu.memory_space<vmem>>, vector<16xf32>,
        %mul3A_644 = arith.mulf %get3A_643, %gather3A : vector<16xf32>
        %swap3A_645 = arith.index_cast %add3A_586 : i32 to index
        %swap3A_646 = arith.constant 112 : index
        %swap3A_647 = tpu.vector_load %arg18[%swap3A_645, %swap3A_646] {strides = array<i32>} : memref<32x128xf32, #tpu.memory_space<vmem>>, vector<16xf32>,
        tpu.vector_store %arg18[%swap3A_645, %swap3A_646], %mul3A_644 {strides = array<i32>} : memref<32x128xf32, #tpu.memory_space<vmem>>, vector<16xf32>,
      }
      %scan3A_557 = arith.constant 32 : i32
      %mul3A_558 = arith.constant 32 : i32
      %mul3A_559 = arith.muli %add3A_537, %mul3A_558 : i32
      %add3A_560 = arith.constant 0 : i32
      %add3A_561 = arith.addi %mul3A_559, %add3A_560 : i32
      %get3A_562 = arith.index_cast %add3A_561 : i32 to index
      %get3A_563 = tpu.vector_load %arg8[%get3A_562] {strides = array<i32>} : memref<5120xi32, #tpu.memory_space<vmem>>, vector<16xi32>,
      %mul3A_564 = arith.constant 32 : i32
      %mul3A_565 = arith.muli %add3A_537, %mul3A_564 : i32
      %add3A_566 = arith.constant 16 : i32
      %add3A_567 = arith.addi %mul3A_565, %add3A_566 : i32
      %get3A_568 = arith.index_cast %add3A_567 : i32 to index
      %get3A_569 = tpu.vector_load %arg8[%get3A_568] {strides = array<i32>} : memref<5120xi32, #tpu.memory_space<vmem>>, vector<16xi32>,
      %dma_start3A_570 = arith.constant 0 : i32
      %dma_start3A_571 = arith.constant 0 : i32
      %dma_start3A_572 = tpu.memref_slice %arg18[%dma_start3A_570, %dma_start3A_571] : memref<32x128xf32, #tpu.memory_space<vmem>> -> memref<16x128xf32, #tpu.memory_space<vmem>>
      %dma_start3A_573 = arith.constant 0 : i32
      %dma_start3A_574 = arith.constant 0 : i32
      %dma_start3A_575 = tpu.memref_slice %arg10[%dma_start3A_573, %dma_start3A_574] : memref<10240x128xf32, #tpu.memory_space<vmem_shared>> -> memref<10240x128xf32, #tpu.memory_space<vmem_shared>>
      tpu.enqueue_indirect_dma source(%dma_start3A_572 : memref<16x128xf32, #tpu.memory_space<vmem>>) target(%dma_start3A_575 : memref<10240x128xf32, #tpu.memory_space<vmem_shared>>) offsets(%get3A_563 : vector<16xi32>) semaphore(%arg34 : memref<!tpu.dma_semaphore, #tpu.memory_space<semaphore_mem>>) {add = true}
      %dma_start3A_576 = arith.constant 16 : i32
      %dma_start3A_577 = arith.constant 0 : i32
      %dma_start3A_578 = tpu.memref_slice %arg18[%dma_start3A_576, %dma_start3A_577] : memref<32x128xf32, #tpu.memory_space<vmem>> -> memref<16x128xf32, #tpu.memory_space<vmem>>
      %dma_start3A_579 = arith.constant 0 : i32
      %dma_start3A_580 = arith.constant 0 : i32
      %dma_start3A_581 = tpu.memref_slice %arg10[%dma_start3A_579, %dma_start3A_580] : memref<10240x128xf32, #tpu.memory_space<vmem_shared>> -> memref<10240x128xf32, #tpu.memory_space<vmem_shared>>
      tpu.enqueue_indirect_dma source(%dma_start3A_578 : memref<16x128xf32, #tpu.memory_space<vmem>>) target(%dma_start3A_581 : memref<10240x128xf32, #tpu.memory_space<vmem_shared>>) offsets(%get3A_569 : vector<16xi32>) semaphore(%arg34 : memref<!tpu.dma_semaphore, #tpu.memory_space<semaphore_mem>>) {add = true}
    }
    %scan3A_85 = arith.constant 20 : i32
    %get3A = arith.constant 4864 : index
    %get3A_86 = tpu.vector_load %arg8[%get3A] {strides = array<i32>} : memref<5120xi32, #tpu.memory_space<vmem>>, vector<16xi32>,
    %get3A_87 = arith.constant 4880 : index
    %get3A_88 = tpu.vector_load %arg8[%get3A_87] {strides = array<i32>} : memref<5120xi32, #tpu.memory_space<vmem>>, vector<16xi32>,
    %dma_wait3A = arith.constant 0 : i32
    %dma_wait3A_89 = arith.constant 0 : i32
    %dma_wait3A_90 = tpu.memref_slice %arg11[%dma_wait3A, %dma_wait3A_89] : memref<32x128xf32, #tpu.memory_space<vmem>> -> memref<16x128xf32, #tpu.memory_space<vmem>>
    %dma_wait3A_91 = arith.constant 0 : i32
    %dma_wait3A_92 = arith.constant 0 : i32
    %dma_wait3A_93 = tpu.memref_slice %arg10[%dma_wait3A_91, %dma_wait3A_92] : memref<10240x128xf32, #tpu.memory_space<vmem_shared>> -> memref<10240x128xf32, #tpu.memory_space<vmem_shared>>
    tpu.wait_indirect_dma semaphore(%arg27 : memref<!tpu.dma_semaphore, #tpu.memory_space<semaphore_mem>>) src(%dma_wait3A_90 : memref<16x128xf32, #tpu.memory_space<vmem>>) dst(%dma_wait3A_93 : memref<10240x128xf32, #tpu.memory_space<vmem_shared>>)
    %dma_wait3A_94 = arith.constant 16 : i32
    %dma_wait3A_95 = arith.constant 0 : i32
    %dma_wait3A_96 = tpu.memref_slice %arg11[%dma_wait3A_94, %dma_wait3A_95] : memref<32x128xf32, #tpu.memory_space<vmem>> -> memref<16x128xf32, #tpu.memory_space<vmem>>
    %dma_wait3A_97 = arith.constant 0 : i32
    %dma_wait3A_98 = arith.constant 0 : i32
    %dma_wait3A_99 = tpu.memref_slice %arg10[%dma_wait3A_97, %dma_wait3A_98] : memref<10240x128xf32, #tpu.memory_space<vmem_shared>> -> memref<10240x128xf32, #tpu.memory_space<vmem_shared>>
    tpu.wait_indirect_dma semaphore(%arg27 : memref<!tpu.dma_semaphore, #tpu.memory_space<semaphore_mem>>) src(%dma_wait3A_96 : memref<16x128xf32, #tpu.memory_space<vmem>>) dst(%dma_wait3A_99 : memref<10240x128xf32, #tpu.memory_space<vmem_shared>>)
    %get3A_100 = arith.constant 4896 : index
    %get3A_101 = tpu.vector_load %arg8[%get3A_100] {strides = array<i32>} : memref<5120xi32, #tpu.memory_space<vmem>>, vector<16xi32>,
    %get3A_102 = arith.constant 4912 : index
    %get3A_103 = tpu.vector_load %arg8[%get3A_102] {strides = array<i32>} : memref<5120xi32, #tpu.memory_space<vmem>>, vector<16xi32>,
    %dma_wait3A_104 = arith.constant 0 : i32
    %dma_wait3A_105 = arith.constant 0 : i32
    %dma_wait3A_106 = tpu.memref_slice %arg12[%dma_wait3A_104, %dma_wait3A_105] : memref<32x128xf32, #tpu.memory_space<vmem>> -> memref<16x128xf32, #tpu.memory_space<vmem>>
    %dma_wait3A_107 = arith.constant 0 : i32
    %dma_wait3A_108 = arith.constant 0 : i32
    %dma_wait3A_109 = tpu.memref_slice %arg10[%dma_wait3A_107, %dma_wait3A_108] : memref<10240x128xf32, #tpu.memory_space<vmem_shared>> -> memref<10240x128xf32, #tpu.memory_space<vmem_shared>>
    tpu.wait_indirect_dma semaphore(%arg28 : memref<!tpu.dma_semaphore, #tpu.memory_space<semaphore_mem>>) src(%dma_wait3A_106 : memref<16x128xf32, #tpu.memory_space<vmem>>) dst(%dma_wait3A_109 : memref<10240x128xf32, #tpu.memory_space<vmem_shared>>)
    %dma_wait3A_110 = arith.constant 16 : i32
    %dma_wait3A_111 = arith.constant 0 : i32
    %dma_wait3A_112 = tpu.memref_slice %arg12[%dma_wait3A_110, %dma_wait3A_111] : memref<32x128xf32, #tpu.memory_space<vmem>> -> memref<16x128xf32, #tpu.memory_space<vmem>>
    %dma_wait3A_113 = arith.constant 0 : i32
    %dma_wait3A_114 = arith.constant 0 : i32
    %dma_wait3A_115 = tpu.memref_slice %arg10[%dma_wait3A_113, %dma_wait3A_114] : memref<10240x128xf32, #tpu.memory_space<vmem_shared>> -> memref<10240x128xf32, #tpu.memory_space<vmem_shared>>
    tpu.wait_indirect_dma semaphore(%arg28 : memref<!tpu.dma_semaphore, #tpu.memory_space<semaphore_mem>>) src(%dma_wait3A_112 : memref<16x128xf32, #tpu.memory_space<vmem>>) dst(%dma_wait3A_115 : memref<10240x128xf32, #tpu.memory_space<vmem_shared>>)
    %get3A_116 = arith.constant 4928 : index
    %get3A_117 = tpu.vector_load %arg8[%get3A_116] {strides = array<i32>} : memref<5120xi32, #tpu.memory_space<vmem>>, vector<16xi32>,
    %get3A_118 = arith.constant 4944 : index
    %get3A_119 = tpu.vector_load %arg8[%get3A_118] {strides = array<i32>} : memref<5120xi32, #tpu.memory_space<vmem>>, vector<16xi32>,
    %dma_wait3A_120 = arith.constant 0 : i32
    %dma_wait3A_121 = arith.constant 0 : i32
    %dma_wait3A_122 = tpu.memref_slice %arg13[%dma_wait3A_120, %dma_wait3A_121] : memref<32x128xf32, #tpu.memory_space<vmem>> -> memref<16x128xf32, #tpu.memory_space<vmem>>
    %dma_wait3A_123 = arith.constant 0 : i32
    %dma_wait3A_124 = arith.constant 0 : i32
    %dma_wait3A_125 = tpu.memref_slice %arg10[%dma_wait3A_123, %dma_wait3A_124] : memref<10240x128xf32, #tpu.memory_space<vmem_shared>> -> memref<10240x128xf32, #tpu.memory_space<vmem_shared>>
    tpu.wait_indirect_dma semaphore(%arg29 : memref<!tpu.dma_semaphore, #tpu.memory_space<semaphore_mem>>) src(%dma_wait3A_122 : memref<16x128xf32, #tpu.memory_space<vmem>>) dst(%dma_wait3A_125 : memref<10240x128xf32, #tpu.memory_space<vmem_shared>>)
    %dma_wait3A_126 = arith.constant 16 : i32
    %dma_wait3A_127 = arith.constant 0 : i32
    %dma_wait3A_128 = tpu.memref_slice %arg13[%dma_wait3A_126, %dma_wait3A_127] : memref<32x128xf32, #tpu.memory_space<vmem>> -> memref<16x128xf32, #tpu.memory_space<vmem>>
    %dma_wait3A_129 = arith.constant 0 : i32
    %dma_wait3A_130 = arith.constant 0 : i32
    %dma_wait3A_131 = tpu.memref_slice %arg10[%dma_wait3A_129, %dma_wait3A_130] : memref<10240x128xf32, #tpu.memory_space<vmem_shared>> -> memref<10240x128xf32, #tpu.memory_space<vmem_shared>>
    tpu.wait_indirect_dma semaphore(%arg29 : memref<!tpu.dma_semaphore, #tpu.memory_space<semaphore_mem>>) src(%dma_wait3A_128 : memref<16x128xf32, #tpu.memory_space<vmem>>) dst(%dma_wait3A_131 : memref<10240x128xf32, #tpu.memory_space<vmem_shared>>)
    %get3A_132 = arith.constant 4960 : index
    %get3A_133 = tpu.vector_load %arg8[%get3A_132] {strides = array<i32>} : memref<5120xi32, #tpu.memory_space<vmem>>, vector<16xi32>,
    %get3A_134 = arith.constant 4976 : index
    %get3A_135 = tpu.vector_load %arg8[%get3A_134] {strides = array<i32>} : memref<5120xi32, #tpu.memory_space<vmem>>, vector<16xi32>,
    %dma_wait3A_136 = arith.constant 0 : i32
    %dma_wait3A_137 = arith.constant 0 : i32
    %dma_wait3A_138 = tpu.memref_slice %arg14[%dma_wait3A_136, %dma_wait3A_137] : memref<32x128xf32, #tpu.memory_space<vmem>> -> memref<16x128xf32, #tpu.memory_space<vmem>>
    %dma_wait3A_139 = arith.constant 0 : i32
    %dma_wait3A_140 = arith.constant 0 : i32
    %dma_wait3A_141 = tpu.memref_slice %arg10[%dma_wait3A_139, %dma_wait3A_140] : memref<10240x128xf32, #tpu.memory_space<vmem_shared>> -> memref<10240x128xf32, #tpu.memory_space<vmem_shared>>
    tpu.wait_indirect_dma semaphore(%arg30 : memref<!tpu.dma_semaphore, #tpu.memory_space<semaphore_mem>>) src(%dma_wait3A_138 : memref<16x128xf32, #tpu.memory_space<vmem>>) dst(%dma_wait3A_141 : memref<10240x128xf32, #tpu.memory_space<vmem_shared>>)
    %dma_wait3A_142 = arith.constant 16 : i32
    %dma_wait3A_143 = arith.constant 0 : i32
    %dma_wait3A_144 = tpu.memref_slice %arg14[%dma_wait3A_142, %dma_wait3A_143] : memref<32x128xf32, #tpu.memory_space<vmem>> -> memref<16x128xf32, #tpu.memory_space<vmem>>
    %dma_wait3A_145 = arith.constant 0 : i32
    %dma_wait3A_146 = arith.constant 0 : i32
    %dma_wait3A_147 = tpu.memref_slice %arg10[%dma_wait3A_145, %dma_wait3A_146] : memref<10240x128xf32, #tpu.memory_space<vmem_shared>> -> memref<10240x128xf32, #tpu.memory_space<vmem_shared>>
    tpu.wait_indirect_dma semaphore(%arg30 : memref<!tpu.dma_semaphore, #tpu.memory_space<semaphore_mem>>) src(%dma_wait3A_144 : memref<16x128xf32, #tpu.memory_space<vmem>>) dst(%dma_wait3A_147 : memref<10240x128xf32, #tpu.memory_space<vmem_shared>>)
    %get3A_148 = arith.constant 4992 : index
    %get3A_149 = tpu.vector_load %arg8[%get3A_148] {strides = array<i32>} : memref<5120xi32, #tpu.memory_space<vmem>>, vector<16xi32>,
    %get3A_150 = arith.constant 5008 : index
    %get3A_151 = tpu.vector_load %arg8[%get3A_150] {strides = array<i32>} : memref<5120xi32, #tpu.memory_space<vmem>>, vector<16xi32>,
    %dma_wait3A_152 = arith.constant 0 : i32
    %dma_wait3A_153 = arith.constant 0 : i32
    %dma_wait3A_154 = tpu.memref_slice %arg15[%dma_wait3A_152, %dma_wait3A_153] : memref<32x128xf32, #tpu.memory_space<vmem>> -> memref<16x128xf32, #tpu.memory_space<vmem>>
    %dma_wait3A_155 = arith.constant 0 : i32
    %dma_wait3A_156 = arith.constant 0 : i32
    %dma_wait3A_157 = tpu.memref_slice %arg10[%dma_wait3A_155, %dma_wait3A_156] : memref<10240x128xf32, #tpu.memory_space<vmem_shared>> -> memref<10240x128xf32, #tpu.memory_space<vmem_shared>>
    tpu.wait_indirect_dma semaphore(%arg31 : memref<!tpu.dma_semaphore, #tpu.memory_space<semaphore_mem>>) src(%dma_wait3A_154 : memref<16x128xf32, #tpu.memory_space<vmem>>) dst(%dma_wait3A_157 : memref<10240x128xf32, #tpu.memory_space<vmem_shared>>)
    %dma_wait3A_158 = arith.constant 16 : i32
    %dma_wait3A_159 = arith.constant 0 : i32
    %dma_wait3A_160 = tpu.memref_slice %arg15[%dma_wait3A_158, %dma_wait3A_159] : memref<32x128xf32, #tpu.memory_space<vmem>> -> memref<16x128xf32, #tpu.memory_space<vmem>>
    %dma_wait3A_161 = arith.constant 0 : i32
    %dma_wait3A_162 = arith.constant 0 : i32
    %dma_wait3A_163 = tpu.memref_slice %arg10[%dma_wait3A_161, %dma_wait3A_162] : memref<10240x128xf32, #tpu.memory_space<vmem_shared>> -> memref<10240x128xf32, #tpu.memory_space<vmem_shared>>
    tpu.wait_indirect_dma semaphore(%arg31 : memref<!tpu.dma_semaphore, #tpu.memory_space<semaphore_mem>>) src(%dma_wait3A_160 : memref<16x128xf32, #tpu.memory_space<vmem>>) dst(%dma_wait3A_163 : memref<10240x128xf32, #tpu.memory_space<vmem_shared>>)
    %get3A_164 = arith.constant 5024 : index
    %get3A_165 = tpu.vector_load %arg8[%get3A_164] {strides = array<i32>} : memref<5120xi32, #tpu.memory_space<vmem>>, vector<16xi32>,
    %get3A_166 = arith.constant 5040 : index
    %get3A_167 = tpu.vector_load %arg8[%get3A_166] {strides = array<i32>} : memref<5120xi32, #tpu.memory_space<vmem>>, vector<16xi32>,
    %dma_wait3A_168 = arith.constant 0 : i32
    %dma_wait3A_169 = arith.constant 0 : i32
    %dma_wait3A_170 = tpu.memref_slice %arg16[%dma_wait3A_168, %dma_wait3A_169] : memref<32x128xf32, #tpu.memory_space<vmem>> -> memref<16x128xf32, #tpu.memory_space<vmem>>
    %dma_wait3A_171 = arith.constant 0 : i32
    %dma_wait3A_172 = arith.constant 0 : i32
    %dma_wait3A_173 = tpu.memref_slice %arg10[%dma_wait3A_171, %dma_wait3A_172] : memref<10240x128xf32, #tpu.memory_space<vmem_shared>> -> memref<10240x128xf32, #tpu.memory_space<vmem_shared>>
    tpu.wait_indirect_dma semaphore(%arg32 : memref<!tpu.dma_semaphore, #tpu.memory_space<semaphore_mem>>) src(%dma_wait3A_170 : memref<16x128xf32, #tpu.memory_space<vmem>>) dst(%dma_wait3A_173 : memref<10240x128xf32, #tpu.memory_space<vmem_shared>>)
    %dma_wait3A_174 = arith.constant 16 : i32
    %dma_wait3A_175 = arith.constant 0 : i32
    %dma_wait3A_176 = tpu.memref_slice %arg16[%dma_wait3A_174, %dma_wait3A_175] : memref<32x128xf32, #tpu.memory_space<vmem>> -> memref<16x128xf32, #tpu.memory_space<vmem>>
    %dma_wait3A_177 = arith.constant 0 : i32
    %dma_wait3A_178 = arith.constant 0 : i32
    %dma_wait3A_179 = tpu.memref_slice %arg10[%dma_wait3A_177, %dma_wait3A_178] : memref<10240x128xf32, #tpu.memory_space<vmem_shared>> -> memref<10240x128xf32, #tpu.memory_space<vmem_shared>>
    tpu.wait_indirect_dma semaphore(%arg32 : memref<!tpu.dma_semaphore, #tpu.memory_space<semaphore_mem>>) src(%dma_wait3A_176 : memref<16x128xf32, #tpu.memory_space<vmem>>) dst(%dma_wait3A_179 : memref<10240x128xf32, #tpu.memory_space<vmem_shared>>)
    %get3A_180 = arith.constant 5056 : index
    %get3A_181 = tpu.vector_load %arg8[%get3A_180] {strides = array<i32>} : memref<5120xi32, #tpu.memory_space<vmem>>, vector<16xi32>,
    %get3A_182 = arith.constant 5072 : index
    %get3A_183 = tpu.vector_load %arg8[%get3A_182] {strides = array<i32>} : memref<5120xi32, #tpu.memory_space<vmem>>, vector<16xi32>,
    %dma_wait3A_184 = arith.constant 0 : i32
    %dma_wait3A_185 = arith.constant 0 : i32
    %dma_wait3A_186 = tpu.memref_slice %arg17[%dma_wait3A_184, %dma_wait3A_185] : memref<32x128xf32, #tpu.memory_space<vmem>> -> memref<16x128xf32, #tpu.memory_space<vmem>>
    %dma_wait3A_187 = arith.constant 0 : i32
    %dma_wait3A_188 = arith.constant 0 : i32
    %dma_wait3A_189 = tpu.memref_slice %arg10[%dma_wait3A_187, %dma_wait3A_188] : memref<10240x128xf32, #tpu.memory_space<vmem_shared>> -> memref<10240x128xf32, #tpu.memory_space<vmem_shared>>
    tpu.wait_indirect_dma semaphore(%arg33 : memref<!tpu.dma_semaphore, #tpu.memory_space<semaphore_mem>>) src(%dma_wait3A_186 : memref<16x128xf32, #tpu.memory_space<vmem>>) dst(%dma_wait3A_189 : memref<10240x128xf32, #tpu.memory_space<vmem_shared>>)
    %dma_wait3A_190 = arith.constant 16 : i32
    %dma_wait3A_191 = arith.constant 0 : i32
    %dma_wait3A_192 = tpu.memref_slice %arg17[%dma_wait3A_190, %dma_wait3A_191] : memref<32x128xf32, #tpu.memory_space<vmem>> -> memref<16x128xf32, #tpu.memory_space<vmem>>
    %dma_wait3A_193 = arith.constant 0 : i32
    %dma_wait3A_194 = arith.constant 0 : i32
    %dma_wait3A_195 = tpu.memref_slice %arg10[%dma_wait3A_193, %dma_wait3A_194] : memref<10240x128xf32, #tpu.memory_space<vmem_shared>> -> memref<10240x128xf32, #tpu.memory_space<vmem_shared>>
    tpu.wait_indirect_dma semaphore(%arg33 : memref<!tpu.dma_semaphore, #tpu.memory_space<semaphore_mem>>) src(%dma_wait3A_192 : memref<16x128xf32, #tpu.memory_space<vmem>>) dst(%dma_wait3A_195 : memref<10240x128xf32, #tpu.memory_space<vmem_shared>>)
    %get3A_196 = arith.constant 5088 : index
    %get3A_197 = tpu.vector_load %arg8[%get3A_196] {strides = array<i32>} : memref<5120xi32, #tpu.memory_space<vmem>>, vector<16xi32>,
    %get3A_198 = arith.constant 5104 : index
    %get3A_199 = tpu.vector_load %arg8[%get3A_198] {strides = array<i32>} : memref<5120xi32, #tpu.memory_space<vmem>>, vector<16xi32>,
    %dma_wait3A_200 = arith.constant 0 : i32
    %dma_wait3A_201 = arith.constant 0 : i32
    %dma_wait3A_202 = tpu.memref_slice %arg18[%dma_wait3A_200, %dma_wait3A_201] : memref<32x128xf32, #tpu.memory_space<vmem>> -> memref<16x128xf32, #tpu.memory_space<vmem>>
    %dma_wait3A_203 = arith.constant 0 : i32
    %dma_wait3A_204 = arith.constant 0 : i32
    %dma_wait3A_205 = tpu.memref_slice %arg10[%dma_wait3A_203, %dma_wait3A_204] : memref<10240x128xf32, #tpu.memory_space<vmem_shared>> -> memref<10240x128xf32, #tpu.memory_space<vmem_shared>>
    tpu.wait_indirect_dma semaphore(%arg34 : memref<!tpu.dma_semaphore, #tpu.memory_space<semaphore_mem>>) src(%dma_wait3A_202 : memref<16x128xf32, #tpu.memory_space<vmem>>) dst(%dma_wait3A_205 : memref<10240x128xf32, #tpu.memory_space<vmem_shared>>)
    %dma_wait3A_206 = arith.constant 16 : i32
    %dma_wait3A_207 = arith.constant 0 : i32
    %dma_wait3A_208 = tpu.memref_slice %arg18[%dma_wait3A_206, %dma_wait3A_207] : memref<32x128xf32, #tpu.memory_space<vmem>> -> memref<16x128xf32, #tpu.memory_space<vmem>>
    %dma_wait3A_209 = arith.constant 0 : i32
    %dma_wait3A_210 = arith.constant 0 : i32
    %dma_wait3A_211 = tpu.memref_slice %arg10[%dma_wait3A_209, %dma_wait3A_210] : memref<10240x128xf32, #tpu.memory_space<vmem_shared>> -> memref<10240x128xf32, #tpu.memory_space<vmem_shared>>
    tpu.wait_indirect_dma semaphore(%arg34 : memref<!tpu.dma_semaphore, #tpu.memory_space<semaphore_mem>>) src(%dma_wait3A_208 : memref<16x128xf32, #tpu.memory_space<vmem>>) dst(%dma_wait3A_211 : memref<10240x128xf32, #tpu.memory_space<vmem_shared>>)
    %barrier3A_212 = arith.constant 0 : index
    tpu.barrier barrier_id(%barrier3A_212)
    "tpu.region"() ({
      %run_scoped3A = tpu.sem_alloc : memref<!tpu.dma_semaphore, #tpu.memory_space<semaphore_mem>>
      %dma_start3A_213 = arith.constant 0 : i32
      %dma_start3A_214 = tpu.memref_slice %arg6[%arg0, %mul3A_2, %dma_start3A_213] : memref<2x10240x128xf32, #tpu.memory_space<hbm>> -> memref<1x640x128xf32, #tpu.memory_space<hbm>>
      %dma_start3A_215 = tpu.memref_squeeze %dma_start3A_214 : memref<1x640x128xf32, #tpu.memory_space<hbm>> -> memref<640x128xf32, #tpu.memory_space<hbm>>
      %dma_start3A_216 = arith.constant 0 : i32
      %dma_start3A_217 = tpu.memref_slice %arg10[%mul3A_2, %dma_start3A_216] : memref<10240x128xf32, #tpu.memory_space<vmem_shared>> -> memref<640x128xf32, #tpu.memory_space<vmem_shared>>
      tpu.enqueue_dma source(%dma_start3A_217 : memref<640x128xf32, #tpu.memory_space<vmem_shared>>) target(%dma_start3A_215 : memref<640x128xf32, #tpu.memory_space<hbm>>) target_semaphore(%run_scoped3A : memref<!tpu.dma_semaphore, #tpu.memory_space<semaphore_mem>>)
      %dma_wait3A_218 = arith.constant 0 : i32
      %dma_wait3A_219 = tpu.memref_slice %arg6[%arg0, %mul3A_2, %dma_wait3A_218] : memref<2x10240x128xf32, #tpu.memory_space<hbm>> -> memref<1x640x128xf32, #tpu.memory_space<hbm>>
      %dma_wait3A_220 = tpu.memref_squeeze %dma_wait3A_219 : memref<1x640x128xf32, #tpu.memory_space<hbm>> -> memref<640x128xf32, #tpu.memory_space<hbm>>
      %dma_wait3A_221 = arith.constant 0 : i32
      %dma_wait3A_222 = tpu.memref_slice %arg10[%mul3A_2, %dma_wait3A_221] : memref<10240x128xf32, #tpu.memory_space<vmem_shared>> -> memref<640x128xf32, #tpu.memory_space<vmem_shared>>
      tpu.wait_dma2 semaphore(%run_scoped3A : memref<!tpu.dma_semaphore, #tpu.memory_space<semaphore_mem>>) src(%dma_wait3A_222 : memref<640x128xf32, #tpu.memory_space<vmem_shared>>) dst(%dma_wait3A_220 : memref<640x128xf32, #tpu.memory_space<hbm>>)
      tpu.yield
    }) : () -> ()
    return
  }
}

module attributes {stable_mosaic.version = 14 : i64} {
  func.func @_bias_body(%arg0: i32, %arg1: memref<8000x16xf32, #tpu.memory_space<vmem>>, %arg2: memref<16x128xf32, #tpu.memory_space<vmem>>, %arg3: memref<1x128xf32, #tpu.memory_space<vmem>>, %arg4: memref<1x128xf32, #tpu.memory_space<vmem>>, %arg5: memref<1x1xf32, #tpu.memory_space<vmem>>, %arg6: memref<8000x1xf32, #tpu.memory_space<vmem>>) attributes {dimension_semantics = [#tpu.dimension_semantics<arbitrary>], iteration_bounds = array<i64: 20>, scalar_prefetch = 0 : i64, scratch_operands = 0 : i64, tpu.core_type = #tpu.core_type<tc>, window_params = [{transform_indices = @transform_0, window_bounds = array<i64: 8000, 16>}, {pipeline_mode = #tpu.pipeline_mode<synchronous>, transform_indices = @transform_1, window_bounds = array<i64: 16, 128>}, {pipeline_mode = #tpu.pipeline_mode<synchronous>, transform_indices = @transform_2, window_bounds = array<i64: 1, 128>}, {pipeline_mode = #tpu.pipeline_mode<synchronous>, transform_indices = @transform_3, window_bounds = array<i64: 1, 128>}, {pipeline_mode = #tpu.pipeline_mode<synchronous>, transform_indices = @transform_4, window_bounds = array<i64: 1, 1>}, {transform_indices = @transform_5, window_bounds = array<i64: 8000, 1>}]} {
    %get3A = arith.constant 0 : index
    %get3A_0 = arith.constant 0 : index
    %get3A_1 = vector.load %arg1[%get3A, %get3A_0] : memref<8000x16xf32, #tpu.memory_space<vmem>>, vector<8000x16xf32>
    %get3A_2 = arith.constant 0 : index
    %get3A_3 = arith.constant 0 : index
    %get3A_4 = vector.load %arg2[%get3A_2, %get3A_3] : memref<16x128xf32, #tpu.memory_space<vmem>>, vector<16x128xf32>
    %dot_general3A = arith.constant dense<0.000000e+00> : vector<8000x128xf32>
    %dot_general3A_5 = tpu.matmul %get3A_1, %get3A_4, %dot_general3A {dimension_numbers = #tpu.dot_dimension_numbers<[1], [0], [0], [1], [0, 0, 1, 1], [], []>, transpose_lhs_hint = false} : vector<8000x16xf32>, vector<16x128xf32>, vector<8000x128xf32> -> vector<8000x128xf32>
    %get3A_6 = arith.constant 0 : index
    %get3A_7 = arith.constant 0 : index
    %get3A_8 = vector.load %arg3[%get3A_6, %get3A_7] : memref<1x128xf32, #tpu.memory_space<vmem>>, vector<1x128xf32>
    %add3A = vector.broadcast %get3A_8 : vector<1x128xf32> to vector<8000x128xf32>
    %add3A_9 = arith.addf %dot_general3A_5, %add3A : vector<8000x128xf32>
    %max3A = arith.constant 0.000000e+00 : f32
    %max3A_10 = vector.broadcast %max3A : f32 to vector<8000x128xf32>
    %max3A_11 = arith.maximumf %add3A_9, %max3A_10 : vector<8000x128xf32>
    %get3A_12 = arith.constant 0 : index
    %get3A_13 = arith.constant 0 : index
    %get3A_14 = vector.load %arg4[%get3A_12, %get3A_13] : memref<1x128xf32, #tpu.memory_space<vmem>>, vector<1x128xf32>
    %mul3A = vector.broadcast %get3A_14 : vector<1x128xf32> to vector<8000x128xf32>
    %mul3A_15 = arith.mulf %max3A_11, %mul3A : vector<8000x128xf32>
    %reduce_sum3A = arith.constant dense<0.000000e+00> : vector<8000xf32>
    %reduce_sum3A_16 = vector.multi_reduction <add>, %mul3A_15, %reduce_sum3A [1] : vector<8000x128xf32> to vector<8000xf32>
    %broadcast_in_dim3A = vector.shape_cast %reduce_sum3A_16 : vector<8000xf32> to vector<8000x1xf32>
    %get3A_17 = arith.constant 0 : index
    %get3A_18 = arith.constant 0 : index
    %get3A_19 = vector.load %arg5[%get3A_17, %get3A_18] : memref<1x1xf32, #tpu.memory_space<vmem>>, vector<1x1xf32>
    %add3A_20 = vector.broadcast %get3A_19 : vector<1x1xf32> to vector<8000x1xf32>
    %add3A_21 = arith.addf %broadcast_in_dim3A, %add3A_20 : vector<8000x1xf32>
    %swap3A = arith.constant 0 : index
    %swap3A_22 = arith.constant 0 : index
    %swap3A_23 = vector.load %arg6[%swap3A, %swap3A_22] : memref<8000x1xf32, #tpu.memory_space<vmem>>, vector<8000x1xf32>
    tpu.vector_store %arg6[%swap3A, %swap3A_22], %add3A_21 {strides = array<i32>} : memref<8000x1xf32, #tpu.memory_space<vmem>>, vector<8000x1xf32>,
    return
  }
  func.func @transform_0(%arg0: i32) -> (i32, i32) {
    %c0_i32 = arith.constant 0 : i32
    %c0_i32_0 = arith.constant 0 : i32
    return %arg0, %c0_i32 : i32, i32
  }
  func.func @transform_1(%arg0: i32) -> (i32, i32) {
    %c0_i32 = arith.constant 0 : i32
    %c0_i32_0 = arith.constant 0 : i32
    %c0_i32_1 = arith.constant 0 : i32
    return %c0_i32, %c0_i32_0 : i32, i32
  }
  func.func @transform_2(%arg0: i32) -> (i32, i32) {
    %c0_i32 = arith.constant 0 : i32
    %c0_i32_0 = arith.constant 0 : i32
    %c0_i32_1 = arith.constant 0 : i32
    return %c0_i32, %c0_i32_0 : i32, i32
  }
  func.func @transform_3(%arg0: i32) -> (i32, i32) {
    %c0_i32 = arith.constant 0 : i32
    %c0_i32_0 = arith.constant 0 : i32
    %c0_i32_1 = arith.constant 0 : i32
    return %c0_i32, %c0_i32_0 : i32, i32
  }
  func.func @transform_4(%arg0: i32) -> (i32, i32) {
    %c0_i32 = arith.constant 0 : i32
    %c0_i32_0 = arith.constant 0 : i32
    %c0_i32_1 = arith.constant 0 : i32
    return %c0_i32, %c0_i32_0 : i32, i32
  }
  func.func @transform_5(%arg0: i32) -> (i32, i32) {
    %c0_i32 = arith.constant 0 : i32
    %c0_i32_0 = arith.constant 0 : i32
    return %arg0, %c0_i32 : i32, i32
  }
}

module attributes {stable_mosaic.version = 14 : i64} {
  func.func @_h0_body(%arg0: i32, %arg1: memref<1000x256xf32, #tpu.memory_space<vmem>>, %arg2: memref<256x128xf32, #tpu.memory_space<vmem>>, %arg3: memref<1x128xf32, #tpu.memory_space<vmem>>, %arg4: memref<1000x128xf32, #tpu.memory_space<vmem>>) attributes {dimension_semantics = [#tpu.dimension_semantics<arbitrary>], iteration_bounds = array<i64: 10>, scalar_prefetch = 0 : i64, scratch_operands = 0 : i64, tpu.core_type = #tpu.core_type<tc>, window_params = [{transform_indices = @transform_0, window_bounds = array<i64: 1000, 256>}, {pipeline_mode = #tpu.pipeline_mode<synchronous>, transform_indices = @transform_1, window_bounds = array<i64: 256, 128>}, {pipeline_mode = #tpu.pipeline_mode<synchronous>, transform_indices = @transform_2, window_bounds = array<i64: 1, 128>}, {transform_indices = @transform_3, window_bounds = array<i64: 1000, 128>}]} {
    %get3A = arith.constant 0 : index
    %get3A_0 = arith.constant 0 : index
    %get3A_1 = vector.load %arg1[%get3A, %get3A_0] : memref<1000x256xf32, #tpu.memory_space<vmem>>, vector<1000x256xf32>
    %get3A_2 = arith.constant 0 : index
    %get3A_3 = arith.constant 0 : index
    %get3A_4 = vector.load %arg2[%get3A_2, %get3A_3] : memref<256x128xf32, #tpu.memory_space<vmem>>, vector<256x128xf32>
    %dot_general3A = arith.constant dense<0.000000e+00> : vector<1000x128xf32>
    %dot_general3A_5 = tpu.matmul %get3A_1, %get3A_4, %dot_general3A {dimension_numbers = #tpu.dot_dimension_numbers<[1], [0], [0], [1], [0, 0, 1, 1], [], []>, transpose_lhs_hint = false} : vector<1000x256xf32>, vector<256x128xf32>, vector<1000x128xf32> -> vector<1000x128xf32>
    %get3A_6 = arith.constant 0 : index
    %get3A_7 = arith.constant 0 : index
    %get3A_8 = vector.load %arg3[%get3A_6, %get3A_7] : memref<1x128xf32, #tpu.memory_space<vmem>>, vector<1x128xf32>
    %add3A = vector.broadcast %get3A_8 : vector<1x128xf32> to vector<1000x128xf32>
    %add3A_9 = arith.addf %dot_general3A_5, %add3A : vector<1000x128xf32>
    %swap3A = arith.constant 0 : index
    %swap3A_10 = arith.constant 0 : index
    %swap3A_11 = vector.load %arg4[%swap3A, %swap3A_10] : memref<1000x128xf32, #tpu.memory_space<vmem>>, vector<1000x128xf32>
    tpu.vector_store %arg4[%swap3A, %swap3A_10], %add3A_9 {strides = array<i32>} : memref<1000x128xf32, #tpu.memory_space<vmem>>, vector<1000x128xf32>,
    return
  }
  func.func @transform_0(%arg0: i32) -> (i32, i32) {
    %c0_i32 = arith.constant 0 : i32
    %c0_i32_0 = arith.constant 0 : i32
    return %arg0, %c0_i32 : i32, i32
  }
  func.func @transform_1(%arg0: i32) -> (i32, i32) {
    %c0_i32 = arith.constant 0 : i32
    %c0_i32_0 = arith.constant 0 : i32
    %c0_i32_1 = arith.constant 0 : i32
    return %c0_i32, %c0_i32_0 : i32, i32
  }
  func.func @transform_2(%arg0: i32) -> (i32, i32) {
    %c0_i32 = arith.constant 0 : i32
    %c0_i32_0 = arith.constant 0 : i32
    %c0_i32_1 = arith.constant 0 : i32
    return %c0_i32, %c0_i32_0 : i32, i32
  }
  func.func @transform_3(%arg0: i32) -> (i32, i32) {
    %c0_i32 = arith.constant 0 : i32
    %c0_i32_0 = arith.constant 0 : i32
    return %arg0, %c0_i32 : i32, i32
  }
}

module attributes {stable_mosaic.version = 14 : i64} {
  func.func @_pre_body(%arg0: i32, %arg1: memref<1000x128xf32, #tpu.memory_space<vmem>>, %arg2: memref<128x128xf32, #tpu.memory_space<vmem>>, %arg3: memref<1x128xf32, #tpu.memory_space<vmem>>, %arg4: memref<128x128xf32, #tpu.memory_space<vmem>>, %arg5: memref<1x128xf32, #tpu.memory_space<vmem>>, %arg6: memref<1000x128xf32, #tpu.memory_space<vmem>>, %arg7: memref<1000x128xf32, #tpu.memory_space<vmem>>) attributes {dimension_semantics = [#tpu.dimension_semantics<arbitrary>], iteration_bounds = array<i64: 10>, scalar_prefetch = 0 : i64, scratch_operands = 0 : i64, tpu.core_type = #tpu.core_type<tc>, window_params = [{transform_indices = @transform_0, window_bounds = array<i64: 1000, 128>}, {pipeline_mode = #tpu.pipeline_mode<synchronous>, transform_indices = @transform_1, window_bounds = array<i64: 128, 128>}, {pipeline_mode = #tpu.pipeline_mode<synchronous>, transform_indices = @transform_2, window_bounds = array<i64: 1, 128>}, {pipeline_mode = #tpu.pipeline_mode<synchronous>, transform_indices = @transform_3, window_bounds = array<i64: 128, 128>}, {pipeline_mode = #tpu.pipeline_mode<synchronous>, transform_indices = @transform_4, window_bounds = array<i64: 1, 128>}, {transform_indices = @transform_5, window_bounds = array<i64: 1000, 128>}, {transform_indices = @transform_6, window_bounds = array<i64: 1000, 128>}]} {
    %get3A = arith.constant 0 : index
    %get3A_0 = arith.constant 0 : index
    %get3A_1 = vector.load %arg1[%get3A, %get3A_0] : memref<1000x128xf32, #tpu.memory_space<vmem>>, vector<1000x128xf32>
    %max3A = arith.constant 0.000000e+00 : f32
    %max3A_2 = vector.broadcast %max3A : f32 to vector<1000x128xf32>
    %max3A_3 = arith.maximumf %get3A_1, %max3A_2 : vector<1000x128xf32>
    %get3A_4 = arith.constant 0 : index
    %get3A_5 = arith.constant 0 : index
    %get3A_6 = vector.load %arg2[%get3A_4, %get3A_5] : memref<128x128xf32, #tpu.memory_space<vmem>>, vector<128x128xf32>
    %dot_general3A = arith.constant dense<0.000000e+00> : vector<1000x128xf32>
    %dot_general3A_7 = tpu.matmul %max3A_3, %get3A_6, %dot_general3A {dimension_numbers = #tpu.dot_dimension_numbers<[1], [0], [0], [1], [0, 0, 1, 1], [], []>, transpose_lhs_hint = false} : vector<1000x128xf32>, vector<128x128xf32>, vector<1000x128xf32> -> vector<1000x128xf32>
    %get3A_8 = arith.constant 0 : index
    %get3A_9 = arith.constant 0 : index
    %get3A_10 = vector.load %arg3[%get3A_8, %get3A_9] : memref<1x128xf32, #tpu.memory_space<vmem>>, vector<1x128xf32>
    %add3A = vector.broadcast %get3A_10 : vector<1x128xf32> to vector<1000x128xf32>
    %add3A_11 = arith.addf %dot_general3A_7, %add3A : vector<1000x128xf32>
    %swap3A = arith.constant 0 : index
    %swap3A_12 = arith.constant 0 : index
    %swap3A_13 = vector.load %arg6[%swap3A, %swap3A_12] : memref<1000x128xf32, #tpu.memory_space<vmem>>, vector<1000x128xf32>
    tpu.vector_store %arg6[%swap3A, %swap3A_12], %add3A_11 {strides = array<i32>} : memref<1000x128xf32, #tpu.memory_space<vmem>>, vector<1000x128xf32>,
    %get3A_14 = arith.constant 0 : index
    %get3A_15 = arith.constant 0 : index
    %get3A_16 = vector.load %arg4[%get3A_14, %get3A_15] : memref<128x128xf32, #tpu.memory_space<vmem>>, vector<128x128xf32>
    %dot_general3A_17 = arith.constant dense<0.000000e+00> : vector<1000x128xf32>
    %dot_general3A_18 = tpu.matmul %max3A_3, %get3A_16, %dot_general3A_17 {dimension_numbers = #tpu.dot_dimension_numbers<[1], [0], [0], [1], [0, 0, 1, 1], [], []>, transpose_lhs_hint = false} : vector<1000x128xf32>, vector<128x128xf32>, vector<1000x128xf32> -> vector<1000x128xf32>
    %get3A_19 = arith.constant 0 : index
    %get3A_20 = arith.constant 0 : index
    %get3A_21 = vector.load %arg5[%get3A_19, %get3A_20] : memref<1x128xf32, #tpu.memory_space<vmem>>, vector<1x128xf32>
    %add3A_22 = vector.broadcast %get3A_21 : vector<1x128xf32> to vector<1000x128xf32>
    %add3A_23 = arith.addf %dot_general3A_18, %add3A_22 : vector<1000x128xf32>
    %swap3A_24 = arith.constant 0 : index
    %swap3A_25 = arith.constant 0 : index
    %swap3A_26 = vector.load %arg7[%swap3A_24, %swap3A_25] : memref<1000x128xf32, #tpu.memory_space<vmem>>, vector<1000x128xf32>
    tpu.vector_store %arg7[%swap3A_24, %swap3A_25], %add3A_23 {strides = array<i32>} : memref<1000x128xf32, #tpu.memory_space<vmem>>, vector<1000x128xf32>,
    return
  }
  func.func @transform_0(%arg0: i32) -> (i32, i32) {
    %c0_i32 = arith.constant 0 : i32
    %c0_i32_0 = arith.constant 0 : i32
    return %arg0, %c0_i32 : i32, i32
  }
  func.func @transform_1(%arg0: i32) -> (i32, i32) {
    %c0_i32 = arith.constant 0 : i32
    %c0_i32_0 = arith.constant 0 : i32
    %c0_i32_1 = arith.constant 0 : i32
    return %c0_i32, %c0_i32_0 : i32, i32
  }
  func.func @transform_2(%arg0: i32) -> (i32, i32) {
    %c0_i32 = arith.constant 0 : i32
    %c0_i32_0 = arith.constant 0 : i32
    %c0_i32_1 = arith.constant 0 : i32
    return %c0_i32, %c0_i32_0 : i32, i32
  }
  func.func @transform_3(%arg0: i32) -> (i32, i32) {
    %c0_i32 = arith.constant 0 : i32
    %c0_i32_0 = arith.constant 0 : i32
    %c0_i32_1 = arith.constant 0 : i32
    return %c0_i32, %c0_i32_0 : i32, i32
  }
  func.func @transform_4(%arg0: i32) -> (i32, i32) {
    %c0_i32 = arith.constant 0 : i32
    %c0_i32_0 = arith.constant 0 : i32
    %c0_i32_1 = arith.constant 0 : i32
    return %c0_i32, %c0_i32_0 : i32, i32
  }
  func.func @transform_5(%arg0: i32) -> (i32, i32) {
    %c0_i32 = arith.constant 0 : i32
    %c0_i32_0 = arith.constant 0 : i32
    return %arg0, %c0_i32 : i32, i32
  }
  func.func @transform_6(%arg0: i32) -> (i32, i32) {
    %c0_i32 = arith.constant 0 : i32
    %c0_i32_0 = arith.constant 0 : i32
    return %arg0, %c0_i32 : i32, i32
  }
}

module attributes {stable_mosaic.version = 14 : i64} {
  func.func @_post_body(%arg0: i32, %arg1: memref<1000x128xf32, #tpu.memory_space<vmem>>, %arg2: memref<2x1000x128xf32, #tpu.memory_space<vmem>>, %arg3: memref<128x128xf32, #tpu.memory_space<vmem>>, %arg4: memref<1x128xf32, #tpu.memory_space<vmem>>, %arg5: memref<1000x128xf32, #tpu.memory_space<vmem>>) attributes {dimension_semantics = [#tpu.dimension_semantics<arbitrary>], iteration_bounds = array<i64: 10>, scalar_prefetch = 0 : i64, scratch_operands = 0 : i64, tpu.core_type = #tpu.core_type<tc>, window_params = [{transform_indices = @transform_0, window_bounds = array<i64: 1000, 128>}, {transform_indices = @transform_1, window_bounds = array<i64: 2, 1000, 128>}, {pipeline_mode = #tpu.pipeline_mode<synchronous>, transform_indices = @transform_2, window_bounds = array<i64: 128, 128>}, {pipeline_mode = #tpu.pipeline_mode<synchronous>, transform_indices = @transform_3, window_bounds = array<i64: 1, 128>}, {transform_indices = @transform_4, window_bounds = array<i64: 1000, 128>}]} {
    %get3A = arith.constant 0 : index
    %get3A_0 = arith.constant 0 : index
    %get3A_1 = vector.load %arg1[%get3A, %get3A_0] : memref<1000x128xf32, #tpu.memory_space<vmem>>, vector<1000x128xf32>
    %max3A = arith.constant 0.000000e+00 : f32
    %max3A_2 = vector.broadcast %max3A : f32 to vector<1000x128xf32>
    %max3A_3 = arith.maximumf %get3A_1, %max3A_2 : vector<1000x128xf32>
    %get3A_4 = arith.constant 0 : index
    %get3A_5 = arith.constant 0 : index
    %get3A_6 = arith.constant 0 : index
    %get3A_7 = vector.load %arg2[%get3A_4, %get3A_5, %get3A_6] : memref<2x1000x128xf32, #tpu.memory_space<vmem>>, vector<1x1000x128xf32>
    %get3A_8 = vector.shape_cast %get3A_7 : vector<1x1000x128xf32> to vector<1000x128xf32>
    %add3A = arith.addf %max3A_3, %get3A_8 : vector<1000x128xf32>
    %get3A_9 = arith.constant 1 : index
    %get3A_10 = arith.constant 0 : index
    %get3A_11 = arith.constant 0 : index
    %get3A_12 = vector.load %arg2[%get3A_9, %get3A_10, %get3A_11] : memref<2x1000x128xf32, #tpu.memory_space<vmem>>, vector<1x1000x128xf32>
    %get3A_13 = vector.shape_cast %get3A_12 : vector<1x1000x128xf32> to vector<1000x128xf32>
    %add3A_14 = arith.addf %add3A, %get3A_13 : vector<1000x128xf32>
    %get3A_15 = arith.constant 0 : index
    %get3A_16 = arith.constant 0 : index
    %get3A_17 = vector.load %arg3[%get3A_15, %get3A_16] : memref<128x128xf32, #tpu.memory_space<vmem>>, vector<128x128xf32>
    %dot_general3A = arith.constant dense<0.000000e+00> : vector<1000x128xf32>
    %dot_general3A_18 = tpu.matmul %add3A_14, %get3A_17, %dot_general3A {dimension_numbers = #tpu.dot_dimension_numbers<[1], [0], [0], [1], [0, 0, 1, 1], [], []>, transpose_lhs_hint = false} : vector<1000x128xf32>, vector<128x128xf32>, vector<1000x128xf32> -> vector<1000x128xf32>
    %get3A_19 = arith.constant 0 : index
    %get3A_20 = arith.constant 0 : index
    %get3A_21 = vector.load %arg4[%get3A_19, %get3A_20] : memref<1x128xf32, #tpu.memory_space<vmem>>, vector<1x128xf32>
    %add3A_22 = vector.broadcast %get3A_21 : vector<1x128xf32> to vector<1000x128xf32>
    %add3A_23 = arith.addf %dot_general3A_18, %add3A_22 : vector<1000x128xf32>
    %max3A_24 = arith.constant 0.000000e+00 : f32
    %max3A_25 = vector.broadcast %max3A_24 : f32 to vector<1000x128xf32>
    %max3A_26 = arith.maximumf %add3A_23, %max3A_25 : vector<1000x128xf32>
    %swap3A = arith.constant 0 : index
    %swap3A_27 = arith.constant 0 : index
    %swap3A_28 = vector.load %arg5[%swap3A, %swap3A_27] : memref<1000x128xf32, #tpu.memory_space<vmem>>, vector<1000x128xf32>
    tpu.vector_store %arg5[%swap3A, %swap3A_27], %max3A_26 {strides = array<i32>} : memref<1000x128xf32, #tpu.memory_space<vmem>>, vector<1000x128xf32>,
    return
  }
  func.func @transform_0(%arg0: i32) -> (i32, i32) {
    %c0_i32 = arith.constant 0 : i32
    %c0_i32_0 = arith.constant 0 : i32
    return %arg0, %c0_i32 : i32, i32
  }
  func.func @transform_1(%arg0: i32) -> (i32, i32, i32) {
    %c0_i32 = arith.constant 0 : i32
    %c0_i32_0 = arith.constant 0 : i32
    %c0_i32_1 = arith.constant 0 : i32
    return %c0_i32, %arg0, %c0_i32_0 : i32, i32, i32
  }
  func.func @transform_2(%arg0: i32) -> (i32, i32) {
    %c0_i32 = arith.constant 0 : i32
    %c0_i32_0 = arith.constant 0 : i32
    %c0_i32_1 = arith.constant 0 : i32
    return %c0_i32, %c0_i32_0 : i32, i32
  }
  func.func @transform_3(%arg0: i32) -> (i32, i32) {
    %c0_i32 = arith.constant 0 : i32
    %c0_i32_0 = arith.constant 0 : i32
    %c0_i32_1 = arith.constant 0 : i32
    return %c0_i32, %c0_i32_0 : i32, i32
  }
  func.func @transform_4(%arg0: i32) -> (i32, i32) {
    %c0_i32 = arith.constant 0 : i32
    %c0_i32_0 = arith.constant 0 : i32
    return %arg0, %c0_i32 : i32, i32
  }
}

module attributes {stable_mosaic.version = 14 : i64} {
  func.func @_readout_body(%arg0: i32, %arg1: memref<1000x128xf32, #tpu.memory_space<vmem>>, %arg2: memref<1x128xf32, #tpu.memory_space<vmem>>, %arg3: memref<1x1xf32, #tpu.memory_space<vmem>>, %arg4: memref<1x1xf32, #tpu.memory_space<vmem>>, %arg5: memref<1x128xf32, #tpu.memory_space<vmem>>) attributes {dimension_semantics = [#tpu.dimension_semantics<arbitrary>], iteration_bounds = array<i64: 10>, scalar_prefetch = 0 : i64, scratch_operands = 1 : i64, tpu.core_type = #tpu.core_type<tc>, window_params = [{transform_indices = @transform_0, window_bounds = array<i64: 1000, 128>}, {pipeline_mode = #tpu.pipeline_mode<synchronous>, transform_indices = @transform_1, window_bounds = array<i64: 1, 128>}, {pipeline_mode = #tpu.pipeline_mode<synchronous>, transform_indices = @transform_2, window_bounds = array<i64: 1, 1>}, {pipeline_mode = #tpu.pipeline_mode<synchronous>, transform_indices = @transform_3, window_bounds = array<i64: 1, 1>}]} {
    %eq3A = arith.constant 0 : i32
    %eq3A_0 = arith.cmpi eq, %arg0, %eq3A : i32
    %convert_element_type3A = arith.extui %eq3A_0 : i1 to i32
    %cond3A = arith.constant 0 : i32
    %cond3A_1 = arith.cmpi ne, %convert_element_type3A, %cond3A : i32
    scf.if %cond3A_1 {
      %broadcast_in_dim3A_15 = arith.constant 0.000000e+00 : f32
      %broadcast_in_dim3A_16 = vector.broadcast %broadcast_in_dim3A_15 : f32 to vector<1x128xf32>
      %swap3A_17 = arith.constant 0 : index
      %swap3A_18 = arith.constant 0 : index
      %swap3A_19 = vector.load %arg5[%swap3A_17, %swap3A_18] : memref<1x128xf32, #tpu.memory_space<vmem>>, vector<1x128xf32>
      tpu.vector_store %arg5[%swap3A_17, %swap3A_18], %broadcast_in_dim3A_16 {strides = array<i32>} : memref<1x128xf32, #tpu.memory_space<vmem>>, vector<1x128xf32>,
    } else {
    }
    %get3A = arith.constant 0 : index
    %get3A_2 = arith.constant 0 : index
    %get3A_3 = vector.load %arg5[%get3A, %get3A_2] : memref<1x128xf32, #tpu.memory_space<vmem>>, vector<1x128xf32>
    %get3A_4 = arith.constant 0 : index
    %get3A_5 = arith.constant 0 : index
    %get3A_6 = vector.load %arg1[%get3A_4, %get3A_5] : memref<1000x128xf32, #tpu.memory_space<vmem>>, vector<1000x128xf32>
    %reduce_sum3A = arith.constant dense<0.000000e+00> : vector<128xf32>
    %reduce_sum3A_7 = vector.multi_reduction <add>, %get3A_6, %reduce_sum3A [0] : vector<1000x128xf32> to vector<128xf32>
    %broadcast_in_dim3A = vector.shape_cast %reduce_sum3A_7 : vector<128xf32> to vector<1x128xf32>
    %add3A = arith.addf %get3A_3, %broadcast_in_dim3A : vector<1x128xf32>
    %swap3A = arith.constant 0 : index
    %swap3A_8 = arith.constant 0 : index
    %swap3A_9 = vector.load %arg5[%swap3A, %swap3A_8] : memref<1x128xf32, #tpu.memory_space<vmem>>, vector<1x128xf32>
    tpu.vector_store %arg5[%swap3A, %swap3A_8], %add3A {strides = array<i32>} : memref<1x128xf32, #tpu.memory_space<vmem>>, vector<1x128xf32>,
    %eq3A_10 = arith.constant 9 : i32
    %eq3A_11 = arith.cmpi eq, %arg0, %eq3A_10 : i32
    %convert_element_type3A_12 = arith.extui %eq3A_11 : i1 to i32
    %cond3A_13 = arith.constant 0 : i32
    %cond3A_14 = arith.cmpi ne, %convert_element_type3A_12, %cond3A_13 : i32
    scf.if %cond3A_14 {
      %get3A_15 = arith.constant 0 : index
      %get3A_16 = arith.constant 0 : index
      %get3A_17 = vector.load %arg5[%get3A_15, %get3A_16] : memref<1x128xf32, #tpu.memory_space<vmem>>, vector<1x128xf32>
      %get3A_18 = arith.constant 0 : index
      %get3A_19 = arith.constant 0 : index
      %get3A_20 = vector.load %arg2[%get3A_18, %get3A_19] : memref<1x128xf32, #tpu.memory_space<vmem>>, vector<1x128xf32>
      %mul3A = arith.mulf %get3A_17, %get3A_20 : vector<1x128xf32>
      %reduce_sum3A_21 = arith.constant dense<0.000000e+00> : vector<1xf32>
      %reduce_sum3A_22 = vector.multi_reduction <add>, %mul3A, %reduce_sum3A_21 [1] : vector<1x128xf32> to vector<1xf32>
      %broadcast_in_dim3A_23 = vector.shape_cast %reduce_sum3A_22 : vector<1xf32> to vector<1x1xf32>
      %mul3A_24 = arith.constant 9.99999974E-5 : f32
      %mul3A_25 = vector.broadcast %mul3A_24 : f32 to vector<1x1xf32>
      %mul3A_26 = arith.mulf %broadcast_in_dim3A_23, %mul3A_25 : vector<1x1xf32>
      %get3A_27 = arith.constant 0 : index
      %get3A_28 = arith.constant 0 : index
      %get3A_29 = vector.load %arg3[%get3A_27, %get3A_28] : memref<1x1xf32, #tpu.memory_space<vmem>>, vector<1x1xf32>
      %add3A_30 = arith.addf %mul3A_26, %get3A_29 : vector<1x1xf32>
      %swap3A_31 = arith.constant 0 : index
      %swap3A_32 = arith.constant 0 : index
      %swap3A_33 = vector.load %arg4[%swap3A_31, %swap3A_32] : memref<1x1xf32, #tpu.memory_space<vmem>>, vector<1x1xf32>
      tpu.vector_store %arg4[%swap3A_31, %swap3A_32], %add3A_30 {strides = array<i32>} : memref<1x1xf32, #tpu.memory_space<vmem>>, vector<1x1xf32>,
    } else {
    }
    return
  }
  func.func @transform_0(%arg0: i32) -> (i32, i32) {
    %c0_i32 = arith.constant 0 : i32
    %c0_i32_0 = arith.constant 0 : i32
    return %arg0, %c0_i32 : i32, i32
  }
  func.func @transform_1(%arg0: i32) -> (i32, i32) {
    %c0_i32 = arith.constant 0 : i32
    %c0_i32_0 = arith.constant 0 : i32
    %c0_i32_1 = arith.constant 0 : i32
    return %c0_i32, %c0_i32_0 : i32, i32
  }
  func.func @transform_2(%arg0: i32) -> (i32, i32) {
    %c0_i32 = arith.constant 0 : i32
    %c0_i32_0 = arith.constant 0 : i32
    %c0_i32_1 = arith.constant 0 : i32
    return %c0_i32, %c0_i32_0 : i32, i32
  }
  func.func @transform_3(%arg0: i32) -> (i32, i32) {
    %c0_i32 = arith.constant 0 : i32
    %c0_i32_0 = arith.constant 0 : i32
    %c0_i32_1 = arith.constant 0 : i32
    return %c0_i32, %c0_i32_0 : i32, i32
  }
}

</mosaic_0001>

<sc_bundles>
// kernel: closed_call.15.cloned.1.call-start
scs
__scs_entry_jumppad:
0x0: {  	(pc) =	sbr.rel $0x88, $3  }
0x1: {  	(tag) =	ssettag $0x0;
	lr =	simm.s32 $0x1  }
0x2: {  	[smem:$0x3F8D] =	sst lr;
	_ =	strace $0xD0000000  }
0x3: {  	_ = 	snop  }
0x4: {  	_ = 	snop  }
0x5: {  	_ = 	snop  }
0x6: {  	_ = 	snop  }
0x7: {  	_ = 	snop  }
__scs_overlays_trampoline_lowered:
0x8: {  	[smem:$0x3F9C] =	sst s0  }
0x9: {  	[smem:$0x3F9D] =	sst s1  }
0xa: {  	[smem:$0x3F9E] =	sst s2  }
0xb: {  	[smem:$0x3F9F] =	sst s3  }
0xc: {  	[smem:$0x3FA0] =	sst s4  }
0xd: {  	[smem:$0x3FA1] =	sst s5  }
0xe: {  	[smem:$0x3FA2] =	sst s6  }
0xf: {  	[smem:$0x3FA3] =	sst s7  }
0x10: {  	[smem:$0x3FA4] =	sst s8  }
0x11: {  	[smem:$0x3FA5] =	sst s9;
	s0 =	simm.s32 @!p0 $0x0  }
0x12: {  	s1 =	sld [smem:$0x3F8B];
	s0 =	simm.s32 @p0 $0x1  }
0x13: {  	[smem:$0x3FA6] =	sst s0;
	s0 =	simm.s32 @!p1 $0x0  }
0x14: {  	s2 =	sld [smem:$0x3F8A];
	s0 =	simm.s32 @p1 $0x1  }
0x15: {  	[smem:$0x3FA7] =	sst s0;
	s0 =	simm.s32 @!p2 $0x0  }
0x16: {  	s3 =	sld [smem:$0x3FDB];
	s0 =	simm.s32 @p2 $0x1  }
0x17: {  	s4 =	simm.s32 $0x1BF5;
	[smem:$0x3FA9] =	sst s0  }
0x18: {  	s0 =	sld [smem:$0x3F8C];
	_ =	swait.ge [sflag:s4], $0x0  }
0x19: {  	s7 =	sld [smem:$0x3F8D]  }
0x1a: {  	s8 =	sadd.s32 $0xFFFFE003, lr  }
0x1b: {  	s9 =	sadd.s32 $0xFFFFFEF7, lr;
	s5 =	simm.s32 $0xFFFFFFFF;
	p2 =	slt.u32 s8, $0xFFFFF086  }
0x1c: {  	p1 =	slt.u32 s9, $0xF7A;
	s5 =	simm.s32 @!p2 $0x0  }
0x1d: {  	s5 =	simm.s32 @p1 $0x1;
	p0 =	seq.s32 s7, s2  }
0x1e: {  	s7 =	smul.u32 @!p0 $0xF7A, s2;
	p2 =	seq.s32 @!p0 s5, $0x0  }
0x1f: {  	s9 =	smul.u32 $0xF7A, s1;
	s8 =	simm.s32 @!p0 $0x1BF5;
	p2 =	por !p2, p0  }
0x20: {  	[sflag:s8] =	ssyncset.s32 @!p0 $0xFFFFF086;
	s6 =	sadd.s32 @!p0 s3, s7;
	s7 =	simm.s32 @!p0 $0x108  }
0x21: {  	s3 =	sadd.s32 s3, s9;
	s6 =	sadd.s32 @!p0 $0x88, s6;
	s7 =	simm.s32 @p2 $0x1082  }
0x22: {  	[simem:s7], [sflag:s8] =	dma.local @!p0 [hbm:s6], $0xF7A  }
0x23: {  	s9 =	sor.u32 $0xD0000000, s2;
	s6 =	simm.s32 $0x108;
	_ =	swait.ge @!p0 [sflag:s8], $0x0  }
0x24: {  	s3 =	sadd.s32 $0x88, s3;
	s6 =	simm.s32 @!p1 $0x1082;
	[sflag:s4] =	ssyncset.s32 $0xFFFFF086  }
0x25: {  	[simem:s6], [sflag:s4] =	dma.local [hbm:s3], $0xF7A  }
0x26: {  	[smem:$0x3F8D] =	sst s1;
	(tag) =	ssettag s2;
	_ =	strace s9  }
0x27: {  	s1 =	sld [smem:$0x3F9D]  }
0x28: {  	s2 =	sld [smem:$0x3F9E]  }
0x29: {  	s4 =	sld [smem:$0x3FA0]  }
0x2a: {  	p0 =	seq.s32 s5, $0x0;
	s5 =	sld [smem:$0x3FA1]  }
0x2b: {  	s6 =	sld [smem:$0x3FA2]  }
0x2c: {  	s7 =	sld [smem:$0x3FA3]  }
0x2d: {  	s3 =	simm.s32 $0x108;
	s8 =	sld [smem:$0x3FA4]  }
0x2e: {  	s3 =	simm.s32 @!p0 $0x1082;
	s9 =	sld [smem:$0x3FA5]  }
0x2f: {  	lr =	sadd.s32 s0, s3;
	s0 =	sld [smem:$0x3F9C]  }
0x30: {  	s3 =	sld [smem:$0x3F9F]  }
0x31: {  	[smem:$0x3FA8] =	sst s10  }
0x32: {  	s10 =	sld [smem:$0x3FA6];
	_ =	sdelay $0x3  }
0x33: {  	p0 =	seq.s32 s10, $0x1;
	s10 =	sld [smem:$0x3FA8];
	_ =	sdelay $0x3  }
0x34: {  	[smem:$0x3FA8] =	sst s10  }
0x35: {  	s10 =	sld [smem:$0x3FA7];
	_ =	sdelay $0x3  }
0x36: {  	p1 =	seq.s32 s10, $0x1;
	s10 =	sld [smem:$0x3FA8];
	_ =	sdelay $0x3  }
0x37: {  	[smem:$0x3FA8] =	sst s10  }
0x38: {  	s10 =	sld [smem:$0x3FA9]  }
0x39: {  	_ = 	snop;
	(pc) =	sbr.ind lr, $3  }
0x3a: {  	_ = 	snop  }
0x3b: {  	_ = 	snop  }
0x3c: {  	p2 =	seq.s32 s10, $0x1;
	s10 =	sld [smem:$0x3FA8]  }
0x3d: {  	_ =	shalt  }
0x3e: {  	_ =	shalt  }
0x3f: {  	_ =	shalt  }
0x40: {  	_ =	shalt  }
0x41: {  	_ =	shalt  }
0x42: {  	_ =	shalt  }
0x43: {  	_ =	shalt  }
0x44: {  	_ =	shalt  }
0x45: {  	_ =	shalt  }
0x46: {  	_ =	shalt  }
0x47: {  	_ =	shalt  }
0x48: {  	_ =	shalt  }
0x49: {  	_ =	shalt  }
0x4a: {  	_ =	shalt  }
0x4b: {  	_ =	shalt  }
0x4c: {  	_ =	shalt  }
0x4d: {  	_ =	shalt  }
0x4e: {  	_ =	shalt  }
0x4f: {  	_ =	shalt  }
0x50: {  	_ =	shalt  }
0x51: {  	_ =	shalt  }
0x52: {  	_ =	shalt  }
0x53: {  	_ =	shalt  }
0x54: {  	_ =	shalt  }
0x55: {  	_ =	shalt  }
0x56: {  	_ =	shalt  }
0x57: {  	_ =	shalt  }
0x58: {  	_ =	shalt  }
0x59: {  	_ =	shalt  }
0x5a: {  	_ =	shalt  }
0x5b: {  	_ =	shalt  }
0x5c: {  	_ =	shalt  }
0x5d: {  	_ =	shalt  }
0x5e: {  	_ =	shalt  }
0x5f: {  	_ =	shalt  }
0x60: {  	_ =	shalt  }
0x61: {  	_ =	shalt  }
0x62: {  	_ =	shalt  }
0x63: {  	_ =	shalt  }
0x64: {  	_ =	shalt  }
0x65: {  	_ =	shalt  }
0x66: {  	_ =	shalt  }
0x67: {  	_ =	shalt  }
0x68: {  	_ =	shalt  }
0x69: {  	_ =	shalt  }
0x6a: {  	_ =	shalt  }
0x6b: {  	_ =	shalt  }
0x6c: {  	_ =	shalt  }
0x6d: {  	_ =	shalt  }
0x6e: {  	_ =	shalt  }
0x6f: {  	_ =	shalt  }
0x70: {  	_ =	shalt  }
0x71: {  	_ =	shalt  }
0x72: {  	_ =	shalt  }
0x73: {  	_ =	shalt  }
0x74: {  	_ =	shalt  }
0x75: {  	_ =	shalt  }
0x76: {  	_ =	shalt  }
0x77: {  	_ =	shalt  }
0x78: {  	_ =	shalt  }
0x79: {  	_ =	shalt  }
0x7a: {  	_ =	shalt  }
0x7b: {  	_ =	shalt  }
0x7c: {  	_ =	shalt  }
0x7d: {  	_ =	shalt  }
0x7e: {  	_ =	shalt  }
0x7f: {  	_ =	shalt  }
0x80: {  	_ =	shalt  }
0x81: {  	_ =	shalt  }
0x82: {  	_ =	shalt  }
0x83: {  	_ =	shalt  }
0x84: {  	_ =	shalt  }
0x85: {  	_ =	shalt  }
0x86: {  	_ =	shalt  }
0x87: {  	_ =	shalt  }
.Lfunc_end0:
.L_simem_size_0:
called_computation_lowered:
.L_overlay_start_0:
0x88: {  	s2 =	sld [smem:$0x3FD9]  }
0x89: {  	s3 =	sld [smem:$0x3FFE];
	_ =	sdelay $0x1  }
0x8a: {  	s1 =	srdreg.scid  }
0x8b: {  	s0 =	sand.u32 $0x1, s1  }
0x8c: {  	s16 =	sshll.u32 s0, $0xA;
	s2 =	sadd.s32 s3, s2  }
0x8d: {  	s2 =	sadd.s32 s2, s16  }
0x8e: {  	[smem:$0x3FB4] =	sst s2  }
0x8f: {  	_ = 	snop  }
0x90: {  	(tm) =	ssettm $0x1  }
0x91: {  	s17 =	sld [smem:$0x3FFB];
	_ =	sdelay $0x3  }
0x92: {  	_ =	strace s17  }
0x93: {  	s2 =	sld [smem:$0x3FFC];
	_ =	sdelay $0x3  }
0x94: {  	_ =	strace s2  }
0x95: {  	s2 =	sld [smem:$0x3FFD];
	_ =	sdelay $0x3  }
0x96: {  	_ =	strace s2  }
0x97: {  	_ =	strace $0x8FFFFFFF  }
0x98: {  	s18 =	sld [smem:$0x3FDB];
	_ =	sdelay $0x1  }
0x99: {  	s19 =	simm.s32 $_scs_section_size  }
0x9a: {  	s4 =	simm.s32 $_size__tile_overlayer_lowered;
	s5 =	simm.s32 $_tile_overlayer_lowered  }
0x9b: {  	s22 =	simm.s32 $0x1BFF;
	s21 =	sshll.u32 s5, $0x1;
	s2 =	sadd.s32 s19, s18  }
0x9c: {  	s6 =	simm.s32 $0x0;
	s20 =	sshll.u32 s4, $0x1;
	s4 =	sadd.s32 s21, s2  }
0x9d: {  	[timem:s6], [sflag:s22] =	dma.local [hbm:s4], s20  }
0x9e: {  	_ =	swait.ge [sflag:s22], s20  }
0x9f: {  	s3 =	ssub.s32 $0x0, s20;
	[sflag:s22] =	ssyncset.done $0x0  }
0xa0: {  	[sflag:s22] =	ssyncadd.s32 s3;
	_ =	sdelay $0x1  }
0xa1: {  	s23 =	simm.s32 $0x1B8B  }
0xa2: {  	_ =	swait.ge [sflag:s23], $0x1  }
0xa3: {  	[sflag:s23] =	ssyncset.done $0x0  }
0xa4: {  	s25 =	simm.s32 $0x1B8E;
	s24 =	sld [smem:$0x3FFE];
	[sflag:s23] =	ssyncadd.s32 $0xFFFFFFFF  }
0xa5: {  	s26 =	simm.s32 $execute0_lowered;
	[smem:$0x3FD2] =	sst s25  }
0xa6: {  	s4 =	sshll.u32 s26, $0x1;
	_ =	strace $0x80000046;
	[dreg:$0x1] =	wrdreg $0xFFFFFFFF  }
0xa7: {  	s28 =	simm.s32 $_size_execute0_lowered;
	s2 =	sadd.s32 s2, s4;
	[dreg:$0x0] =	wrdreg $0x0  }
0xa8: {  	s4 =	sshll.u32 s28, $0x1;
	[dreg:$0x2] =	wrdreg s2  }
0xa9: {  	[dreg:$0x3] =	wrdreg s4  }
0xaa: {  	[dreg:$0x4] =	wrdreg $0xC0  }
0xab: {  	_ =	task [dreg:s6], $0x5FFFF  }
0xac: {  	[dreg:$0x1] =	wrdreg $0xFFFFFFFF  }
0xad: {  	[dreg:$0x0] =	wrdreg $0x60  }
0xae: {  	[dreg:$0x2] =	wrdreg s24  }
0xaf: {  	[dreg:$0x3] =	wrdreg $0x9  }
0xb0: {  	_ =	task.clear_ibuf [dreg:s6], $0x4FFFF;
	_ =	strace $0x90000046  }
0xb1: {  	s29 =	simm.s32 $0x9;
	_ =	strace $0x80000048  }
0xb2: {  	_ =	swait.ge [sflag:s29], $0x1  }
0xb3: {  	[sflag:s29] =	ssyncadd.s32 $0xFFFFFFFF  }
0xb4: {  	_ =	strace $0x90000048  }
0xb5: {  	_ =	sfence  }
0xb6: {  	s30 =	sld [smem:$0x0];
	_ =	sdelay $0x2  }
0xb7: {  	s31 =	sshll.u32 s1, $0xD;
	s1 =	sshrl.u32 s1, $0x2  }
0xb8: {  	s3 =	sand.u32 $0x4000, s31;
	s1 =	sadd.s32 s1, s30  }
0xb9: {  	s0 =	sor.u32 s3, s0;
	s1 =	sshll.u32 s1, $0x11  }
0xba: {  	s0 =	sor.u32 s1, s0  }
0xbb: {  	s0 =	sadd.s32 $0x8F2B, s0  }
0xbc: {  	[sflag:s0] =	ssyncadd.remote.s32 $0x1  }
0xbd: {  	_ =	sfence.sel $0xFFFF  }
0xbe: {  	[dreg:$0x0] =	wrdreg $0xFFFFFFFF;
	(pc) =	sbr.abs _section_cstart, $3  }
0xbf: {  	[dreg:$0x1] =	wrdreg $0xFFFFFFFF  }
0xc0: {  	_ =	task.clear_ibuf [dreg:s6], $0x2FFFF;
	_ =	strace $0x9FFFFFFF  }
0xc1: {  	(tm) =	ssettm $0x7FFFFFFF  }
tec
execute0_lowered:
.L_overlay_start_1:
0x0: {  	(tag) =	ssettag $0x1  }
0x1: {  	s0 =	srdreg.scid  }
0x2: {  	s5 =	rddreg [dreg:$0x0];
	s11 =	simm.s32 $0x80;
	s12 =	simm.s32 $0x400  }
0x3: {  	s13 =	simm.s32 $0x1;
	s14 =	simm.s32 $0x1400;
	s3 =	sand.u32 $0x1, s0  }
0x4: {  	s15 =	simm.s32 $0x2800;
	s0 =	stileid.u32;
	s1 =	sshll.u32 s3, $0x4  }
0x5: {  	s16 =	simm.s32 $0x3C00;
	s17 =	simm.s32 $0x5000;
	s2 =	sor.u32 s0, s1  }
0x6: {  	s18 =	simm.s32 $0x7780;
	s19 =	simm.s32 $0x9F00;
	s4 =	sshrl.u32 s2, $0x3  }
0x7: {  	s20 =	simm.s32 $0x0;
	s6 =	sshll.u32 s0, $0x7;
	s4 =	smul.u32 $0xA000, s4  }
0x8: {  	s7 =	ssub.s32 $0x2, s3;
	s3 =	sadd.s32 $0x3B800, s5;
	s6 =	sand.u32 $0x380, s6  }
0x9: {  	s1 =	rddreg [dreg:$0x1];
	s31 =	sshrl.u32 s7, $0x1;
	s4 =	sor.u32 s6, s4  }
0xa: {  	s2 =	simm.s32 $0x0;
	s10 =	ssub.s32 s7, s31;
	s8 =	sshrl.u32 s4, $0x3  }
0xb: {  	[smem:$0x7FF] =	sst s2;
	s4 =	sadd.s32 $0x3B200, s5;
	s5 =	sadd.s32 s5, s8  }
0xc: {  	s10 =	smax.u32 s10, $0x1;
	_ =	strace $0x80000047;
	s6 =	sadd.s32 $0x5000, s5  }
0xd: {  	s7 =	sadd.s32 $0xA000, s5;
	s8 =	sadd.s32 $0xF000, s5;
	s9 =	sadd.s32 $0x3BE00, s5  }
.LBB2_1:
0xe: {  	[tilespmem:s2], [sflag:$0x1] =	stream.strided.gather [hbm4b:s5+s11], $0x1400, s12, s11, $0x38;
	[tilespmem:$0xB300] =	vst v63  }
0xf: {  	_ =	swait.ge [sflag:s13], $0x1400  }
0x10: {  	[sflag:s13] =	ssyncset.done $0x0  }
0x11: {  	[sflag:s13] =	ssyncadd.s32 $0xFFFFEC00  }
0x12: {  	[tilespmem:s14], [sflag:$0x1] =	stream.strided.gather [hbm4b:s6+s11], $0x1400, s12, s11, $0x38;
	[tilespmem:$0xB300] =	vst v63  }
0x13: {  	_ =	swait.ge [sflag:s13], $0x1400  }
0x14: {  	[sflag:s13] =	ssyncset.done $0x0  }
0x15: {  	[sflag:s13] =	ssyncadd.s32 $0xFFFFEC00  }
0x16: {  	[tilespmem:s15], [sflag:$0x1] =	stream.strided.gather [hbm4b:s7+s11], $0x1400, s12, s11, $0x38;
	[tilespmem:$0xB300] =	vst v63  }
0x17: {  	_ =	swait.ge [sflag:s13], $0x1400  }
0x18: {  	[sflag:s13] =	ssyncset.done $0x0  }
0x19: {  	[sflag:s13] =	ssyncadd.s32 $0xFFFFEC00  }
0x1a: {  	[tilespmem:s16], [sflag:$0x1] =	stream.strided.gather [hbm4b:s8+s11], $0x1400, s12, s11, $0x38;
	[tilespmem:$0xB300] =	vst v63  }
0x1b: {  	_ =	swait.ge [sflag:s13], $0x1400  }
0x1c: {  	[sflag:s13] =	ssyncset.done $0x0  }
0x1d: {  	[sflag:s13] =	ssyncadd.s32 $0xFFFFEC00  }
0x1e: {  	[tilespmem:s17], [sflag:$0x1] =	stream.linear.gather [hbm4b:s3+s2], $0x2780, $0x38;
	[tilespmem:$0xB300] =	vst v63  }
0x1f: {  	_ =	swait.ge [sflag:s13], $0x2780  }
0x20: {  	[sflag:s13] =	ssyncset.done $0x0  }
0x21: {  	[sflag:s13] =	ssyncadd.s32 $0xFFFFD880  }
0x22: {  	[tilespmem:s18], [sflag:$0x1] =	stream.linear.gather [hbm4b:s4+s2], $0x2780, $0x38;
	[tilespmem:$0xB300] =	vst v63  }
0x23: {  	_ =	swait.ge [sflag:s13], $0x2780  }
0x24: {  	[sflag:s13] =	ssyncset.done $0x0  }
0x25: {  	s21 =	simm.s32 $0x0;
	[sflag:s13] =	ssyncadd.s32 $0xFFFFD880  }
0x26: {  	v0 =	vld [tilespmem:s21+$0x1400]  }
0x27: {  	v1 =	vld [tilespmem:s21+$0x0];
	_ =	sdelay $0x6  }
0x28: {  	v0 =	vld.idx.msk [tilespmem:v0+s18+$0x0], $0xffff  }
0x29: {  	v1 =	vld.idx.msk [tilespmem:v1+s17+$0x0], $0xffff;
	_ =	sdelay $0x1  }
0x2a: {  	v2 =	vld [tilespmem:s21+$0x2800];
	_ =	sdelay $0x2  }
0x2b: {  	v0 =	vadd.f32 v0, v1;
	_ =	sdelay $0x1  }
0x2c: {  	v0 =	vadd.f32 v2, v0;
	_ =	sdelay $0x1  }
0x2d: {  	v0 =	vsub.f32 $0.0e+00, v0;
	_ =	sdelay $0x1  }
0x2e: {  	v0 =	vmul.f32 $1.442695020e+00, v0;
	_ =	sdelay $0x1  }
0x2f: {  	(erf) = vpow2.f32 v0;
	_ =	sdelay $0x8  }
0x30: {  	v0 =	vpop (erf)  }
0x31: {  	v0 =	vadd.f32 $1.000000000e+00, v0;
	_ =	sdelay $0x1  }
0x32: {  	(erf) = vrcp.f32 v0;
	_ =	sdelay $0x3  }
0x33: {  	s23 =	simm.s32 $0x10;
	v1 =	vld [tilespmem:s21+$0x3C00]  }
0x34: {  	s22 =	simm.s32 $0x80;
	v0 =	vld [tilespmem:s23+$0x1400]  }
.LBB2_2:
0x35: {  	p0 =	sne.s32 s22, $0x4FC0;
	v2 =	vld [tilespmem:s23+$0x0];
	_ =	sdelay $0x2  }
0x36: {  	v3 =	vpop (erf)  }
0x37: {  	v1 =	vmul.f32 v3, v1;
	_ =	sdelay $0x1  }
0x38: {  	[tilespmem:s21+$0x9F00] =	vst v1;
	s21 =	smov.u32 s23  }
0x39: {  	v0 =	vld.idx.msk [tilespmem:v0+s18+$0x0], $0xffff  }
0x3a: {  	v1 =	vld.idx.msk [tilespmem:v2+s17+$0x0], $0xffff;
	_ =	sdelay $0x2  }
0x3b: {  	v2 =	vld [tilespmem:s21+$0x2800];
	_ =	sdelay $0x2  }
0x3c: {  	v0 =	vadd.f32 v0, v1;
	_ =	sdelay $0x1  }
0x3d: {  	v0 =	vadd.f32 v2, v0;
	_ =	sdelay $0x1  }
0x3e: {  	v0 =	vsub.f32 $0.0e+00, v0;
	_ =	sdelay $0x1  }
0x3f: {  	v0 =	vmul.f32 $1.442695020e+00, v0;
	_ =	sdelay $0x1  }
0x40: {  	(erf) = vpow2.f32 v0;
	_ =	sdelay $0x8  }
0x41: {  	v0 =	vpop (erf)  }
0x42: {  	v0 =	vadd.f32 $1.000000000e+00, v0;
	_ =	sdelay $0x1  }
0x43: {  	(erf) = vrcp.f32 v0  }
.Ltmp0:
0x44: {  	(pc) =	sbr.rel @p0 .LBB2_2-.Ltmp0, $3  }
0x45: {  	_ =	sdelay $0x1  }
0x46: {  	s23 =	sshra.s32 s22, $0x2;
	v1 =	vld [tilespmem:s21+$0x3C00]  }
0x47: {  	s22 =	sadd.s32 $0x40, s22;
	v0 =	vld [tilespmem:s23+$0x1400]  }
0x48: {  	_ = 	snop  }
0x49: {  	v2 =	vld [tilespmem:s23+$0x0];
	_ =	sdelay $0x2  }
0x4a: {  	v3 =	vpop (erf)  }
0x4b: {  	v1 =	vmul.f32 v3, v1;
	_ =	sdelay $0x1  }
0x4c: {  	[tilespmem:s21+$0x9F00] =	vst v1  }
0x4d: {  	v0 =	vld.idx.msk [tilespmem:v0+s18+$0x0], $0xffff  }
0x4e: {  	v1 =	vld.idx.msk [tilespmem:v2+s17+$0x0], $0xffff;
	_ =	sdelay $0x1  }
0x4f: {  	v61 =	vld [tilespmem:s23+$0x2800];
	_ =	sdelay $0x2  }
0x50: {  	v0 =	vadd.f32 v0, v1;
	_ =	sdelay $0x1  }
0x51: {  	v0 =	vadd.f32 v61, v0;
	_ =	sdelay $0x1  }
0x52: {  	v0 =	vsub.f32 $0.0e+00, v0;
	_ =	sdelay $0x1  }
0x53: {  	v0 =	vmul.f32 $1.442695020e+00, v0;
	_ =	sdelay $0x1  }
0x54: {  	(erf) = vpow2.f32 v0;
	_ =	sdelay $0x8  }
0x55: {  	v0 =	vpop (erf)  }
0x56: {  	v0 =	vadd.f32 $1.000000000e+00, v0;
	_ =	sdelay $0x1  }
0x57: {  	(erf) = vrcp.f32 v0;
	_ =	sdelay $0x4  }
0x58: {  	v62 =	vld [tilespmem:s23+$0x3C00];
	_ =	sdelay $0x3  }
0x59: {  	v63 =	vpop (erf)  }
0x5a: {  	s20 =	sadd.s32 $0x1, s20;
	v0 =	vmul.f32 v63, v62  }
0x5b: {  	p0 =	sne.s32 s20, s10  }
.Ltmp1:
0x5c: {  	[tilespmem:s23+$0x9F00] =	vst v0;
	(pc) =	sbr.rel @p0 .LBB2_1-.Ltmp1, $4  }
0x5d: {  	[hbm4b:s9+s11] =	stream.strided.scatter [tilespmem:s19], [sflag:$0x1], $0x1400, s12, s11, $0x38;
	[tilespmem:$0xB300] =	vst v63  }
0x5e: {  	_ =	swait.ge [sflag:s13], $0x1400  }
0x5f: {  	[sflag:s13] =	ssyncset.done $0x0  }
0x60: {  	[sflag:s13] =	ssyncadd.s32 $0xFFFFEC00  }
0x61: {  	_ =	sfence.sel $0x180000  }
0x62: {  	[bflag:$0x0] =	sbarrier.arrive $0xFFFF  }
0x63: {  	p0 =	sne.s32 s0, $0x0;
	_ =	strace $0x90000047  }
0x64: {  	s0 =	sadd.s32 @!p0 $0x100000, s1;
	[bflag:$0x2] =	sbarrier.arrive $0xFFFF  }
0x65: {  	[sflag:s0] =	ssyncadd.tile.s32 @!p0 $0x1;
	_ =	shalt  }
.Lfunc_end2:
_tile_overlayer_lowered:
.L_overlay_start_2:
0x66: {  	(tag) =	ssettag $0x2  }
0x67: {  	s0 =	rddreg [dreg:$0x0];
	s2 =	stileid.u32  }
0x68: {  	s1 =	rddreg [dreg:$0x1];
	p0 =	sne.s32 s2, $0x0  }
0x69: {  	s3 =	rddreg [dreg:$0x2];
	[bflag:$0x3] =	sbarrier.arrive $0xFFFF;
	s2 =	simm.s32 @!p0 $0x1C01  }
0x6a: {  	[timem:s3], [sflag:s2] =	dma.local @!p0 [hbm:s0], s1  }
0x6b: {  	s0 =	simm.s32 @!p0 $0x1  }
0x6c: {  	_ =	swait.ge @!p0 [sflag:s0], s1  }
0x6d: {  	s1 =	ssub.s32 @!p0 $0x0, s1;
	[sflag:s0] =	ssyncset.done @!p0 $0x0  }
0x6e: {  	[sflag:s0] =	ssyncadd.s32 @!p0 s1  }
0x6f: {  	[bflag:$0x3] =	sbarrier.arrive $0xFFFF  }
0x70: {  	_ =	shalt  }

// kernel: closed_call.18.cloned.1.call-start
scs
__scs_entry_jumppad:
0x0: {  	(pc) =	sbr.rel $0x88, $3  }
0x1: {  	(tag) =	ssettag $0x0;
	lr =	simm.s32 $0x1  }
0x2: {  	[smem:$0x3F8D] =	sst lr;
	_ =	strace $0xD0000000  }
0x3: {  	_ = 	snop  }
0x4: {  	_ = 	snop  }
0x5: {  	_ = 	snop  }
0x6: {  	_ = 	snop  }
0x7: {  	_ = 	snop  }
__scs_overlays_trampoline_lowered:
0x8: {  	[smem:$0x3F9C] =	sst s0  }
0x9: {  	[smem:$0x3F9D] =	sst s1  }
0xa: {  	[smem:$0x3F9E] =	sst s2  }
0xb: {  	[smem:$0x3F9F] =	sst s3  }
0xc: {  	[smem:$0x3FA0] =	sst s4  }
0xd: {  	[smem:$0x3FA1] =	sst s5  }
0xe: {  	[smem:$0x3FA2] =	sst s6  }
0xf: {  	[smem:$0x3FA3] =	sst s7  }
0x10: {  	[smem:$0x3FA4] =	sst s8  }
0x11: {  	[smem:$0x3FA5] =	sst s9;
	s0 =	simm.s32 @!p0 $0x0  }
0x12: {  	s1 =	sld [smem:$0x3F8B];
	s0 =	simm.s32 @p0 $0x1  }
0x13: {  	[smem:$0x3FA6] =	sst s0;
	s0 =	simm.s32 @!p1 $0x0  }
0x14: {  	s2 =	sld [smem:$0x3F8A];
	s0 =	simm.s32 @p1 $0x1  }
0x15: {  	[smem:$0x3FA7] =	sst s0;
	s0 =	simm.s32 @!p2 $0x0  }
0x16: {  	s3 =	sld [smem:$0x3FDB];
	s0 =	simm.s32 @p2 $0x1  }
0x17: {  	s4 =	simm.s32 $0x1BF5;
	[smem:$0x3FA9] =	sst s0  }
0x18: {  	s0 =	sld [smem:$0x3F8C];
	_ =	swait.ge [sflag:s4], $0x0  }
0x19: {  	s7 =	sld [smem:$0x3F8D]  }
0x1a: {  	s8 =	sadd.s32 $0xFFFFE003, lr  }
0x1b: {  	s9 =	sadd.s32 $0xFFFFFEF7, lr;
	s5 =	simm.s32 $0xFFFFFFFF;
	p2 =	slt.u32 s8, $0xFFFFF086  }
0x1c: {  	p1 =	slt.u32 s9, $0xF7A;
	s5 =	simm.s32 @!p2 $0x0  }
0x1d: {  	s5 =	simm.s32 @p1 $0x1;
	p0 =	seq.s32 s7, s2  }
0x1e: {  	s7 =	smul.u32 @!p0 $0xF7A, s2;
	p2 =	seq.s32 @!p0 s5, $0x0  }
0x1f: {  	s9 =	smul.u32 $0xF7A, s1;
	s8 =	simm.s32 @!p0 $0x1BF5;
	p2 =	por !p2, p0  }
0x20: {  	[sflag:s8] =	ssyncset.s32 @!p0 $0xFFFFF086;
	s6 =	sadd.s32 @!p0 s3, s7;
	s7 =	simm.s32 @!p0 $0x108  }
0x21: {  	s3 =	sadd.s32 s3, s9;
	s6 =	sadd.s32 @!p0 $0x88, s6;
	s7 =	simm.s32 @p2 $0x1082  }
0x22: {  	[simem:s7], [sflag:s8] =	dma.local @!p0 [hbm:s6], $0xF7A  }
0x23: {  	s9 =	sor.u32 $0xD0000000, s2;
	s6 =	simm.s32 $0x108;
	_ =	swait.ge @!p0 [sflag:s8], $0x0  }
0x24: {  	s3 =	sadd.s32 $0x88, s3;
	s6 =	simm.s32 @!p1 $0x1082;
	[sflag:s4] =	ssyncset.s32 $0xFFFFF086  }
0x25: {  	[simem:s6], [sflag:s4] =	dma.local [hbm:s3], $0xF7A  }
0x26: {  	[smem:$0x3F8D] =	sst s1;
	(tag) =	ssettag s2;
	_ =	strace s9  }
0x27: {  	s1 =	sld [smem:$0x3F9D]  }
0x28: {  	s2 =	sld [smem:$0x3F9E]  }
0x29: {  	s4 =	sld [smem:$0x3FA0]  }
0x2a: {  	p0 =	seq.s32 s5, $0x0;
	s5 =	sld [smem:$0x3FA1]  }
0x2b: {  	s6 =	sld [smem:$0x3FA2]  }
0x2c: {  	s7 =	sld [smem:$0x3FA3]  }
0x2d: {  	s3 =	simm.s32 $0x108;
	s8 =	sld [smem:$0x3FA4]  }
0x2e: {  	s3 =	simm.s32 @!p0 $0x1082;
	s9 =	sld [smem:$0x3FA5]  }
0x2f: {  	lr =	sadd.s32 s0, s3;
	s0 =	sld [smem:$0x3F9C]  }
0x30: {  	s3 =	sld [smem:$0x3F9F]  }
0x31: {  	[smem:$0x3FA8] =	sst s10  }
0x32: {  	s10 =	sld [smem:$0x3FA6];
	_ =	sdelay $0x3  }
0x33: {  	p0 =	seq.s32 s10, $0x1;
	s10 =	sld [smem:$0x3FA8];
	_ =	sdelay $0x3  }
0x34: {  	[smem:$0x3FA8] =	sst s10  }
0x35: {  	s10 =	sld [smem:$0x3FA7];
	_ =	sdelay $0x3  }
0x36: {  	p1 =	seq.s32 s10, $0x1;
	s10 =	sld [smem:$0x3FA8];
	_ =	sdelay $0x3  }
0x37: {  	[smem:$0x3FA8] =	sst s10  }
0x38: {  	s10 =	sld [smem:$0x3FA9]  }
0x39: {  	_ = 	snop;
	(pc) =	sbr.ind lr, $3  }
0x3a: {  	_ = 	snop  }
0x3b: {  	_ = 	snop  }
0x3c: {  	p2 =	seq.s32 s10, $0x1;
	s10 =	sld [smem:$0x3FA8]  }
0x3d: {  	_ =	shalt  }
0x3e: {  	_ =	shalt  }
0x3f: {  	_ =	shalt  }
0x40: {  	_ =	shalt  }
0x41: {  	_ =	shalt  }
0x42: {  	_ =	shalt  }
0x43: {  	_ =	shalt  }
0x44: {  	_ =	shalt  }
0x45: {  	_ =	shalt  }
0x46: {  	_ =	shalt  }
0x47: {  	_ =	shalt  }
0x48: {  	_ =	shalt  }
0x49: {  	_ =	shalt  }
0x4a: {  	_ =	shalt  }
0x4b: {  	_ =	shalt  }
0x4c: {  	_ =	shalt  }
0x4d: {  	_ =	shalt  }
0x4e: {  	_ =	shalt  }
0x4f: {  	_ =	shalt  }
0x50: {  	_ =	shalt  }
0x51: {  	_ =	shalt  }
0x52: {  	_ =	shalt  }
0x53: {  	_ =	shalt  }
0x54: {  	_ =	shalt  }
0x55: {  	_ =	shalt  }
0x56: {  	_ =	shalt  }
0x57: {  	_ =	shalt  }
0x58: {  	_ =	shalt  }
0x59: {  	_ =	shalt  }
0x5a: {  	_ =	shalt  }
0x5b: {  	_ =	shalt  }
0x5c: {  	_ =	shalt  }
0x5d: {  	_ =	shalt  }
0x5e: {  	_ =	shalt  }
0x5f: {  	_ =	shalt  }
0x60: {  	_ =	shalt  }
0x61: {  	_ =	shalt  }
0x62: {  	_ =	shalt  }
0x63: {  	_ =	shalt  }
0x64: {  	_ =	shalt  }
0x65: {  	_ =	shalt  }
0x66: {  	_ =	shalt  }
0x67: {  	_ =	shalt  }
0x68: {  	_ =	shalt  }
0x69: {  	_ =	shalt  }
0x6a: {  	_ =	shalt  }
0x6b: {  	_ =	shalt  }
0x6c: {  	_ =	shalt  }
0x6d: {  	_ =	shalt  }
0x6e: {  	_ =	shalt  }
0x6f: {  	_ =	shalt  }
0x70: {  	_ =	shalt  }
0x71: {  	_ =	shalt  }
0x72: {  	_ =	shalt  }
0x73: {  	_ =	shalt  }
0x74: {  	_ =	shalt  }
0x75: {  	_ =	shalt  }
0x76: {  	_ =	shalt  }
0x77: {  	_ =	shalt  }
0x78: {  	_ =	shalt  }
0x79: {  	_ =	shalt  }
0x7a: {  	_ =	shalt  }
0x7b: {  	_ =	shalt  }
0x7c: {  	_ =	shalt  }
0x7d: {  	_ =	shalt  }
0x7e: {  	_ =	shalt  }
0x7f: {  	_ =	shalt  }
0x80: {  	_ =	shalt  }
0x81: {  	_ =	shalt  }
0x82: {  	_ =	shalt  }
0x83: {  	_ =	shalt  }
0x84: {  	_ =	shalt  }
0x85: {  	_ =	shalt  }
0x86: {  	_ =	shalt  }
0x87: {  	_ =	shalt  }
.Lfunc_end0:
.L_simem_size_0:
called_computation.1_lowered:
.L_overlay_start_0:
0x88: {  	s2 =	sld [smem:$0x3FD9]  }
0x89: {  	s3 =	sld [smem:$0x3FFE];
	_ =	sdelay $0x1  }
0x8a: {  	s1 =	srdreg.scid  }
0x8b: {  	s0 =	sand.u32 $0x1, s1  }
0x8c: {  	s16 =	sshll.u32 s0, $0xA;
	s2 =	sadd.s32 s3, s2  }
0x8d: {  	s2 =	sadd.s32 s2, s16  }
0x8e: {  	[smem:$0x3FB4] =	sst s2  }
0x8f: {  	_ = 	snop  }
0x90: {  	(tm) =	ssettm $0x1  }
0x91: {  	s17 =	sld [smem:$0x3FFB];
	_ =	sdelay $0x3  }
0x92: {  	_ =	strace s17  }
0x93: {  	s2 =	sld [smem:$0x3FFC];
	_ =	sdelay $0x3  }
0x94: {  	_ =	strace s2  }
0x95: {  	s2 =	sld [smem:$0x3FFD];
	_ =	sdelay $0x3  }
0x96: {  	_ =	strace s2  }
0x97: {  	_ =	strace $0x8FFFFFFF  }
0x98: {  	s18 =	sld [smem:$0x3FDB];
	_ =	sdelay $0x1  }
0x99: {  	s19 =	simm.s32 $_scs_section_size  }
0x9a: {  	s4 =	simm.s32 $_size__tile_overlayer_lowered;
	s5 =	simm.s32 $_tile_overlayer_lowered  }
0x9b: {  	s22 =	simm.s32 $0x1BFF;
	s21 =	sshll.u32 s5, $0x1;
	s2 =	sadd.s32 s19, s18  }
0x9c: {  	s6 =	simm.s32 $0x0;
	s20 =	sshll.u32 s4, $0x1;
	s4 =	sadd.s32 s21, s2  }
0x9d: {  	[timem:s6], [sflag:s22] =	dma.local [hbm:s4], s20  }
0x9e: {  	_ =	swait.ge [sflag:s22], s20  }
0x9f: {  	s3 =	ssub.s32 $0x0, s20;
	[sflag:s22] =	ssyncset.done $0x0  }
0xa0: {  	[sflag:s22] =	ssyncadd.s32 s3;
	_ =	sdelay $0x1  }
0xa1: {  	s23 =	simm.s32 $0x1B8B  }
0xa2: {  	_ =	swait.ge [sflag:s23], $0x1  }
0xa3: {  	[sflag:s23] =	ssyncset.done $0x0  }
0xa4: {  	s25 =	simm.s32 $0x1B8E;
	s24 =	sld [smem:$0x3FFE];
	[sflag:s23] =	ssyncadd.s32 $0xFFFFFFFF  }
0xa5: {  	s26 =	simm.s32 $execute0_lowered;
	[smem:$0x3FD2] =	sst s25  }
0xa6: {  	s4 =	sshll.u32 s26, $0x1;
	_ =	strace $0x80000049;
	[dreg:$0x1] =	wrdreg $0xFFFFFFFF  }
0xa7: {  	s28 =	simm.s32 $_size_execute0_lowered;
	s2 =	sadd.s32 s2, s4;
	[dreg:$0x0] =	wrdreg $0x0  }
0xa8: {  	s4 =	sshll.u32 s28, $0x1;
	[dreg:$0x2] =	wrdreg s2  }
0xa9: {  	[dreg:$0x3] =	wrdreg s4  }
0xaa: {  	[dreg:$0x4] =	wrdreg $0xC0  }
0xab: {  	_ =	task [dreg:s6], $0x5FFFF  }
0xac: {  	[dreg:$0x1] =	wrdreg $0xFFFFFFFF  }
0xad: {  	[dreg:$0x0] =	wrdreg $0x60  }
0xae: {  	[dreg:$0x2] =	wrdreg s24  }
0xaf: {  	[dreg:$0x3] =	wrdreg $0x3C000  }
0xb0: {  	[dreg:$0x4] =	wrdreg $0x9  }
0xb1: {  	_ =	task.clear_ibuf [dreg:s6], $0x5FFFF;
	_ =	strace $0x90000049  }
0xb2: {  	s29 =	simm.s32 $0x9;
	_ =	strace $0x8000004B  }
0xb3: {  	_ =	swait.ge [sflag:s29], $0x1  }
0xb4: {  	[sflag:s29] =	ssyncadd.s32 $0xFFFFFFFF  }
0xb5: {  	_ =	strace $0x9000004B  }
0xb6: {  	_ =	sfence  }
0xb7: {  	s30 =	sld [smem:$0x0];
	_ =	sdelay $0x2  }
0xb8: {  	s31 =	sshll.u32 s1, $0xD;
	s1 =	sshrl.u32 s1, $0x2  }
0xb9: {  	s3 =	sand.u32 $0x4000, s31;
	s1 =	sadd.s32 s1, s30  }
0xba: {  	s0 =	sor.u32 s3, s0;
	s1 =	sshll.u32 s1, $0x11  }
0xbb: {  	s0 =	sor.u32 s1, s0  }
0xbc: {  	s0 =	sadd.s32 $0x8F2B, s0  }
0xbd: {  	[sflag:s0] =	ssyncadd.remote.s32 $0x1  }
0xbe: {  	_ =	sfence.sel $0xFFFF  }
0xbf: {  	[dreg:$0x0] =	wrdreg $0xFFFFFFFF;
	(pc) =	sbr.abs _section_cstart, $3  }
0xc0: {  	[dreg:$0x1] =	wrdreg $0xFFFFFFFF  }
0xc1: {  	_ =	task.clear_ibuf [dreg:s6], $0x2FFFF;
	_ =	strace $0x9FFFFFFF  }
0xc2: {  	(tm) =	ssettm $0x7FFFFFFF  }
0xc3: {  	_ =	shalt  }
tec
execute0_lowered:
.L_overlay_start_1:
0x0: {  	(tag) =	ssettag $0x1  }
0x1: {  	s7 =	stileid.u32  }
0x2: {  	s30 =	smul.u32 $0x50000, s7  }
0x3: {  	s0 =	rddreg [dreg:$0x0]  }
0x4: {  	s1 =	rddreg [dreg:$0x1];
	s5 =	simm.s32 $0x0;
	s8 =	sshrl.u32 s30, $0x2  }
0x5: {  	[smem:$0x7FF] =	sst s5;
	s8 =	sadd.s32 s8, s1  }
0x6: {  	_ =	strace $0x8000004A;
	s10 =	sadd.s32 $0x2000, s8;
	[dreg:$0x6] =	wrdreg s8  }
0x7: {  	s2 =	srdreg.scid;
	s11 =	sadd.s32 $0x3000, s8;
	[dreg:$0x8] =	wrdreg s10  }
0x8: {  	s29 =	simm.s32 $0x7;
	s12 =	sadd.s32 $0x4000, s8;
	[dreg:$0x9] =	wrdreg s11  }
0x9: {  	s2 =	sand.u32 $0x1, s2;
	s13 =	sadd.s32 $0x5000, s8;
	[dreg:$0xa] =	wrdreg s12  }
0xa: {  	s26 =	smul.u32 $0x14000, s7;
	s14 =	sadd.s32 $0x6000, s8;
	[dreg:$0xb] =	wrdreg s13  }
0xb: {  	s6 =	sshll.u32 s7, $0x7;
	s15 =	sadd.s32 $0x7000, s8;
	[dreg:$0xc] =	wrdreg s14  }
0xc: {  	s3 =	smul.u32 $0x140000, s2;
	s16 =	sadd.s32 $0x8000, s8;
	[dreg:$0xd] =	wrdreg s15  }
0xd: {  	s4 =	sshll.u32 s2, $0x4;
	s17 =	sadd.s32 $0x9000, s8;
	[dreg:$0xe] =	wrdreg s16  }
0xe: {  	s6 =	sand.u32 $0x380, s6;
	s18 =	sadd.s32 $0xA000, s8;
	[dreg:$0xf] =	wrdreg s17  }
0xf: {  	s2 =	ssub.s32 $0x2, s2;
	s19 =	sadd.s32 $0xB000, s8;
	[dreg:$0x10] =	wrdreg s18  }
0x10: {  	s4 =	sor.u32 s7, s4;
	s20 =	sadd.s32 $0xC000, s8;
	[dreg:$0x11] =	wrdreg s19  }
0x11: {  	s31 =	sshrl.u32 s2, $0x1;
	s21 =	sadd.s32 $0xD000, s8;
	[dreg:$0x12] =	wrdreg s20  }
0x12: {  	s4 =	sshrl.u32 s4, $0x3;
	s22 =	sadd.s32 $0xE000, s8;
	[dreg:$0x13] =	wrdreg s21  }
0x13: {  	s2 =	ssub.s32 s2, s31;
	s23 =	sadd.s32 $0xF000, s8;
	[dreg:$0x14] =	wrdreg s22  }
0x14: {  	s3 =	sadd.s32 s26, s3;
	s25 =	smax.u32 s2, $0x1;
	[dreg:$0x15] =	wrdreg s23  }
0x15: {  	s28 =	smul.u32 $0xA000, s4;
	s26 =	sadd.s32 $0x10000, s8;
	[dreg:$0x17] =	wrdreg s25  }
0x16: {  	s4 =	sadd.s32 $0x14000, s0;
	s30 =	sadd.s32 $0x12000, s8;
	[dreg:$0x18] =	wrdreg s26  }
0x17: {  	s3 =	sshrl.u32 s3, $0x3;
	s31 =	sadd.s32 $0x13000, s8;
	[dreg:$0x1a] =	wrdreg s30  }
0x18: {  	s2 =	simm.s32 $0x2800;
	s3 =	sadd.s32 s3, s0;
	[dreg:$0x1b] =	wrdreg s31  }
0x19: {  	s14 =	simm.s32 $0x1;
	s16 =	simm.s32 $0x1EC00;
	s18 =	simm.s32 $0x2  }
0x1a: {  	s20 =	simm.s32 $0x3;
	s5 =	sor.u32 s6, s28;
	s24 =	sadd.s32 $0x40E00, s3  }
0x1b: {  	s28 =	sadd.s32 $0x11000, s8;
	s5 =	sshrl.u32 s5, $0x3;
	[dreg:$0x16] =	wrdreg s24  }
0x1c: {  	s22 =	simm.s32 $0x4;
	[dreg:$0x19] =	wrdreg s28;
	s5 =	sadd.s32 s0, s5  }
0x1d: {  	s26 =	simm.s32 $0x6;
	s0 =	sadd.s32 $0x1000, s8;
	[dreg:$0x3] =	wrdreg s5  }
0x1e: {  	s3 =	simm.s32 $0x11;
	s9 =	sadd.s32 $0x5000, s5;
	[dreg:$0x7] =	wrdreg s0  }
0x1f: {  	s6 =	simm.s32 $0x0;
	s5 =	sadd.s32 $0x3BE00, s5;
	[dreg:$0x4] =	wrdreg s9  }
0x20: {  	v0 =	vimm.f32 $0.0e+00;
	vm0 =	vmmov $0xffff;
	s24 =	simm.s32 $0x5;
	[dreg:$0x5] =	wrdreg s5;
	s5 =	simm.s32 $0x8  }
.LBB2_1:
0x21: {  	[dreg:$0x1c] =	wrdreg s6;
	s0 =	simm.s32 $0x0  }
0x22: {  	s25 =	rddreg [dreg:$0x3];
	s7 =	simm.s32 $0x80;
	s9 =	simm.s32 $0x400  }
0x23: {  	[tilespmem:s0], [sflag:$0x11] =	stream.strided.gather [hbm4b:s25+s7], $0x1400, s9, s7, $0x38;
	[tilespmem:$0x1FC00] =	vst v63  }
0x24: {  	_ =	swait.ge [sflag:s3], $0x1400  }
0x25: {  	[sflag:s3] =	ssyncset.done $0x0  }
0x26: {  	s30 =	simm.s32 $0x1400;
	s28 =	rddreg [dreg:$0x4];
	[sflag:s3] =	ssyncadd.s32 $0xFFFFEC00  }
0x27: {  	[tilespmem:s30], [sflag:$0x11] =	stream.strided.gather [hbm4b:s28+s7], $0x1400, s9, s7, $0x38;
	[tilespmem:$0x1FC00] =	vst v63  }
0x28: {  	_ =	swait.ge [sflag:s3], $0x1400  }
0x29: {  	[sflag:s3] =	ssyncset.done $0x0  }
0x2a: {  	s31 =	rddreg [dreg:$0x5];
	[sflag:s3] =	ssyncadd.s32 $0xFFFFEC00  }
0x2b: {  	[tilespmem:s2], [sflag:$0x11] =	stream.strided.gather [hbm4b:s31+s7], $0x1400, s9, s7, $0x38;
	[tilespmem:$0x1FC00] =	vst v63  }
0x2c: {  	_ =	swait.ge [sflag:s3], $0x1400  }
0x2d: {  	[sflag:s3] =	ssyncset.done $0x0  }
0x2e: {  	s0 =	simm.s32 $0x0;
	s7 =	simm.s32 $0x200;
	[sflag:s3] =	ssyncadd.s32 $0xFFFFEC00  }
.LBB2_2:
0x2f: {  	p0 =	sne.s32 s7, $0x3E00;
	[tilespmem:s0+$0x17C70] =	vst v0  }
0x30: {  	[tilespmem:s0+$0x17C00] =	vst v0  }
0x31: {  	[tilespmem:s0+$0x17C10] =	vst v0  }
.Ltmp0:
0x32: {  	[tilespmem:s0+$0x17C20] =	vst v0;
	(pc) =	sbr.rel @p0 .LBB2_2-.Ltmp0, $4  }
0x33: {  	[tilespmem:s0+$0x17C30] =	vst v0  }
0x34: {  	[tilespmem:s0+$0x17C40] =	vst v0  }
0x35: {  	[tilespmem:s0+$0x17C50] =	vst v0  }
0x36: {  	[tilespmem:s0+$0x17C60] =	vst v0;
	s0 =	sshra.s32 s7, $0x2;
	s7 =	sadd.s32 $0x200, s7  }
0x37: {  	[tilespmem:s0+$0x17C70] =	vst v0  }
0x38: {  	[tilespmem:s0+$0x17C00] =	vst v0  }
0x39: {  	[tilespmem:s0+$0x17C10] =	vst v0  }
0x3a: {  	[tilespmem:s0+$0x17C20] =	vst v0  }
0x3b: {  	[tilespmem:s0+$0x17C30] =	vst v0  }
0x3c: {  	[tilespmem:s0+$0x17C40] =	vst v0  }
0x3d: {  	[tilespmem:s0+$0x17C50] =	vst v0  }
0x3e: {  	[tilespmem:s0+$0x17C60] =	vst v0;
	s6 =	simm.s32 $0x17C00  }
0x3f: {  	[spmem:s8] =	stream.linear.scatter [tilespmem:s6], [sflag:$0x11], $0x1000, $0x38;
	[tilespmem:$0x1FC00] =	vst v63  }
0x40: {  	_ =	swait.ge [sflag:s3], $0x1000  }
0x41: {  	[sflag:s3] =	ssyncset.done $0x0  }
0x42: {  	s12 =	rddreg [dreg:$0x7];
	[sflag:s3] =	ssyncadd.s32 $0xFFFFF000  }
0x43: {  	[spmem:s12] =	stream.linear.scatter [tilespmem:s6], [sflag:$0x11], $0x1000, $0x38;
	[tilespmem:$0x1FC00] =	vst v63  }
0x44: {  	_ =	swait.ge [sflag:s3], $0x1000  }
0x45: {  	[sflag:s3] =	ssyncset.done $0x0  }
0x46: {  	s13 =	rddreg [dreg:$0x8];
	[sflag:s3] =	ssyncadd.s32 $0xFFFFF000  }
0x47: {  	[spmem:s13] =	stream.linear.scatter [tilespmem:s6], [sflag:$0x11], $0x1000, $0x38;
	[tilespmem:$0x1FC00] =	vst v63  }
0x48: {  	_ =	swait.ge [sflag:s3], $0x1000  }
0x49: {  	[sflag:s3] =	ssyncset.done $0x0  }
0x4a: {  	s15 =	rddreg [dreg:$0x9];
	[sflag:s3] =	ssyncadd.s32 $0xFFFFF000  }
0x4b: {  	[spmem:s15] =	stream.linear.scatter [tilespmem:s6], [sflag:$0x11], $0x1000, $0x38;
	[tilespmem:$0x1FC00] =	vst v63  }
0x4c: {  	_ =	swait.ge [sflag:s3], $0x1000  }
0x4d: {  	[sflag:s3] =	ssyncset.done $0x0  }
0x4e: {  	s17 =	rddreg [dreg:$0xa];
	[sflag:s3] =	ssyncadd.s32 $0xFFFFF000  }
0x4f: {  	[spmem:s17] =	stream.linear.scatter [tilespmem:s6], [sflag:$0x11], $0x1000, $0x38;
	[tilespmem:$0x1FC00] =	vst v63  }
0x50: {  	_ =	swait.ge [sflag:s3], $0x1000  }
0x51: {  	[sflag:s3] =	ssyncset.done $0x0  }
0x52: {  	s19 =	rddreg [dreg:$0xb];
	[sflag:s3] =	ssyncadd.s32 $0xFFFFF000  }
0x53: {  	[spmem:s19] =	stream.linear.scatter [tilespmem:s6], [sflag:$0x11], $0x1000, $0x38;
	[tilespmem:$0x1FC00] =	vst v63  }
0x54: {  	_ =	swait.ge [sflag:s3], $0x1000  }
0x55: {  	[sflag:s3] =	ssyncset.done $0x0  }
0x56: {  	s21 =	rddreg [dreg:$0xc];
	[sflag:s3] =	ssyncadd.s32 $0xFFFFF000  }
0x57: {  	[spmem:s21] =	stream.linear.scatter [tilespmem:s6], [sflag:$0x11], $0x1000, $0x38;
	[tilespmem:$0x1FC00] =	vst v63  }
0x58: {  	_ =	swait.ge [sflag:s3], $0x1000  }
0x59: {  	[sflag:s3] =	ssyncset.done $0x0  }
0x5a: {  	s23 =	rddreg [dreg:$0xd];
	[sflag:s3] =	ssyncadd.s32 $0xFFFFF000  }
0x5b: {  	[spmem:s23] =	stream.linear.scatter [tilespmem:s6], [sflag:$0x11], $0x1000, $0x38;
	[tilespmem:$0x1FC00] =	vst v63  }
0x5c: {  	_ =	swait.ge [sflag:s3], $0x1000  }
0x5d: {  	[sflag:s3] =	ssyncset.done $0x0  }
0x5e: {  	s25 =	rddreg [dreg:$0xe];
	[sflag:s3] =	ssyncadd.s32 $0xFFFFF000  }
0x5f: {  	[spmem:s25] =	stream.linear.scatter [tilespmem:s6], [sflag:$0x11], $0x1000, $0x38;
	[tilespmem:$0x1FC00] =	vst v63  }
0x60: {  	_ =	swait.ge [sflag:s3], $0x1000  }
0x61: {  	[sflag:s3] =	ssyncset.done $0x0  }
0x62: {  	s30 =	rddreg [dreg:$0xf];
	[sflag:s3] =	ssyncadd.s32 $0xFFFFF000  }
0x63: {  	[spmem:s30] =	stream.linear.scatter [tilespmem:s6], [sflag:$0x11], $0x1000, $0x38;
	[tilespmem:$0x1FC00] =	vst v63  }
0x64: {  	_ =	swait.ge [sflag:s3], $0x1000  }
0x65: {  	[sflag:s3] =	ssyncset.done $0x0  }
0x66: {  	s31 =	rddreg [dreg:$0x10];
	[sflag:s3] =	ssyncadd.s32 $0xFFFFF000  }
0x67: {  	[spmem:s31] =	stream.linear.scatter [tilespmem:s6], [sflag:$0x11], $0x1000, $0x38;
	[tilespmem:$0x1FC00] =	vst v63  }
0x68: {  	_ =	swait.ge [sflag:s3], $0x1000  }
0x69: {  	[sflag:s3] =	ssyncset.done $0x0  }
0x6a: {  	s7 =	rddreg [dreg:$0x11];
	[sflag:s3] =	ssyncadd.s32 $0xFFFFF000  }
0x6b: {  	[spmem:s7] =	stream.linear.scatter [tilespmem:s6], [sflag:$0x11], $0x1000, $0x38;
	[tilespmem:$0x1FC00] =	vst v63  }
0x6c: {  	_ =	swait.ge [sflag:s3], $0x1000  }
0x6d: {  	[sflag:s3] =	ssyncset.done $0x0  }
0x6e: {  	s8 =	rddreg [dreg:$0x12];
	[sflag:s3] =	ssyncadd.s32 $0xFFFFF000  }
0x6f: {  	[spmem:s8] =	stream.linear.scatter [tilespmem:s6], [sflag:$0x11], $0x1000, $0x38;
	[tilespmem:$0x1FC00] =	vst v63  }
0x70: {  	_ =	swait.ge [sflag:s3], $0x1000  }
0x71: {  	[sflag:s3] =	ssyncset.done $0x0  }
0x72: {  	s9 =	rddreg [dreg:$0x13];
	[sflag:s3] =	ssyncadd.s32 $0xFFFFF000  }
0x73: {  	[spmem:s9] =	stream.linear.scatter [tilespmem:s6], [sflag:$0x11], $0x1000, $0x38;
	[tilespmem:$0x1FC00] =	vst v63  }
0x74: {  	_ =	swait.ge [sflag:s3], $0x1000  }
0x75: {  	[sflag:s3] =	ssyncset.done $0x0  }
0x76: {  	s10 =	rddreg [dreg:$0x14];
	[sflag:s3] =	ssyncadd.s32 $0xFFFFF000  }
0x77: {  	[spmem:s10] =	stream.linear.scatter [tilespmem:s6], [sflag:$0x11], $0x1000, $0x38;
	[tilespmem:$0x1FC00] =	vst v63  }
0x78: {  	_ =	swait.ge [sflag:s3], $0x1000  }
0x79: {  	[sflag:s3] =	ssyncset.done $0x0  }
0x7a: {  	s11 =	rddreg [dreg:$0x15];
	[sflag:s3] =	ssyncadd.s32 $0xFFFFF000  }
0x7b: {  	[spmem:s11] =	stream.linear.scatter [tilespmem:s6], [sflag:$0x11], $0x1000, $0x38;
	[tilespmem:$0x1FC00] =	vst v63  }
0x7c: {  	_ =	swait.ge [sflag:s3], $0x1000  }
0x7d: {  	[sflag:s3] =	ssyncset.done $0x0  }
0x7e: {  	s12 =	rddreg [dreg:$0x18];
	[sflag:s3] =	ssyncadd.s32 $0xFFFFF000  }
0x7f: {  	[spmem:s12] =	stream.linear.scatter [tilespmem:s6], [sflag:$0x11], $0x1000, $0x38;
	[tilespmem:$0x1FC00] =	vst v63  }
0x80: {  	_ =	swait.ge [sflag:s3], $0x1000  }
0x81: {  	[sflag:s3] =	ssyncset.done $0x0  }
0x82: {  	s13 =	rddreg [dreg:$0x19];
	[sflag:s3] =	ssyncadd.s32 $0xFFFFF000  }
0x83: {  	[spmem:s13] =	stream.linear.scatter [tilespmem:s6], [sflag:$0x11], $0x1000, $0x38;
	[tilespmem:$0x1FC00] =	vst v63  }
0x84: {  	_ =	swait.ge [sflag:s3], $0x1000  }
0x85: {  	[sflag:s3] =	ssyncset.done $0x0  }
0x86: {  	s15 =	rddreg [dreg:$0x1a];
	[sflag:s3] =	ssyncadd.s32 $0xFFFFF000  }
0x87: {  	[spmem:s15] =	stream.linear.scatter [tilespmem:s6], [sflag:$0x11], $0x1000, $0x38;
	[tilespmem:$0x1FC00] =	vst v63  }
0x88: {  	_ =	swait.ge [sflag:s3], $0x1000  }
0x89: {  	[sflag:s3] =	ssyncset.done $0x0  }
0x8a: {  	s17 =	rddreg [dreg:$0x1b];
	[sflag:s3] =	ssyncadd.s32 $0xFFFFF000  }
0x8b: {  	[spmem:s17] =	stream.linear.scatter [tilespmem:s6], [sflag:$0x11], $0x1000, $0x38;
	[tilespmem:$0x1FC00] =	vst v63  }
0x8c: {  	_ =	swait.ge [sflag:s3], $0x1000  }
0x8d: {  	[sflag:s3] =	ssyncset.done $0x0  }
0x8e: {  	[sflag:s3] =	ssyncadd.s32 $0xFFFFF000  }
0x8f: {  	s0 =	simm.s32 $0x0;
	s8 =	simm.s32 $0x20;
	[bflag:$0x0] =	sbarrier.arrive $0xFFFF  }
0x90: {  	[tilespmem:s6], [sflag:$0x1] =	stream.indirect.gather [hbm4b:s4+s8], $0x80, s0, s8, $0xb8;
	[tilespmem:$0x1FC00] =	vst v63  }
0x91: {  	s19 =	simm.s32 $0x18C00  }
0x92: {  	[tilespmem:s19], [sflag:$0x2] =	stream.indirect.gather [hbm4b:s4+s8], $0x80, s8, s8, $0xb8;
	[tilespmem:$0x1FC00] =	vst v63  }
0x93: {  	s21 =	simm.s32 $0x19C00;
	s15 =	simm.s32 $0x40  }
0x94: {  	[tilespmem:s21], [sflag:$0x3] =	stream.indirect.gather [hbm4b:s4+s8], $0x80, s15, s8, $0xb8;
	[tilespmem:$0x1FC00] =	vst v63  }
0x95: {  	s23 =	simm.s32 $0x1AC00;
	s17 =	simm.s32 $0x60  }
0x96: {  	[tilespmem:s23], [sflag:$0x4] =	stream.indirect.gather [hbm4b:s4+s8], $0x80, s17, s8, $0xb8;
	[tilespmem:$0x1FC00] =	vst v63  }
0x97: {  	s25 =	simm.s32 $0x1BC00;
	s19 =	simm.s32 $0x80  }
0x98: {  	[tilespmem:s25], [sflag:$0x5] =	stream.indirect.gather [hbm4b:s4+s8], $0x80, s19, s8, $0xb8;
	[tilespmem:$0x1FC00] =	vst v63  }
0x99: {  	s28 =	simm.s32 $0x0;
	s30 =	simm.s32 $0x1CC00;
	s21 =	simm.s32 $0xA0  }
0x9a: {  	[tilespmem:s30], [sflag:$0x6] =	stream.indirect.gather [hbm4b:s4+s8], $0x80, s21, s8, $0xb8;
	[tilespmem:$0x1FC00] =	vst v63  }
0x9b: {  	s31 =	simm.s32 $0x1DC00;
	s23 =	simm.s32 $0xC0;
	s25 =	simm.s32 $0xE0  }
0x9c: {  	[tilespmem:s31], [sflag:$0x7] =	stream.indirect.gather [hbm4b:s4+s8], $0x80, s23, s8, $0xb8;
	[tilespmem:$0x1FC00] =	vst v63  }
.LBB2_4:
0x9d: {  	_ =	swait.ge [sflag:s14], $0x1000  }
0x9e: {  	p0 =	seq.s32 s28, $0x0;
	[sflag:s14] =	ssyncset.done $0x0  }
0x9f: {  	s7 =	simm.s32 @!p0 $0x10;
	[sflag:s14] =	ssyncadd.s32 $0xFFFFF000  }
0xa0: {  	_ =	swait.ge @!p0 [sflag:s7], $0x800  }
0xa1: {  	[sflag:s7] =	ssyncset.done @!p0 $0x0  }
0xa2: {  	[sflag:s7] =	ssyncadd.s32 @!p0 $0xFFFFF800  }
0xa3: {  	s9 =	sshllo.u32 s28, $0x3;
	s13 =	sadd.s32 $0x0, s0;
	_ =	swait.ge @!p0 [sflag:s7], $0x800  }
0xa4: {  	s6 =	simm.s32 $0x20;
	s30 =	sshll.u32 s9, $0x5;
	[sflag:s7] =	ssyncset.done @!p0 $0x0  }
0xa5: {  	v1 =	vmov s13;
	s12 =	sand.u32 $0x3FFFFFE0, s30;
	[sflag:s7] =	ssyncadd.s32 @!p0 $0xFFFFF800;
	s7 =	simm.s32 $0x17C40  }
0xa6: {  	[tilespmem:s16], [sflag:$0x8] =	stream.indirect.gather [hbm4b:s4+s6], $0x80, s12, s6, $0xb8;
	[tilespmem:$0x1FC00] =	vst v63  }
0xa7: {  	v5 =	vld [tilespmem:s7+$0x30]  }
0xa8: {  	v8 =	vld [tilespmem:s7+$0x10]  }
0xa9: {  	v6 =	vld [tilespmem:s7+$0xFFFFFFC0]  }
0xaa: {  	v2 =	vld.idx.msk [tilespmem:v1+s2+$0x0], $0xffff  }
0xab: {  	v10 =	vld [tilespmem:s7+$0xFFFFFFE0]  }
0xac: {  	v1 =	vld [tilespmem:s7+$0xFFFFFFF0]  }
0xad: {  	v3 =	vld [tilespmem:s7+$0x20]  }
0xae: {  	v4 =	vld [tilespmem:s7+$0xFFFFFFD0]  }
0xaf: {  	v9 =	vmul.f32 v5, v2;
	v5 =	vld [tilespmem:s7+$0x0]  }
0xb0: {  	s31 =	sshll.u32 s28, $0x8;
	v7 =	vmul.f32 v6, v2  }
0xb1: {  	s10 =	simm.s32 $0x1;
	s11 =	simm.s32 $0x17C40;
	s9 =	sshll.u32 s28, $0x3;
	v6 =	vmul.f32 v10, v2;
	v8 =	vmul.f32 v8, v2  }
.LBB2_5:
0xb2: {  	p0 =	sne.s32 s10, $0x1F  }
0xb3: {  	v4 =	vmul.f32 v4, v2;
	v3 =	vmul.f32 v3, v2;
	[tilespmem:s7+$0x30] =	vst v9;
	s11 =	sadd.s32 $0x80, s11;
	s12 =	smov.u32 s10;
	s10 =	sadd.s32 $0x1, s10  }
0xb4: {  	[tilespmem:s7+$0xFFFFFFC0] =	vst v7;
	v7 =	vmul.f32 v1, v2;
	v2 =	vmul.f32 v5, v2  }
0xb5: {  	s12 =	sadd.s32 s12, s0;
	[tilespmem:s7+$0x10] =	vst v8  }
0xb6: {  	v5 =	vmov s12;
	[tilespmem:s7+$0xFFFFFFE0] =	vst v6  }
0xb7: {  	v1 =	vld [tilespmem:s11+$0xFFFFFFF0];
	[tilespmem:s7+$0xFFFFFFF0] =	vst v7  }
0xb8: {  	v6 =	vld [tilespmem:s11+$0x30];
	[tilespmem:s7+$0x0] =	vst v2  }
0xb9: {  	v8 =	vld [tilespmem:s11+$0x10];
	[tilespmem:s7+$0x20] =	vst v3  }
0xba: {  	v7 =	vld [tilespmem:s11+$0xFFFFFFC0];
	[tilespmem:s7+$0xFFFFFFD0] =	vst v4;
	s7 =	smov.u32 s11  }
0xbb: {  	v2 =	vld.idx.msk [tilespmem:v5+s2+$0x0], $0xffff  }
0xbc: {  	v10 =	vld [tilespmem:s11+$0xFFFFFFE0]  }
0xbd: {  	v3 =	vld [tilespmem:s11+$0x20]  }
.Ltmp1:
0xbe: {  	v4 =	vld [tilespmem:s11+$0xFFFFFFD0];
	(pc) =	sbr.rel @p0 .LBB2_5-.Ltmp1, $3  }
0xbf: {  	v5 =	vld [tilespmem:s11+$0x0];
	_ =	sdelay $0x1  }
0xc0: {  	v7 =	vmul.f32 v7, v2;
	v9 =	vmul.f32 v6, v2  }
0xc1: {  	v8 =	vmul.f32 v8, v2;
	v6 =	vmul.f32 v10, v2  }
0xc2: {  	[tilespmem:s7+$0x30] =	vst v9  }
0xc3: {  	[tilespmem:s7+$0xFFFFFFC0] =	vst v7  }
0xc4: {  	v1 =	vmul.f32 v1, v2;
	[tilespmem:s7+$0x10] =	vst v8  }
0xc5: {  	v3 =	vmul.f32 v3, v2;
	[tilespmem:s7+$0xFFFFFFE0] =	vst v6  }
0xc6: {  	v5 =	vmul.f32 v5, v2;
	[tilespmem:s7+$0xFFFFFFF0] =	vst v1  }
0xc7: {  	v1 =	vmul.f32 v4, v2;
	[tilespmem:s7+$0x20] =	vst v3  }
0xc8: {  	s10 =	sshll.u32 s28, $0xA;
	[tilespmem:s7+$0x0] =	vst v5  }
0xc9: {  	s12 =	sshrl.u32 s10, $0x2;
	[tilespmem:s7+$0xFFFFFFD0] =	vst v1  }
0xca: {  	v1 =	vld [tilespmem:s12+$0x1400];
	_ =	sdelay $0x1  }
0xcb: {  	v2 =	vld [tilespmem:s12+$0x1410];
	_ =	sdelay $0x4  }
0xcc: {  	s6 =	simm.s32 $0x17C00  }
0xcd: {  	[spmem:s1] =	stream.indirect_vreg.scatter.add.f32 [tilespmem:s6], [sflag:$0x9], $0x80, v1, vm0, $0xb8;
	[tilespmem:$0x1FC00] =	vst v63  }
0xce: {  	s13 =	simm.s32 $0x18400  }
0xcf: {  	[spmem:s1] =	stream.indirect_vreg.scatter.add.f32 [tilespmem:s13], [sflag:$0x9], $0x80, v2, vm0, $0xb8;
	[tilespmem:$0x1FC00] =	vst v63  }
0xd0: {  	_ =	swait.ge [sflag:s18], $0x1000  }
0xd1: {  	p0 =	seq.s32 s28, $0x13;
	[sflag:s18] =	ssyncset.done $0x0  }
0xd2: {  	s11 =	simm.s32 @!p0 $0x9;
	[sflag:s18] =	ssyncadd.s32 $0xFFFFF000  }
0xd3: {  	_ =	swait.ge @!p0 [sflag:s11], $0x800  }
0xd4: {  	[sflag:s11] =	ssyncset.done @!p0 $0x0  }
0xd5: {  	[sflag:s11] =	ssyncadd.s32 @!p0 $0xFFFFF800  }
0xd6: {  	s7 =	sshrl.u32 @!p0 s10, $0x2;
	_ =	swait.ge @!p0 [sflag:s11], $0x800  }
0xd7: {  	s10 =	sadd.s32 @!p0 $0x100, s7;
	s12 =	simm.s32 @!p0 $0x17C00;
	[sflag:s11] =	ssyncset.done @!p0 $0x0  }
0xd8: {  	s13 =	sadd.s32 $0x0, s8;
	[sflag:s11] =	ssyncadd.s32 @!p0 $0xFFFFF800;
	s11 =	simm.s32 @!p0 $0x20  }
0xd9: {  	v1 =	vmov s13;
	[tilespmem:s12], [sflag:$0x1] =	stream.indirect.gather @!p0 [hbm4b:s4+s11], $0x80, s10, s11, $0xb8;
	[tilespmem:$0x1FC00] =	vst v63  }
0xda: {  	s10 =	simm.s32 $0x18C40  }
0xdb: {  	v5 =	vld [tilespmem:s10+$0x30]  }
0xdc: {  	v8 =	vld [tilespmem:s10+$0x10]  }
0xdd: {  	v6 =	vld [tilespmem:s10+$0xFFFFFFC0]  }
0xde: {  	v2 =	vld.idx.msk [tilespmem:v1+s2+$0x0], $0xffff  }
0xdf: {  	v10 =	vld [tilespmem:s10+$0xFFFFFFE0]  }
0xe0: {  	v1 =	vld [tilespmem:s10+$0xFFFFFFF0]  }
0xe1: {  	v3 =	vld [tilespmem:s10+$0x20]  }
0xe2: {  	v4 =	vld [tilespmem:s10+$0xFFFFFFD0]  }
0xe3: {  	v9 =	vmul.f32 v5, v2;
	v5 =	vld [tilespmem:s10+$0x0]  }
0xe4: {  	v7 =	vmul.f32 v6, v2  }
0xe5: {  	s13 =	simm.s32 $0x18C40;
	s11 =	sor.u32 $0x20, s31;
	s12 =	simm.s32 $0x1;
	v6 =	vmul.f32 v10, v2;
	v8 =	vmul.f32 v8, v2  }
.LBB2_7:
0xe6: {  	p1 =	sne.s32 s12, $0x1F  }
0xe7: {  	v4 =	vmul.f32 v4, v2;
	v3 =	vmul.f32 v3, v2;
	[tilespmem:s10+$0x30] =	vst v9;
	s13 =	sadd.s32 $0x80, s13;
	s6 =	smov.u32 s12;
	s12 =	sadd.s32 $0x1, s12  }
0xe8: {  	[tilespmem:s10+$0xFFFFFFC0] =	vst v7;
	v7 =	vmul.f32 v1, v2;
	v2 =	vmul.f32 v5, v2  }
0xe9: {  	s6 =	sadd.s32 s6, s8;
	[tilespmem:s10+$0x10] =	vst v8  }
0xea: {  	v5 =	vmov s6;
	[tilespmem:s10+$0xFFFFFFE0] =	vst v6  }
0xeb: {  	v1 =	vld [tilespmem:s13+$0xFFFFFFF0];
	[tilespmem:s10+$0xFFFFFFF0] =	vst v7  }
0xec: {  	v6 =	vld [tilespmem:s13+$0x30];
	[tilespmem:s10+$0x0] =	vst v2  }
0xed: {  	v8 =	vld [tilespmem:s13+$0x10];
	[tilespmem:s10+$0x20] =	vst v3  }
0xee: {  	v7 =	vld [tilespmem:s13+$0xFFFFFFC0];
	[tilespmem:s10+$0xFFFFFFD0] =	vst v4;
	s10 =	smov.u32 s13  }
0xef: {  	v2 =	vld.idx.msk [tilespmem:v5+s2+$0x0], $0xffff  }
0xf0: {  	v10 =	vld [tilespmem:s13+$0xFFFFFFE0]  }
0xf1: {  	v3 =	vld [tilespmem:s13+$0x20]  }
.Ltmp2:
0xf2: {  	v4 =	vld [tilespmem:s13+$0xFFFFFFD0];
	(pc) =	sbr.rel @p1 .LBB2_7-.Ltmp2, $3  }
0xf3: {  	v5 =	vld [tilespmem:s13+$0x0];
	_ =	sdelay $0x1  }
0xf4: {  	v7 =	vmul.f32 v7, v2;
	v9 =	vmul.f32 v6, v2  }
0xf5: {  	v8 =	vmul.f32 v8, v2;
	v6 =	vmul.f32 v10, v2  }
0xf6: {  	[tilespmem:s10+$0x30] =	vst v9  }
0xf7: {  	[tilespmem:s10+$0xFFFFFFC0] =	vst v7  }
0xf8: {  	v1 =	vmul.f32 v1, v2;
	[tilespmem:s10+$0x10] =	vst v8  }
0xf9: {  	v3 =	vmul.f32 v3, v2;
	[tilespmem:s10+$0xFFFFFFE0] =	vst v6  }
0xfa: {  	v5 =	vmul.f32 v5, v2;
	[tilespmem:s10+$0xFFFFFFF0] =	vst v1  }
0xfb: {  	v1 =	vmul.f32 v4, v2;
	[tilespmem:s10+$0x20] =	vst v3  }
0xfc: {  	[tilespmem:s10+$0x0] =	vst v5  }
0xfd: {  	[tilespmem:s10+$0xFFFFFFD0] =	vst v1  }
0xfe: {  	v1 =	vld [tilespmem:s11+$0x1400];
	_ =	sdelay $0x1  }
0xff: {  	v2 =	vld [tilespmem:s31+$0x1430];
	_ =	sdelay $0x4  }
0x100: {  	s6 =	simm.s32 $0x18C00  }
0x101: {  	[spmem:s1] =	stream.indirect_vreg.scatter.add.f32 [tilespmem:s6], [sflag:$0xA], $0x80, v1, vm0, $0xb8;
	[tilespmem:$0x1FC00] =	vst v63  }
0x102: {  	s13 =	simm.s32 $0x19400  }
0x103: {  	[spmem:s1] =	stream.indirect_vreg.scatter.add.f32 [tilespmem:s13], [sflag:$0xA], $0x80, v2, vm0, $0xb8;
	[tilespmem:$0x1FC00] =	vst v63  }
0x104: {  	_ =	swait.ge [sflag:s20], $0x1000  }
0x105: {  	[sflag:s20] =	ssyncset.done $0x0  }
0x106: {  	s6 =	simm.s32 @!p0 $0xA;
	[sflag:s20] =	ssyncadd.s32 $0xFFFFF000  }
0x107: {  	_ =	swait.ge @!p0 [sflag:s6], $0x800  }
0x108: {  	[sflag:s6] =	ssyncset.done @!p0 $0x0  }
0x109: {  	[sflag:s6] =	ssyncadd.s32 @!p0 $0xFFFFF800  }
0x10a: {  	_ =	swait.ge @!p0 [sflag:s6], $0x800  }
0x10b: {  	s12 =	sadd.s32 $0x0, s15;
	s10 =	simm.s32 @!p0 $0x20;
	[sflag:s6] =	ssyncset.done @!p0 $0x0  }
0x10c: {  	s11 =	simm.s32 @!p0 $0x18C00;
	[sflag:s6] =	ssyncadd.s32 @!p0 $0xFFFFF800;
	s6 =	sadd.s32 @!p0 $0x120, s7  }
0x10d: {  	v1 =	vmov s12;
	[tilespmem:s11], [sflag:$0x2] =	stream.indirect.gather @!p0 [hbm4b:s4+s10], $0x80, s6, s10, $0xb8;
	[tilespmem:$0x1FC00] =	vst v63  }
0x10e: {  	s10 =	simm.s32 $0x19C40  }
0x10f: {  	v5 =	vld [tilespmem:s10+$0x30]  }
0x110: {  	v8 =	vld [tilespmem:s10+$0x10]  }
0x111: {  	v6 =	vld [tilespmem:s10+$0xFFFFFFC0]  }
0x112: {  	v2 =	vld.idx.msk [tilespmem:v1+s2+$0x0], $0xffff  }
0x113: {  	v10 =	vld [tilespmem:s10+$0xFFFFFFE0]  }
0x114: {  	v1 =	vld [tilespmem:s10+$0xFFFFFFF0]  }
0x115: {  	v3 =	vld [tilespmem:s10+$0x20]  }
0x116: {  	v4 =	vld [tilespmem:s10+$0xFFFFFFD0]  }
0x117: {  	v9 =	vmul.f32 v5, v2;
	v5 =	vld [tilespmem:s10+$0x0]  }
0x118: {  	v7 =	vmul.f32 v6, v2  }
0x119: {  	s12 =	simm.s32 $0x1;
	s13 =	simm.s32 $0x19C40;
	s11 =	sor.u32 $0x40, s31;
	v6 =	vmul.f32 v10, v2;
	v8 =	vmul.f32 v8, v2  }
.LBB2_9:
0x11a: {  	p1 =	sne.s32 s12, $0x1F  }
0x11b: {  	v4 =	vmul.f32 v4, v2;
	v3 =	vmul.f32 v3, v2;
	[tilespmem:s10+$0x30] =	vst v9;
	s13 =	sadd.s32 $0x80, s13;
	s6 =	smov.u32 s12;
	s12 =	sadd.s32 $0x1, s12  }
0x11c: {  	[tilespmem:s10+$0xFFFFFFC0] =	vst v7;
	v7 =	vmul.f32 v1, v2;
	v2 =	vmul.f32 v5, v2  }
0x11d: {  	s6 =	sadd.s32 s6, s15;
	[tilespmem:s10+$0x10] =	vst v8  }
0x11e: {  	v5 =	vmov s6;
	[tilespmem:s10+$0xFFFFFFE0] =	vst v6  }
0x11f: {  	v1 =	vld [tilespmem:s13+$0xFFFFFFF0];
	[tilespmem:s10+$0xFFFFFFF0] =	vst v7  }
0x120: {  	v6 =	vld [tilespmem:s13+$0x30];
	[tilespmem:s10+$0x0] =	vst v2  }
0x121: {  	v8 =	vld [tilespmem:s13+$0x10];
	[tilespmem:s10+$0x20] =	vst v3  }
0x122: {  	v7 =	vld [tilespmem:s13+$0xFFFFFFC0];
	[tilespmem:s10+$0xFFFFFFD0] =	vst v4;
	s10 =	smov.u32 s13  }
0x123: {  	v2 =	vld.idx.msk [tilespmem:v5+s2+$0x0], $0xffff  }
0x124: {  	v10 =	vld [tilespmem:s13+$0xFFFFFFE0]  }
0x125: {  	v3 =	vld [tilespmem:s13+$0x20]  }
.Ltmp3:
0x126: {  	v4 =	vld [tilespmem:s13+$0xFFFFFFD0];
	(pc) =	sbr.rel @p1 .LBB2_9-.Ltmp3, $3  }
0x127: {  	v5 =	vld [tilespmem:s13+$0x0];
	_ =	sdelay $0x1  }
0x128: {  	v7 =	vmul.f32 v7, v2;
	v9 =	vmul.f32 v6, v2  }
0x129: {  	v8 =	vmul.f32 v8, v2;
	v6 =	vmul.f32 v10, v2  }
0x12a: {  	[tilespmem:s10+$0x30] =	vst v9  }
0x12b: {  	[tilespmem:s10+$0xFFFFFFC0] =	vst v7  }
0x12c: {  	v1 =	vmul.f32 v1, v2;
	[tilespmem:s10+$0x10] =	vst v8  }
0x12d: {  	v3 =	vmul.f32 v3, v2;
	[tilespmem:s10+$0xFFFFFFE0] =	vst v6  }
0x12e: {  	v5 =	vmul.f32 v5, v2;
	[tilespmem:s10+$0xFFFFFFF0] =	vst v1  }
0x12f: {  	v1 =	vmul.f32 v4, v2;
	[tilespmem:s10+$0x20] =	vst v3  }
0x130: {  	[tilespmem:s10+$0x0] =	vst v5  }
0x131: {  	[tilespmem:s10+$0xFFFFFFD0] =	vst v1  }
0x132: {  	v1 =	vld [tilespmem:s11+$0x1400];
	_ =	sdelay $0x1  }
0x133: {  	v2 =	vld [tilespmem:s31+$0x1450];
	_ =	sdelay $0x4  }
0x134: {  	s6 =	simm.s32 $0x19C00  }
0x135: {  	[spmem:s1] =	stream.indirect_vreg.scatter.add.f32 [tilespmem:s6], [sflag:$0xB], $0x80, v1, vm0, $0xb8;
	[tilespmem:$0x1FC00] =	vst v63  }
0x136: {  	s13 =	simm.s32 $0x1A400  }
0x137: {  	[spmem:s1] =	stream.indirect_vreg.scatter.add.f32 [tilespmem:s13], [sflag:$0xB], $0x80, v2, vm0, $0xb8;
	[tilespmem:$0x1FC00] =	vst v63  }
0x138: {  	_ =	swait.ge [sflag:s22], $0x1000  }
0x139: {  	[sflag:s22] =	ssyncset.done $0x0  }
0x13a: {  	s6 =	simm.s32 @!p0 $0xB;
	[sflag:s22] =	ssyncadd.s32 $0xFFFFF000  }
0x13b: {  	_ =	swait.ge @!p0 [sflag:s6], $0x800  }
0x13c: {  	[sflag:s6] =	ssyncset.done @!p0 $0x0  }
0x13d: {  	[sflag:s6] =	ssyncadd.s32 @!p0 $0xFFFFF800  }
0x13e: {  	_ =	swait.ge @!p0 [sflag:s6], $0x800  }
0x13f: {  	s12 =	sadd.s32 $0x0, s17;
	s10 =	simm.s32 @!p0 $0x20;
	[sflag:s6] =	ssyncset.done @!p0 $0x0  }
0x140: {  	s11 =	simm.s32 @!p0 $0x19C00;
	[sflag:s6] =	ssyncadd.s32 @!p0 $0xFFFFF800;
	s6 =	sadd.s32 @!p0 $0x140, s7  }
0x141: {  	v1 =	vmov s12;
	[tilespmem:s11], [sflag:$0x3] =	stream.indirect.gather @!p0 [hbm4b:s4+s10], $0x80, s6, s10, $0xb8;
	[tilespmem:$0x1FC00] =	vst v63  }
0x142: {  	s10 =	simm.s32 $0x1AC40  }
0x143: {  	v5 =	vld [tilespmem:s10+$0x30]  }
0x144: {  	v8 =	vld [tilespmem:s10+$0x10]  }
0x145: {  	v6 =	vld [tilespmem:s10+$0xFFFFFFC0]  }
0x146: {  	v2 =	vld.idx.msk [tilespmem:v1+s2+$0x0], $0xffff  }
0x147: {  	v10 =	vld [tilespmem:s10+$0xFFFFFFE0]  }
0x148: {  	v1 =	vld [tilespmem:s10+$0xFFFFFFF0]  }
0x149: {  	v3 =	vld [tilespmem:s10+$0x20]  }
0x14a: {  	v4 =	vld [tilespmem:s10+$0xFFFFFFD0]  }
0x14b: {  	v9 =	vmul.f32 v5, v2;
	v5 =	vld [tilespmem:s10+$0x0]  }
0x14c: {  	v7 =	vmul.f32 v6, v2  }
0x14d: {  	s12 =	simm.s32 $0x1;
	s13 =	simm.s32 $0x1AC40;
	s11 =	sor.u32 $0x60, s31;
	v6 =	vmul.f32 v10, v2;
	v8 =	vmul.f32 v8, v2  }
.LBB2_11:
0x14e: {  	p1 =	sne.s32 s12, $0x1F  }
0x14f: {  	v4 =	vmul.f32 v4, v2;
	v3 =	vmul.f32 v3, v2;
	[tilespmem:s10+$0x30] =	vst v9;
	s13 =	sadd.s32 $0x80, s13;
	s6 =	smov.u32 s12;
	s12 =	sadd.s32 $0x1, s12  }
0x150: {  	[tilespmem:s10+$0xFFFFFFC0] =	vst v7;
	v7 =	vmul.f32 v1, v2;
	v2 =	vmul.f32 v5, v2  }
0x151: {  	s6 =	sadd.s32 s6, s17;
	[tilespmem:s10+$0x10] =	vst v8  }
0x152: {  	v5 =	vmov s6;
	[tilespmem:s10+$0xFFFFFFE0] =	vst v6  }
0x153: {  	v1 =	vld [tilespmem:s13+$0xFFFFFFF0];
	[tilespmem:s10+$0xFFFFFFF0] =	vst v7  }
0x154: {  	v6 =	vld [tilespmem:s13+$0x30];
	[tilespmem:s10+$0x0] =	vst v2  }
0x155: {  	v8 =	vld [tilespmem:s13+$0x10];
	[tilespmem:s10+$0x20] =	vst v3  }
0x156: {  	v7 =	vld [tilespmem:s13+$0xFFFFFFC0];
	[tilespmem:s10+$0xFFFFFFD0] =	vst v4;
	s10 =	smov.u32 s13  }
0x157: {  	v2 =	vld.idx.msk [tilespmem:v5+s2+$0x0], $0xffff  }
0x158: {  	v10 =	vld [tilespmem:s13+$0xFFFFFFE0]  }
0x159: {  	v3 =	vld [tilespmem:s13+$0x20]  }
.Ltmp4:
0x15a: {  	v4 =	vld [tilespmem:s13+$0xFFFFFFD0];
	(pc) =	sbr.rel @p1 .LBB2_11-.Ltmp4, $3  }
0x15b: {  	v5 =	vld [tilespmem:s13+$0x0];
	_ =	sdelay $0x1  }
0x15c: {  	v7 =	vmul.f32 v7, v2;
	v9 =	vmul.f32 v6, v2  }
0x15d: {  	v8 =	vmul.f32 v8, v2;
	v6 =	vmul.f32 v10, v2  }
0x15e: {  	[tilespmem:s10+$0x30] =	vst v9  }
0x15f: {  	[tilespmem:s10+$0xFFFFFFC0] =	vst v7  }
0x160: {  	v1 =	vmul.f32 v1, v2;
	[tilespmem:s10+$0x10] =	vst v8  }
0x161: {  	v3 =	vmul.f32 v3, v2;
	[tilespmem:s10+$0xFFFFFFE0] =	vst v6  }
0x162: {  	v5 =	vmul.f32 v5, v2;
	[tilespmem:s10+$0xFFFFFFF0] =	vst v1  }
0x163: {  	v1 =	vmul.f32 v4, v2;
	[tilespmem:s10+$0x20] =	vst v3  }
0x164: {  	[tilespmem:s10+$0x0] =	vst v5  }
0x165: {  	[tilespmem:s10+$0xFFFFFFD0] =	vst v1  }
0x166: {  	v1 =	vld [tilespmem:s11+$0x1400];
	_ =	sdelay $0x1  }
0x167: {  	v2 =	vld [tilespmem:s31+$0x1470];
	_ =	sdelay $0x4  }
0x168: {  	s6 =	simm.s32 $0x1AC00  }
0x169: {  	[spmem:s1] =	stream.indirect_vreg.scatter.add.f32 [tilespmem:s6], [sflag:$0xC], $0x80, v1, vm0, $0xb8;
	[tilespmem:$0x1FC00] =	vst v63  }
0x16a: {  	s13 =	simm.s32 $0x1B400  }
0x16b: {  	[spmem:s1] =	stream.indirect_vreg.scatter.add.f32 [tilespmem:s13], [sflag:$0xC], $0x80, v2, vm0, $0xb8;
	[tilespmem:$0x1FC00] =	vst v63  }
0x16c: {  	_ =	swait.ge [sflag:s24], $0x1000  }
0x16d: {  	[sflag:s24] =	ssyncset.done $0x0  }
0x16e: {  	s6 =	simm.s32 @!p0 $0xC;
	[sflag:s24] =	ssyncadd.s32 $0xFFFFF000  }
0x16f: {  	_ =	swait.ge @!p0 [sflag:s6], $0x800  }
0x170: {  	[sflag:s6] =	ssyncset.done @!p0 $0x0  }
0x171: {  	[sflag:s6] =	ssyncadd.s32 @!p0 $0xFFFFF800  }
0x172: {  	_ =	swait.ge @!p0 [sflag:s6], $0x800  }
0x173: {  	s12 =	sadd.s32 $0x0, s19;
	s10 =	simm.s32 @!p0 $0x20;
	[sflag:s6] =	ssyncset.done @!p0 $0x0  }
0x174: {  	s11 =	simm.s32 @!p0 $0x1AC00;
	[sflag:s6] =	ssyncadd.s32 @!p0 $0xFFFFF800;
	s6 =	sadd.s32 @!p0 $0x160, s7  }
0x175: {  	v1 =	vmov s12;
	[tilespmem:s11], [sflag:$0x4] =	stream.indirect.gather @!p0 [hbm4b:s4+s10], $0x80, s6, s10, $0xb8;
	[tilespmem:$0x1FC00] =	vst v63  }
0x176: {  	s10 =	simm.s32 $0x1BC40  }
0x177: {  	v5 =	vld [tilespmem:s10+$0x30]  }
0x178: {  	v8 =	vld [tilespmem:s10+$0x10]  }
0x179: {  	v6 =	vld [tilespmem:s10+$0xFFFFFFC0]  }
0x17a: {  	v2 =	vld.idx.msk [tilespmem:v1+s2+$0x0], $0xffff  }
0x17b: {  	v10 =	vld [tilespmem:s10+$0xFFFFFFE0]  }
0x17c: {  	v1 =	vld [tilespmem:s10+$0xFFFFFFF0]  }
0x17d: {  	v3 =	vld [tilespmem:s10+$0x20]  }
0x17e: {  	v4 =	vld [tilespmem:s10+$0xFFFFFFD0]  }
0x17f: {  	v9 =	vmul.f32 v5, v2;
	v5 =	vld [tilespmem:s10+$0x0]  }
0x180: {  	v7 =	vmul.f32 v6, v2  }
0x181: {  	s9 =	sor.u32 $0x4, s9;
	s12 =	simm.s32 $0x1BC40;
	s11 =	simm.s32 $0x1;
	v6 =	vmul.f32 v10, v2;
	v8 =	vmul.f32 v8, v2  }
.LBB2_13:
0x182: {  	p1 =	sne.s32 s11, $0x1F  }
0x183: {  	v4 =	vmul.f32 v4, v2;
	v3 =	vmul.f32 v3, v2;
	[tilespmem:s10+$0x30] =	vst v9;
	s12 =	sadd.s32 $0x80, s12;
	s6 =	smov.u32 s11;
	s11 =	sadd.s32 $0x1, s11  }
0x184: {  	[tilespmem:s10+$0xFFFFFFC0] =	vst v7;
	v7 =	vmul.f32 v1, v2;
	v2 =	vmul.f32 v5, v2  }
0x185: {  	s6 =	sadd.s32 s6, s19;
	[tilespmem:s10+$0x10] =	vst v8  }
0x186: {  	v5 =	vmov s6;
	[tilespmem:s10+$0xFFFFFFE0] =	vst v6  }
0x187: {  	v1 =	vld [tilespmem:s12+$0xFFFFFFF0];
	[tilespmem:s10+$0xFFFFFFF0] =	vst v7  }
0x188: {  	v6 =	vld [tilespmem:s12+$0x30];
	[tilespmem:s10+$0x0] =	vst v2  }
0x189: {  	v8 =	vld [tilespmem:s12+$0x10];
	[tilespmem:s10+$0x20] =	vst v3  }
0x18a: {  	v7 =	vld [tilespmem:s12+$0xFFFFFFC0];
	[tilespmem:s10+$0xFFFFFFD0] =	vst v4;
	s10 =	smov.u32 s12  }
0x18b: {  	v2 =	vld.idx.msk [tilespmem:v5+s2+$0x0], $0xffff  }
0x18c: {  	v10 =	vld [tilespmem:s12+$0xFFFFFFE0]  }
0x18d: {  	v3 =	vld [tilespmem:s12+$0x20]  }
.Ltmp5:
0x18e: {  	v4 =	vld [tilespmem:s12+$0xFFFFFFD0];
	(pc) =	sbr.rel @p1 .LBB2_13-.Ltmp5, $3  }
0x18f: {  	v5 =	vld [tilespmem:s12+$0x0];
	_ =	sdelay $0x1  }
0x190: {  	v7 =	vmul.f32 v7, v2;
	v9 =	vmul.f32 v6, v2  }
0x191: {  	v8 =	vmul.f32 v8, v2;
	v6 =	vmul.f32 v10, v2  }
0x192: {  	[tilespmem:s10+$0x30] =	vst v9  }
0x193: {  	[tilespmem:s10+$0xFFFFFFC0] =	vst v7  }
0x194: {  	v1 =	vmul.f32 v1, v2;
	[tilespmem:s10+$0x10] =	vst v8  }
0x195: {  	v3 =	vmul.f32 v3, v2;
	[tilespmem:s10+$0xFFFFFFE0] =	vst v6  }
0x196: {  	v5 =	vmul.f32 v5, v2;
	[tilespmem:s10+$0xFFFFFFF0] =	vst v1  }
0x197: {  	v1 =	vmul.f32 v4, v2;
	[tilespmem:s10+$0x20] =	vst v3  }
0x198: {  	s6 =	sshll.u32 s9, $0x5;
	[tilespmem:s10+$0x0] =	vst v5  }
0x199: {  	s6 =	sand.u32 $0x3FFFFFE0, s6;
	[tilespmem:s10+$0xFFFFFFD0] =	vst v1  }
0x19a: {  	v1 =	vld [tilespmem:s6+$0x1400];
	_ =	sdelay $0x1  }
0x19b: {  	v2 =	vld [tilespmem:s6+$0x1410];
	_ =	sdelay $0x4  }
0x19c: {  	s12 =	simm.s32 $0x1BC00  }
0x19d: {  	[spmem:s1] =	stream.indirect_vreg.scatter.add.f32 [tilespmem:s12], [sflag:$0xD], $0x80, v1, vm0, $0xb8;
	[tilespmem:$0x1FC00] =	vst v63  }
0x19e: {  	s13 =	simm.s32 $0x1C400  }
0x19f: {  	[spmem:s1] =	stream.indirect_vreg.scatter.add.f32 [tilespmem:s13], [sflag:$0xD], $0x80, v2, vm0, $0xb8;
	[tilespmem:$0x1FC00] =	vst v63  }
0x1a0: {  	_ =	swait.ge [sflag:s26], $0x1000  }
0x1a1: {  	[sflag:s26] =	ssyncset.done $0x0  }
0x1a2: {  	s6 =	simm.s32 @!p0 $0xD;
	[sflag:s26] =	ssyncadd.s32 $0xFFFFF000  }
0x1a3: {  	_ =	swait.ge @!p0 [sflag:s6], $0x800  }
0x1a4: {  	[sflag:s6] =	ssyncset.done @!p0 $0x0  }
0x1a5: {  	[sflag:s6] =	ssyncadd.s32 @!p0 $0xFFFFF800  }
0x1a6: {  	_ =	swait.ge @!p0 [sflag:s6], $0x800  }
0x1a7: {  	s9 =	simm.s32 @!p0 $0x20;
	s11 =	sadd.s32 $0x0, s21;
	[sflag:s6] =	ssyncset.done @!p0 $0x0  }
0x1a8: {  	s10 =	simm.s32 @!p0 $0x1BC00;
	[sflag:s6] =	ssyncadd.s32 @!p0 $0xFFFFF800;
	s6 =	sadd.s32 @!p0 $0x180, s7  }
0x1a9: {  	v1 =	vmov s11;
	[tilespmem:s10], [sflag:$0x5] =	stream.indirect.gather @!p0 [hbm4b:s4+s9], $0x80, s6, s9, $0xb8;
	[tilespmem:$0x1FC00] =	vst v63  }
0x1aa: {  	s9 =	simm.s32 $0x1CC40  }
0x1ab: {  	v5 =	vld [tilespmem:s9+$0x30]  }
0x1ac: {  	v8 =	vld [tilespmem:s9+$0x10]  }
0x1ad: {  	v6 =	vld [tilespmem:s9+$0xFFFFFFC0]  }
0x1ae: {  	v2 =	vld.idx.msk [tilespmem:v1+s2+$0x0], $0xffff  }
0x1af: {  	v10 =	vld [tilespmem:s9+$0xFFFFFFE0]  }
0x1b0: {  	v1 =	vld [tilespmem:s9+$0xFFFFFFF0]  }
0x1b1: {  	v3 =	vld [tilespmem:s9+$0x20]  }
0x1b2: {  	v4 =	vld [tilespmem:s9+$0xFFFFFFD0]  }
0x1b3: {  	v9 =	vmul.f32 v5, v2;
	v5 =	vld [tilespmem:s9+$0x0]  }
0x1b4: {  	v7 =	vmul.f32 v6, v2  }
0x1b5: {  	s11 =	simm.s32 $0x1;
	s12 =	simm.s32 $0x1CC40;
	s10 =	sor.u32 $0xA0, s31;
	v6 =	vmul.f32 v10, v2;
	v8 =	vmul.f32 v8, v2  }
.LBB2_15:
0x1b6: {  	p1 =	sne.s32 s11, $0x1F  }
0x1b7: {  	v4 =	vmul.f32 v4, v2;
	v3 =	vmul.f32 v3, v2;
	[tilespmem:s9+$0x30] =	vst v9;
	s12 =	sadd.s32 $0x80, s12;
	s6 =	smov.u32 s11;
	s11 =	sadd.s32 $0x1, s11  }
0x1b8: {  	[tilespmem:s9+$0xFFFFFFC0] =	vst v7;
	v7 =	vmul.f32 v1, v2;
	v2 =	vmul.f32 v5, v2  }
0x1b9: {  	s6 =	sadd.s32 s6, s21;
	[tilespmem:s9+$0x10] =	vst v8  }
0x1ba: {  	v5 =	vmov s6;
	[tilespmem:s9+$0xFFFFFFE0] =	vst v6  }
0x1bb: {  	v1 =	vld [tilespmem:s12+$0xFFFFFFF0];
	[tilespmem:s9+$0xFFFFFFF0] =	vst v7  }
0x1bc: {  	v6 =	vld [tilespmem:s12+$0x30];
	[tilespmem:s9+$0x0] =	vst v2  }
0x1bd: {  	v8 =	vld [tilespmem:s12+$0x10];
	[tilespmem:s9+$0x20] =	vst v3  }
0x1be: {  	v7 =	vld [tilespmem:s12+$0xFFFFFFC0];
	[tilespmem:s9+$0xFFFFFFD0] =	vst v4;
	s9 =	smov.u32 s12  }
0x1bf: {  	v2 =	vld.idx.msk [tilespmem:v5+s2+$0x0], $0xffff  }
0x1c0: {  	v10 =	vld [tilespmem:s12+$0xFFFFFFE0]  }
0x1c1: {  	v3 =	vld [tilespmem:s12+$0x20]  }
.Ltmp6:
0x1c2: {  	v4 =	vld [tilespmem:s12+$0xFFFFFFD0];
	(pc) =	sbr.rel @p1 .LBB2_15-.Ltmp6, $3  }
0x1c3: {  	v5 =	vld [tilespmem:s12+$0x0];
	_ =	sdelay $0x1  }
0x1c4: {  	v7 =	vmul.f32 v7, v2;
	v9 =	vmul.f32 v6, v2  }
0x1c5: {  	v8 =	vmul.f32 v8, v2;
	v6 =	vmul.f32 v10, v2  }
0x1c6: {  	[tilespmem:s9+$0x30] =	vst v9  }
0x1c7: {  	[tilespmem:s9+$0xFFFFFFC0] =	vst v7  }
0x1c8: {  	v1 =	vmul.f32 v1, v2;
	[tilespmem:s9+$0x10] =	vst v8  }
0x1c9: {  	v3 =	vmul.f32 v3, v2;
	[tilespmem:s9+$0xFFFFFFE0] =	vst v6  }
0x1ca: {  	v5 =	vmul.f32 v5, v2;
	[tilespmem:s9+$0xFFFFFFF0] =	vst v1  }
0x1cb: {  	v1 =	vmul.f32 v4, v2;
	[tilespmem:s9+$0x20] =	vst v3  }
0x1cc: {  	[tilespmem:s9+$0x0] =	vst v5  }
0x1cd: {  	[tilespmem:s9+$0xFFFFFFD0] =	vst v1  }
0x1ce: {  	v1 =	vld [tilespmem:s10+$0x1400];
	_ =	sdelay $0x1  }
0x1cf: {  	v2 =	vld [tilespmem:s31+$0x14B0];
	_ =	sdelay $0x4  }
0x1d0: {  	s6 =	simm.s32 $0x1CC00  }
0x1d1: {  	[spmem:s1] =	stream.indirect_vreg.scatter.add.f32 [tilespmem:s6], [sflag:$0xE], $0x80, v1, vm0, $0xb8;
	[tilespmem:$0x1FC00] =	vst v63  }
0x1d2: {  	s13 =	simm.s32 $0x1D400  }
0x1d3: {  	[spmem:s1] =	stream.indirect_vreg.scatter.add.f32 [tilespmem:s13], [sflag:$0xE], $0x80, v2, vm0, $0xb8;
	[tilespmem:$0x1FC00] =	vst v63  }
0x1d4: {  	_ =	swait.ge [sflag:s29], $0x1000  }
0x1d5: {  	[sflag:s29] =	ssyncset.done $0x0  }
0x1d6: {  	s6 =	simm.s32 @!p0 $0xE;
	[sflag:s29] =	ssyncadd.s32 $0xFFFFF000  }
0x1d7: {  	_ =	swait.ge @!p0 [sflag:s6], $0x800  }
0x1d8: {  	[sflag:s6] =	ssyncset.done @!p0 $0x0  }
0x1d9: {  	[sflag:s6] =	ssyncadd.s32 @!p0 $0xFFFFF800  }
0x1da: {  	_ =	swait.ge @!p0 [sflag:s6], $0x800  }
0x1db: {  	s11 =	sadd.s32 $0x0, s23;
	s9 =	simm.s32 @!p0 $0x20;
	[sflag:s6] =	ssyncset.done @!p0 $0x0  }
0x1dc: {  	s10 =	simm.s32 @!p0 $0x1CC00;
	[sflag:s6] =	ssyncadd.s32 @!p0 $0xFFFFF800;
	s6 =	sadd.s32 @!p0 $0x1A0, s7  }
0x1dd: {  	v1 =	vmov s11;
	[tilespmem:s10], [sflag:$0x6] =	stream.indirect.gather @!p0 [hbm4b:s4+s9], $0x80, s6, s9, $0xb8;
	[tilespmem:$0x1FC00] =	vst v63  }
0x1de: {  	s9 =	simm.s32 $0x1DC40  }
0x1df: {  	v5 =	vld [tilespmem:s9+$0x30]  }
0x1e0: {  	v8 =	vld [tilespmem:s9+$0x10]  }
0x1e1: {  	v6 =	vld [tilespmem:s9+$0xFFFFFFC0]  }
0x1e2: {  	v2 =	vld.idx.msk [tilespmem:v1+s2+$0x0], $0xffff  }
0x1e3: {  	v10 =	vld [tilespmem:s9+$0xFFFFFFE0]  }
0x1e4: {  	v1 =	vld [tilespmem:s9+$0xFFFFFFF0]  }
0x1e5: {  	v3 =	vld [tilespmem:s9+$0x20]  }
0x1e6: {  	v4 =	vld [tilespmem:s9+$0xFFFFFFD0]  }
0x1e7: {  	v9 =	vmul.f32 v5, v2;
	v5 =	vld [tilespmem:s9+$0x0]  }
0x1e8: {  	v7 =	vmul.f32 v6, v2  }
0x1e9: {  	s12 =	simm.s32 $0x1DC40;
	s11 =	simm.s32 $0x1;
	s10 =	sor.u32 $0xC0, s31;
	v6 =	vmul.f32 v10, v2;
	v8 =	vmul.f32 v8, v2  }
.LBB2_17:
0x1ea: {  	p1 =	sne.s32 s11, $0x1F  }
0x1eb: {  	v4 =	vmul.f32 v4, v2;
	v3 =	vmul.f32 v3, v2;
	[tilespmem:s9+$0x30] =	vst v9;
	s12 =	sadd.s32 $0x80, s12;
	s6 =	smov.u32 s11;
	s11 =	sadd.s32 $0x1, s11  }
0x1ec: {  	[tilespmem:s9+$0xFFFFFFC0] =	vst v7;
	v7 =	vmul.f32 v1, v2;
	v2 =	vmul.f32 v5, v2  }
0x1ed: {  	s6 =	sadd.s32 s6, s23;
	[tilespmem:s9+$0x10] =	vst v8  }
0x1ee: {  	v5 =	vmov s6;
	[tilespmem:s9+$0xFFFFFFE0] =	vst v6  }
0x1ef: {  	v1 =	vld [tilespmem:s12+$0xFFFFFFF0];
	[tilespmem:s9+$0xFFFFFFF0] =	vst v7  }
0x1f0: {  	v6 =	vld [tilespmem:s12+$0x30];
	[tilespmem:s9+$0x0] =	vst v2  }
0x1f1: {  	v8 =	vld [tilespmem:s12+$0x10];
	[tilespmem:s9+$0x20] =	vst v3  }
0x1f2: {  	v7 =	vld [tilespmem:s12+$0xFFFFFFC0];
	[tilespmem:s9+$0xFFFFFFD0] =	vst v4;
	s9 =	smov.u32 s12  }
0x1f3: {  	v2 =	vld.idx.msk [tilespmem:v5+s2+$0x0], $0xffff  }
0x1f4: {  	v10 =	vld [tilespmem:s12+$0xFFFFFFE0]  }
0x1f5: {  	v3 =	vld [tilespmem:s12+$0x20]  }
.Ltmp7:
0x1f6: {  	v4 =	vld [tilespmem:s12+$0xFFFFFFD0];
	(pc) =	sbr.rel @p1 .LBB2_17-.Ltmp7, $3  }
0x1f7: {  	v5 =	vld [tilespmem:s12+$0x0];
	_ =	sdelay $0x1  }
0x1f8: {  	v7 =	vmul.f32 v7, v2;
	v9 =	vmul.f32 v6, v2  }
0x1f9: {  	v8 =	vmul.f32 v8, v2;
	v6 =	vmul.f32 v10, v2  }
0x1fa: {  	[tilespmem:s9+$0x30] =	vst v9  }
0x1fb: {  	[tilespmem:s9+$0xFFFFFFC0] =	vst v7  }
0x1fc: {  	v1 =	vmul.f32 v1, v2;
	[tilespmem:s9+$0x10] =	vst v8  }
0x1fd: {  	v3 =	vmul.f32 v3, v2;
	[tilespmem:s9+$0xFFFFFFE0] =	vst v6  }
0x1fe: {  	v5 =	vmul.f32 v5, v2;
	[tilespmem:s9+$0xFFFFFFF0] =	vst v1  }
0x1ff: {  	v1 =	vmul.f32 v4, v2;
	[tilespmem:s9+$0x20] =	vst v3  }
0x200: {  	[tilespmem:s9+$0x0] =	vst v5  }
0x201: {  	[tilespmem:s9+$0xFFFFFFD0] =	vst v1  }
0x202: {  	v1 =	vld [tilespmem:s10+$0x1400];
	_ =	sdelay $0x1  }
0x203: {  	v2 =	vld [tilespmem:s31+$0x14D0];
	_ =	sdelay $0x4  }
0x204: {  	s6 =	simm.s32 $0x1DC00  }
0x205: {  	[spmem:s1] =	stream.indirect_vreg.scatter.add.f32 [tilespmem:s6], [sflag:$0xF], $0x80, v1, vm0, $0xb8;
	[tilespmem:$0x1FC00] =	vst v63  }
0x206: {  	s13 =	simm.s32 $0x1E400  }
0x207: {  	[spmem:s1] =	stream.indirect_vreg.scatter.add.f32 [tilespmem:s13], [sflag:$0xF], $0x80, v2, vm0, $0xb8;
	[tilespmem:$0x1FC00] =	vst v63  }
0x208: {  	_ =	swait.ge [sflag:s5], $0x1000  }
0x209: {  	[sflag:s5] =	ssyncset.done $0x0  }
0x20a: {  	s6 =	simm.s32 @!p0 $0xF;
	[sflag:s5] =	ssyncadd.s32 $0xFFFFF000  }
0x20b: {  	_ =	swait.ge @!p0 [sflag:s6], $0x800  }
0x20c: {  	[sflag:s6] =	ssyncset.done @!p0 $0x0  }
0x20d: {  	[sflag:s6] =	ssyncadd.s32 @!p0 $0xFFFFF800  }
0x20e: {  	_ =	swait.ge @!p0 [sflag:s6], $0x800  }
0x20f: {  	s9 =	simm.s32 @!p0 $0x1DC00;
	s31 =	sadd.s32 $0x0, s25;
	[sflag:s6] =	ssyncset.done @!p0 $0x0  }
0x210: {  	[sflag:s6] =	ssyncadd.s32 @!p0 $0xFFFFF800;
	s6 =	sadd.s32 @!p0 $0x1C0, s7;
	s7 =	simm.s32 @!p0 $0x20  }
0x211: {  	v1 =	vmov s31;
	[tilespmem:s9], [sflag:$0x7] =	stream.indirect.gather @!p0 [hbm4b:s4+s7], $0x80, s6, s7, $0xb8;
	[tilespmem:$0x1FC00] =	vst v63  }
0x212: {  	s7 =	simm.s32 $0x1EC40  }
0x213: {  	v5 =	vld [tilespmem:s7+$0x30]  }
0x214: {  	v8 =	vld [tilespmem:s7+$0x10]  }
0x215: {  	v6 =	vld [tilespmem:s7+$0xFFFFFFC0]  }
0x216: {  	v2 =	vld.idx.msk [tilespmem:v1+s2+$0x0], $0xffff  }
0x217: {  	v10 =	vld [tilespmem:s7+$0xFFFFFFE0]  }
0x218: {  	v1 =	vld [tilespmem:s7+$0xFFFFFFF0]  }
0x219: {  	v3 =	vld [tilespmem:s7+$0x20]  }
0x21a: {  	v4 =	vld [tilespmem:s7+$0xFFFFFFD0]  }
0x21b: {  	v9 =	vmul.f32 v5, v2;
	v5 =	vld [tilespmem:s7+$0x0]  }
0x21c: {  	v7 =	vmul.f32 v6, v2  }
0x21d: {  	s10 =	simm.s32 $0x1EC40;
	s9 =	simm.s32 $0x1;
	v6 =	vmul.f32 v10, v2;
	v8 =	vmul.f32 v8, v2  }
.LBB2_19:
0x21e: {  	p0 =	sne.s32 s9, $0x1F  }
0x21f: {  	v4 =	vmul.f32 v4, v2;
	v3 =	vmul.f32 v3, v2;
	[tilespmem:s7+$0x30] =	vst v9;
	s10 =	sadd.s32 $0x80, s10;
	s6 =	smov.u32 s9;
	s9 =	sadd.s32 $0x1, s9  }
0x220: {  	[tilespmem:s7+$0xFFFFFFC0] =	vst v7;
	v7 =	vmul.f32 v1, v2;
	v2 =	vmul.f32 v5, v2  }
0x221: {  	s6 =	sadd.s32 s6, s25;
	[tilespmem:s7+$0x10] =	vst v8  }
0x222: {  	v5 =	vmov s6;
	[tilespmem:s7+$0xFFFFFFE0] =	vst v6  }
0x223: {  	v1 =	vld [tilespmem:s10+$0xFFFFFFF0];
	[tilespmem:s7+$0xFFFFFFF0] =	vst v7  }
0x224: {  	v6 =	vld [tilespmem:s10+$0x30];
	[tilespmem:s7+$0x0] =	vst v2  }
0x225: {  	v8 =	vld [tilespmem:s10+$0x10];
	[tilespmem:s7+$0x20] =	vst v3  }
0x226: {  	v7 =	vld [tilespmem:s10+$0xFFFFFFC0];
	[tilespmem:s7+$0xFFFFFFD0] =	vst v4;
	s7 =	smov.u32 s10  }
0x227: {  	v2 =	vld.idx.msk [tilespmem:v5+s2+$0x0], $0xffff  }
0x228: {  	v10 =	vld [tilespmem:s10+$0xFFFFFFE0]  }
0x229: {  	v3 =	vld [tilespmem:s10+$0x20]  }
.Ltmp8:
0x22a: {  	v4 =	vld [tilespmem:s10+$0xFFFFFFD0];
	(pc) =	sbr.rel @p0 .LBB2_19-.Ltmp8, $3  }
0x22b: {  	v5 =	vld [tilespmem:s10+$0x0];
	_ =	sdelay $0x1  }
0x22c: {  	v7 =	vmul.f32 v7, v2;
	v9 =	vmul.f32 v6, v2  }
0x22d: {  	v8 =	vmul.f32 v8, v2;
	v6 =	vmul.f32 v10, v2  }
0x22e: {  	[tilespmem:s7+$0x30] =	vst v9  }
0x22f: {  	[tilespmem:s7+$0xFFFFFFC0] =	vst v7  }
0x230: {  	v1 =	vmul.f32 v1, v2;
	[tilespmem:s7+$0x10] =	vst v8  }
0x231: {  	v3 =	vmul.f32 v3, v2;
	[tilespmem:s7+$0xFFFFFFE0] =	vst v6  }
0x232: {  	v5 =	vmul.f32 v5, v2;
	[tilespmem:s7+$0xFFFFFFF0] =	vst v1  }
0x233: {  	v1 =	vmul.f32 v4, v2;
	[tilespmem:s7+$0x20] =	vst v3  }
0x234: {  	[tilespmem:s7+$0x0] =	vst v5  }
0x235: {  	[tilespmem:s7+$0xFFFFFFD0] =	vst v1  }
0x236: {  	v1 =	vld [tilespmem:s30+$0x1400]  }
0x237: {  	s6 =	sor.u32 $0x70, s30  }
0x238: {  	v2 =	vld [tilespmem:s6+$0x1400];
	_ =	sdelay $0x1  }
0x239: {  	s28 =	sadd.s32 $0x1, s28  }
0x23a: {  	s31 =	simm.s32 $0x1F400;
	p0 =	sne.s32 s28, $0x14  }
.Ltmp9:
0x23b: {  	s0 =	sadd.s32 $0x100, s0;
	s8 =	sadd.s32 $0x100, s8;
	(pc) =	sbr.rel @p0 .LBB2_4-.Ltmp9, $4  }
0x23c: {  	s15 =	sadd.s32 $0x100, s15;
	s17 =	sadd.s32 $0x100, s17;
	s19 =	sadd.s32 $0x100, s19  }
0x23d: {  	[spmem:s1] =	stream.indirect_vreg.scatter.add.f32 [tilespmem:s16], [sflag:$0x10], $0x80, v1, vm0, $0xb8;
	[tilespmem:$0x1FC00] =	vst v63  }
0x23e: {  	s21 =	sadd.s32 $0x100, s21;
	s23 =	sadd.s32 $0x100, s23;
	s25 =	sadd.s32 $0x100, s25  }
0x23f: {  	[spmem:s1] =	stream.indirect_vreg.scatter.add.f32 [tilespmem:s31], [sflag:$0x10], $0x80, v2, vm0, $0xb8;
	[tilespmem:$0x1FC00] =	vst v63  }
0x240: {  	s0 =	simm.s32 $0x9  }
0x241: {  	_ =	swait.ge [sflag:s0], $0x800  }
0x242: {  	[sflag:s0] =	ssyncset.done $0x0  }
0x243: {  	[sflag:s0] =	ssyncadd.s32 $0xFFFFF800  }
0x244: {  	_ =	swait.ge [sflag:s0], $0x800  }
0x245: {  	[sflag:s0] =	ssyncset.done $0x0  }
0x246: {  	s13 =	simm.s32 $0xA;
	[sflag:s0] =	ssyncadd.s32 $0xFFFFF800  }
0x247: {  	_ =	swait.ge [sflag:s13], $0x800  }
0x248: {  	[sflag:s13] =	ssyncset.done $0x0  }
0x249: {  	[sflag:s13] =	ssyncadd.s32 $0xFFFFF800  }
0x24a: {  	_ =	swait.ge [sflag:s13], $0x800  }
0x24b: {  	[sflag:s13] =	ssyncset.done $0x0  }
0x24c: {  	s15 =	simm.s32 $0xB;
	[sflag:s13] =	ssyncadd.s32 $0xFFFFF800  }
0x24d: {  	_ =	swait.ge [sflag:s15], $0x800  }
0x24e: {  	[sflag:s15] =	ssyncset.done $0x0  }
0x24f: {  	[sflag:s15] =	ssyncadd.s32 $0xFFFFF800  }
0x250: {  	_ =	swait.ge [sflag:s15], $0x800  }
0x251: {  	[sflag:s15] =	ssyncset.done $0x0  }
0x252: {  	s17 =	simm.s32 $0xC;
	[sflag:s15] =	ssyncadd.s32 $0xFFFFF800  }
0x253: {  	_ =	swait.ge [sflag:s17], $0x800  }
0x254: {  	[sflag:s17] =	ssyncset.done $0x0  }
0x255: {  	[sflag:s17] =	ssyncadd.s32 $0xFFFFF800  }
0x256: {  	_ =	swait.ge [sflag:s17], $0x800  }
0x257: {  	[sflag:s17] =	ssyncset.done $0x0  }
0x258: {  	s19 =	simm.s32 $0xD;
	[sflag:s17] =	ssyncadd.s32 $0xFFFFF800  }
0x259: {  	_ =	swait.ge [sflag:s19], $0x800  }
0x25a: {  	[sflag:s19] =	ssyncset.done $0x0  }
0x25b: {  	[sflag:s19] =	ssyncadd.s32 $0xFFFFF800  }
0x25c: {  	_ =	swait.ge [sflag:s19], $0x800  }
0x25d: {  	[sflag:s19] =	ssyncset.done $0x0  }
0x25e: {  	s21 =	simm.s32 $0xE;
	[sflag:s19] =	ssyncadd.s32 $0xFFFFF800  }
0x25f: {  	_ =	swait.ge [sflag:s21], $0x800  }
0x260: {  	[sflag:s21] =	ssyncset.done $0x0  }
0x261: {  	[sflag:s21] =	ssyncadd.s32 $0xFFFFF800  }
0x262: {  	_ =	swait.ge [sflag:s21], $0x800  }
0x263: {  	[sflag:s21] =	ssyncset.done $0x0  }
0x264: {  	s23 =	simm.s32 $0xF;
	[sflag:s21] =	ssyncadd.s32 $0xFFFFF800  }
0x265: {  	_ =	swait.ge [sflag:s23], $0x800  }
0x266: {  	[sflag:s23] =	ssyncset.done $0x0  }
0x267: {  	[sflag:s23] =	ssyncadd.s32 $0xFFFFF800  }
0x268: {  	_ =	swait.ge [sflag:s23], $0x800  }
0x269: {  	[sflag:s23] =	ssyncset.done $0x0  }
0x26a: {  	s25 =	simm.s32 $0x10;
	[sflag:s23] =	ssyncadd.s32 $0xFFFFF800  }
0x26b: {  	_ =	swait.ge [sflag:s25], $0x800  }
0x26c: {  	[sflag:s25] =	ssyncset.done $0x0  }
0x26d: {  	[sflag:s25] =	ssyncadd.s32 $0xFFFFF800  }
0x26e: {  	_ =	swait.ge [sflag:s25], $0x800  }
0x26f: {  	[sflag:s25] =	ssyncset.done $0x0  }
0x270: {  	[sflag:s25] =	ssyncadd.s32 $0xFFFFF800  }
0x271: {  	s28 =	stileid.u32;
	[bflag:$0x0] =	sbarrier.arrive $0xFFFF  }
0x272: {  	s0 =	sshll.u32 s28, $0x6;
	s8 =	rddreg [dreg:$0x6]  }
0x273: {  	s0 =	sor.u32 $0x1C11, s0;
	s7 =	rddreg [dreg:$0x16];
	s6 =	sshrl.u32 s8, $0x3  }
0x274: {  	[hbm:s7], [sflag:s0] =	dma.local [spmem:s6], $0x2800  }
0x275: {  	_ =	swait.ge [sflag:s3], $0x2800  }
0x276: {  	s30 =	rddreg [dreg:$0x1c]  }
0x277: {  	s31 =	rddreg [dreg:$0x17];
	s6 =	sadd.s32 $0x1, s30  }
0x278: {  	p0 =	sne.s32 s6, s31  }
.Ltmp10:
0x279: {  	_ = 	snop;
	(pc) =	sbr.rel @p0 .LBB2_1-.Ltmp10, $3  }
0x27a: {  	_ =	sdelay $0x1  }
0x27b: {  	[sflag:s3] =	ssyncset.done $0x0  }
0x27c: {  	[sflag:s3] =	ssyncadd.s32 $0xFFFFD800  }
0x27d: {  	_ =	sfence.sel $0x180000  }
0x27e: {  	[bflag:$0x0] =	sbarrier.arrive $0xFFFF  }
0x27f: {  	_ =	strace $0x9000004A  }
0x280: {  	s0 =	stileid.u32;
	[bflag:$0x2] =	sbarrier.arrive $0xFFFF  }
0x281: {  	p0 =	sne.s32 s0, $0x0;
	s0 =	rddreg [dreg:$0x2]  }
0x282: {  	s0 =	sadd.s32 @!p0 $0x100000, s0  }
0x283: {  	[sflag:s0] =	ssyncadd.tile.s32 @!p0 $0x1;
	_ =	shalt  }
.Lfunc_end2:
_tile_overlayer_lowered:
.L_overlay_start_2:
0x284: {  	(tag) =	ssettag $0x2  }
0x285: {  	s0 =	rddreg [dreg:$0x0];
	s2 =	stileid.u32  }
0x286: {  	s1 =	rddreg [dreg:$0x1];
	p0 =	sne.s32 s2, $0x0  }
0x287: {  	s3 =	rddreg [dreg:$0x2];
	[bflag:$0x3] =	sbarrier.arrive $0xFFFF;
	s2 =	simm.s32 @!p0 $0x1C11  }
0x288: {  	[timem:s3], [sflag:s2] =	dma.local @!p0 [hbm:s0], s1  }
0x289: {  	s0 =	simm.s32 @!p0 $0x11  }
0x28a: {  	_ =	swait.ge @!p0 [sflag:s0], s1  }
0x28b: {  	s1 =	ssub.s32 @!p0 $0x0, s1;
	[sflag:s0] =	ssyncset.done @!p0 $0x0  }
0x28c: {  	[sflag:s0] =	ssyncadd.s32 @!p0 s1  }
0x28d: {  	[bflag:$0x3] =	sbarrier.arrive $0xFFFF  }
0x28e: {  	_ =	shalt  }

</sc_bundles>
